<compile_context>
chip_gen: v7x
topology: tpu7x:2x2x1
jax: 0.10.2.dev20260603
libtpu: 0.0.44.dev20260713+nightly
codegen_flags: <defaults>
</compile_context>

<pallas_src>
import functools

import jax
import jax.numpy as jnp
from jax import lax
from jax.experimental import pallas as pl
from jax.experimental.pallas import tpu as pltpu
from jax.experimental.pallas import tpu_sc as plsc

N = 50000
E = 800000
F_IN = 27
H = 128
HEADS = 8
BASES = 4
FH = 16
G = 128
L = 4

NC = 2
NS = 16
CHUNK = 128
NPAD = 50048
RPT = NPAD // NS
ZROWS = 136
ZREPS = RPT // ZROWS
RB = 2000
NB = N // RB

_HIGH = lax.Precision.HIGHEST


def _dot(a, b):
    return jnp.dot(a, b, preferred_element_type=jnp.float32)


_sc_mesh = plsc.VectorSubcoreMesh(
    core_axis_name="c", subcore_axis_name="s", num_cores=NC, num_subcores=NS)


@functools.partial(
    pl.kernel,
    out_type=jax.ShapeDtypeStruct((2 * NPAD, 16), jnp.float32),
    mesh=_sc_mesh,
    compiler_params=pltpu.CompilerParams(use_tc_tiling_on_sc=False),
    scratch_types=[
        pltpu.VMEM((CHUNK,), jnp.int32),
        pltpu.VMEM((CHUNK, 16), jnp.float32),
        pltpu.VMEM_SHARED((NPAD, 16), jnp.float32),
        pltpu.VMEM((ZROWS, 16), jnp.float32),
    ],
)
def _deg_sc(dst_hbm, out, idx_v, ones_v, acc, zbuf):
    c = lax.axis_index("c")
    s = lax.axis_index("s")
    zero16 = jnp.zeros((16,), jnp.float32)
    one16 = jnp.ones((16,), jnp.float32)

    def fz(r, carry):
        zbuf[r, :] = zero16
        return carry
    lax.fori_loop(0, ZROWS, fz, 0)

    def fo(r, carry):
        ones_v[r, :] = one16
        return carry
    lax.fori_loop(0, CHUNK, fo, 0)

    for j in range(ZREPS):
        pltpu.sync_copy(zbuf, acc.at[pl.ds(s * RPT + j * ZROWS, ZROWS)])
    plsc.subcore_barrier()

    nch = (E // NC) // CHUNK
    nct = (nch + NS - 1) // NS
    ebase = c * (E // NC)

    def step(i, carry):
        cid = i * NS + s

        @pl.when(cid < nch)
        def _():
            pltpu.sync_copy(dst_hbm.at[pl.ds(ebase + cid * CHUNK, CHUNK)], idx_v)
            pltpu.sync_copy(ones_v, acc.at[idx_v], add=True)
        return carry
    lax.fori_loop(0, nct, step, 0)
    plsc.subcore_barrier()

    r0 = s * RPT
    pltpu.sync_copy(acc.at[pl.ds(r0, RPT)], out.at[pl.ds(c * NPAD + r0, RPT)])


@functools.partial(
    pl.kernel,
    out_type=jax.ShapeDtypeStruct((2 * NPAD, 32), jnp.float32),
    mesh=_sc_mesh,
    compiler_params=pltpu.CompilerParams(use_tc_tiling_on_sc=False),
    scratch_types=[
        pltpu.VMEM((CHUNK,), jnp.int32),
        pltpu.VMEM((CHUNK,), jnp.int32),
        pltpu.VMEM((CHUNK, 32), jnp.float32),
        pltpu.VMEM_SHARED((NPAD, 32), jnp.float32),
        pltpu.VMEM((ZROWS, 32), jnp.float32),
        pltpu.SemaphoreType.DMA,
    ],
)
def _agg_sc(pre_cat, src_hbm, dst_hbm, out, isv, idv, rows, acc, zbuf, sem):
    c = lax.axis_index("c")
    s = lax.axis_index("s")
    zero16 = jnp.zeros((16,), jnp.float32)

    def fz(r, carry):
        zbuf[r, pl.ds(0, 16)] = zero16
        zbuf[r, pl.ds(16, 16)] = zero16
        return carry
    lax.fori_loop(0, ZROWS, fz, 0)

    for j in range(ZREPS):
        pltpu.sync_copy(zbuf, acc.at[pl.ds(s * RPT + j * ZROWS, ZROWS)])
    plsc.subcore_barrier()

    nch = E // CHUNK
    nct = (nch + NS - 1) // NS

    def step(i, carry):
        cid = i * NS + s

        @pl.when(cid < nch)
        def _():
            off = cid * CHUNK
            pltpu.sync_copy(src_hbm.at[pl.ds(off, CHUNK)], isv)
            pltpu.sync_copy(dst_hbm.at[pl.ds(off, CHUNK)], idv)
            robase = c * N
            for k in range(CHUNK // 16):
                sl = pl.ds(k * 16, 16)
                isv[sl] = isv[sl] + robase
            pltpu.async_copy(pre_cat.at[isv], rows, sem).wait()
            pltpu.sync_copy(rows, acc.at[idv], add=True)
        return carry
    lax.fori_loop(0, nct, step, 0)
    plsc.subcore_barrier()

    r0 = s * RPT
    pltpu.sync_copy(acc.at[pl.ds(r0, RPT)], out.at[pl.ds(c * NPAD + r0, RPT)])


def _lin1_body(x_ref, w_ref, b_ref, y_ref, s0_ref):
    i = pl.program_id(0)
    y = _dot(x_ref[...], w_ref[...]) + b_ref[...]
    y_ref[...] = y

    @pl.when(i == 0)
    def _():
        s0_ref[...] = jnp.zeros_like(s0_ref)
    s0_ref[...] = s0_ref[...] + jnp.sum(y, axis=0, keepdims=True)


def _cvar_body(v_ref, s0_ref, ss_ref):
    i = pl.program_id(0)
    mu = s0_ref[...] / N

    @pl.when(i == 0)
    def _():
        ss_ref[...] = jnp.zeros_like(ss_ref)
    d = v_ref[...] - mu
    ss_ref[...] = ss_ref[...] + jnp.sum(d * d, axis=0, keepdims=True)


def _bn_from_stats(v, s0_ref, ss_ref, g_ref, b_ref):
    mu = s0_ref[...] / N
    var = ss_ref[...] / N
    return (v - mu) / jnp.sqrt(var + 1e-5) * g_ref[...] + b_ref[...]


def _bnh_body(y_ref, s0_ref, ss_ref, g_ref, b_ref, d0_ref, d1_ref, h_ref, dinv_ref):
    h_ref[...] = jnp.maximum(_bn_from_stats(y_ref[...], s0_ref, ss_ref, g_ref, b_ref), 0.0)
    deg = d0_ref[...] + d1_ref[...]
    dinv_ref[...] = jnp.where(deg > 0.0, deg ** -0.5, 0.0)


def _pre_body(h_ref, dinv_ref, wb_ref, wc_ref, bc_ref, pre_ref, cb_ref):
    hb = h_ref[...]
    basess = _dot(hb, wb_ref[...]) * dinv_ref[:, 0:1]
    pre_ref[0] = basess[:, 0:32]
    pre_ref[1] = basess[:, 32:64]
    cb_ref[...] = _dot(hb, wc_ref[...]) + bc_ref[...]


def _comb_body(a0_ref, a1_ref, cb_ref, dinv_ref, bias_ref, t_ref, st_ref):
    i = pl.program_id(0)
    d = dinv_ref[:, 0:1]
    a0 = a0_ref[...] * d
    a1 = a1_ref[...] * d
    cb = cb_ref[...]

    jj = lax.broadcasted_iota(jnp.int32, (8, H), 0)
    ll = lax.broadcasted_iota(jnp.int32, (8, H), 1)
    rep8 = (ll // FH == jj).astype(jnp.float32)
    ff = lax.broadcasted_iota(jnp.int32, (FH, H), 0)
    l2 = lax.broadcasted_iota(jnp.int32, (FH, H), 1)
    til16 = (l2 % FH == ff).astype(jnp.float32)

    terms = []
    for b in range(BASES):
        ab = (a0 if b < 2 else a1)[:, (b % 2) * FH:(b % 2) * FH + FH]
        cbb = cb[:, b * HEADS:(b + 1) * HEADS]
        terms.append(_dot(cbb, rep8) * _dot(ab, til16))
    t = (terms[0] + terms[1]) + (terms[2] + terms[3])
    t = t + bias_ref[...]
    t_ref[...] = t

    @pl.when(i == 0)
    def _():
        st_ref[...] = jnp.zeros_like(st_ref)
    st_ref[...] = st_ref[...] + jnp.sum(t, axis=0, keepdims=True)


def _bnres_body(t_ref, s0_ref, ss_ref, g_ref, b_ref, h_ref, o_ref):
    tn = _bn_from_stats(t_ref[...], s0_ref, ss_ref, g_ref, b_ref)
    o_ref[...] = h_ref[...] + jnp.maximum(tn, 0.0)


def _pool_body(h_ref, bt_ref, w1_ref, g2_ref, b2_ref, w2_ref, g3_ref, b3_ref,
               w3_ref, bb3_ref, out_ref, pool_ref, cnt_ref):
    i = pl.program_id(0)

    @pl.when(i == 0)
    def _():
        pool_ref[...] = jnp.zeros_like(pool_ref)
        cnt_ref[...] = jnp.zeros_like(cnt_ref)

    oh = (bt_ref[...] == lax.broadcasted_iota(jnp.int32, (1, G), 1)
          ).astype(jnp.float32)
    dn = (((0,), (0,)), ((), ()))
    pool_ref[...] = pool_ref[...] + lax.dot_general(
        oh, h_ref[...], dn, precision=_HIGH, preferred_element_type=jnp.float32)
    cnt_ref[...] = cnt_ref[...] + lax.dot_general(
        oh, jnp.ones((RB, 8), jnp.float32), dn, precision=_HIGH,
        preferred_element_type=jnp.float32)

    @pl.when(i == NB - 1)
    def _():
        cnt = cnt_ref[:, 0:1]
        z0 = pool_ref[...] / jnp.maximum(cnt, 1.0)

        def bng(z, g_ref, b_ref):
            mu = jnp.sum(z, axis=0, keepdims=True) / G
            d = z - mu
            var = jnp.sum(d * d, axis=0, keepdims=True) / G
            return d / jnp.sqrt(var + 1e-5) * g_ref[...] + b_ref[...]

        z1 = jnp.maximum(bng(_dot(z0, w1_ref[...]), g2_ref, b2_ref), 0.0)
        z2 = jnp.maximum(bng(_dot(z1, w2_ref[...]), g3_ref, b3_ref), 0.0)
        out_ref[...] = _dot(z2, w3_ref[...]) + bb3_ref[...]


def _row_spec(cols):
    return pl.BlockSpec((RB, cols), lambda i: (i, 0))


def _full_spec(shape):
    nd = len(shape)
    return pl.BlockSpec(shape, lambda i: (0,) * nd)


def _sds(shape):
    return jax.ShapeDtypeStruct(shape, jnp.float32)


def kernel(x, edge_index, batch, lin1_w, lin1_b, norm1_g, norm1_b,
           conv_bases_w, conv_comb_w, conv_comb_b, conv_bias, norm_g, norm_b,
           mlp_w1, bn2_g, bn2_b, mlp_w2, bn3_g, bn3_b, mlp_w3, mlp_b3):
    src = edge_index[0]
    dst = edge_index[1]

    dcat = _deg_sc(dst)
    d0 = dcat[:N]
    d1 = dcat[NPAD:NPAD + N]

    xp = jnp.pad(x, ((0, 0), (0, 32 - F_IN)))
    wp = jnp.pad(lin1_w, ((0, 32 - F_IN), (0, 0)))

    y, s0y = pl.pallas_call(
        _lin1_body,
        grid=(NB,),
        in_specs=[_row_spec(32), _full_spec((32, H)), _full_spec((1, H))],
        out_specs=[_row_spec(H), _full_spec((1, H))],
        out_shape=[_sds((N, H)), _sds((1, H))],
    )(xp, wp, lin1_b.reshape(1, H))

    ssy = pl.pallas_call(
        _cvar_body,
        grid=(NB,),
        in_specs=[_row_spec(H), _full_spec((1, H))],
        out_specs=_full_spec((1, H)),
        out_shape=_sds((1, H)),
    )(y, s0y)

    h, dinv = pl.pallas_call(
        _bnh_body,
        grid=(NB,),
        in_specs=[_row_spec(H), _full_spec((1, H)), _full_spec((1, H)),
                  _full_spec((1, H)), _full_spec((1, H)), _row_spec(16), _row_spec(16)],
        out_specs=[_row_spec(H), _row_spec(16)],
        out_shape=[_sds((N, H)), _sds((N, 16))],
    )(y, s0y, ssy, norm1_g.reshape(1, H), norm1_b.reshape(1, H), d0, d1)

    perm = jnp.array([(j % HEADS) * BASES + j // HEADS for j in range(HEADS * BASES)],
                     dtype=jnp.int32)

    for i in range(L):
        wc2 = conv_comb_w[i][:, perm]
        bc2 = conv_comb_b[i][perm].reshape(1, HEADS * BASES)

        pre, cb = pl.pallas_call(
            _pre_body,
            grid=(NB,),
            in_specs=[_row_spec(H), _row_spec(16), _full_spec((H, BASES * FH)),
                      _full_spec((H, HEADS * BASES)), _full_spec((1, HEADS * BASES))],
            out_specs=[pl.BlockSpec((2, RB, 32), lambda i: (0, i, 0)), _row_spec(32)],
            out_shape=[_sds((2, N, 32)), _sds((N, 32))],
        )(h, dinv, conv_bases_w[i], wc2, bc2)

        aggcat = _agg_sc(pre.reshape(2 * N, 32), src, dst)
        a0 = aggcat[:N]
        a1 = aggcat[NPAD:NPAD + N]

        t, s0t = pl.pallas_call(
            _comb_body,
            grid=(NB,),
            in_specs=[_row_spec(32), _row_spec(32), _row_spec(32),
                      _row_spec(16), _full_spec((1, H))],
            out_specs=[_row_spec(H), _full_spec((1, H))],
            out_shape=[_sds((N, H)), _sds((1, H))],
        )(a0, a1, cb, dinv, conv_bias[i].reshape(1, H))

        sst = pl.pallas_call(
            _cvar_body,
            grid=(NB,),
            in_specs=[_row_spec(H), _full_spec((1, H))],
            out_specs=_full_spec((1, H)),
            out_shape=_sds((1, H)),
        )(t, s0t)

        h = pl.pallas_call(
            _bnres_body,
            grid=(NB,),
            in_specs=[_row_spec(H), _full_spec((1, H)), _full_spec((1, H)),
                      _full_spec((1, H)), _full_spec((1, H)), _row_spec(H)],
            out_specs=_row_spec(H),
            out_shape=_sds((N, H)),
        )(t, s0t, sst, norm_g[i].reshape(1, H), norm_b[i].reshape(1, H), h)

    out = pl.pallas_call(
        _pool_body,
        grid=(NB,),
        in_specs=[_row_spec(H), pl.BlockSpec((RB, 1), lambda i: (i, 0)),
                  _full_spec((H, H // 2)), _full_spec((1, H // 2)), _full_spec((1, H // 2)),
                  _full_spec((H // 2, H // 4)), _full_spec((1, H // 4)), _full_spec((1, H // 4)),
                  _full_spec((H // 4, 10)), _full_spec((1, 10))],
        out_specs=_full_spec((G, 10)),
        out_shape=_sds((G, 10)),
        scratch_shapes=[pltpu.VMEM((G, H), jnp.float32),
                        pltpu.VMEM((G, 8), jnp.float32)],
    )(h, batch.reshape(N, 1), mlp_w1, bn2_g.reshape(1, H // 2), bn2_b.reshape(1, H // 2),
      mlp_w2, bn3_g.reshape(1, H // 4), bn3_b.reshape(1, H // 4),
      mlp_w3, mlp_b3.reshape(1, 10))
    return out

# --- scband reference (transcript-rebuilt; emitter-appended) ---
"""Pipeline reference for scband-egconv-model-18811956757051 (READ-ONLY COPY).

The authoritative reference and input builder live on the scoring server;
editing this copy changes nothing except your own understanding.
"""

import jax, jax.numpy as jnp
import numpy as np

N = 50000
E = 800000
F_IN = 27
H = 128
L = 4
HEADS = 8
BASES = 4
FH = H // HEADS
G = 128


def setup_inputs(seed: int = 0):
    key = jax.random.key(seed)
    ks = jax.random.split(key, 16)
    inp = {}
    inp['x'] = jax.random.normal(ks[0], (N, F_IN), dtype=jnp.float32)
    inp['edge_index'] = jax.random.randint(ks[1], (2, E), 0, N, dtype=jnp.int32)
    inp['batch'] = jnp.sort(jax.random.randint(ks[2], (N,), 0, G, dtype=jnp.int32))

    def w(k, shape, fan_in):
        return jax.random.normal(k, shape, dtype=jnp.float32) * (1.0 / np.sqrt(fan_in))

    inp['lin1_w'] = w(ks[3], (F_IN, H), F_IN)
    inp['lin1_b'] = jnp.zeros((H,), jnp.float32)
    inp['norm1_g'] = jnp.ones((H,), jnp.float32)
    inp['norm1_b'] = jnp.zeros((H,), jnp.float32)
    inp['conv_bases_w'] = w(ks[4], (L, H, BASES * FH), H)
    inp['conv_comb_w'] = w(ks[5], (L, H, HEADS * BASES), H)
    inp['conv_comb_b'] = jnp.zeros((L, HEADS * BASES), jnp.float32)
    inp['conv_bias'] = jnp.zeros((L, H), jnp.float32)
    inp['norm_g'] = jnp.ones((L, H), jnp.float32)
    inp['norm_b'] = jnp.zeros((L, H), jnp.float32)
    inp['mlp_w1'] = w(ks[6], (H, H // 2), H)
    inp['bn2_g'] = jnp.ones((H // 2,), jnp.float32)
    inp['bn2_b'] = jnp.zeros((H // 2,), jnp.float32)
    inp['mlp_w2'] = w(ks[7], (H // 2, H // 4), H // 2)
    inp['bn3_g'] = jnp.ones((H // 4,), jnp.float32)
    inp['bn3_b'] = jnp.zeros((H // 4,), jnp.float32)
    inp['mlp_w3'] = w(ks[8], (H // 4, 10), H // 4)
    inp['mlp_b3'] = jnp.zeros((10,), jnp.float32)
    return inp


def _bn(h, g, b, eps=1e-5):
    mu = jnp.mean(h, axis=0)
    var = jnp.var(h, axis=0)
    return (h - mu) / jnp.sqrt(var + eps) * g + b


def _egconv(h, src, dst, norm, wb, wc, bc, bias):
    bases = h @ wb
    comb = h @ wc + bc
    agg = jnp.zeros((N, BASES * FH), h.dtype).at[dst].add(norm[:, None] * bases[src])
    agg = agg.reshape(N, BASES, FH)
    comb = comb.reshape(N, HEADS, BASES)
    out = jnp.einsum('nhb,nbf->nhf', comb, agg).reshape(N, H)
    return out + bias


def _forward(x, lin1_w, lin1_b, norm1_g, norm1_b, conv_bases_w, conv_comb_w, conv_comb_b, conv_bias, norm_g, norm_b, mlp_w1, bn2_g, bn2_b, mlp_w2, bn3_g, bn3_b, mlp_w3, mlp_b3, edge_index, batch):
    src = edge_index[0]
    dst = edge_index[1]
    deg = jnp.zeros((N,), jnp.float32).at[dst].add(1.0)
    dinv = jnp.where(deg > 0, deg ** -0.5, 0.0)
    norm = dinv[src] * dinv[dst]
    h = x @ lin1_w + lin1_b
    h = jax.nn.relu(_bn(h, norm1_g, norm1_b))
    for i in range(L):
        t = _egconv(h, src, dst, norm, conv_bases_w[i], conv_comb_w[i], conv_comb_b[i], conv_bias[i])
        t = jax.nn.relu(_bn(t, norm_g[i], norm_b[i]))
        h = h + t
    cnt = jnp.zeros((G,), jnp.float32).at[batch].add(1.0)
    pooled = jnp.zeros((G, H), jnp.float32).at[batch].add(h) / jnp.maximum(cnt, 1.0)[:, None]
    z = jax.nn.relu(_bn(pooled @ mlp_w1, bn2_g, bn2_b))
    z = jax.nn.relu(_bn(z @ mlp_w2, bn3_g, bn3_b))
    return z @ mlp_w3 + mlp_b3


def reference(x, edge_index, batch, lin1_w, lin1_b, norm1_g, norm1_b, conv_bases_w, conv_comb_w, conv_comb_b, conv_bias, norm_g, norm_b, mlp_w1, bn2_g, bn2_b, mlp_w2, bn3_g, bn3_b, mlp_w3, mlp_b3):
    return _forward(x, lin1_w, lin1_b, norm1_g, norm1_b, conv_bases_w, conv_comb_w, conv_comb_b, conv_bias, norm_g, norm_b, mlp_w1, bn2_g, bn2_b, mlp_w2, bn3_g, bn3_b, mlp_w3, mlp_b3, edge_index, batch)

if __name__ == "__main__":
    import jax
    _d = setup_inputs()
    print(jax.jit(kernel)(*tuple(_d.values())))

</pallas_src>

<mosaic_0001>
#map = affine_map<(d0, d1) -> (0)>
#map1 = affine_map<(d0, d1) -> (0, 0)>
module attributes {stable_mosaic.version = 14 : i64} {
  func.func @_deg_sc(%arg0: i32, %arg1: i32, %arg2: memref<800000xi32, #tpu.memory_space<hbm>>, %arg3: memref<100096x16xf32, #tpu.memory_space<hbm>>, %arg4: memref<128xi32, #tpu.memory_space<vmem>>, %arg5: memref<128x16xf32, #tpu.memory_space<vmem>>, %arg6: memref<50048x16xf32, #tpu.memory_space<vmem_shared>>, %arg7: memref<136x16xf32, #tpu.memory_space<vmem>>) attributes {dimension_semantics = [#tpu.dimension_semantics<core_parallel>, #tpu.dimension_semantics<subcore_parallel>], iteration_bounds = array<i64: 2, 16>, scalar_prefetch = 0 : i64, scratch_operands = 4 : i64, tpu.core_type = #tpu.core_type<sc_vector_subcore>, window_params = [{transform_indices = #map}, {transform_indices = #map1}]} {
    %broadcast_in_dim3A = arith.constant 0.000000e+00 : f32
    %broadcast_in_dim3A_0 = vector.broadcast %broadcast_in_dim3A : f32 to vector<16xf32>
    %broadcast_in_dim3A_1 = arith.constant 1.000000e+00 : f32
    %broadcast_in_dim3A_2 = vector.broadcast %broadcast_in_dim3A_1 : f32 to vector<16xf32>
    %scan3A = arith.constant 0 : i32
    %scan3A_3 = arith.constant 0 : i32
    %scan3A_4 = arith.constant 136 : i32
    %scan3A_5 = arith.addi %scan3A_3, %scan3A_4 : i32
    %scan3A_6 = arith.constant 1 : i32
    scf.for %scan3A_118 = %scan3A_3 to %scan3A_5 step %scan3A_6  : i32 {
      %swap3A = arith.index_cast %scan3A_118 : i32 to index
      %swap3A_119 = arith.constant 0 : index
      %swap3A_120 = tpu.vector_load %arg7[%swap3A, %swap3A_119] {strides = array<i32>} : memref<136x16xf32, #tpu.memory_space<vmem>>, vector<1x16xf32>,
      %swap3A_121 = vector.shape_cast %swap3A_120 : vector<1x16xf32> to vector<16xf32>
      %swap3A_122 = vector.shape_cast %broadcast_in_dim3A_0 : vector<16xf32> to vector<1x16xf32>
      tpu.vector_store %arg7[%swap3A, %swap3A_119], %swap3A_122 {strides = array<i32>} : memref<136x16xf32, #tpu.memory_space<vmem>>, vector<1x16xf32>,
    }
    %scan3A_7 = arith.constant 136 : i32
    %scan3A_8 = arith.constant 0 : i32
    %scan3A_9 = arith.constant 0 : i32
    %scan3A_10 = arith.constant 128 : i32
    %scan3A_11 = arith.addi %scan3A_9, %scan3A_10 : i32
    %scan3A_12 = arith.constant 1 : i32
    scf.for %scan3A_118 = %scan3A_9 to %scan3A_11 step %scan3A_12  : i32 {
      %swap3A = arith.index_cast %scan3A_118 : i32 to index
      %swap3A_119 = arith.constant 0 : index
      %swap3A_120 = tpu.vector_load %arg5[%swap3A, %swap3A_119] {strides = array<i32>} : memref<128x16xf32, #tpu.memory_space<vmem>>, vector<1x16xf32>,
      %swap3A_121 = vector.shape_cast %swap3A_120 : vector<1x16xf32> to vector<16xf32>
      %swap3A_122 = vector.shape_cast %broadcast_in_dim3A_2 : vector<16xf32> to vector<1x16xf32>
      tpu.vector_store %arg5[%swap3A, %swap3A_119], %swap3A_122 {strides = array<i32>} : memref<128x16xf32, #tpu.memory_space<vmem>>, vector<1x16xf32>,
    }
    %scan3A_13 = arith.constant 128 : i32
    %mul3A = arith.constant 3128 : i32
    %mul3A_14 = arith.muli %arg1, %mul3A : i32
    %add3A = arith.constant 0 : i32
    %add3A_15 = arith.addi %mul3A_14, %add3A : i32
    "tpu.region"() ({
      %run_scoped3A = tpu.sem_alloc : memref<!tpu.dma_semaphore, #tpu.memory_space<semaphore_mem>>
      %dma_start3A = arith.constant 0 : i32
      %dma_start3A_118 = tpu.memref_slice %arg6[%add3A_15, %dma_start3A] : memref<50048x16xf32, #tpu.memory_space<vmem_shared>> -> memref<136x16xf32, #tpu.memory_space<vmem_shared>>
      %dma_start3A_119 = arith.constant 0 : i32
      %dma_start3A_120 = tpu.memref_slice %arg6[%add3A_15, %dma_start3A_119] : memref<50048x16xf32, #tpu.memory_space<vmem_shared>> -> memref<136x16xf32, #tpu.memory_space<vmem_shared>>
      tpu.enqueue_dma source(%arg7 : memref<136x16xf32, #tpu.memory_space<vmem>>) target(%dma_start3A_120 : memref<136x16xf32, #tpu.memory_space<vmem_shared>>) target_semaphore(%run_scoped3A : memref<!tpu.dma_semaphore, #tpu.memory_space<semaphore_mem>>)
      %dma_wait3A = arith.constant 0 : i32
      %dma_wait3A_121 = tpu.memref_slice %arg6[%add3A_15, %dma_wait3A] : memref<50048x16xf32, #tpu.memory_space<vmem_shared>> -> memref<136x16xf32, #tpu.memory_space<vmem_shared>>
      %dma_wait3A_122 = arith.constant 0 : i32
      %dma_wait3A_123 = tpu.memref_slice %arg6[%add3A_15, %dma_wait3A_122] : memref<50048x16xf32, #tpu.memory_space<vmem_shared>> -> memref<136x16xf32, #tpu.memory_space<vmem_shared>>
      tpu.wait_dma2 semaphore(%run_scoped3A : memref<!tpu.dma_semaphore, #tpu.memory_space<semaphore_mem>>) src(%arg7 : memref<136x16xf32, #tpu.memory_space<vmem>>) dst(%dma_wait3A_123 : memref<136x16xf32, #tpu.memory_space<vmem_shared>>)
      tpu.yield
    }) : () -> ()
    %mul3A_16 = arith.constant 3128 : i32
    %mul3A_17 = arith.muli %arg1, %mul3A_16 : i32
    %add3A_18 = arith.constant 136 : i32
    %add3A_19 = arith.addi %mul3A_17, %add3A_18 : i32
    "tpu.region"() ({
      %run_scoped3A = tpu.sem_alloc : memref<!tpu.dma_semaphore, #tpu.memory_space<semaphore_mem>>
      %dma_start3A = arith.constant 0 : i32
      %dma_start3A_118 = tpu.memref_slice %arg6[%add3A_19, %dma_start3A] : memref<50048x16xf32, #tpu.memory_space<vmem_shared>> -> memref<136x16xf32, #tpu.memory_space<vmem_shared>>
      %dma_start3A_119 = arith.constant 0 : i32
      %dma_start3A_120 = tpu.memref_slice %arg6[%add3A_19, %dma_start3A_119] : memref<50048x16xf32, #tpu.memory_space<vmem_shared>> -> memref<136x16xf32, #tpu.memory_space<vmem_shared>>
      tpu.enqueue_dma source(%arg7 : memref<136x16xf32, #tpu.memory_space<vmem>>) target(%dma_start3A_120 : memref<136x16xf32, #tpu.memory_space<vmem_shared>>) target_semaphore(%run_scoped3A : memref<!tpu.dma_semaphore, #tpu.memory_space<semaphore_mem>>)
      %dma_wait3A = arith.constant 0 : i32
      %dma_wait3A_121 = tpu.memref_slice %arg6[%add3A_19, %dma_wait3A] : memref<50048x16xf32, #tpu.memory_space<vmem_shared>> -> memref<136x16xf32, #tpu.memory_space<vmem_shared>>
      %dma_wait3A_122 = arith.constant 0 : i32
      %dma_wait3A_123 = tpu.memref_slice %arg6[%add3A_19, %dma_wait3A_122] : memref<50048x16xf32, #tpu.memory_space<vmem_shared>> -> memref<136x16xf32, #tpu.memory_space<vmem_shared>>
      tpu.wait_dma2 semaphore(%run_scoped3A : memref<!tpu.dma_semaphore, #tpu.memory_space<semaphore_mem>>) src(%arg7 : memref<136x16xf32, #tpu.memory_space<vmem>>) dst(%dma_wait3A_123 : memref<136x16xf32, #tpu.memory_space<vmem_shared>>)
      tpu.yield
    }) : () -> ()
    %mul3A_20 = arith.constant 3128 : i32
    %mul3A_21 = arith.muli %arg1, %mul3A_20 : i32
    %add3A_22 = arith.constant 272 : i32
    %add3A_23 = arith.addi %mul3A_21, %add3A_22 : i32
    "tpu.region"() ({
      %run_scoped3A = tpu.sem_alloc : memref<!tpu.dma_semaphore, #tpu.memory_space<semaphore_mem>>
      %dma_start3A = arith.constant 0 : i32
      %dma_start3A_118 = tpu.memref_slice %arg6[%add3A_23, %dma_start3A] : memref<50048x16xf32, #tpu.memory_space<vmem_shared>> -> memref<136x16xf32, #tpu.memory_space<vmem_shared>>
      %dma_start3A_119 = arith.constant 0 : i32
      %dma_start3A_120 = tpu.memref_slice %arg6[%add3A_23, %dma_start3A_119] : memref<50048x16xf32, #tpu.memory_space<vmem_shared>> -> memref<136x16xf32, #tpu.memory_space<vmem_shared>>
      tpu.enqueue_dma source(%arg7 : memref<136x16xf32, #tpu.memory_space<vmem>>) target(%dma_start3A_120 : memref<136x16xf32, #tpu.memory_space<vmem_shared>>) target_semaphore(%run_scoped3A : memref<!tpu.dma_semaphore, #tpu.memory_space<semaphore_mem>>)
      %dma_wait3A = arith.constant 0 : i32
      %dma_wait3A_121 = tpu.memref_slice %arg6[%add3A_23, %dma_wait3A] : memref<50048x16xf32, #tpu.memory_space<vmem_shared>> -> memref<136x16xf32, #tpu.memory_space<vmem_shared>>
      %dma_wait3A_122 = arith.constant 0 : i32
      %dma_wait3A_123 = tpu.memref_slice %arg6[%add3A_23, %dma_wait3A_122] : memref<50048x16xf32, #tpu.memory_space<vmem_shared>> -> memref<136x16xf32, #tpu.memory_space<vmem_shared>>
      tpu.wait_dma2 semaphore(%run_scoped3A : memref<!tpu.dma_semaphore, #tpu.memory_space<semaphore_mem>>) src(%arg7 : memref<136x16xf32, #tpu.memory_space<vmem>>) dst(%dma_wait3A_123 : memref<136x16xf32, #tpu.memory_space<vmem_shared>>)
      tpu.yield
    }) : () -> ()
    %mul3A_24 = arith.constant 3128 : i32
    %mul3A_25 = arith.muli %arg1, %mul3A_24 : i32
    %add3A_26 = arith.constant 408 : i32
    %add3A_27 = arith.addi %mul3A_25, %add3A_26 : i32
    "tpu.region"() ({
      %run_scoped3A = tpu.sem_alloc : memref<!tpu.dma_semaphore, #tpu.memory_space<semaphore_mem>>
      %dma_start3A = arith.constant 0 : i32
      %dma_start3A_118 = tpu.memref_slice %arg6[%add3A_27, %dma_start3A] : memref<50048x16xf32, #tpu.memory_space<vmem_shared>> -> memref<136x16xf32, #tpu.memory_space<vmem_shared>>
      %dma_start3A_119 = arith.constant 0 : i32
      %dma_start3A_120 = tpu.memref_slice %arg6[%add3A_27, %dma_start3A_119] : memref<50048x16xf32, #tpu.memory_space<vmem_shared>> -> memref<136x16xf32, #tpu.memory_space<vmem_shared>>
      tpu.enqueue_dma source(%arg7 : memref<136x16xf32, #tpu.memory_space<vmem>>) target(%dma_start3A_120 : memref<136x16xf32, #tpu.memory_space<vmem_shared>>) target_semaphore(%run_scoped3A : memref<!tpu.dma_semaphore, #tpu.memory_space<semaphore_mem>>)
      %dma_wait3A = arith.constant 0 : i32
      %dma_wait3A_121 = tpu.memref_slice %arg6[%add3A_27, %dma_wait3A] : memref<50048x16xf32, #tpu.memory_space<vmem_shared>> -> memref<136x16xf32, #tpu.memory_space<vmem_shared>>
      %dma_wait3A_122 = arith.constant 0 : i32
      %dma_wait3A_123 = tpu.memref_slice %arg6[%add3A_27, %dma_wait3A_122] : memref<50048x16xf32, #tpu.memory_space<vmem_shared>> -> memref<136x16xf32, #tpu.memory_space<vmem_shared>>
      tpu.wait_dma2 semaphore(%run_scoped3A : memref<!tpu.dma_semaphore, #tpu.memory_space<semaphore_mem>>) src(%arg7 : memref<136x16xf32, #tpu.memory_space<vmem>>) dst(%dma_wait3A_123 : memref<136x16xf32, #tpu.memory_space<vmem_shared>>)
      tpu.yield
    }) : () -> ()
    %mul3A_28 = arith.constant 3128 : i32
    %mul3A_29 = arith.muli %arg1, %mul3A_28 : i32
    %add3A_30 = arith.constant 544 : i32
    %add3A_31 = arith.addi %mul3A_29, %add3A_30 : i32
    "tpu.region"() ({
      %run_scoped3A = tpu.sem_alloc : memref<!tpu.dma_semaphore, #tpu.memory_space<semaphore_mem>>
      %dma_start3A = arith.constant 0 : i32
      %dma_start3A_118 = tpu.memref_slice %arg6[%add3A_31, %dma_start3A] : memref<50048x16xf32, #tpu.memory_space<vmem_shared>> -> memref<136x16xf32, #tpu.memory_space<vmem_shared>>
      %dma_start3A_119 = arith.constant 0 : i32
      %dma_start3A_120 = tpu.memref_slice %arg6[%add3A_31, %dma_start3A_119] : memref<50048x16xf32, #tpu.memory_space<vmem_shared>> -> memref<136x16xf32, #tpu.memory_space<vmem_shared>>
      tpu.enqueue_dma source(%arg7 : memref<136x16xf32, #tpu.memory_space<vmem>>) target(%dma_start3A_120 : memref<136x16xf32, #tpu.memory_space<vmem_shared>>) target_semaphore(%run_scoped3A : memref<!tpu.dma_semaphore, #tpu.memory_space<semaphore_mem>>)
      %dma_wait3A = arith.constant 0 : i32
      %dma_wait3A_121 = tpu.memref_slice %arg6[%add3A_31, %dma_wait3A] : memref<50048x16xf32, #tpu.memory_space<vmem_shared>> -> memref<136x16xf32, #tpu.memory_space<vmem_shared>>
      %dma_wait3A_122 = arith.constant 0 : i32
      %dma_wait3A_123 = tpu.memref_slice %arg6[%add3A_31, %dma_wait3A_122] : memref<50048x16xf32, #tpu.memory_space<vmem_shared>> -> memref<136x16xf32, #tpu.memory_space<vmem_shared>>
      tpu.wait_dma2 semaphore(%run_scoped3A : memref<!tpu.dma_semaphore, #tpu.memory_space<semaphore_mem>>) src(%arg7 : memref<136x16xf32, #tpu.memory_space<vmem>>) dst(%dma_wait3A_123 : memref<136x16xf32, #tpu.memory_space<vmem_shared>>)
      tpu.yield
    }) : () -> ()
    %mul3A_32 = arith.constant 3128 : i32
    %mul3A_33 = arith.muli %arg1, %mul3A_32 : i32
    %add3A_34 = arith.constant 680 : i32
    %add3A_35 = arith.addi %mul3A_33, %add3A_34 : i32
    "tpu.region"() ({
      %run_scoped3A = tpu.sem_alloc : memref<!tpu.dma_semaphore, #tpu.memory_space<semaphore_mem>>
      %dma_start3A = arith.constant 0 : i32
      %dma_start3A_118 = tpu.memref_slice %arg6[%add3A_35, %dma_start3A] : memref<50048x16xf32, #tpu.memory_space<vmem_shared>> -> memref<136x16xf32, #tpu.memory_space<vmem_shared>>
      %dma_start3A_119 = arith.constant 0 : i32
      %dma_start3A_120 = tpu.memref_slice %arg6[%add3A_35, %dma_start3A_119] : memref<50048x16xf32, #tpu.memory_space<vmem_shared>> -> memref<136x16xf32, #tpu.memory_space<vmem_shared>>
      tpu.enqueue_dma source(%arg7 : memref<136x16xf32, #tpu.memory_space<vmem>>) target(%dma_start3A_120 : memref<136x16xf32, #tpu.memory_space<vmem_shared>>) target_semaphore(%run_scoped3A : memref<!tpu.dma_semaphore, #tpu.memory_space<semaphore_mem>>)
      %dma_wait3A = arith.constant 0 : i32
      %dma_wait3A_121 = tpu.memref_slice %arg6[%add3A_35, %dma_wait3A] : memref<50048x16xf32, #tpu.memory_space<vmem_shared>> -> memref<136x16xf32, #tpu.memory_space<vmem_shared>>
      %dma_wait3A_122 = arith.constant 0 : i32
      %dma_wait3A_123 = tpu.memref_slice %arg6[%add3A_35, %dma_wait3A_122] : memref<50048x16xf32, #tpu.memory_space<vmem_shared>> -> memref<136x16xf32, #tpu.memory_space<vmem_shared>>
      tpu.wait_dma2 semaphore(%run_scoped3A : memref<!tpu.dma_semaphore, #tpu.memory_space<semaphore_mem>>) src(%arg7 : memref<136x16xf32, #tpu.memory_space<vmem>>) dst(%dma_wait3A_123 : memref<136x16xf32, #tpu.memory_space<vmem_shared>>)
      tpu.yield
    }) : () -> ()
    %mul3A_36 = arith.constant 3128 : i32
    %mul3A_37 = arith.muli %arg1, %mul3A_36 : i32
    %add3A_38 = arith.constant 816 : i32
    %add3A_39 = arith.addi %mul3A_37, %add3A_38 : i32
    "tpu.region"() ({
      %run_scoped3A = tpu.sem_alloc : memref<!tpu.dma_semaphore, #tpu.memory_space<semaphore_mem>>
      %dma_start3A = arith.constant 0 : i32
      %dma_start3A_118 = tpu.memref_slice %arg6[%add3A_39, %dma_start3A] : memref<50048x16xf32, #tpu.memory_space<vmem_shared>> -> memref<136x16xf32, #tpu.memory_space<vmem_shared>>
      %dma_start3A_119 = arith.constant 0 : i32
      %dma_start3A_120 = tpu.memref_slice %arg6[%add3A_39, %dma_start3A_119] : memref<50048x16xf32, #tpu.memory_space<vmem_shared>> -> memref<136x16xf32, #tpu.memory_space<vmem_shared>>
      tpu.enqueue_dma source(%arg7 : memref<136x16xf32, #tpu.memory_space<vmem>>) target(%dma_start3A_120 : memref<136x16xf32, #tpu.memory_space<vmem_shared>>) target_semaphore(%run_scoped3A : memref<!tpu.dma_semaphore, #tpu.memory_space<semaphore_mem>>)
      %dma_wait3A = arith.constant 0 : i32
      %dma_wait3A_121 = tpu.memref_slice %arg6[%add3A_39, %dma_wait3A] : memref<50048x16xf32, #tpu.memory_space<vmem_shared>> -> memref<136x16xf32, #tpu.memory_space<vmem_shared>>
      %dma_wait3A_122 = arith.constant 0 : i32
      %dma_wait3A_123 = tpu.memref_slice %arg6[%add3A_39, %dma_wait3A_122] : memref<50048x16xf32, #tpu.memory_space<vmem_shared>> -> memref<136x16xf32, #tpu.memory_space<vmem_shared>>
      tpu.wait_dma2 semaphore(%run_scoped3A : memref<!tpu.dma_semaphore, #tpu.memory_space<semaphore_mem>>) src(%arg7 : memref<136x16xf32, #tpu.memory_space<vmem>>) dst(%dma_wait3A_123 : memref<136x16xf32, #tpu.memory_space<vmem_shared>>)
      tpu.yield
    }) : () -> ()
    %mul3A_40 = arith.constant 3128 : i32
    %mul3A_41 = arith.muli %arg1, %mul3A_40 : i32
    %add3A_42 = arith.constant 952 : i32
    %add3A_43 = arith.addi %mul3A_41, %add3A_42 : i32
    "tpu.region"() ({
      %run_scoped3A = tpu.sem_alloc : memref<!tpu.dma_semaphore, #tpu.memory_space<semaphore_mem>>
      %dma_start3A = arith.constant 0 : i32
      %dma_start3A_118 = tpu.memref_slice %arg6[%add3A_43, %dma_start3A] : memref<50048x16xf32, #tpu.memory_space<vmem_shared>> -> memref<136x16xf32, #tpu.memory_space<vmem_shared>>
      %dma_start3A_119 = arith.constant 0 : i32
      %dma_start3A_120 = tpu.memref_slice %arg6[%add3A_43, %dma_start3A_119] : memref<50048x16xf32, #tpu.memory_space<vmem_shared>> -> memref<136x16xf32, #tpu.memory_space<vmem_shared>>
      tpu.enqueue_dma source(%arg7 : memref<136x16xf32, #tpu.memory_space<vmem>>) target(%dma_start3A_120 : memref<136x16xf32, #tpu.memory_space<vmem_shared>>) target_semaphore(%run_scoped3A : memref<!tpu.dma_semaphore, #tpu.memory_space<semaphore_mem>>)
      %dma_wait3A = arith.constant 0 : i32
      %dma_wait3A_121 = tpu.memref_slice %arg6[%add3A_43, %dma_wait3A] : memref<50048x16xf32, #tpu.memory_space<vmem_shared>> -> memref<136x16xf32, #tpu.memory_space<vmem_shared>>
      %dma_wait3A_122 = arith.constant 0 : i32
      %dma_wait3A_123 = tpu.memref_slice %arg6[%add3A_43, %dma_wait3A_122] : memref<50048x16xf32, #tpu.memory_space<vmem_shared>> -> memref<136x16xf32, #tpu.memory_space<vmem_shared>>
      tpu.wait_dma2 semaphore(%run_scoped3A : memref<!tpu.dma_semaphore, #tpu.memory_space<semaphore_mem>>) src(%arg7 : memref<136x16xf32, #tpu.memory_space<vmem>>) dst(%dma_wait3A_123 : memref<136x16xf32, #tpu.memory_space<vmem_shared>>)
      tpu.yield
    }) : () -> ()
    %mul3A_44 = arith.constant 3128 : i32
    %mul3A_45 = arith.muli %arg1, %mul3A_44 : i32
    %add3A_46 = arith.constant 1088 : i32
    %add3A_47 = arith.addi %mul3A_45, %add3A_46 : i32
    "tpu.region"() ({
      %run_scoped3A = tpu.sem_alloc : memref<!tpu.dma_semaphore, #tpu.memory_space<semaphore_mem>>
      %dma_start3A = arith.constant 0 : i32
      %dma_start3A_118 = tpu.memref_slice %arg6[%add3A_47, %dma_start3A] : memref<50048x16xf32, #tpu.memory_space<vmem_shared>> -> memref<136x16xf32, #tpu.memory_space<vmem_shared>>
      %dma_start3A_119 = arith.constant 0 : i32
      %dma_start3A_120 = tpu.memref_slice %arg6[%add3A_47, %dma_start3A_119] : memref<50048x16xf32, #tpu.memory_space<vmem_shared>> -> memref<136x16xf32, #tpu.memory_space<vmem_shared>>
      tpu.enqueue_dma source(%arg7 : memref<136x16xf32, #tpu.memory_space<vmem>>) target(%dma_start3A_120 : memref<136x16xf32, #tpu.memory_space<vmem_shared>>) target_semaphore(%run_scoped3A : memref<!tpu.dma_semaphore, #tpu.memory_space<semaphore_mem>>)
      %dma_wait3A = arith.constant 0 : i32
      %dma_wait3A_121 = tpu.memref_slice %arg6[%add3A_47, %dma_wait3A] : memref<50048x16xf32, #tpu.memory_space<vmem_shared>> -> memref<136x16xf32, #tpu.memory_space<vmem_shared>>
      %dma_wait3A_122 = arith.constant 0 : i32
      %dma_wait3A_123 = tpu.memref_slice %arg6[%add3A_47, %dma_wait3A_122] : memref<50048x16xf32, #tpu.memory_space<vmem_shared>> -> memref<136x16xf32, #tpu.memory_space<vmem_shared>>
      tpu.wait_dma2 semaphore(%run_scoped3A : memref<!tpu.dma_semaphore, #tpu.memory_space<semaphore_mem>>) src(%arg7 : memref<136x16xf32, #tpu.memory_space<vmem>>) dst(%dma_wait3A_123 : memref<136x16xf32, #tpu.memory_space<vmem_shared>>)
      tpu.yield
    }) : () -> ()
    %mul3A_48 = arith.constant 3128 : i32
    %mul3A_49 = arith.muli %arg1, %mul3A_48 : i32
    %add3A_50 = arith.constant 1224 : i32
    %add3A_51 = arith.addi %mul3A_49, %add3A_50 : i32
    "tpu.region"() ({
      %run_scoped3A = tpu.sem_alloc : memref<!tpu.dma_semaphore, #tpu.memory_space<semaphore_mem>>
      %dma_start3A = arith.constant 0 : i32
      %dma_start3A_118 = tpu.memref_slice %arg6[%add3A_51, %dma_start3A] : memref<50048x16xf32, #tpu.memory_space<vmem_shared>> -> memref<136x16xf32, #tpu.memory_space<vmem_shared>>
      %dma_start3A_119 = arith.constant 0 : i32
      %dma_start3A_120 = tpu.memref_slice %arg6[%add3A_51, %dma_start3A_119] : memref<50048x16xf32, #tpu.memory_space<vmem_shared>> -> memref<136x16xf32, #tpu.memory_space<vmem_shared>>
      tpu.enqueue_dma source(%arg7 : memref<136x16xf32, #tpu.memory_space<vmem>>) target(%dma_start3A_120 : memref<136x16xf32, #tpu.memory_space<vmem_shared>>) target_semaphore(%run_scoped3A : memref<!tpu.dma_semaphore, #tpu.memory_space<semaphore_mem>>)
      %dma_wait3A = arith.constant 0 : i32
      %dma_wait3A_121 = tpu.memref_slice %arg6[%add3A_51, %dma_wait3A] : memref<50048x16xf32, #tpu.memory_space<vmem_shared>> -> memref<136x16xf32, #tpu.memory_space<vmem_shared>>
      %dma_wait3A_122 = arith.constant 0 : i32
      %dma_wait3A_123 = tpu.memref_slice %arg6[%add3A_51, %dma_wait3A_122] : memref<50048x16xf32, #tpu.memory_space<vmem_shared>> -> memref<136x16xf32, #tpu.memory_space<vmem_shared>>
      tpu.wait_dma2 semaphore(%run_scoped3A : memref<!tpu.dma_semaphore, #tpu.memory_space<semaphore_mem>>) src(%arg7 : memref<136x16xf32, #tpu.memory_space<vmem>>) dst(%dma_wait3A_123 : memref<136x16xf32, #tpu.memory_space<vmem_shared>>)
      tpu.yield
    }) : () -> ()
    %mul3A_52 = arith.constant 3128 : i32
    %mul3A_53 = arith.muli %arg1, %mul3A_52 : i32
    %add3A_54 = arith.constant 1360 : i32
    %add3A_55 = arith.addi %mul3A_53, %add3A_54 : i32
    "tpu.region"() ({
      %run_scoped3A = tpu.sem_alloc : memref<!tpu.dma_semaphore, #tpu.memory_space<semaphore_mem>>
      %dma_start3A = arith.constant 0 : i32
      %dma_start3A_118 = tpu.memref_slice %arg6[%add3A_55, %dma_start3A] : memref<50048x16xf32, #tpu.memory_space<vmem_shared>> -> memref<136x16xf32, #tpu.memory_space<vmem_shared>>
      %dma_start3A_119 = arith.constant 0 : i32
      %dma_start3A_120 = tpu.memref_slice %arg6[%add3A_55, %dma_start3A_119] : memref<50048x16xf32, #tpu.memory_space<vmem_shared>> -> memref<136x16xf32, #tpu.memory_space<vmem_shared>>
      tpu.enqueue_dma source(%arg7 : memref<136x16xf32, #tpu.memory_space<vmem>>) target(%dma_start3A_120 : memref<136x16xf32, #tpu.memory_space<vmem_shared>>) target_semaphore(%run_scoped3A : memref<!tpu.dma_semaphore, #tpu.memory_space<semaphore_mem>>)
      %dma_wait3A = arith.constant 0 : i32
      %dma_wait3A_121 = tpu.memref_slice %arg6[%add3A_55, %dma_wait3A] : memref<50048x16xf32, #tpu.memory_space<vmem_shared>> -> memref<136x16xf32, #tpu.memory_space<vmem_shared>>
      %dma_wait3A_122 = arith.constant 0 : i32
      %dma_wait3A_123 = tpu.memref_slice %arg6[%add3A_55, %dma_wait3A_122] : memref<50048x16xf32, #tpu.memory_space<vmem_shared>> -> memref<136x16xf32, #tpu.memory_space<vmem_shared>>
      tpu.wait_dma2 semaphore(%run_scoped3A : memref<!tpu.dma_semaphore, #tpu.memory_space<semaphore_mem>>) src(%arg7 : memref<136x16xf32, #tpu.memory_space<vmem>>) dst(%dma_wait3A_123 : memref<136x16xf32, #tpu.memory_space<vmem_shared>>)
      tpu.yield
    }) : () -> ()
    %mul3A_56 = arith.constant 3128 : i32
    %mul3A_57 = arith.muli %arg1, %mul3A_56 : i32
    %add3A_58 = arith.constant 1496 : i32
    %add3A_59 = arith.addi %mul3A_57, %add3A_58 : i32
    "tpu.region"() ({
      %run_scoped3A = tpu.sem_alloc : memref<!tpu.dma_semaphore, #tpu.memory_space<semaphore_mem>>
      %dma_start3A = arith.constant 0 : i32
      %dma_start3A_118 = tpu.memref_slice %arg6[%add3A_59, %dma_start3A] : memref<50048x16xf32, #tpu.memory_space<vmem_shared>> -> memref<136x16xf32, #tpu.memory_space<vmem_shared>>
      %dma_start3A_119 = arith.constant 0 : i32
      %dma_start3A_120 = tpu.memref_slice %arg6[%add3A_59, %dma_start3A_119] : memref<50048x16xf32, #tpu.memory_space<vmem_shared>> -> memref<136x16xf32, #tpu.memory_space<vmem_shared>>
      tpu.enqueue_dma source(%arg7 : memref<136x16xf32, #tpu.memory_space<vmem>>) target(%dma_start3A_120 : memref<136x16xf32, #tpu.memory_space<vmem_shared>>) target_semaphore(%run_scoped3A : memref<!tpu.dma_semaphore, #tpu.memory_space<semaphore_mem>>)
      %dma_wait3A = arith.constant 0 : i32
      %dma_wait3A_121 = tpu.memref_slice %arg6[%add3A_59, %dma_wait3A] : memref<50048x16xf32, #tpu.memory_space<vmem_shared>> -> memref<136x16xf32, #tpu.memory_space<vmem_shared>>
      %dma_wait3A_122 = arith.constant 0 : i32
      %dma_wait3A_123 = tpu.memref_slice %arg6[%add3A_59, %dma_wait3A_122] : memref<50048x16xf32, #tpu.memory_space<vmem_shared>> -> memref<136x16xf32, #tpu.memory_space<vmem_shared>>
      tpu.wait_dma2 semaphore(%run_scoped3A : memref<!tpu.dma_semaphore, #tpu.memory_space<semaphore_mem>>) src(%arg7 : memref<136x16xf32, #tpu.memory_space<vmem>>) dst(%dma_wait3A_123 : memref<136x16xf32, #tpu.memory_space<vmem_shared>>)
      tpu.yield
    }) : () -> ()
    %mul3A_60 = arith.constant 3128 : i32
    %mul3A_61 = arith.muli %arg1, %mul3A_60 : i32
    %add3A_62 = arith.constant 1632 : i32
    %add3A_63 = arith.addi %mul3A_61, %add3A_62 : i32
    "tpu.region"() ({
      %run_scoped3A = tpu.sem_alloc : memref<!tpu.dma_semaphore, #tpu.memory_space<semaphore_mem>>
      %dma_start3A = arith.constant 0 : i32
      %dma_start3A_118 = tpu.memref_slice %arg6[%add3A_63, %dma_start3A] : memref<50048x16xf32, #tpu.memory_space<vmem_shared>> -> memref<136x16xf32, #tpu.memory_space<vmem_shared>>
      %dma_start3A_119 = arith.constant 0 : i32
      %dma_start3A_120 = tpu.memref_slice %arg6[%add3A_63, %dma_start3A_119] : memref<50048x16xf32, #tpu.memory_space<vmem_shared>> -> memref<136x16xf32, #tpu.memory_space<vmem_shared>>
      tpu.enqueue_dma source(%arg7 : memref<136x16xf32, #tpu.memory_space<vmem>>) target(%dma_start3A_120 : memref<136x16xf32, #tpu.memory_space<vmem_shared>>) target_semaphore(%run_scoped3A : memref<!tpu.dma_semaphore, #tpu.memory_space<semaphore_mem>>)
      %dma_wait3A = arith.constant 0 : i32
      %dma_wait3A_121 = tpu.memref_slice %arg6[%add3A_63, %dma_wait3A] : memref<50048x16xf32, #tpu.memory_space<vmem_shared>> -> memref<136x16xf32, #tpu.memory_space<vmem_shared>>
      %dma_wait3A_122 = arith.constant 0 : i32
      %dma_wait3A_123 = tpu.memref_slice %arg6[%add3A_63, %dma_wait3A_122] : memref<50048x16xf32, #tpu.memory_space<vmem_shared>> -> memref<136x16xf32, #tpu.memory_space<vmem_shared>>
      tpu.wait_dma2 semaphore(%run_scoped3A : memref<!tpu.dma_semaphore, #tpu.memory_space<semaphore_mem>>) src(%arg7 : memref<136x16xf32, #tpu.memory_space<vmem>>) dst(%dma_wait3A_123 : memref<136x16xf32, #tpu.memory_space<vmem_shared>>)
      tpu.yield
    }) : () -> ()
    %mul3A_64 = arith.constant 3128 : i32
    %mul3A_65 = arith.muli %arg1, %mul3A_64 : i32
    %add3A_66 = arith.constant 1768 : i32
    %add3A_67 = arith.addi %mul3A_65, %add3A_66 : i32
    "tpu.region"() ({
      %run_scoped3A = tpu.sem_alloc : memref<!tpu.dma_semaphore, #tpu.memory_space<semaphore_mem>>
      %dma_start3A = arith.constant 0 : i32
      %dma_start3A_118 = tpu.memref_slice %arg6[%add3A_67, %dma_start3A] : memref<50048x16xf32, #tpu.memory_space<vmem_shared>> -> memref<136x16xf32, #tpu.memory_space<vmem_shared>>
      %dma_start3A_119 = arith.constant 0 : i32
      %dma_start3A_120 = tpu.memref_slice %arg6[%add3A_67, %dma_start3A_119] : memref<50048x16xf32, #tpu.memory_space<vmem_shared>> -> memref<136x16xf32, #tpu.memory_space<vmem_shared>>
      tpu.enqueue_dma source(%arg7 : memref<136x16xf32, #tpu.memory_space<vmem>>) target(%dma_start3A_120 : memref<136x16xf32, #tpu.memory_space<vmem_shared>>) target_semaphore(%run_scoped3A : memref<!tpu.dma_semaphore, #tpu.memory_space<semaphore_mem>>)
      %dma_wait3A = arith.constant 0 : i32
      %dma_wait3A_121 = tpu.memref_slice %arg6[%add3A_67, %dma_wait3A] : memref<50048x16xf32, #tpu.memory_space<vmem_shared>> -> memref<136x16xf32, #tpu.memory_space<vmem_shared>>
      %dma_wait3A_122 = arith.constant 0 : i32
      %dma_wait3A_123 = tpu.memref_slice %arg6[%add3A_67, %dma_wait3A_122] : memref<50048x16xf32, #tpu.memory_space<vmem_shared>> -> memref<136x16xf32, #tpu.memory_space<vmem_shared>>
      tpu.wait_dma2 semaphore(%run_scoped3A : memref<!tpu.dma_semaphore, #tpu.memory_space<semaphore_mem>>) src(%arg7 : memref<136x16xf32, #tpu.memory_space<vmem>>) dst(%dma_wait3A_123 : memref<136x16xf32, #tpu.memory_space<vmem_shared>>)
      tpu.yield
    }) : () -> ()
    %mul3A_68 = arith.constant 3128 : i32
    %mul3A_69 = arith.muli %arg1, %mul3A_68 : i32
    %add3A_70 = arith.constant 1904 : i32
    %add3A_71 = arith.addi %mul3A_69, %add3A_70 : i32
    "tpu.region"() ({
      %run_scoped3A = tpu.sem_alloc : memref<!tpu.dma_semaphore, #tpu.memory_space<semaphore_mem>>
      %dma_start3A = arith.constant 0 : i32
      %dma_start3A_118 = tpu.memref_slice %arg6[%add3A_71, %dma_start3A] : memref<50048x16xf32, #tpu.memory_space<vmem_shared>> -> memref<136x16xf32, #tpu.memory_space<vmem_shared>>
      %dma_start3A_119 = arith.constant 0 : i32
      %dma_start3A_120 = tpu.memref_slice %arg6[%add3A_71, %dma_start3A_119] : memref<50048x16xf32, #tpu.memory_space<vmem_shared>> -> memref<136x16xf32, #tpu.memory_space<vmem_shared>>
      tpu.enqueue_dma source(%arg7 : memref<136x16xf32, #tpu.memory_space<vmem>>) target(%dma_start3A_120 : memref<136x16xf32, #tpu.memory_space<vmem_shared>>) target_semaphore(%run_scoped3A : memref<!tpu.dma_semaphore, #tpu.memory_space<semaphore_mem>>)
      %dma_wait3A = arith.constant 0 : i32
      %dma_wait3A_121 = tpu.memref_slice %arg6[%add3A_71, %dma_wait3A] : memref<50048x16xf32, #tpu.memory_space<vmem_shared>> -> memref<136x16xf32, #tpu.memory_space<vmem_shared>>
      %dma_wait3A_122 = arith.constant 0 : i32
      %dma_wait3A_123 = tpu.memref_slice %arg6[%add3A_71, %dma_wait3A_122] : memref<50048x16xf32, #tpu.memory_space<vmem_shared>> -> memref<136x16xf32, #tpu.memory_space<vmem_shared>>
      tpu.wait_dma2 semaphore(%run_scoped3A : memref<!tpu.dma_semaphore, #tpu.memory_space<semaphore_mem>>) src(%arg7 : memref<136x16xf32, #tpu.memory_space<vmem>>) dst(%dma_wait3A_123 : memref<136x16xf32, #tpu.memory_space<vmem_shared>>)
      tpu.yield
    }) : () -> ()
    %mul3A_72 = arith.constant 3128 : i32
    %mul3A_73 = arith.muli %arg1, %mul3A_72 : i32
    %add3A_74 = arith.constant 2040 : i32
    %add3A_75 = arith.addi %mul3A_73, %add3A_74 : i32
    "tpu.region"() ({
      %run_scoped3A = tpu.sem_alloc : memref<!tpu.dma_semaphore, #tpu.memory_space<semaphore_mem>>
      %dma_start3A = arith.constant 0 : i32
      %dma_start3A_118 = tpu.memref_slice %arg6[%add3A_75, %dma_start3A] : memref<50048x16xf32, #tpu.memory_space<vmem_shared>> -> memref<136x16xf32, #tpu.memory_space<vmem_shared>>
      %dma_start3A_119 = arith.constant 0 : i32
      %dma_start3A_120 = tpu.memref_slice %arg6[%add3A_75, %dma_start3A_119] : memref<50048x16xf32, #tpu.memory_space<vmem_shared>> -> memref<136x16xf32, #tpu.memory_space<vmem_shared>>
      tpu.enqueue_dma source(%arg7 : memref<136x16xf32, #tpu.memory_space<vmem>>) target(%dma_start3A_120 : memref<136x16xf32, #tpu.memory_space<vmem_shared>>) target_semaphore(%run_scoped3A : memref<!tpu.dma_semaphore, #tpu.memory_space<semaphore_mem>>)
      %dma_wait3A = arith.constant 0 : i32
      %dma_wait3A_121 = tpu.memref_slice %arg6[%add3A_75, %dma_wait3A] : memref<50048x16xf32, #tpu.memory_space<vmem_shared>> -> memref<136x16xf32, #tpu.memory_space<vmem_shared>>
      %dma_wait3A_122 = arith.constant 0 : i32
      %dma_wait3A_123 = tpu.memref_slice %arg6[%add3A_75, %dma_wait3A_122] : memref<50048x16xf32, #tpu.memory_space<vmem_shared>> -> memref<136x16xf32, #tpu.memory_space<vmem_shared>>
      tpu.wait_dma2 semaphore(%run_scoped3A : memref<!tpu.dma_semaphore, #tpu.memory_space<semaphore_mem>>) src(%arg7 : memref<136x16xf32, #tpu.memory_space<vmem>>) dst(%dma_wait3A_123 : memref<136x16xf32, #tpu.memory_space<vmem_shared>>)
      tpu.yield
    }) : () -> ()
    %mul3A_76 = arith.constant 3128 : i32
    %mul3A_77 = arith.muli %arg1, %mul3A_76 : i32
    %add3A_78 = arith.constant 2176 : i32
    %add3A_79 = arith.addi %mul3A_77, %add3A_78 : i32
    "tpu.region"() ({
      %run_scoped3A = tpu.sem_alloc : memref<!tpu.dma_semaphore, #tpu.memory_space<semaphore_mem>>
      %dma_start3A = arith.constant 0 : i32
      %dma_start3A_118 = tpu.memref_slice %arg6[%add3A_79, %dma_start3A] : memref<50048x16xf32, #tpu.memory_space<vmem_shared>> -> memref<136x16xf32, #tpu.memory_space<vmem_shared>>
      %dma_start3A_119 = arith.constant 0 : i32
      %dma_start3A_120 = tpu.memref_slice %arg6[%add3A_79, %dma_start3A_119] : memref<50048x16xf32, #tpu.memory_space<vmem_shared>> -> memref<136x16xf32, #tpu.memory_space<vmem_shared>>
      tpu.enqueue_dma source(%arg7 : memref<136x16xf32, #tpu.memory_space<vmem>>) target(%dma_start3A_120 : memref<136x16xf32, #tpu.memory_space<vmem_shared>>) target_semaphore(%run_scoped3A : memref<!tpu.dma_semaphore, #tpu.memory_space<semaphore_mem>>)
      %dma_wait3A = arith.constant 0 : i32
      %dma_wait3A_121 = tpu.memref_slice %arg6[%add3A_79, %dma_wait3A] : memref<50048x16xf32, #tpu.memory_space<vmem_shared>> -> memref<136x16xf32, #tpu.memory_space<vmem_shared>>
      %dma_wait3A_122 = arith.constant 0 : i32
      %dma_wait3A_123 = tpu.memref_slice %arg6[%add3A_79, %dma_wait3A_122] : memref<50048x16xf32, #tpu.memory_space<vmem_shared>> -> memref<136x16xf32, #tpu.memory_space<vmem_shared>>
      tpu.wait_dma2 semaphore(%run_scoped3A : memref<!tpu.dma_semaphore, #tpu.memory_space<semaphore_mem>>) src(%arg7 : memref<136x16xf32, #tpu.memory_space<vmem>>) dst(%dma_wait3A_123 : memref<136x16xf32, #tpu.memory_space<vmem_shared>>)
      tpu.yield
    }) : () -> ()
    %mul3A_80 = arith.constant 3128 : i32
    %mul3A_81 = arith.muli %arg1, %mul3A_80 : i32
    %add3A_82 = arith.constant 2312 : i32
    %add3A_83 = arith.addi %mul3A_81, %add3A_82 : i32
    "tpu.region"() ({
      %run_scoped3A = tpu.sem_alloc : memref<!tpu.dma_semaphore, #tpu.memory_space<semaphore_mem>>
      %dma_start3A = arith.constant 0 : i32
      %dma_start3A_118 = tpu.memref_slice %arg6[%add3A_83, %dma_start3A] : memref<50048x16xf32, #tpu.memory_space<vmem_shared>> -> memref<136x16xf32, #tpu.memory_space<vmem_shared>>
      %dma_start3A_119 = arith.constant 0 : i32
      %dma_start3A_120 = tpu.memref_slice %arg6[%add3A_83, %dma_start3A_119] : memref<50048x16xf32, #tpu.memory_space<vmem_shared>> -> memref<136x16xf32, #tpu.memory_space<vmem_shared>>
      tpu.enqueue_dma source(%arg7 : memref<136x16xf32, #tpu.memory_space<vmem>>) target(%dma_start3A_120 : memref<136x16xf32, #tpu.memory_space<vmem_shared>>) target_semaphore(%run_scoped3A : memref<!tpu.dma_semaphore, #tpu.memory_space<semaphore_mem>>)
      %dma_wait3A = arith.constant 0 : i32
      %dma_wait3A_121 = tpu.memref_slice %arg6[%add3A_83, %dma_wait3A] : memref<50048x16xf32, #tpu.memory_space<vmem_shared>> -> memref<136x16xf32, #tpu.memory_space<vmem_shared>>
      %dma_wait3A_122 = arith.constant 0 : i32
      %dma_wait3A_123 = tpu.memref_slice %arg6[%add3A_83, %dma_wait3A_122] : memref<50048x16xf32, #tpu.memory_space<vmem_shared>> -> memref<136x16xf32, #tpu.memory_space<vmem_shared>>
      tpu.wait_dma2 semaphore(%run_scoped3A : memref<!tpu.dma_semaphore, #tpu.memory_space<semaphore_mem>>) src(%arg7 : memref<136x16xf32, #tpu.memory_space<vmem>>) dst(%dma_wait3A_123 : memref<136x16xf32, #tpu.memory_space<vmem_shared>>)
      tpu.yield
    }) : () -> ()
    %mul3A_84 = arith.constant 3128 : i32
    %mul3A_85 = arith.muli %arg1, %mul3A_84 : i32
    %add3A_86 = arith.constant 2448 : i32
    %add3A_87 = arith.addi %mul3A_85, %add3A_86 : i32
    "tpu.region"() ({
      %run_scoped3A = tpu.sem_alloc : memref<!tpu.dma_semaphore, #tpu.memory_space<semaphore_mem>>
      %dma_start3A = arith.constant 0 : i32
      %dma_start3A_118 = tpu.memref_slice %arg6[%add3A_87, %dma_start3A] : memref<50048x16xf32, #tpu.memory_space<vmem_shared>> -> memref<136x16xf32, #tpu.memory_space<vmem_shared>>
      %dma_start3A_119 = arith.constant 0 : i32
      %dma_start3A_120 = tpu.memref_slice %arg6[%add3A_87, %dma_start3A_119] : memref<50048x16xf32, #tpu.memory_space<vmem_shared>> -> memref<136x16xf32, #tpu.memory_space<vmem_shared>>
      tpu.enqueue_dma source(%arg7 : memref<136x16xf32, #tpu.memory_space<vmem>>) target(%dma_start3A_120 : memref<136x16xf32, #tpu.memory_space<vmem_shared>>) target_semaphore(%run_scoped3A : memref<!tpu.dma_semaphore, #tpu.memory_space<semaphore_mem>>)
      %dma_wait3A = arith.constant 0 : i32
      %dma_wait3A_121 = tpu.memref_slice %arg6[%add3A_87, %dma_wait3A] : memref<50048x16xf32, #tpu.memory_space<vmem_shared>> -> memref<136x16xf32, #tpu.memory_space<vmem_shared>>
      %dma_wait3A_122 = arith.constant 0 : i32
      %dma_wait3A_123 = tpu.memref_slice %arg6[%add3A_87, %dma_wait3A_122] : memref<50048x16xf32, #tpu.memory_space<vmem_shared>> -> memref<136x16xf32, #tpu.memory_space<vmem_shared>>
      tpu.wait_dma2 semaphore(%run_scoped3A : memref<!tpu.dma_semaphore, #tpu.memory_space<semaphore_mem>>) src(%arg7 : memref<136x16xf32, #tpu.memory_space<vmem>>) dst(%dma_wait3A_123 : memref<136x16xf32, #tpu.memory_space<vmem_shared>>)
      tpu.yield
    }) : () -> ()
    %mul3A_88 = arith.constant 3128 : i32
    %mul3A_89 = arith.muli %arg1, %mul3A_88 : i32
    %add3A_90 = arith.constant 2584 : i32
    %add3A_91 = arith.addi %mul3A_89, %add3A_90 : i32
    "tpu.region"() ({
      %run_scoped3A = tpu.sem_alloc : memref<!tpu.dma_semaphore, #tpu.memory_space<semaphore_mem>>
      %dma_start3A = arith.constant 0 : i32
      %dma_start3A_118 = tpu.memref_slice %arg6[%add3A_91, %dma_start3A] : memref<50048x16xf32, #tpu.memory_space<vmem_shared>> -> memref<136x16xf32, #tpu.memory_space<vmem_shared>>
      %dma_start3A_119 = arith.constant 0 : i32
      %dma_start3A_120 = tpu.memref_slice %arg6[%add3A_91, %dma_start3A_119] : memref<50048x16xf32, #tpu.memory_space<vmem_shared>> -> memref<136x16xf32, #tpu.memory_space<vmem_shared>>
      tpu.enqueue_dma source(%arg7 : memref<136x16xf32, #tpu.memory_space<vmem>>) target(%dma_start3A_120 : memref<136x16xf32, #tpu.memory_space<vmem_shared>>) target_semaphore(%run_scoped3A : memref<!tpu.dma_semaphore, #tpu.memory_space<semaphore_mem>>)
      %dma_wait3A = arith.constant 0 : i32
      %dma_wait3A_121 = tpu.memref_slice %arg6[%add3A_91, %dma_wait3A] : memref<50048x16xf32, #tpu.memory_space<vmem_shared>> -> memref<136x16xf32, #tpu.memory_space<vmem_shared>>
      %dma_wait3A_122 = arith.constant 0 : i32
      %dma_wait3A_123 = tpu.memref_slice %arg6[%add3A_91, %dma_wait3A_122] : memref<50048x16xf32, #tpu.memory_space<vmem_shared>> -> memref<136x16xf32, #tpu.memory_space<vmem_shared>>
      tpu.wait_dma2 semaphore(%run_scoped3A : memref<!tpu.dma_semaphore, #tpu.memory_space<semaphore_mem>>) src(%arg7 : memref<136x16xf32, #tpu.memory_space<vmem>>) dst(%dma_wait3A_123 : memref<136x16xf32, #tpu.memory_space<vmem_shared>>)
      tpu.yield
    }) : () -> ()
    %mul3A_92 = arith.constant 3128 : i32
    %mul3A_93 = arith.muli %arg1, %mul3A_92 : i32
    %add3A_94 = arith.constant 2720 : i32
    %add3A_95 = arith.addi %mul3A_93, %add3A_94 : i32
    "tpu.region"() ({
      %run_scoped3A = tpu.sem_alloc : memref<!tpu.dma_semaphore, #tpu.memory_space<semaphore_mem>>
      %dma_start3A = arith.constant 0 : i32
      %dma_start3A_118 = tpu.memref_slice %arg6[%add3A_95, %dma_start3A] : memref<50048x16xf32, #tpu.memory_space<vmem_shared>> -> memref<136x16xf32, #tpu.memory_space<vmem_shared>>
      %dma_start3A_119 = arith.constant 0 : i32
      %dma_start3A_120 = tpu.memref_slice %arg6[%add3A_95, %dma_start3A_119] : memref<50048x16xf32, #tpu.memory_space<vmem_shared>> -> memref<136x16xf32, #tpu.memory_space<vmem_shared>>
      tpu.enqueue_dma source(%arg7 : memref<136x16xf32, #tpu.memory_space<vmem>>) target(%dma_start3A_120 : memref<136x16xf32, #tpu.memory_space<vmem_shared>>) target_semaphore(%run_scoped3A : memref<!tpu.dma_semaphore, #tpu.memory_space<semaphore_mem>>)
      %dma_wait3A = arith.constant 0 : i32
      %dma_wait3A_121 = tpu.memref_slice %arg6[%add3A_95, %dma_wait3A] : memref<50048x16xf32, #tpu.memory_space<vmem_shared>> -> memref<136x16xf32, #tpu.memory_space<vmem_shared>>
      %dma_wait3A_122 = arith.constant 0 : i32
      %dma_wait3A_123 = tpu.memref_slice %arg6[%add3A_95, %dma_wait3A_122] : memref<50048x16xf32, #tpu.memory_space<vmem_shared>> -> memref<136x16xf32, #tpu.memory_space<vmem_shared>>
      tpu.wait_dma2 semaphore(%run_scoped3A : memref<!tpu.dma_semaphore, #tpu.memory_space<semaphore_mem>>) src(%arg7 : memref<136x16xf32, #tpu.memory_space<vmem>>) dst(%dma_wait3A_123 : memref<136x16xf32, #tpu.memory_space<vmem_shared>>)
      tpu.yield
    }) : () -> ()
    %mul3A_96 = arith.constant 3128 : i32
    %mul3A_97 = arith.muli %arg1, %mul3A_96 : i32
    %add3A_98 = arith.constant 2856 : i32
    %add3A_99 = arith.addi %mul3A_97, %add3A_98 : i32
    "tpu.region"() ({
      %run_scoped3A = tpu.sem_alloc : memref<!tpu.dma_semaphore, #tpu.memory_space<semaphore_mem>>
      %dma_start3A = arith.constant 0 : i32
      %dma_start3A_118 = tpu.memref_slice %arg6[%add3A_99, %dma_start3A] : memref<50048x16xf32, #tpu.memory_space<vmem_shared>> -> memref<136x16xf32, #tpu.memory_space<vmem_shared>>
      %dma_start3A_119 = arith.constant 0 : i32
      %dma_start3A_120 = tpu.memref_slice %arg6[%add3A_99, %dma_start3A_119] : memref<50048x16xf32, #tpu.memory_space<vmem_shared>> -> memref<136x16xf32, #tpu.memory_space<vmem_shared>>
      tpu.enqueue_dma source(%arg7 : memref<136x16xf32, #tpu.memory_space<vmem>>) target(%dma_start3A_120 : memref<136x16xf32, #tpu.memory_space<vmem_shared>>) target_semaphore(%run_scoped3A : memref<!tpu.dma_semaphore, #tpu.memory_space<semaphore_mem>>)
      %dma_wait3A = arith.constant 0 : i32
      %dma_wait3A_121 = tpu.memref_slice %arg6[%add3A_99, %dma_wait3A] : memref<50048x16xf32, #tpu.memory_space<vmem_shared>> -> memref<136x16xf32, #tpu.memory_space<vmem_shared>>
      %dma_wait3A_122 = arith.constant 0 : i32
      %dma_wait3A_123 = tpu.memref_slice %arg6[%add3A_99, %dma_wait3A_122] : memref<50048x16xf32, #tpu.memory_space<vmem_shared>> -> memref<136x16xf32, #tpu.memory_space<vmem_shared>>
      tpu.wait_dma2 semaphore(%run_scoped3A : memref<!tpu.dma_semaphore, #tpu.memory_space<semaphore_mem>>) src(%arg7 : memref<136x16xf32, #tpu.memory_space<vmem>>) dst(%dma_wait3A_123 : memref<136x16xf32, #tpu.memory_space<vmem_shared>>)
      tpu.yield
    }) : () -> ()
    %mul3A_100 = arith.constant 3128 : i32
    %mul3A_101 = arith.muli %arg1, %mul3A_100 : i32
    %add3A_102 = arith.constant 2992 : i32
    %add3A_103 = arith.addi %mul3A_101, %add3A_102 : i32
    "tpu.region"() ({
      %run_scoped3A = tpu.sem_alloc : memref<!tpu.dma_semaphore, #tpu.memory_space<semaphore_mem>>
      %dma_start3A = arith.constant 0 : i32
      %dma_start3A_118 = tpu.memref_slice %arg6[%add3A_103, %dma_start3A] : memref<50048x16xf32, #tpu.memory_space<vmem_shared>> -> memref<136x16xf32, #tpu.memory_space<vmem_shared>>
      %dma_start3A_119 = arith.constant 0 : i32
      %dma_start3A_120 = tpu.memref_slice %arg6[%add3A_103, %dma_start3A_119] : memref<50048x16xf32, #tpu.memory_space<vmem_shared>> -> memref<136x16xf32, #tpu.memory_space<vmem_shared>>
      tpu.enqueue_dma source(%arg7 : memref<136x16xf32, #tpu.memory_space<vmem>>) target(%dma_start3A_120 : memref<136x16xf32, #tpu.memory_space<vmem_shared>>) target_semaphore(%run_scoped3A : memref<!tpu.dma_semaphore, #tpu.memory_space<semaphore_mem>>)
      %dma_wait3A = arith.constant 0 : i32
      %dma_wait3A_121 = tpu.memref_slice %arg6[%add3A_103, %dma_wait3A] : memref<50048x16xf32, #tpu.memory_space<vmem_shared>> -> memref<136x16xf32, #tpu.memory_space<vmem_shared>>
      %dma_wait3A_122 = arith.constant 0 : i32
      %dma_wait3A_123 = tpu.memref_slice %arg6[%add3A_103, %dma_wait3A_122] : memref<50048x16xf32, #tpu.memory_space<vmem_shared>> -> memref<136x16xf32, #tpu.memory_space<vmem_shared>>
      tpu.wait_dma2 semaphore(%run_scoped3A : memref<!tpu.dma_semaphore, #tpu.memory_space<semaphore_mem>>) src(%arg7 : memref<136x16xf32, #tpu.memory_space<vmem>>) dst(%dma_wait3A_123 : memref<136x16xf32, #tpu.memory_space<vmem_shared>>)
      tpu.yield
    }) : () -> ()
    %barrier3A = arith.constant 0 : index
    tpu.barrier barrier_id(%barrier3A)
    %mul3A_104 = arith.constant 400000 : i32
    %mul3A_105 = arith.muli %arg0, %mul3A_104 : i32
    %scan3A_106 = arith.constant 0 : i32
    %scan3A_107 = arith.constant 0 : i32
    %scan3A_108 = arith.constant 196 : i32
    %scan3A_109 = arith.addi %scan3A_107, %scan3A_108 : i32
    %scan3A_110 = arith.constant 1 : i32
    scf.for %scan3A_118 = %scan3A_107 to %scan3A_109 step %scan3A_110  : i32 {
      %mul3A_119 = arith.constant 16 : i32
      %mul3A_120 = arith.muli %scan3A_118, %mul3A_119 : i32
      %add3A_121 = arith.addi %mul3A_120, %arg1 : i32
      %lt3A = arith.constant 3125 : i32
      %lt3A_122 = arith.cmpi slt, %add3A_121, %lt3A : i32
      %convert_element_type3A = arith.extui %lt3A_122 : i1 to i32
      %cond3A = arith.constant 0 : i32
      %cond3A_123 = arith.cmpi ne, %convert_element_type3A, %cond3A : i32
      scf.if %cond3A_123 {
        %mul3A_124 = arith.constant 128 : i32
        %mul3A_125 = arith.muli %add3A_121, %mul3A_124 : i32
        %add3A_126 = arith.addi %mul3A_105, %mul3A_125 : i32
        "tpu.region"() ({
          %run_scoped3A = tpu.sem_alloc : memref<!tpu.dma_semaphore, #tpu.memory_space<semaphore_mem>>
          %dma_start3A = tpu.memref_slice %arg2[%add3A_126] : memref<800000xi32, #tpu.memory_space<hbm>> -> memref<128xi32, #tpu.memory_space<hbm>>
          %dma_start3A_127 = tpu.memref_slice %arg2[%add3A_126] : memref<800000xi32, #tpu.memory_space<hbm>> -> memref<128xi32, #tpu.memory_space<hbm>>
          tpu.enqueue_dma source(%dma_start3A_127 : memref<128xi32, #tpu.memory_space<hbm>>) target(%arg4 : memref<128xi32, #tpu.memory_space<vmem>>) target_semaphore(%run_scoped3A : memref<!tpu.dma_semaphore, #tpu.memory_space<semaphore_mem>>)
          %dma_wait3A = tpu.memref_slice %arg2[%add3A_126] : memref<800000xi32, #tpu.memory_space<hbm>> -> memref<128xi32, #tpu.memory_space<hbm>>
          %dma_wait3A_128 = tpu.memref_slice %arg2[%add3A_126] : memref<800000xi32, #tpu.memory_space<hbm>> -> memref<128xi32, #tpu.memory_space<hbm>>
          tpu.wait_dma2 semaphore(%run_scoped3A : memref<!tpu.dma_semaphore, #tpu.memory_space<semaphore_mem>>) src(%dma_wait3A_128 : memref<128xi32, #tpu.memory_space<hbm>>) dst(%arg4 : memref<128xi32, #tpu.memory_space<vmem>>)
          tpu.yield
        }) : () -> ()
        "tpu.region"() ({
          %run_scoped3A = tpu.sem_alloc : memref<!tpu.dma_semaphore, #tpu.memory_space<semaphore_mem>>
          %dma_start3A = arith.constant 0 : i32
          %dma_start3A_127 = arith.constant 0 : i32
          %dma_start3A_128 = tpu.memref_slice %arg6[%dma_start3A, %dma_start3A_127] : memref<50048x16xf32, #tpu.memory_space<vmem_shared>> -> memref<50048x16xf32, #tpu.memory_space<vmem_shared>>
          tpu.enqueue_indirect_dma source(%arg5 : memref<128x16xf32, #tpu.memory_space<vmem>>) target(%dma_start3A_128 : memref<50048x16xf32, #tpu.memory_space<vmem_shared>>) offsets(%arg4 : memref<128xi32, #tpu.memory_space<vmem>>) semaphore(%run_scoped3A : memref<!tpu.dma_semaphore, #tpu.memory_space<semaphore_mem>>) {add = true}
          %dma_wait3A = arith.constant 0 : i32
          %dma_wait3A_129 = arith.constant 0 : i32
          %dma_wait3A_130 = tpu.memref_slice %arg6[%dma_wait3A, %dma_wait3A_129] : memref<50048x16xf32, #tpu.memory_space<vmem_shared>> -> memref<50048x16xf32, #tpu.memory_space<vmem_shared>>
          tpu.wait_indirect_dma semaphore(%run_scoped3A : memref<!tpu.dma_semaphore, #tpu.memory_space<semaphore_mem>>) src(%arg5 : memref<128x16xf32, #tpu.memory_space<vmem>>) dst(%dma_wait3A_130 : memref<50048x16xf32, #tpu.memory_space<vmem_shared>>)
          tpu.yield
        }) : () -> ()
      } else {
      }
    }
    %scan3A_111 = arith.constant 196 : i32
    %barrier3A_112 = arith.constant 0 : index
    tpu.barrier barrier_id(%barrier3A_112)
    %mul3A_113 = arith.constant 3128 : i32
    %mul3A_114 = arith.muli %arg1, %mul3A_113 : i32
    %mul3A_115 = arith.constant 50048 : i32
    %mul3A_116 = arith.muli %arg0, %mul3A_115 : i32
    %add3A_117 = arith.addi %mul3A_116, %mul3A_114 : i32
    "tpu.region"() ({
      %run_scoped3A = tpu.sem_alloc : memref<!tpu.dma_semaphore, #tpu.memory_space<semaphore_mem>>
      %dma_start3A = arith.constant 0 : i32
      %dma_start3A_118 = tpu.memref_slice %arg3[%add3A_117, %dma_start3A] : memref<100096x16xf32, #tpu.memory_space<hbm>> -> memref<3128x16xf32, #tpu.memory_space<hbm>>
      %dma_start3A_119 = arith.constant 0 : i32
      %dma_start3A_120 = tpu.memref_slice %arg6[%mul3A_114, %dma_start3A_119] : memref<50048x16xf32, #tpu.memory_space<vmem_shared>> -> memref<3128x16xf32, #tpu.memory_space<vmem_shared>>
      tpu.enqueue_dma source(%dma_start3A_120 : memref<3128x16xf32, #tpu.memory_space<vmem_shared>>) target(%dma_start3A_118 : memref<3128x16xf32, #tpu.memory_space<hbm>>) target_semaphore(%run_scoped3A : memref<!tpu.dma_semaphore, #tpu.memory_space<semaphore_mem>>)
      %dma_wait3A = arith.constant 0 : i32
      %dma_wait3A_121 = tpu.memref_slice %arg3[%add3A_117, %dma_wait3A] : memref<100096x16xf32, #tpu.memory_space<hbm>> -> memref<3128x16xf32, #tpu.memory_space<hbm>>
      %dma_wait3A_122 = arith.constant 0 : i32
      %dma_wait3A_123 = tpu.memref_slice %arg6[%mul3A_114, %dma_wait3A_122] : memref<50048x16xf32, #tpu.memory_space<vmem_shared>> -> memref<3128x16xf32, #tpu.memory_space<vmem_shared>>
      tpu.wait_dma2 semaphore(%run_scoped3A : memref<!tpu.dma_semaphore, #tpu.memory_space<semaphore_mem>>) src(%dma_wait3A_123 : memref<3128x16xf32, #tpu.memory_space<vmem_shared>>) dst(%dma_wait3A_121 : memref<3128x16xf32, #tpu.memory_space<hbm>>)
      tpu.yield
    }) : () -> ()
    return
  }
}

#map = affine_map<(d0, d1) -> (0, 0)>
#map1 = affine_map<(d0, d1) -> (0)>
module attributes {stable_mosaic.version = 14 : i64} {
  func.func @_agg_sc(%arg0: i32, %arg1: i32, %arg2: memref<100000x32xf32, #tpu.memory_space<hbm>>, %arg3: memref<800000xi32, #tpu.memory_space<hbm>>, %arg4: memref<800000xi32, #tpu.memory_space<hbm>>, %arg5: memref<100096x32xf32, #tpu.memory_space<hbm>>, %arg6: memref<128xi32, #tpu.memory_space<vmem>>, %arg7: memref<128xi32, #tpu.memory_space<vmem>>, %arg8: memref<128x32xf32, #tpu.memory_space<vmem>>, %arg9: memref<50048x32xf32, #tpu.memory_space<vmem_shared>>, %arg10: memref<136x32xf32, #tpu.memory_space<vmem>>, %arg11: memref<!tpu.dma_semaphore, #tpu.memory_space<semaphore_mem>>) attributes {dimension_semantics = [#tpu.dimension_semantics<core_parallel>, #tpu.dimension_semantics<subcore_parallel>], iteration_bounds = array<i64: 2, 16>, scalar_prefetch = 0 : i64, scratch_operands = 6 : i64, tpu.core_type = #tpu.core_type<sc_vector_subcore>, window_params = [{transform_indices = #map}, {transform_indices = #map1}, {transform_indices = #map1}, {transform_indices = #map}]} {
    %broadcast_in_dim3A = arith.constant 0.000000e+00 : f32
    %broadcast_in_dim3A_0 = vector.broadcast %broadcast_in_dim3A : f32 to vector<16xf32>
    %scan3A = arith.constant 0 : i32
    %scan3A_1 = arith.constant 0 : i32
    %scan3A_2 = arith.constant 136 : i32
    %scan3A_3 = arith.addi %scan3A_1, %scan3A_2 : i32
    %scan3A_4 = arith.constant 1 : i32
    scf.for %scan3A_108 = %scan3A_1 to %scan3A_3 step %scan3A_4  : i32 {
      %swap3A = arith.index_cast %scan3A_108 : i32 to index
      %swap3A_109 = arith.constant 0 : index
      %swap3A_110 = tpu.vector_load %arg10[%swap3A, %swap3A_109] {strides = array<i32>} : memref<136x32xf32, #tpu.memory_space<vmem>>, vector<1x16xf32>,
      %swap3A_111 = vector.shape_cast %swap3A_110 : vector<1x16xf32> to vector<16xf32>
      %swap3A_112 = vector.shape_cast %broadcast_in_dim3A_0 : vector<16xf32> to vector<1x16xf32>
      tpu.vector_store %arg10[%swap3A, %swap3A_109], %swap3A_112 {strides = array<i32>} : memref<136x32xf32, #tpu.memory_space<vmem>>, vector<1x16xf32>,
      %swap3A_113 = arith.index_cast %scan3A_108 : i32 to index
      %swap3A_114 = arith.constant 16 : index
      %swap3A_115 = tpu.vector_load %arg10[%swap3A_113, %swap3A_114] {strides = array<i32>} : memref<136x32xf32, #tpu.memory_space<vmem>>, vector<1x16xf32>,
      %swap3A_116 = vector.shape_cast %swap3A_115 : vector<1x16xf32> to vector<16xf32>
      %swap3A_117 = vector.shape_cast %broadcast_in_dim3A_0 : vector<16xf32> to vector<1x16xf32>
      tpu.vector_store %arg10[%swap3A_113, %swap3A_114], %swap3A_117 {strides = array<i32>} : memref<136x32xf32, #tpu.memory_space<vmem>>, vector<1x16xf32>,
    }
    %scan3A_5 = arith.constant 136 : i32
    %mul3A = arith.constant 3128 : i32
    %mul3A_6 = arith.muli %arg1, %mul3A : i32
    %add3A = arith.constant 0 : i32
    %add3A_7 = arith.addi %mul3A_6, %add3A : i32
    "tpu.region"() ({
      %run_scoped3A = tpu.sem_alloc : memref<!tpu.dma_semaphore, #tpu.memory_space<semaphore_mem>>
      %dma_start3A = arith.constant 0 : i32
      %dma_start3A_108 = tpu.memref_slice %arg9[%add3A_7, %dma_start3A] : memref<50048x32xf32, #tpu.memory_space<vmem_shared>> -> memref<136x32xf32, #tpu.memory_space<vmem_shared>>
      %dma_start3A_109 = arith.constant 0 : i32
      %dma_start3A_110 = tpu.memref_slice %arg9[%add3A_7, %dma_start3A_109] : memref<50048x32xf32, #tpu.memory_space<vmem_shared>> -> memref<136x32xf32, #tpu.memory_space<vmem_shared>>
      tpu.enqueue_dma source(%arg10 : memref<136x32xf32, #tpu.memory_space<vmem>>) target(%dma_start3A_110 : memref<136x32xf32, #tpu.memory_space<vmem_shared>>) target_semaphore(%run_scoped3A : memref<!tpu.dma_semaphore, #tpu.memory_space<semaphore_mem>>)
      %dma_wait3A = arith.constant 0 : i32
      %dma_wait3A_111 = tpu.memref_slice %arg9[%add3A_7, %dma_wait3A] : memref<50048x32xf32, #tpu.memory_space<vmem_shared>> -> memref<136x32xf32, #tpu.memory_space<vmem_shared>>
      %dma_wait3A_112 = arith.constant 0 : i32
      %dma_wait3A_113 = tpu.memref_slice %arg9[%add3A_7, %dma_wait3A_112] : memref<50048x32xf32, #tpu.memory_space<vmem_shared>> -> memref<136x32xf32, #tpu.memory_space<vmem_shared>>
      tpu.wait_dma2 semaphore(%run_scoped3A : memref<!tpu.dma_semaphore, #tpu.memory_space<semaphore_mem>>) src(%arg10 : memref<136x32xf32, #tpu.memory_space<vmem>>) dst(%dma_wait3A_113 : memref<136x32xf32, #tpu.memory_space<vmem_shared>>)
      tpu.yield
    }) : () -> ()
    %mul3A_8 = arith.constant 3128 : i32
    %mul3A_9 = arith.muli %arg1, %mul3A_8 : i32
    %add3A_10 = arith.constant 136 : i32
    %add3A_11 = arith.addi %mul3A_9, %add3A_10 : i32
    "tpu.region"() ({
      %run_scoped3A = tpu.sem_alloc : memref<!tpu.dma_semaphore, #tpu.memory_space<semaphore_mem>>
      %dma_start3A = arith.constant 0 : i32
      %dma_start3A_108 = tpu.memref_slice %arg9[%add3A_11, %dma_start3A] : memref<50048x32xf32, #tpu.memory_space<vmem_shared>> -> memref<136x32xf32, #tpu.memory_space<vmem_shared>>
      %dma_start3A_109 = arith.constant 0 : i32
      %dma_start3A_110 = tpu.memref_slice %arg9[%add3A_11, %dma_start3A_109] : memref<50048x32xf32, #tpu.memory_space<vmem_shared>> -> memref<136x32xf32, #tpu.memory_space<vmem_shared>>
      tpu.enqueue_dma source(%arg10 : memref<136x32xf32, #tpu.memory_space<vmem>>) target(%dma_start3A_110 : memref<136x32xf32, #tpu.memory_space<vmem_shared>>) target_semaphore(%run_scoped3A : memref<!tpu.dma_semaphore, #tpu.memory_space<semaphore_mem>>)
      %dma_wait3A = arith.constant 0 : i32
      %dma_wait3A_111 = tpu.memref_slice %arg9[%add3A_11, %dma_wait3A] : memref<50048x32xf32, #tpu.memory_space<vmem_shared>> -> memref<136x32xf32, #tpu.memory_space<vmem_shared>>
      %dma_wait3A_112 = arith.constant 0 : i32
      %dma_wait3A_113 = tpu.memref_slice %arg9[%add3A_11, %dma_wait3A_112] : memref<50048x32xf32, #tpu.memory_space<vmem_shared>> -> memref<136x32xf32, #tpu.memory_space<vmem_shared>>
      tpu.wait_dma2 semaphore(%run_scoped3A : memref<!tpu.dma_semaphore, #tpu.memory_space<semaphore_mem>>) src(%arg10 : memref<136x32xf32, #tpu.memory_space<vmem>>) dst(%dma_wait3A_113 : memref<136x32xf32, #tpu.memory_space<vmem_shared>>)
      tpu.yield
    }) : () -> ()
    %mul3A_12 = arith.constant 3128 : i32
    %mul3A_13 = arith.muli %arg1, %mul3A_12 : i32
    %add3A_14 = arith.constant 272 : i32
    %add3A_15 = arith.addi %mul3A_13, %add3A_14 : i32
    "tpu.region"() ({
      %run_scoped3A = tpu.sem_alloc : memref<!tpu.dma_semaphore, #tpu.memory_space<semaphore_mem>>
      %dma_start3A = arith.constant 0 : i32
      %dma_start3A_108 = tpu.memref_slice %arg9[%add3A_15, %dma_start3A] : memref<50048x32xf32, #tpu.memory_space<vmem_shared>> -> memref<136x32xf32, #tpu.memory_space<vmem_shared>>
      %dma_start3A_109 = arith.constant 0 : i32
      %dma_start3A_110 = tpu.memref_slice %arg9[%add3A_15, %dma_start3A_109] : memref<50048x32xf32, #tpu.memory_space<vmem_shared>> -> memref<136x32xf32, #tpu.memory_space<vmem_shared>>
      tpu.enqueue_dma source(%arg10 : memref<136x32xf32, #tpu.memory_space<vmem>>) target(%dma_start3A_110 : memref<136x32xf32, #tpu.memory_space<vmem_shared>>) target_semaphore(%run_scoped3A : memref<!tpu.dma_semaphore, #tpu.memory_space<semaphore_mem>>)
      %dma_wait3A = arith.constant 0 : i32
      %dma_wait3A_111 = tpu.memref_slice %arg9[%add3A_15, %dma_wait3A] : memref<50048x32xf32, #tpu.memory_space<vmem_shared>> -> memref<136x32xf32, #tpu.memory_space<vmem_shared>>
      %dma_wait3A_112 = arith.constant 0 : i32
      %dma_wait3A_113 = tpu.memref_slice %arg9[%add3A_15, %dma_wait3A_112] : memref<50048x32xf32, #tpu.memory_space<vmem_shared>> -> memref<136x32xf32, #tpu.memory_space<vmem_shared>>
      tpu.wait_dma2 semaphore(%run_scoped3A : memref<!tpu.dma_semaphore, #tpu.memory_space<semaphore_mem>>) src(%arg10 : memref<136x32xf32, #tpu.memory_space<vmem>>) dst(%dma_wait3A_113 : memref<136x32xf32, #tpu.memory_space<vmem_shared>>)
      tpu.yield
    }) : () -> ()
    %mul3A_16 = arith.constant 3128 : i32
    %mul3A_17 = arith.muli %arg1, %mul3A_16 : i32
    %add3A_18 = arith.constant 408 : i32
    %add3A_19 = arith.addi %mul3A_17, %add3A_18 : i32
    "tpu.region"() ({
      %run_scoped3A = tpu.sem_alloc : memref<!tpu.dma_semaphore, #tpu.memory_space<semaphore_mem>>
      %dma_start3A = arith.constant 0 : i32
      %dma_start3A_108 = tpu.memref_slice %arg9[%add3A_19, %dma_start3A] : memref<50048x32xf32, #tpu.memory_space<vmem_shared>> -> memref<136x32xf32, #tpu.memory_space<vmem_shared>>
      %dma_start3A_109 = arith.constant 0 : i32
      %dma_start3A_110 = tpu.memref_slice %arg9[%add3A_19, %dma_start3A_109] : memref<50048x32xf32, #tpu.memory_space<vmem_shared>> -> memref<136x32xf32, #tpu.memory_space<vmem_shared>>
      tpu.enqueue_dma source(%arg10 : memref<136x32xf32, #tpu.memory_space<vmem>>) target(%dma_start3A_110 : memref<136x32xf32, #tpu.memory_space<vmem_shared>>) target_semaphore(%run_scoped3A : memref<!tpu.dma_semaphore, #tpu.memory_space<semaphore_mem>>)
      %dma_wait3A = arith.constant 0 : i32
      %dma_wait3A_111 = tpu.memref_slice %arg9[%add3A_19, %dma_wait3A] : memref<50048x32xf32, #tpu.memory_space<vmem_shared>> -> memref<136x32xf32, #tpu.memory_space<vmem_shared>>
      %dma_wait3A_112 = arith.constant 0 : i32
      %dma_wait3A_113 = tpu.memref_slice %arg9[%add3A_19, %dma_wait3A_112] : memref<50048x32xf32, #tpu.memory_space<vmem_shared>> -> memref<136x32xf32, #tpu.memory_space<vmem_shared>>
      tpu.wait_dma2 semaphore(%run_scoped3A : memref<!tpu.dma_semaphore, #tpu.memory_space<semaphore_mem>>) src(%arg10 : memref<136x32xf32, #tpu.memory_space<vmem>>) dst(%dma_wait3A_113 : memref<136x32xf32, #tpu.memory_space<vmem_shared>>)
      tpu.yield
    }) : () -> ()
    %mul3A_20 = arith.constant 3128 : i32
    %mul3A_21 = arith.muli %arg1, %mul3A_20 : i32
    %add3A_22 = arith.constant 544 : i32
    %add3A_23 = arith.addi %mul3A_21, %add3A_22 : i32
    "tpu.region"() ({
      %run_scoped3A = tpu.sem_alloc : memref<!tpu.dma_semaphore, #tpu.memory_space<semaphore_mem>>
      %dma_start3A = arith.constant 0 : i32
      %dma_start3A_108 = tpu.memref_slice %arg9[%add3A_23, %dma_start3A] : memref<50048x32xf32, #tpu.memory_space<vmem_shared>> -> memref<136x32xf32, #tpu.memory_space<vmem_shared>>
      %dma_start3A_109 = arith.constant 0 : i32
      %dma_start3A_110 = tpu.memref_slice %arg9[%add3A_23, %dma_start3A_109] : memref<50048x32xf32, #tpu.memory_space<vmem_shared>> -> memref<136x32xf32, #tpu.memory_space<vmem_shared>>
      tpu.enqueue_dma source(%arg10 : memref<136x32xf32, #tpu.memory_space<vmem>>) target(%dma_start3A_110 : memref<136x32xf32, #tpu.memory_space<vmem_shared>>) target_semaphore(%run_scoped3A : memref<!tpu.dma_semaphore, #tpu.memory_space<semaphore_mem>>)
      %dma_wait3A = arith.constant 0 : i32
      %dma_wait3A_111 = tpu.memref_slice %arg9[%add3A_23, %dma_wait3A] : memref<50048x32xf32, #tpu.memory_space<vmem_shared>> -> memref<136x32xf32, #tpu.memory_space<vmem_shared>>
      %dma_wait3A_112 = arith.constant 0 : i32
      %dma_wait3A_113 = tpu.memref_slice %arg9[%add3A_23, %dma_wait3A_112] : memref<50048x32xf32, #tpu.memory_space<vmem_shared>> -> memref<136x32xf32, #tpu.memory_space<vmem_shared>>
      tpu.wait_dma2 semaphore(%run_scoped3A : memref<!tpu.dma_semaphore, #tpu.memory_space<semaphore_mem>>) src(%arg10 : memref<136x32xf32, #tpu.memory_space<vmem>>) dst(%dma_wait3A_113 : memref<136x32xf32, #tpu.memory_space<vmem_shared>>)
      tpu.yield
    }) : () -> ()
    %mul3A_24 = arith.constant 3128 : i32
    %mul3A_25 = arith.muli %arg1, %mul3A_24 : i32
    %add3A_26 = arith.constant 680 : i32
    %add3A_27 = arith.addi %mul3A_25, %add3A_26 : i32
    "tpu.region"() ({
      %run_scoped3A = tpu.sem_alloc : memref<!tpu.dma_semaphore, #tpu.memory_space<semaphore_mem>>
      %dma_start3A = arith.constant 0 : i32
      %dma_start3A_108 = tpu.memref_slice %arg9[%add3A_27, %dma_start3A] : memref<50048x32xf32, #tpu.memory_space<vmem_shared>> -> memref<136x32xf32, #tpu.memory_space<vmem_shared>>
      %dma_start3A_109 = arith.constant 0 : i32
      %dma_start3A_110 = tpu.memref_slice %arg9[%add3A_27, %dma_start3A_109] : memref<50048x32xf32, #tpu.memory_space<vmem_shared>> -> memref<136x32xf32, #tpu.memory_space<vmem_shared>>
      tpu.enqueue_dma source(%arg10 : memref<136x32xf32, #tpu.memory_space<vmem>>) target(%dma_start3A_110 : memref<136x32xf32, #tpu.memory_space<vmem_shared>>) target_semaphore(%run_scoped3A : memref<!tpu.dma_semaphore, #tpu.memory_space<semaphore_mem>>)
      %dma_wait3A = arith.constant 0 : i32
      %dma_wait3A_111 = tpu.memref_slice %arg9[%add3A_27, %dma_wait3A] : memref<50048x32xf32, #tpu.memory_space<vmem_shared>> -> memref<136x32xf32, #tpu.memory_space<vmem_shared>>
      %dma_wait3A_112 = arith.constant 0 : i32
      %dma_wait3A_113 = tpu.memref_slice %arg9[%add3A_27, %dma_wait3A_112] : memref<50048x32xf32, #tpu.memory_space<vmem_shared>> -> memref<136x32xf32, #tpu.memory_space<vmem_shared>>
      tpu.wait_dma2 semaphore(%run_scoped3A : memref<!tpu.dma_semaphore, #tpu.memory_space<semaphore_mem>>) src(%arg10 : memref<136x32xf32, #tpu.memory_space<vmem>>) dst(%dma_wait3A_113 : memref<136x32xf32, #tpu.memory_space<vmem_shared>>)
      tpu.yield
    }) : () -> ()
    %mul3A_28 = arith.constant 3128 : i32
    %mul3A_29 = arith.muli %arg1, %mul3A_28 : i32
    %add3A_30 = arith.constant 816 : i32
    %add3A_31 = arith.addi %mul3A_29, %add3A_30 : i32
    "tpu.region"() ({
      %run_scoped3A = tpu.sem_alloc : memref<!tpu.dma_semaphore, #tpu.memory_space<semaphore_mem>>
      %dma_start3A = arith.constant 0 : i32
      %dma_start3A_108 = tpu.memref_slice %arg9[%add3A_31, %dma_start3A] : memref<50048x32xf32, #tpu.memory_space<vmem_shared>> -> memref<136x32xf32, #tpu.memory_space<vmem_shared>>
      %dma_start3A_109 = arith.constant 0 : i32
      %dma_start3A_110 = tpu.memref_slice %arg9[%add3A_31, %dma_start3A_109] : memref<50048x32xf32, #tpu.memory_space<vmem_shared>> -> memref<136x32xf32, #tpu.memory_space<vmem_shared>>
      tpu.enqueue_dma source(%arg10 : memref<136x32xf32, #tpu.memory_space<vmem>>) target(%dma_start3A_110 : memref<136x32xf32, #tpu.memory_space<vmem_shared>>) target_semaphore(%run_scoped3A : memref<!tpu.dma_semaphore, #tpu.memory_space<semaphore_mem>>)
      %dma_wait3A = arith.constant 0 : i32
      %dma_wait3A_111 = tpu.memref_slice %arg9[%add3A_31, %dma_wait3A] : memref<50048x32xf32, #tpu.memory_space<vmem_shared>> -> memref<136x32xf32, #tpu.memory_space<vmem_shared>>
      %dma_wait3A_112 = arith.constant 0 : i32
      %dma_wait3A_113 = tpu.memref_slice %arg9[%add3A_31, %dma_wait3A_112] : memref<50048x32xf32, #tpu.memory_space<vmem_shared>> -> memref<136x32xf32, #tpu.memory_space<vmem_shared>>
      tpu.wait_dma2 semaphore(%run_scoped3A : memref<!tpu.dma_semaphore, #tpu.memory_space<semaphore_mem>>) src(%arg10 : memref<136x32xf32, #tpu.memory_space<vmem>>) dst(%dma_wait3A_113 : memref<136x32xf32, #tpu.memory_space<vmem_shared>>)
      tpu.yield
    }) : () -> ()
    %mul3A_32 = arith.constant 3128 : i32
    %mul3A_33 = arith.muli %arg1, %mul3A_32 : i32
    %add3A_34 = arith.constant 952 : i32
    %add3A_35 = arith.addi %mul3A_33, %add3A_34 : i32
    "tpu.region"() ({
      %run_scoped3A = tpu.sem_alloc : memref<!tpu.dma_semaphore, #tpu.memory_space<semaphore_mem>>
      %dma_start3A = arith.constant 0 : i32
      %dma_start3A_108 = tpu.memref_slice %arg9[%add3A_35, %dma_start3A] : memref<50048x32xf32, #tpu.memory_space<vmem_shared>> -> memref<136x32xf32, #tpu.memory_space<vmem_shared>>
      %dma_start3A_109 = arith.constant 0 : i32
      %dma_start3A_110 = tpu.memref_slice %arg9[%add3A_35, %dma_start3A_109] : memref<50048x32xf32, #tpu.memory_space<vmem_shared>> -> memref<136x32xf32, #tpu.memory_space<vmem_shared>>
      tpu.enqueue_dma source(%arg10 : memref<136x32xf32, #tpu.memory_space<vmem>>) target(%dma_start3A_110 : memref<136x32xf32, #tpu.memory_space<vmem_shared>>) target_semaphore(%run_scoped3A : memref<!tpu.dma_semaphore, #tpu.memory_space<semaphore_mem>>)
      %dma_wait3A = arith.constant 0 : i32
      %dma_wait3A_111 = tpu.memref_slice %arg9[%add3A_35, %dma_wait3A] : memref<50048x32xf32, #tpu.memory_space<vmem_shared>> -> memref<136x32xf32, #tpu.memory_space<vmem_shared>>
      %dma_wait3A_112 = arith.constant 0 : i32
      %dma_wait3A_113 = tpu.memref_slice %arg9[%add3A_35, %dma_wait3A_112] : memref<50048x32xf32, #tpu.memory_space<vmem_shared>> -> memref<136x32xf32, #tpu.memory_space<vmem_shared>>
      tpu.wait_dma2 semaphore(%run_scoped3A : memref<!tpu.dma_semaphore, #tpu.memory_space<semaphore_mem>>) src(%arg10 : memref<136x32xf32, #tpu.memory_space<vmem>>) dst(%dma_wait3A_113 : memref<136x32xf32, #tpu.memory_space<vmem_shared>>)
      tpu.yield
    }) : () -> ()
    %mul3A_36 = arith.constant 3128 : i32
    %mul3A_37 = arith.muli %arg1, %mul3A_36 : i32
    %add3A_38 = arith.constant 1088 : i32
    %add3A_39 = arith.addi %mul3A_37, %add3A_38 : i32
    "tpu.region"() ({
      %run_scoped3A = tpu.sem_alloc : memref<!tpu.dma_semaphore, #tpu.memory_space<semaphore_mem>>
      %dma_start3A = arith.constant 0 : i32
      %dma_start3A_108 = tpu.memref_slice %arg9[%add3A_39, %dma_start3A] : memref<50048x32xf32, #tpu.memory_space<vmem_shared>> -> memref<136x32xf32, #tpu.memory_space<vmem_shared>>
      %dma_start3A_109 = arith.constant 0 : i32
      %dma_start3A_110 = tpu.memref_slice %arg9[%add3A_39, %dma_start3A_109] : memref<50048x32xf32, #tpu.memory_space<vmem_shared>> -> memref<136x32xf32, #tpu.memory_space<vmem_shared>>
      tpu.enqueue_dma source(%arg10 : memref<136x32xf32, #tpu.memory_space<vmem>>) target(%dma_start3A_110 : memref<136x32xf32, #tpu.memory_space<vmem_shared>>) target_semaphore(%run_scoped3A : memref<!tpu.dma_semaphore, #tpu.memory_space<semaphore_mem>>)
      %dma_wait3A = arith.constant 0 : i32
      %dma_wait3A_111 = tpu.memref_slice %arg9[%add3A_39, %dma_wait3A] : memref<50048x32xf32, #tpu.memory_space<vmem_shared>> -> memref<136x32xf32, #tpu.memory_space<vmem_shared>>
      %dma_wait3A_112 = arith.constant 0 : i32
      %dma_wait3A_113 = tpu.memref_slice %arg9[%add3A_39, %dma_wait3A_112] : memref<50048x32xf32, #tpu.memory_space<vmem_shared>> -> memref<136x32xf32, #tpu.memory_space<vmem_shared>>
      tpu.wait_dma2 semaphore(%run_scoped3A : memref<!tpu.dma_semaphore, #tpu.memory_space<semaphore_mem>>) src(%arg10 : memref<136x32xf32, #tpu.memory_space<vmem>>) dst(%dma_wait3A_113 : memref<136x32xf32, #tpu.memory_space<vmem_shared>>)
      tpu.yield
    }) : () -> ()
    %mul3A_40 = arith.constant 3128 : i32
    %mul3A_41 = arith.muli %arg1, %mul3A_40 : i32
    %add3A_42 = arith.constant 1224 : i32
    %add3A_43 = arith.addi %mul3A_41, %add3A_42 : i32
    "tpu.region"() ({
      %run_scoped3A = tpu.sem_alloc : memref<!tpu.dma_semaphore, #tpu.memory_space<semaphore_mem>>
      %dma_start3A = arith.constant 0 : i32
      %dma_start3A_108 = tpu.memref_slice %arg9[%add3A_43, %dma_start3A] : memref<50048x32xf32, #tpu.memory_space<vmem_shared>> -> memref<136x32xf32, #tpu.memory_space<vmem_shared>>
      %dma_start3A_109 = arith.constant 0 : i32
      %dma_start3A_110 = tpu.memref_slice %arg9[%add3A_43, %dma_start3A_109] : memref<50048x32xf32, #tpu.memory_space<vmem_shared>> -> memref<136x32xf32, #tpu.memory_space<vmem_shared>>
      tpu.enqueue_dma source(%arg10 : memref<136x32xf32, #tpu.memory_space<vmem>>) target(%dma_start3A_110 : memref<136x32xf32, #tpu.memory_space<vmem_shared>>) target_semaphore(%run_scoped3A : memref<!tpu.dma_semaphore, #tpu.memory_space<semaphore_mem>>)
      %dma_wait3A = arith.constant 0 : i32
      %dma_wait3A_111 = tpu.memref_slice %arg9[%add3A_43, %dma_wait3A] : memref<50048x32xf32, #tpu.memory_space<vmem_shared>> -> memref<136x32xf32, #tpu.memory_space<vmem_shared>>
      %dma_wait3A_112 = arith.constant 0 : i32
      %dma_wait3A_113 = tpu.memref_slice %arg9[%add3A_43, %dma_wait3A_112] : memref<50048x32xf32, #tpu.memory_space<vmem_shared>> -> memref<136x32xf32, #tpu.memory_space<vmem_shared>>
      tpu.wait_dma2 semaphore(%run_scoped3A : memref<!tpu.dma_semaphore, #tpu.memory_space<semaphore_mem>>) src(%arg10 : memref<136x32xf32, #tpu.memory_space<vmem>>) dst(%dma_wait3A_113 : memref<136x32xf32, #tpu.memory_space<vmem_shared>>)
      tpu.yield
    }) : () -> ()
    %mul3A_44 = arith.constant 3128 : i32
    %mul3A_45 = arith.muli %arg1, %mul3A_44 : i32
    %add3A_46 = arith.constant 1360 : i32
    %add3A_47 = arith.addi %mul3A_45, %add3A_46 : i32
    "tpu.region"() ({
      %run_scoped3A = tpu.sem_alloc : memref<!tpu.dma_semaphore, #tpu.memory_space<semaphore_mem>>
      %dma_start3A = arith.constant 0 : i32
      %dma_start3A_108 = tpu.memref_slice %arg9[%add3A_47, %dma_start3A] : memref<50048x32xf32, #tpu.memory_space<vmem_shared>> -> memref<136x32xf32, #tpu.memory_space<vmem_shared>>
      %dma_start3A_109 = arith.constant 0 : i32
      %dma_start3A_110 = tpu.memref_slice %arg9[%add3A_47, %dma_start3A_109] : memref<50048x32xf32, #tpu.memory_space<vmem_shared>> -> memref<136x32xf32, #tpu.memory_space<vmem_shared>>
      tpu.enqueue_dma source(%arg10 : memref<136x32xf32, #tpu.memory_space<vmem>>) target(%dma_start3A_110 : memref<136x32xf32, #tpu.memory_space<vmem_shared>>) target_semaphore(%run_scoped3A : memref<!tpu.dma_semaphore, #tpu.memory_space<semaphore_mem>>)
      %dma_wait3A = arith.constant 0 : i32
      %dma_wait3A_111 = tpu.memref_slice %arg9[%add3A_47, %dma_wait3A] : memref<50048x32xf32, #tpu.memory_space<vmem_shared>> -> memref<136x32xf32, #tpu.memory_space<vmem_shared>>
      %dma_wait3A_112 = arith.constant 0 : i32
      %dma_wait3A_113 = tpu.memref_slice %arg9[%add3A_47, %dma_wait3A_112] : memref<50048x32xf32, #tpu.memory_space<vmem_shared>> -> memref<136x32xf32, #tpu.memory_space<vmem_shared>>
      tpu.wait_dma2 semaphore(%run_scoped3A : memref<!tpu.dma_semaphore, #tpu.memory_space<semaphore_mem>>) src(%arg10 : memref<136x32xf32, #tpu.memory_space<vmem>>) dst(%dma_wait3A_113 : memref<136x32xf32, #tpu.memory_space<vmem_shared>>)
      tpu.yield
    }) : () -> ()
    %mul3A_48 = arith.constant 3128 : i32
    %mul3A_49 = arith.muli %arg1, %mul3A_48 : i32
    %add3A_50 = arith.constant 1496 : i32
    %add3A_51 = arith.addi %mul3A_49, %add3A_50 : i32
    "tpu.region"() ({
      %run_scoped3A = tpu.sem_alloc : memref<!tpu.dma_semaphore, #tpu.memory_space<semaphore_mem>>
      %dma_start3A = arith.constant 0 : i32
      %dma_start3A_108 = tpu.memref_slice %arg9[%add3A_51, %dma_start3A] : memref<50048x32xf32, #tpu.memory_space<vmem_shared>> -> memref<136x32xf32, #tpu.memory_space<vmem_shared>>
      %dma_start3A_109 = arith.constant 0 : i32
      %dma_start3A_110 = tpu.memref_slice %arg9[%add3A_51, %dma_start3A_109] : memref<50048x32xf32, #tpu.memory_space<vmem_shared>> -> memref<136x32xf32, #tpu.memory_space<vmem_shared>>
      tpu.enqueue_dma source(%arg10 : memref<136x32xf32, #tpu.memory_space<vmem>>) target(%dma_start3A_110 : memref<136x32xf32, #tpu.memory_space<vmem_shared>>) target_semaphore(%run_scoped3A : memref<!tpu.dma_semaphore, #tpu.memory_space<semaphore_mem>>)
      %dma_wait3A = arith.constant 0 : i32
      %dma_wait3A_111 = tpu.memref_slice %arg9[%add3A_51, %dma_wait3A] : memref<50048x32xf32, #tpu.memory_space<vmem_shared>> -> memref<136x32xf32, #tpu.memory_space<vmem_shared>>
      %dma_wait3A_112 = arith.constant 0 : i32
      %dma_wait3A_113 = tpu.memref_slice %arg9[%add3A_51, %dma_wait3A_112] : memref<50048x32xf32, #tpu.memory_space<vmem_shared>> -> memref<136x32xf32, #tpu.memory_space<vmem_shared>>
      tpu.wait_dma2 semaphore(%run_scoped3A : memref<!tpu.dma_semaphore, #tpu.memory_space<semaphore_mem>>) src(%arg10 : memref<136x32xf32, #tpu.memory_space<vmem>>) dst(%dma_wait3A_113 : memref<136x32xf32, #tpu.memory_space<vmem_shared>>)
      tpu.yield
    }) : () -> ()
    %mul3A_52 = arith.constant 3128 : i32
    %mul3A_53 = arith.muli %arg1, %mul3A_52 : i32
    %add3A_54 = arith.constant 1632 : i32
    %add3A_55 = arith.addi %mul3A_53, %add3A_54 : i32
    "tpu.region"() ({
      %run_scoped3A = tpu.sem_alloc : memref<!tpu.dma_semaphore, #tpu.memory_space<semaphore_mem>>
      %dma_start3A = arith.constant 0 : i32
      %dma_start3A_108 = tpu.memref_slice %arg9[%add3A_55, %dma_start3A] : memref<50048x32xf32, #tpu.memory_space<vmem_shared>> -> memref<136x32xf32, #tpu.memory_space<vmem_shared>>
      %dma_start3A_109 = arith.constant 0 : i32
      %dma_start3A_110 = tpu.memref_slice %arg9[%add3A_55, %dma_start3A_109] : memref<50048x32xf32, #tpu.memory_space<vmem_shared>> -> memref<136x32xf32, #tpu.memory_space<vmem_shared>>
      tpu.enqueue_dma source(%arg10 : memref<136x32xf32, #tpu.memory_space<vmem>>) target(%dma_start3A_110 : memref<136x32xf32, #tpu.memory_space<vmem_shared>>) target_semaphore(%run_scoped3A : memref<!tpu.dma_semaphore, #tpu.memory_space<semaphore_mem>>)
      %dma_wait3A = arith.constant 0 : i32
      %dma_wait3A_111 = tpu.memref_slice %arg9[%add3A_55, %dma_wait3A] : memref<50048x32xf32, #tpu.memory_space<vmem_shared>> -> memref<136x32xf32, #tpu.memory_space<vmem_shared>>
      %dma_wait3A_112 = arith.constant 0 : i32
      %dma_wait3A_113 = tpu.memref_slice %arg9[%add3A_55, %dma_wait3A_112] : memref<50048x32xf32, #tpu.memory_space<vmem_shared>> -> memref<136x32xf32, #tpu.memory_space<vmem_shared>>
      tpu.wait_dma2 semaphore(%run_scoped3A : memref<!tpu.dma_semaphore, #tpu.memory_space<semaphore_mem>>) src(%arg10 : memref<136x32xf32, #tpu.memory_space<vmem>>) dst(%dma_wait3A_113 : memref<136x32xf32, #tpu.memory_space<vmem_shared>>)
      tpu.yield
    }) : () -> ()
    %mul3A_56 = arith.constant 3128 : i32
    %mul3A_57 = arith.muli %arg1, %mul3A_56 : i32
    %add3A_58 = arith.constant 1768 : i32
    %add3A_59 = arith.addi %mul3A_57, %add3A_58 : i32
    "tpu.region"() ({
      %run_scoped3A = tpu.sem_alloc : memref<!tpu.dma_semaphore, #tpu.memory_space<semaphore_mem>>
      %dma_start3A = arith.constant 0 : i32
      %dma_start3A_108 = tpu.memref_slice %arg9[%add3A_59, %dma_start3A] : memref<50048x32xf32, #tpu.memory_space<vmem_shared>> -> memref<136x32xf32, #tpu.memory_space<vmem_shared>>
      %dma_start3A_109 = arith.constant 0 : i32
      %dma_start3A_110 = tpu.memref_slice %arg9[%add3A_59, %dma_start3A_109] : memref<50048x32xf32, #tpu.memory_space<vmem_shared>> -> memref<136x32xf32, #tpu.memory_space<vmem_shared>>
      tpu.enqueue_dma source(%arg10 : memref<136x32xf32, #tpu.memory_space<vmem>>) target(%dma_start3A_110 : memref<136x32xf32, #tpu.memory_space<vmem_shared>>) target_semaphore(%run_scoped3A : memref<!tpu.dma_semaphore, #tpu.memory_space<semaphore_mem>>)
      %dma_wait3A = arith.constant 0 : i32
      %dma_wait3A_111 = tpu.memref_slice %arg9[%add3A_59, %dma_wait3A] : memref<50048x32xf32, #tpu.memory_space<vmem_shared>> -> memref<136x32xf32, #tpu.memory_space<vmem_shared>>
      %dma_wait3A_112 = arith.constant 0 : i32
      %dma_wait3A_113 = tpu.memref_slice %arg9[%add3A_59, %dma_wait3A_112] : memref<50048x32xf32, #tpu.memory_space<vmem_shared>> -> memref<136x32xf32, #tpu.memory_space<vmem_shared>>
      tpu.wait_dma2 semaphore(%run_scoped3A : memref<!tpu.dma_semaphore, #tpu.memory_space<semaphore_mem>>) src(%arg10 : memref<136x32xf32, #tpu.memory_space<vmem>>) dst(%dma_wait3A_113 : memref<136x32xf32, #tpu.memory_space<vmem_shared>>)
      tpu.yield
    }) : () -> ()
    %mul3A_60 = arith.constant 3128 : i32
    %mul3A_61 = arith.muli %arg1, %mul3A_60 : i32
    %add3A_62 = arith.constant 1904 : i32
    %add3A_63 = arith.addi %mul3A_61, %add3A_62 : i32
    "tpu.region"() ({
      %run_scoped3A = tpu.sem_alloc : memref<!tpu.dma_semaphore, #tpu.memory_space<semaphore_mem>>
      %dma_start3A = arith.constant 0 : i32
      %dma_start3A_108 = tpu.memref_slice %arg9[%add3A_63, %dma_start3A] : memref<50048x32xf32, #tpu.memory_space<vmem_shared>> -> memref<136x32xf32, #tpu.memory_space<vmem_shared>>
      %dma_start3A_109 = arith.constant 0 : i32
      %dma_start3A_110 = tpu.memref_slice %arg9[%add3A_63, %dma_start3A_109] : memref<50048x32xf32, #tpu.memory_space<vmem_shared>> -> memref<136x32xf32, #tpu.memory_space<vmem_shared>>
      tpu.enqueue_dma source(%arg10 : memref<136x32xf32, #tpu.memory_space<vmem>>) target(%dma_start3A_110 : memref<136x32xf32, #tpu.memory_space<vmem_shared>>) target_semaphore(%run_scoped3A : memref<!tpu.dma_semaphore, #tpu.memory_space<semaphore_mem>>)
      %dma_wait3A = arith.constant 0 : i32
      %dma_wait3A_111 = tpu.memref_slice %arg9[%add3A_63, %dma_wait3A] : memref<50048x32xf32, #tpu.memory_space<vmem_shared>> -> memref<136x32xf32, #tpu.memory_space<vmem_shared>>
      %dma_wait3A_112 = arith.constant 0 : i32
      %dma_wait3A_113 = tpu.memref_slice %arg9[%add3A_63, %dma_wait3A_112] : memref<50048x32xf32, #tpu.memory_space<vmem_shared>> -> memref<136x32xf32, #tpu.memory_space<vmem_shared>>
      tpu.wait_dma2 semaphore(%run_scoped3A : memref<!tpu.dma_semaphore, #tpu.memory_space<semaphore_mem>>) src(%arg10 : memref<136x32xf32, #tpu.memory_space<vmem>>) dst(%dma_wait3A_113 : memref<136x32xf32, #tpu.memory_space<vmem_shared>>)
      tpu.yield
    }) : () -> ()
    %mul3A_64 = arith.constant 3128 : i32
    %mul3A_65 = arith.muli %arg1, %mul3A_64 : i32
    %add3A_66 = arith.constant 2040 : i32
    %add3A_67 = arith.addi %mul3A_65, %add3A_66 : i32
    "tpu.region"() ({
      %run_scoped3A = tpu.sem_alloc : memref<!tpu.dma_semaphore, #tpu.memory_space<semaphore_mem>>
      %dma_start3A = arith.constant 0 : i32
      %dma_start3A_108 = tpu.memref_slice %arg9[%add3A_67, %dma_start3A] : memref<50048x32xf32, #tpu.memory_space<vmem_shared>> -> memref<136x32xf32, #tpu.memory_space<vmem_shared>>
      %dma_start3A_109 = arith.constant 0 : i32
      %dma_start3A_110 = tpu.memref_slice %arg9[%add3A_67, %dma_start3A_109] : memref<50048x32xf32, #tpu.memory_space<vmem_shared>> -> memref<136x32xf32, #tpu.memory_space<vmem_shared>>
      tpu.enqueue_dma source(%arg10 : memref<136x32xf32, #tpu.memory_space<vmem>>) target(%dma_start3A_110 : memref<136x32xf32, #tpu.memory_space<vmem_shared>>) target_semaphore(%run_scoped3A : memref<!tpu.dma_semaphore, #tpu.memory_space<semaphore_mem>>)
      %dma_wait3A = arith.constant 0 : i32
      %dma_wait3A_111 = tpu.memref_slice %arg9[%add3A_67, %dma_wait3A] : memref<50048x32xf32, #tpu.memory_space<vmem_shared>> -> memref<136x32xf32, #tpu.memory_space<vmem_shared>>
      %dma_wait3A_112 = arith.constant 0 : i32
      %dma_wait3A_113 = tpu.memref_slice %arg9[%add3A_67, %dma_wait3A_112] : memref<50048x32xf32, #tpu.memory_space<vmem_shared>> -> memref<136x32xf32, #tpu.memory_space<vmem_shared>>
      tpu.wait_dma2 semaphore(%run_scoped3A : memref<!tpu.dma_semaphore, #tpu.memory_space<semaphore_mem>>) src(%arg10 : memref<136x32xf32, #tpu.memory_space<vmem>>) dst(%dma_wait3A_113 : memref<136x32xf32, #tpu.memory_space<vmem_shared>>)
      tpu.yield
    }) : () -> ()
    %mul3A_68 = arith.constant 3128 : i32
    %mul3A_69 = arith.muli %arg1, %mul3A_68 : i32
    %add3A_70 = arith.constant 2176 : i32
    %add3A_71 = arith.addi %mul3A_69, %add3A_70 : i32
    "tpu.region"() ({
      %run_scoped3A = tpu.sem_alloc : memref<!tpu.dma_semaphore, #tpu.memory_space<semaphore_mem>>
      %dma_start3A = arith.constant 0 : i32
      %dma_start3A_108 = tpu.memref_slice %arg9[%add3A_71, %dma_start3A] : memref<50048x32xf32, #tpu.memory_space<vmem_shared>> -> memref<136x32xf32, #tpu.memory_space<vmem_shared>>
      %dma_start3A_109 = arith.constant 0 : i32
      %dma_start3A_110 = tpu.memref_slice %arg9[%add3A_71, %dma_start3A_109] : memref<50048x32xf32, #tpu.memory_space<vmem_shared>> -> memref<136x32xf32, #tpu.memory_space<vmem_shared>>
      tpu.enqueue_dma source(%arg10 : memref<136x32xf32, #tpu.memory_space<vmem>>) target(%dma_start3A_110 : memref<136x32xf32, #tpu.memory_space<vmem_shared>>) target_semaphore(%run_scoped3A : memref<!tpu.dma_semaphore, #tpu.memory_space<semaphore_mem>>)
      %dma_wait3A = arith.constant 0 : i32
      %dma_wait3A_111 = tpu.memref_slice %arg9[%add3A_71, %dma_wait3A] : memref<50048x32xf32, #tpu.memory_space<vmem_shared>> -> memref<136x32xf32, #tpu.memory_space<vmem_shared>>
      %dma_wait3A_112 = arith.constant 0 : i32
      %dma_wait3A_113 = tpu.memref_slice %arg9[%add3A_71, %dma_wait3A_112] : memref<50048x32xf32, #tpu.memory_space<vmem_shared>> -> memref<136x32xf32, #tpu.memory_space<vmem_shared>>
      tpu.wait_dma2 semaphore(%run_scoped3A : memref<!tpu.dma_semaphore, #tpu.memory_space<semaphore_mem>>) src(%arg10 : memref<136x32xf32, #tpu.memory_space<vmem>>) dst(%dma_wait3A_113 : memref<136x32xf32, #tpu.memory_space<vmem_shared>>)
      tpu.yield
    }) : () -> ()
    %mul3A_72 = arith.constant 3128 : i32
    %mul3A_73 = arith.muli %arg1, %mul3A_72 : i32
    %add3A_74 = arith.constant 2312 : i32
    %add3A_75 = arith.addi %mul3A_73, %add3A_74 : i32
    "tpu.region"() ({
      %run_scoped3A = tpu.sem_alloc : memref<!tpu.dma_semaphore, #tpu.memory_space<semaphore_mem>>
      %dma_start3A = arith.constant 0 : i32
      %dma_start3A_108 = tpu.memref_slice %arg9[%add3A_75, %dma_start3A] : memref<50048x32xf32, #tpu.memory_space<vmem_shared>> -> memref<136x32xf32, #tpu.memory_space<vmem_shared>>
      %dma_start3A_109 = arith.constant 0 : i32
      %dma_start3A_110 = tpu.memref_slice %arg9[%add3A_75, %dma_start3A_109] : memref<50048x32xf32, #tpu.memory_space<vmem_shared>> -> memref<136x32xf32, #tpu.memory_space<vmem_shared>>
      tpu.enqueue_dma source(%arg10 : memref<136x32xf32, #tpu.memory_space<vmem>>) target(%dma_start3A_110 : memref<136x32xf32, #tpu.memory_space<vmem_shared>>) target_semaphore(%run_scoped3A : memref<!tpu.dma_semaphore, #tpu.memory_space<semaphore_mem>>)
      %dma_wait3A = arith.constant 0 : i32
      %dma_wait3A_111 = tpu.memref_slice %arg9[%add3A_75, %dma_wait3A] : memref<50048x32xf32, #tpu.memory_space<vmem_shared>> -> memref<136x32xf32, #tpu.memory_space<vmem_shared>>
      %dma_wait3A_112 = arith.constant 0 : i32
      %dma_wait3A_113 = tpu.memref_slice %arg9[%add3A_75, %dma_wait3A_112] : memref<50048x32xf32, #tpu.memory_space<vmem_shared>> -> memref<136x32xf32, #tpu.memory_space<vmem_shared>>
      tpu.wait_dma2 semaphore(%run_scoped3A : memref<!tpu.dma_semaphore, #tpu.memory_space<semaphore_mem>>) src(%arg10 : memref<136x32xf32, #tpu.memory_space<vmem>>) dst(%dma_wait3A_113 : memref<136x32xf32, #tpu.memory_space<vmem_shared>>)
      tpu.yield
    }) : () -> ()
    %mul3A_76 = arith.constant 3128 : i32
    %mul3A_77 = arith.muli %arg1, %mul3A_76 : i32
    %add3A_78 = arith.constant 2448 : i32
    %add3A_79 = arith.addi %mul3A_77, %add3A_78 : i32
    "tpu.region"() ({
      %run_scoped3A = tpu.sem_alloc : memref<!tpu.dma_semaphore, #tpu.memory_space<semaphore_mem>>
      %dma_start3A = arith.constant 0 : i32
      %dma_start3A_108 = tpu.memref_slice %arg9[%add3A_79, %dma_start3A] : memref<50048x32xf32, #tpu.memory_space<vmem_shared>> -> memref<136x32xf32, #tpu.memory_space<vmem_shared>>
      %dma_start3A_109 = arith.constant 0 : i32
      %dma_start3A_110 = tpu.memref_slice %arg9[%add3A_79, %dma_start3A_109] : memref<50048x32xf32, #tpu.memory_space<vmem_shared>> -> memref<136x32xf32, #tpu.memory_space<vmem_shared>>
      tpu.enqueue_dma source(%arg10 : memref<136x32xf32, #tpu.memory_space<vmem>>) target(%dma_start3A_110 : memref<136x32xf32, #tpu.memory_space<vmem_shared>>) target_semaphore(%run_scoped3A : memref<!tpu.dma_semaphore, #tpu.memory_space<semaphore_mem>>)
      %dma_wait3A = arith.constant 0 : i32
      %dma_wait3A_111 = tpu.memref_slice %arg9[%add3A_79, %dma_wait3A] : memref<50048x32xf32, #tpu.memory_space<vmem_shared>> -> memref<136x32xf32, #tpu.memory_space<vmem_shared>>
      %dma_wait3A_112 = arith.constant 0 : i32
      %dma_wait3A_113 = tpu.memref_slice %arg9[%add3A_79, %dma_wait3A_112] : memref<50048x32xf32, #tpu.memory_space<vmem_shared>> -> memref<136x32xf32, #tpu.memory_space<vmem_shared>>
      tpu.wait_dma2 semaphore(%run_scoped3A : memref<!tpu.dma_semaphore, #tpu.memory_space<semaphore_mem>>) src(%arg10 : memref<136x32xf32, #tpu.memory_space<vmem>>) dst(%dma_wait3A_113 : memref<136x32xf32, #tpu.memory_space<vmem_shared>>)
      tpu.yield
    }) : () -> ()
    %mul3A_80 = arith.constant 3128 : i32
    %mul3A_81 = arith.muli %arg1, %mul3A_80 : i32
    %add3A_82 = arith.constant 2584 : i32
    %add3A_83 = arith.addi %mul3A_81, %add3A_82 : i32
    "tpu.region"() ({
      %run_scoped3A = tpu.sem_alloc : memref<!tpu.dma_semaphore, #tpu.memory_space<semaphore_mem>>
      %dma_start3A = arith.constant 0 : i32
      %dma_start3A_108 = tpu.memref_slice %arg9[%add3A_83, %dma_start3A] : memref<50048x32xf32, #tpu.memory_space<vmem_shared>> -> memref<136x32xf32, #tpu.memory_space<vmem_shared>>
      %dma_start3A_109 = arith.constant 0 : i32
      %dma_start3A_110 = tpu.memref_slice %arg9[%add3A_83, %dma_start3A_109] : memref<50048x32xf32, #tpu.memory_space<vmem_shared>> -> memref<136x32xf32, #tpu.memory_space<vmem_shared>>
      tpu.enqueue_dma source(%arg10 : memref<136x32xf32, #tpu.memory_space<vmem>>) target(%dma_start3A_110 : memref<136x32xf32, #tpu.memory_space<vmem_shared>>) target_semaphore(%run_scoped3A : memref<!tpu.dma_semaphore, #tpu.memory_space<semaphore_mem>>)
      %dma_wait3A = arith.constant 0 : i32
      %dma_wait3A_111 = tpu.memref_slice %arg9[%add3A_83, %dma_wait3A] : memref<50048x32xf32, #tpu.memory_space<vmem_shared>> -> memref<136x32xf32, #tpu.memory_space<vmem_shared>>
      %dma_wait3A_112 = arith.constant 0 : i32
      %dma_wait3A_113 = tpu.memref_slice %arg9[%add3A_83, %dma_wait3A_112] : memref<50048x32xf32, #tpu.memory_space<vmem_shared>> -> memref<136x32xf32, #tpu.memory_space<vmem_shared>>
      tpu.wait_dma2 semaphore(%run_scoped3A : memref<!tpu.dma_semaphore, #tpu.memory_space<semaphore_mem>>) src(%arg10 : memref<136x32xf32, #tpu.memory_space<vmem>>) dst(%dma_wait3A_113 : memref<136x32xf32, #tpu.memory_space<vmem_shared>>)
      tpu.yield
    }) : () -> ()
    %mul3A_84 = arith.constant 3128 : i32
    %mul3A_85 = arith.muli %arg1, %mul3A_84 : i32
    %add3A_86 = arith.constant 2720 : i32
    %add3A_87 = arith.addi %mul3A_85, %add3A_86 : i32
    "tpu.region"() ({
      %run_scoped3A = tpu.sem_alloc : memref<!tpu.dma_semaphore, #tpu.memory_space<semaphore_mem>>
      %dma_start3A = arith.constant 0 : i32
      %dma_start3A_108 = tpu.memref_slice %arg9[%add3A_87, %dma_start3A] : memref<50048x32xf32, #tpu.memory_space<vmem_shared>> -> memref<136x32xf32, #tpu.memory_space<vmem_shared>>
      %dma_start3A_109 = arith.constant 0 : i32
      %dma_start3A_110 = tpu.memref_slice %arg9[%add3A_87, %dma_start3A_109] : memref<50048x32xf32, #tpu.memory_space<vmem_shared>> -> memref<136x32xf32, #tpu.memory_space<vmem_shared>>
      tpu.enqueue_dma source(%arg10 : memref<136x32xf32, #tpu.memory_space<vmem>>) target(%dma_start3A_110 : memref<136x32xf32, #tpu.memory_space<vmem_shared>>) target_semaphore(%run_scoped3A : memref<!tpu.dma_semaphore, #tpu.memory_space<semaphore_mem>>)
      %dma_wait3A = arith.constant 0 : i32
      %dma_wait3A_111 = tpu.memref_slice %arg9[%add3A_87, %dma_wait3A] : memref<50048x32xf32, #tpu.memory_space<vmem_shared>> -> memref<136x32xf32, #tpu.memory_space<vmem_shared>>
      %dma_wait3A_112 = arith.constant 0 : i32
      %dma_wait3A_113 = tpu.memref_slice %arg9[%add3A_87, %dma_wait3A_112] : memref<50048x32xf32, #tpu.memory_space<vmem_shared>> -> memref<136x32xf32, #tpu.memory_space<vmem_shared>>
      tpu.wait_dma2 semaphore(%run_scoped3A : memref<!tpu.dma_semaphore, #tpu.memory_space<semaphore_mem>>) src(%arg10 : memref<136x32xf32, #tpu.memory_space<vmem>>) dst(%dma_wait3A_113 : memref<136x32xf32, #tpu.memory_space<vmem_shared>>)
      tpu.yield
    }) : () -> ()
    %mul3A_88 = arith.constant 3128 : i32
    %mul3A_89 = arith.muli %arg1, %mul3A_88 : i32
    %add3A_90 = arith.constant 2856 : i32
    %add3A_91 = arith.addi %mul3A_89, %add3A_90 : i32
    "tpu.region"() ({
      %run_scoped3A = tpu.sem_alloc : memref<!tpu.dma_semaphore, #tpu.memory_space<semaphore_mem>>
      %dma_start3A = arith.constant 0 : i32
      %dma_start3A_108 = tpu.memref_slice %arg9[%add3A_91, %dma_start3A] : memref<50048x32xf32, #tpu.memory_space<vmem_shared>> -> memref<136x32xf32, #tpu.memory_space<vmem_shared>>
      %dma_start3A_109 = arith.constant 0 : i32
      %dma_start3A_110 = tpu.memref_slice %arg9[%add3A_91, %dma_start3A_109] : memref<50048x32xf32, #tpu.memory_space<vmem_shared>> -> memref<136x32xf32, #tpu.memory_space<vmem_shared>>
      tpu.enqueue_dma source(%arg10 : memref<136x32xf32, #tpu.memory_space<vmem>>) target(%dma_start3A_110 : memref<136x32xf32, #tpu.memory_space<vmem_shared>>) target_semaphore(%run_scoped3A : memref<!tpu.dma_semaphore, #tpu.memory_space<semaphore_mem>>)
      %dma_wait3A = arith.constant 0 : i32
      %dma_wait3A_111 = tpu.memref_slice %arg9[%add3A_91, %dma_wait3A] : memref<50048x32xf32, #tpu.memory_space<vmem_shared>> -> memref<136x32xf32, #tpu.memory_space<vmem_shared>>
      %dma_wait3A_112 = arith.constant 0 : i32
      %dma_wait3A_113 = tpu.memref_slice %arg9[%add3A_91, %dma_wait3A_112] : memref<50048x32xf32, #tpu.memory_space<vmem_shared>> -> memref<136x32xf32, #tpu.memory_space<vmem_shared>>
      tpu.wait_dma2 semaphore(%run_scoped3A : memref<!tpu.dma_semaphore, #tpu.memory_space<semaphore_mem>>) src(%arg10 : memref<136x32xf32, #tpu.memory_space<vmem>>) dst(%dma_wait3A_113 : memref<136x32xf32, #tpu.memory_space<vmem_shared>>)
      tpu.yield
    }) : () -> ()
    %mul3A_92 = arith.constant 3128 : i32
    %mul3A_93 = arith.muli %arg1, %mul3A_92 : i32
    %add3A_94 = arith.constant 2992 : i32
    %add3A_95 = arith.addi %mul3A_93, %add3A_94 : i32
    "tpu.region"() ({
      %run_scoped3A = tpu.sem_alloc : memref<!tpu.dma_semaphore, #tpu.memory_space<semaphore_mem>>
      %dma_start3A = arith.constant 0 : i32
      %dma_start3A_108 = tpu.memref_slice %arg9[%add3A_95, %dma_start3A] : memref<50048x32xf32, #tpu.memory_space<vmem_shared>> -> memref<136x32xf32, #tpu.memory_space<vmem_shared>>
      %dma_start3A_109 = arith.constant 0 : i32
      %dma_start3A_110 = tpu.memref_slice %arg9[%add3A_95, %dma_start3A_109] : memref<50048x32xf32, #tpu.memory_space<vmem_shared>> -> memref<136x32xf32, #tpu.memory_space<vmem_shared>>
      tpu.enqueue_dma source(%arg10 : memref<136x32xf32, #tpu.memory_space<vmem>>) target(%dma_start3A_110 : memref<136x32xf32, #tpu.memory_space<vmem_shared>>) target_semaphore(%run_scoped3A : memref<!tpu.dma_semaphore, #tpu.memory_space<semaphore_mem>>)
      %dma_wait3A = arith.constant 0 : i32
      %dma_wait3A_111 = tpu.memref_slice %arg9[%add3A_95, %dma_wait3A] : memref<50048x32xf32, #tpu.memory_space<vmem_shared>> -> memref<136x32xf32, #tpu.memory_space<vmem_shared>>
      %dma_wait3A_112 = arith.constant 0 : i32
      %dma_wait3A_113 = tpu.memref_slice %arg9[%add3A_95, %dma_wait3A_112] : memref<50048x32xf32, #tpu.memory_space<vmem_shared>> -> memref<136x32xf32, #tpu.memory_space<vmem_shared>>
      tpu.wait_dma2 semaphore(%run_scoped3A : memref<!tpu.dma_semaphore, #tpu.memory_space<semaphore_mem>>) src(%arg10 : memref<136x32xf32, #tpu.memory_space<vmem>>) dst(%dma_wait3A_113 : memref<136x32xf32, #tpu.memory_space<vmem_shared>>)
      tpu.yield
    }) : () -> ()
    %barrier3A = arith.constant 0 : index
    tpu.barrier barrier_id(%barrier3A)
    %scan3A_96 = arith.constant 0 : i32
    %scan3A_97 = arith.constant 0 : i32
    %scan3A_98 = arith.constant 391 : i32
    %scan3A_99 = arith.addi %scan3A_97, %scan3A_98 : i32
    %scan3A_100 = arith.constant 1 : i32
    scf.for %scan3A_108 = %scan3A_97 to %scan3A_99 step %scan3A_100  : i32 {
      %mul3A_109 = arith.constant 16 : i32
      %mul3A_110 = arith.muli %scan3A_108, %mul3A_109 : i32
      %add3A_111 = arith.addi %mul3A_110, %arg1 : i32
      %lt3A = arith.constant 6250 : i32
      %lt3A_112 = arith.cmpi slt, %add3A_111, %lt3A : i32
      %convert_element_type3A = arith.extui %lt3A_112 : i1 to i32
      %cond3A = arith.constant 0 : i32
      %cond3A_113 = arith.cmpi ne, %convert_element_type3A, %cond3A : i32
      scf.if %cond3A_113 {
        %mul3A_114 = arith.constant 128 : i32
        %mul3A_115 = arith.muli %add3A_111, %mul3A_114 : i32
        "tpu.region"() ({
          %run_scoped3A = tpu.sem_alloc : memref<!tpu.dma_semaphore, #tpu.memory_space<semaphore_mem>>
          %dma_start3A_192 = tpu.memref_slice %arg3[%mul3A_115] : memref<800000xi32, #tpu.memory_space<hbm>> -> memref<128xi32, #tpu.memory_space<hbm>>
          %dma_start3A_193 = tpu.memref_slice %arg3[%mul3A_115] : memref<800000xi32, #tpu.memory_space<hbm>> -> memref<128xi32, #tpu.memory_space<hbm>>
          tpu.enqueue_dma source(%dma_start3A_193 : memref<128xi32, #tpu.memory_space<hbm>>) target(%arg6 : memref<128xi32, #tpu.memory_space<vmem>>) target_semaphore(%run_scoped3A : memref<!tpu.dma_semaphore, #tpu.memory_space<semaphore_mem>>)
          %dma_wait3A_194 = tpu.memref_slice %arg3[%mul3A_115] : memref<800000xi32, #tpu.memory_space<hbm>> -> memref<128xi32, #tpu.memory_space<hbm>>
          %dma_wait3A_195 = tpu.memref_slice %arg3[%mul3A_115] : memref<800000xi32, #tpu.memory_space<hbm>> -> memref<128xi32, #tpu.memory_space<hbm>>
          tpu.wait_dma2 semaphore(%run_scoped3A : memref<!tpu.dma_semaphore, #tpu.memory_space<semaphore_mem>>) src(%dma_wait3A_195 : memref<128xi32, #tpu.memory_space<hbm>>) dst(%arg6 : memref<128xi32, #tpu.memory_space<vmem>>)
          tpu.yield
        }) : () -> ()
        "tpu.region"() ({
          %run_scoped3A = tpu.sem_alloc : memref<!tpu.dma_semaphore, #tpu.memory_space<semaphore_mem>>
          %dma_start3A_192 = tpu.memref_slice %arg4[%mul3A_115] : memref<800000xi32, #tpu.memory_space<hbm>> -> memref<128xi32, #tpu.memory_space<hbm>>
          %dma_start3A_193 = tpu.memref_slice %arg4[%mul3A_115] : memref<800000xi32, #tpu.memory_space<hbm>> -> memref<128xi32, #tpu.memory_space<hbm>>
          tpu.enqueue_dma source(%dma_start3A_193 : memref<128xi32, #tpu.memory_space<hbm>>) target(%arg7 : memref<128xi32, #tpu.memory_space<vmem>>) target_semaphore(%run_scoped3A : memref<!tpu.dma_semaphore, #tpu.memory_space<semaphore_mem>>)
          %dma_wait3A_194 = tpu.memref_slice %arg4[%mul3A_115] : memref<800000xi32, #tpu.memory_space<hbm>> -> memref<128xi32, #tpu.memory_space<hbm>>
          %dma_wait3A_195 = tpu.memref_slice %arg4[%mul3A_115] : memref<800000xi32, #tpu.memory_space<hbm>> -> memref<128xi32, #tpu.memory_space<hbm>>
          tpu.wait_dma2 semaphore(%run_scoped3A : memref<!tpu.dma_semaphore, #tpu.memory_space<semaphore_mem>>) src(%dma_wait3A_195 : memref<128xi32, #tpu.memory_space<hbm>>) dst(%arg7 : memref<128xi32, #tpu.memory_space<vmem>>)
          tpu.yield
        }) : () -> ()
        %mul3A_116 = arith.constant 50000 : i32
        %mul3A_117 = arith.muli %arg0, %mul3A_116 : i32
        %get3A = arith.constant 0 : index
        %get3A_118 = tpu.vector_load %arg6[%get3A] {strides = array<i32>} : memref<128xi32, #tpu.memory_space<vmem>>, vector<16xi32>,
        %get3A_119 = vector.shape_cast %get3A_118 : vector<16xi32> to vector<16xi32>
        %add3A_120 = vector.broadcast %mul3A_117 : i32 to vector<16xi32>
        %add3A_121 = arith.addi %get3A_119, %add3A_120 : vector<16xi32>
        %swap3A = arith.constant 0 : index
        %swap3A_122 = tpu.vector_load %arg6[%swap3A] {strides = array<i32>} : memref<128xi32, #tpu.memory_space<vmem>>, vector<16xi32>,
        %swap3A_123 = vector.shape_cast %swap3A_122 : vector<16xi32> to vector<16xi32>
        %swap3A_124 = vector.shape_cast %add3A_121 : vector<16xi32> to vector<16xi32>
        tpu.vector_store %arg6[%swap3A], %swap3A_124 {strides = array<i32>} : memref<128xi32, #tpu.memory_space<vmem>>, vector<16xi32>,
        %get3A_125 = arith.constant 16 : index
        %get3A_126 = tpu.vector_load %arg6[%get3A_125] {strides = array<i32>} : memref<128xi32, #tpu.memory_space<vmem>>, vector<16xi32>,
        %get3A_127 = vector.shape_cast %get3A_126 : vector<16xi32> to vector<16xi32>
        %add3A_128 = vector.broadcast %mul3A_117 : i32 to vector<16xi32>
        %add3A_129 = arith.addi %get3A_127, %add3A_128 : vector<16xi32>
        %swap3A_130 = arith.constant 16 : index
        %swap3A_131 = tpu.vector_load %arg6[%swap3A_130] {strides = array<i32>} : memref<128xi32, #tpu.memory_space<vmem>>, vector<16xi32>,
        %swap3A_132 = vector.shape_cast %swap3A_131 : vector<16xi32> to vector<16xi32>
        %swap3A_133 = vector.shape_cast %add3A_129 : vector<16xi32> to vector<16xi32>
        tpu.vector_store %arg6[%swap3A_130], %swap3A_133 {strides = array<i32>} : memref<128xi32, #tpu.memory_space<vmem>>, vector<16xi32>,
        %get3A_134 = arith.constant 32 : index
        %get3A_135 = tpu.vector_load %arg6[%get3A_134] {strides = array<i32>} : memref<128xi32, #tpu.memory_space<vmem>>, vector<16xi32>,
        %get3A_136 = vector.shape_cast %get3A_135 : vector<16xi32> to vector<16xi32>
        %add3A_137 = vector.broadcast %mul3A_117 : i32 to vector<16xi32>
        %add3A_138 = arith.addi %get3A_136, %add3A_137 : vector<16xi32>
        %swap3A_139 = arith.constant 32 : index
        %swap3A_140 = tpu.vector_load %arg6[%swap3A_139] {strides = array<i32>} : memref<128xi32, #tpu.memory_space<vmem>>, vector<16xi32>,
        %swap3A_141 = vector.shape_cast %swap3A_140 : vector<16xi32> to vector<16xi32>
        %swap3A_142 = vector.shape_cast %add3A_138 : vector<16xi32> to vector<16xi32>
        tpu.vector_store %arg6[%swap3A_139], %swap3A_142 {strides = array<i32>} : memref<128xi32, #tpu.memory_space<vmem>>, vector<16xi32>,
        %get3A_143 = arith.constant 48 : index
        %get3A_144 = tpu.vector_load %arg6[%get3A_143] {strides = array<i32>} : memref<128xi32, #tpu.memory_space<vmem>>, vector<16xi32>,
        %get3A_145 = vector.shape_cast %get3A_144 : vector<16xi32> to vector<16xi32>
        %add3A_146 = vector.broadcast %mul3A_117 : i32 to vector<16xi32>
        %add3A_147 = arith.addi %get3A_145, %add3A_146 : vector<16xi32>
        %swap3A_148 = arith.constant 48 : index
        %swap3A_149 = tpu.vector_load %arg6[%swap3A_148] {strides = array<i32>} : memref<128xi32, #tpu.memory_space<vmem>>, vector<16xi32>,
        %swap3A_150 = vector.shape_cast %swap3A_149 : vector<16xi32> to vector<16xi32>
        %swap3A_151 = vector.shape_cast %add3A_147 : vector<16xi32> to vector<16xi32>
        tpu.vector_store %arg6[%swap3A_148], %swap3A_151 {strides = array<i32>} : memref<128xi32, #tpu.memory_space<vmem>>, vector<16xi32>,
        %get3A_152 = arith.constant 64 : index
        %get3A_153 = tpu.vector_load %arg6[%get3A_152] {strides = array<i32>} : memref<128xi32, #tpu.memory_space<vmem>>, vector<16xi32>,
        %get3A_154 = vector.shape_cast %get3A_153 : vector<16xi32> to vector<16xi32>
        %add3A_155 = vector.broadcast %mul3A_117 : i32 to vector<16xi32>
        %add3A_156 = arith.addi %get3A_154, %add3A_155 : vector<16xi32>
        %swap3A_157 = arith.constant 64 : index
        %swap3A_158 = tpu.vector_load %arg6[%swap3A_157] {strides = array<i32>} : memref<128xi32, #tpu.memory_space<vmem>>, vector<16xi32>,
        %swap3A_159 = vector.shape_cast %swap3A_158 : vector<16xi32> to vector<16xi32>
        %swap3A_160 = vector.shape_cast %add3A_156 : vector<16xi32> to vector<16xi32>
        tpu.vector_store %arg6[%swap3A_157], %swap3A_160 {strides = array<i32>} : memref<128xi32, #tpu.memory_space<vmem>>, vector<16xi32>,
        %get3A_161 = arith.constant 80 : index
        %get3A_162 = tpu.vector_load %arg6[%get3A_161] {strides = array<i32>} : memref<128xi32, #tpu.memory_space<vmem>>, vector<16xi32>,
        %get3A_163 = vector.shape_cast %get3A_162 : vector<16xi32> to vector<16xi32>
        %add3A_164 = vector.broadcast %mul3A_117 : i32 to vector<16xi32>
        %add3A_165 = arith.addi %get3A_163, %add3A_164 : vector<16xi32>
        %swap3A_166 = arith.constant 80 : index
        %swap3A_167 = tpu.vector_load %arg6[%swap3A_166] {strides = array<i32>} : memref<128xi32, #tpu.memory_space<vmem>>, vector<16xi32>,
        %swap3A_168 = vector.shape_cast %swap3A_167 : vector<16xi32> to vector<16xi32>
        %swap3A_169 = vector.shape_cast %add3A_165 : vector<16xi32> to vector<16xi32>
        tpu.vector_store %arg6[%swap3A_166], %swap3A_169 {strides = array<i32>} : memref<128xi32, #tpu.memory_space<vmem>>, vector<16xi32>,
        %get3A_170 = arith.constant 96 : index
        %get3A_171 = tpu.vector_load %arg6[%get3A_170] {strides = array<i32>} : memref<128xi32, #tpu.memory_space<vmem>>, vector<16xi32>,
        %get3A_172 = vector.shape_cast %get3A_171 : vector<16xi32> to vector<16xi32>
        %add3A_173 = vector.broadcast %mul3A_117 : i32 to vector<16xi32>
        %add3A_174 = arith.addi %get3A_172, %add3A_173 : vector<16xi32>
        %swap3A_175 = arith.constant 96 : index
        %swap3A_176 = tpu.vector_load %arg6[%swap3A_175] {strides = array<i32>} : memref<128xi32, #tpu.memory_space<vmem>>, vector<16xi32>,
        %swap3A_177 = vector.shape_cast %swap3A_176 : vector<16xi32> to vector<16xi32>
        %swap3A_178 = vector.shape_cast %add3A_174 : vector<16xi32> to vector<16xi32>
        tpu.vector_store %arg6[%swap3A_175], %swap3A_178 {strides = array<i32>} : memref<128xi32, #tpu.memory_space<vmem>>, vector<16xi32>,
        %get3A_179 = arith.constant 112 : index
        %get3A_180 = tpu.vector_load %arg6[%get3A_179] {strides = array<i32>} : memref<128xi32, #tpu.memory_space<vmem>>, vector<16xi32>,
        %get3A_181 = vector.shape_cast %get3A_180 : vector<16xi32> to vector<16xi32>
        %add3A_182 = vector.broadcast %mul3A_117 : i32 to vector<16xi32>
        %add3A_183 = arith.addi %get3A_181, %add3A_182 : vector<16xi32>
        %swap3A_184 = arith.constant 112 : index
        %swap3A_185 = tpu.vector_load %arg6[%swap3A_184] {strides = array<i32>} : memref<128xi32, #tpu.memory_space<vmem>>, vector<16xi32>,
        %swap3A_186 = vector.shape_cast %swap3A_185 : vector<16xi32> to vector<16xi32>
        %swap3A_187 = vector.shape_cast %add3A_183 : vector<16xi32> to vector<16xi32>
        tpu.vector_store %arg6[%swap3A_184], %swap3A_187 {strides = array<i32>} : memref<128xi32, #tpu.memory_space<vmem>>, vector<16xi32>,
        %dma_start3A = arith.constant 0 : i32
        %dma_start3A_188 = arith.constant 0 : i32
        %dma_start3A_189 = tpu.memref_slice %arg2[%dma_start3A, %dma_start3A_188] : memref<100000x32xf32, #tpu.memory_space<hbm>> -> memref<100000x32xf32, #tpu.memory_space<hbm>>
        tpu.enqueue_indirect_dma source(%dma_start3A_189 : memref<100000x32xf32, #tpu.memory_space<hbm>>) target(%arg8 : memref<128x32xf32, #tpu.memory_space<vmem>>) offsets(%arg6 : memref<128xi32, #tpu.memory_space<vmem>>) semaphore(%arg11 : memref<!tpu.dma_semaphore, #tpu.memory_space<semaphore_mem>>)
        %dma_wait3A = arith.constant 0 : i32
        %dma_wait3A_190 = arith.constant 0 : i32
        %dma_wait3A_191 = tpu.memref_slice %arg2[%dma_wait3A, %dma_wait3A_190] : memref<100000x32xf32, #tpu.memory_space<hbm>> -> memref<100000x32xf32, #tpu.memory_space<hbm>>
        tpu.wait_indirect_dma semaphore(%arg11 : memref<!tpu.dma_semaphore, #tpu.memory_space<semaphore_mem>>) src(%dma_wait3A_191 : memref<100000x32xf32, #tpu.memory_space<hbm>>) dst(%arg8 : memref<128x32xf32, #tpu.memory_space<vmem>>)
        "tpu.region"() ({
          %run_scoped3A = tpu.sem_alloc : memref<!tpu.dma_semaphore, #tpu.memory_space<semaphore_mem>>
          %dma_start3A_192 = arith.constant 0 : i32
          %dma_start3A_193 = arith.constant 0 : i32
          %dma_start3A_194 = tpu.memref_slice %arg9[%dma_start3A_192, %dma_start3A_193] : memref<50048x32xf32, #tpu.memory_space<vmem_shared>> -> memref<50048x32xf32, #tpu.memory_space<vmem_shared>>
          tpu.enqueue_indirect_dma source(%arg8 : memref<128x32xf32, #tpu.memory_space<vmem>>) target(%dma_start3A_194 : memref<50048x32xf32, #tpu.memory_space<vmem_shared>>) offsets(%arg7 : memref<128xi32, #tpu.memory_space<vmem>>) semaphore(%run_scoped3A : memref<!tpu.dma_semaphore, #tpu.memory_space<semaphore_mem>>) {add = true}
          %dma_wait3A_195 = arith.constant 0 : i32
          %dma_wait3A_196 = arith.constant 0 : i32
          %dma_wait3A_197 = tpu.memref_slice %arg9[%dma_wait3A_195, %dma_wait3A_196] : memref<50048x32xf32, #tpu.memory_space<vmem_shared>> -> memref<50048x32xf32, #tpu.memory_space<vmem_shared>>
          tpu.wait_indirect_dma semaphore(%run_scoped3A : memref<!tpu.dma_semaphore, #tpu.memory_space<semaphore_mem>>) src(%arg8 : memref<128x32xf32, #tpu.memory_space<vmem>>) dst(%dma_wait3A_197 : memref<50048x32xf32, #tpu.memory_space<vmem_shared>>)
          tpu.yield
        }) : () -> ()
      } else {
      }
    }
    %scan3A_101 = arith.constant 391 : i32
    %barrier3A_102 = arith.constant 0 : index
    tpu.barrier barrier_id(%barrier3A_102)
    %mul3A_103 = arith.constant 3128 : i32
    %mul3A_104 = arith.muli %arg1, %mul3A_103 : i32
    %mul3A_105 = arith.constant 50048 : i32
    %mul3A_106 = arith.muli %arg0, %mul3A_105 : i32
    %add3A_107 = arith.addi %mul3A_106, %mul3A_104 : i32
    "tpu.region"() ({
      %run_scoped3A = tpu.sem_alloc : memref<!tpu.dma_semaphore, #tpu.memory_space<semaphore_mem>>
      %dma_start3A = arith.constant 0 : i32
      %dma_start3A_108 = tpu.memref_slice %arg5[%add3A_107, %dma_start3A] : memref<100096x32xf32, #tpu.memory_space<hbm>> -> memref<3128x32xf32, #tpu.memory_space<hbm>>
      %dma_start3A_109 = arith.constant 0 : i32
      %dma_start3A_110 = tpu.memref_slice %arg9[%mul3A_104, %dma_start3A_109] : memref<50048x32xf32, #tpu.memory_space<vmem_shared>> -> memref<3128x32xf32, #tpu.memory_space<vmem_shared>>
      tpu.enqueue_dma source(%dma_start3A_110 : memref<3128x32xf32, #tpu.memory_space<vmem_shared>>) target(%dma_start3A_108 : memref<3128x32xf32, #tpu.memory_space<hbm>>) target_semaphore(%run_scoped3A : memref<!tpu.dma_semaphore, #tpu.memory_space<semaphore_mem>>)
      %dma_wait3A = arith.constant 0 : i32
      %dma_wait3A_111 = tpu.memref_slice %arg5[%add3A_107, %dma_wait3A] : memref<100096x32xf32, #tpu.memory_space<hbm>> -> memref<3128x32xf32, #tpu.memory_space<hbm>>
      %dma_wait3A_112 = arith.constant 0 : i32
      %dma_wait3A_113 = tpu.memref_slice %arg9[%mul3A_104, %dma_wait3A_112] : memref<50048x32xf32, #tpu.memory_space<vmem_shared>> -> memref<3128x32xf32, #tpu.memory_space<vmem_shared>>
      tpu.wait_dma2 semaphore(%run_scoped3A : memref<!tpu.dma_semaphore, #tpu.memory_space<semaphore_mem>>) src(%dma_wait3A_113 : memref<3128x32xf32, #tpu.memory_space<vmem_shared>>) dst(%dma_wait3A_111 : memref<3128x32xf32, #tpu.memory_space<hbm>>)
      tpu.yield
    }) : () -> ()
    return
  }
}

#map = affine_map<(d0, d1) -> (0, 0)>
#map1 = affine_map<(d0, d1) -> (0)>
module attributes {stable_mosaic.version = 14 : i64} {
  func.func @_agg_sc(%arg0: i32, %arg1: i32, %arg2: memref<100000x32xf32, #tpu.memory_space<hbm>>, %arg3: memref<800000xi32, #tpu.memory_space<hbm>>, %arg4: memref<800000xi32, #tpu.memory_space<hbm>>, %arg5: memref<100096x32xf32, #tpu.memory_space<hbm>>, %arg6: memref<128xi32, #tpu.memory_space<vmem>>, %arg7: memref<128xi32, #tpu.memory_space<vmem>>, %arg8: memref<128x32xf32, #tpu.memory_space<vmem>>, %arg9: memref<50048x32xf32, #tpu.memory_space<vmem_shared>>, %arg10: memref<136x32xf32, #tpu.memory_space<vmem>>, %arg11: memref<!tpu.dma_semaphore, #tpu.memory_space<semaphore_mem>>) attributes {dimension_semantics = [#tpu.dimension_semantics<core_parallel>, #tpu.dimension_semantics<subcore_parallel>], iteration_bounds = array<i64: 2, 16>, scalar_prefetch = 0 : i64, scratch_operands = 6 : i64, tpu.core_type = #tpu.core_type<sc_vector_subcore>, window_params = [{transform_indices = #map}, {transform_indices = #map1}, {transform_indices = #map1}, {transform_indices = #map}]} {
    %broadcast_in_dim3A = arith.constant 0.000000e+00 : f32
    %broadcast_in_dim3A_0 = vector.broadcast %broadcast_in_dim3A : f32 to vector<16xf32>
    %scan3A = arith.constant 0 : i32
    %scan3A_1 = arith.constant 0 : i32
    %scan3A_2 = arith.constant 136 : i32
    %scan3A_3 = arith.addi %scan3A_1, %scan3A_2 : i32
    %scan3A_4 = arith.constant 1 : i32
    scf.for %scan3A_108 = %scan3A_1 to %scan3A_3 step %scan3A_4  : i32 {
      %swap3A = arith.index_cast %scan3A_108 : i32 to index
      %swap3A_109 = arith.constant 0 : index
      %swap3A_110 = tpu.vector_load %arg10[%swap3A, %swap3A_109] {strides = array<i32>} : memref<136x32xf32, #tpu.memory_space<vmem>>, vector<1x16xf32>,
      %swap3A_111 = vector.shape_cast %swap3A_110 : vector<1x16xf32> to vector<16xf32>
      %swap3A_112 = vector.shape_cast %broadcast_in_dim3A_0 : vector<16xf32> to vector<1x16xf32>
      tpu.vector_store %arg10[%swap3A, %swap3A_109], %swap3A_112 {strides = array<i32>} : memref<136x32xf32, #tpu.memory_space<vmem>>, vector<1x16xf32>,
      %swap3A_113 = arith.index_cast %scan3A_108 : i32 to index
      %swap3A_114 = arith.constant 16 : index
      %swap3A_115 = tpu.vector_load %arg10[%swap3A_113, %swap3A_114] {strides = array<i32>} : memref<136x32xf32, #tpu.memory_space<vmem>>, vector<1x16xf32>,
      %swap3A_116 = vector.shape_cast %swap3A_115 : vector<1x16xf32> to vector<16xf32>
      %swap3A_117 = vector.shape_cast %broadcast_in_dim3A_0 : vector<16xf32> to vector<1x16xf32>
      tpu.vector_store %arg10[%swap3A_113, %swap3A_114], %swap3A_117 {strides = array<i32>} : memref<136x32xf32, #tpu.memory_space<vmem>>, vector<1x16xf32>,
    }
    %scan3A_5 = arith.constant 136 : i32
    %mul3A = arith.constant 3128 : i32
    %mul3A_6 = arith.muli %arg1, %mul3A : i32
    %add3A = arith.constant 0 : i32
    %add3A_7 = arith.addi %mul3A_6, %add3A : i32
    "tpu.region"() ({
      %run_scoped3A = tpu.sem_alloc : memref<!tpu.dma_semaphore, #tpu.memory_space<semaphore_mem>>
      %dma_start3A = arith.constant 0 : i32
      %dma_start3A_108 = tpu.memref_slice %arg9[%add3A_7, %dma_start3A] : memref<50048x32xf32, #tpu.memory_space<vmem_shared>> -> memref<136x32xf32, #tpu.memory_space<vmem_shared>>
      %dma_start3A_109 = arith.constant 0 : i32
      %dma_start3A_110 = tpu.memref_slice %arg9[%add3A_7, %dma_start3A_109] : memref<50048x32xf32, #tpu.memory_space<vmem_shared>> -> memref<136x32xf32, #tpu.memory_space<vmem_shared>>
      tpu.enqueue_dma source(%arg10 : memref<136x32xf32, #tpu.memory_space<vmem>>) target(%dma_start3A_110 : memref<136x32xf32, #tpu.memory_space<vmem_shared>>) target_semaphore(%run_scoped3A : memref<!tpu.dma_semaphore, #tpu.memory_space<semaphore_mem>>)
      %dma_wait3A = arith.constant 0 : i32
      %dma_wait3A_111 = tpu.memref_slice %arg9[%add3A_7, %dma_wait3A] : memref<50048x32xf32, #tpu.memory_space<vmem_shared>> -> memref<136x32xf32, #tpu.memory_space<vmem_shared>>
      %dma_wait3A_112 = arith.constant 0 : i32
      %dma_wait3A_113 = tpu.memref_slice %arg9[%add3A_7, %dma_wait3A_112] : memref<50048x32xf32, #tpu.memory_space<vmem_shared>> -> memref<136x32xf32, #tpu.memory_space<vmem_shared>>
      tpu.wait_dma2 semaphore(%run_scoped3A : memref<!tpu.dma_semaphore, #tpu.memory_space<semaphore_mem>>) src(%arg10 : memref<136x32xf32, #tpu.memory_space<vmem>>) dst(%dma_wait3A_113 : memref<136x32xf32, #tpu.memory_space<vmem_shared>>)
      tpu.yield
    }) : () -> ()
    %mul3A_8 = arith.constant 3128 : i32
    %mul3A_9 = arith.muli %arg1, %mul3A_8 : i32
    %add3A_10 = arith.constant 136 : i32
    %add3A_11 = arith.addi %mul3A_9, %add3A_10 : i32
    "tpu.region"() ({
      %run_scoped3A = tpu.sem_alloc : memref<!tpu.dma_semaphore, #tpu.memory_space<semaphore_mem>>
      %dma_start3A = arith.constant 0 : i32
      %dma_start3A_108 = tpu.memref_slice %arg9[%add3A_11, %dma_start3A] : memref<50048x32xf32, #tpu.memory_space<vmem_shared>> -> memref<136x32xf32, #tpu.memory_space<vmem_shared>>
      %dma_start3A_109 = arith.constant 0 : i32
      %dma_start3A_110 = tpu.memref_slice %arg9[%add3A_11, %dma_start3A_109] : memref<50048x32xf32, #tpu.memory_space<vmem_shared>> -> memref<136x32xf32, #tpu.memory_space<vmem_shared>>
      tpu.enqueue_dma source(%arg10 : memref<136x32xf32, #tpu.memory_space<vmem>>) target(%dma_start3A_110 : memref<136x32xf32, #tpu.memory_space<vmem_shared>>) target_semaphore(%run_scoped3A : memref<!tpu.dma_semaphore, #tpu.memory_space<semaphore_mem>>)
      %dma_wait3A = arith.constant 0 : i32
      %dma_wait3A_111 = tpu.memref_slice %arg9[%add3A_11, %dma_wait3A] : memref<50048x32xf32, #tpu.memory_space<vmem_shared>> -> memref<136x32xf32, #tpu.memory_space<vmem_shared>>
      %dma_wait3A_112 = arith.constant 0 : i32
      %dma_wait3A_113 = tpu.memref_slice %arg9[%add3A_11, %dma_wait3A_112] : memref<50048x32xf32, #tpu.memory_space<vmem_shared>> -> memref<136x32xf32, #tpu.memory_space<vmem_shared>>
      tpu.wait_dma2 semaphore(%run_scoped3A : memref<!tpu.dma_semaphore, #tpu.memory_space<semaphore_mem>>) src(%arg10 : memref<136x32xf32, #tpu.memory_space<vmem>>) dst(%dma_wait3A_113 : memref<136x32xf32, #tpu.memory_space<vmem_shared>>)
      tpu.yield
    }) : () -> ()
    %mul3A_12 = arith.constant 3128 : i32
    %mul3A_13 = arith.muli %arg1, %mul3A_12 : i32
    %add3A_14 = arith.constant 272 : i32
    %add3A_15 = arith.addi %mul3A_13, %add3A_14 : i32
    "tpu.region"() ({
      %run_scoped3A = tpu.sem_alloc : memref<!tpu.dma_semaphore, #tpu.memory_space<semaphore_mem>>
      %dma_start3A = arith.constant 0 : i32
      %dma_start3A_108 = tpu.memref_slice %arg9[%add3A_15, %dma_start3A] : memref<50048x32xf32, #tpu.memory_space<vmem_shared>> -> memref<136x32xf32, #tpu.memory_space<vmem_shared>>
      %dma_start3A_109 = arith.constant 0 : i32
      %dma_start3A_110 = tpu.memref_slice %arg9[%add3A_15, %dma_start3A_109] : memref<50048x32xf32, #tpu.memory_space<vmem_shared>> -> memref<136x32xf32, #tpu.memory_space<vmem_shared>>
      tpu.enqueue_dma source(%arg10 : memref<136x32xf32, #tpu.memory_space<vmem>>) target(%dma_start3A_110 : memref<136x32xf32, #tpu.memory_space<vmem_shared>>) target_semaphore(%run_scoped3A : memref<!tpu.dma_semaphore, #tpu.memory_space<semaphore_mem>>)
      %dma_wait3A = arith.constant 0 : i32
      %dma_wait3A_111 = tpu.memref_slice %arg9[%add3A_15, %dma_wait3A] : memref<50048x32xf32, #tpu.memory_space<vmem_shared>> -> memref<136x32xf32, #tpu.memory_space<vmem_shared>>
      %dma_wait3A_112 = arith.constant 0 : i32
      %dma_wait3A_113 = tpu.memref_slice %arg9[%add3A_15, %dma_wait3A_112] : memref<50048x32xf32, #tpu.memory_space<vmem_shared>> -> memref<136x32xf32, #tpu.memory_space<vmem_shared>>
      tpu.wait_dma2 semaphore(%run_scoped3A : memref<!tpu.dma_semaphore, #tpu.memory_space<semaphore_mem>>) src(%arg10 : memref<136x32xf32, #tpu.memory_space<vmem>>) dst(%dma_wait3A_113 : memref<136x32xf32, #tpu.memory_space<vmem_shared>>)
      tpu.yield
    }) : () -> ()
    %mul3A_16 = arith.constant 3128 : i32
    %mul3A_17 = arith.muli %arg1, %mul3A_16 : i32
    %add3A_18 = arith.constant 408 : i32
    %add3A_19 = arith.addi %mul3A_17, %add3A_18 : i32
    "tpu.region"() ({
      %run_scoped3A = tpu.sem_alloc : memref<!tpu.dma_semaphore, #tpu.memory_space<semaphore_mem>>
      %dma_start3A = arith.constant 0 : i32
      %dma_start3A_108 = tpu.memref_slice %arg9[%add3A_19, %dma_start3A] : memref<50048x32xf32, #tpu.memory_space<vmem_shared>> -> memref<136x32xf32, #tpu.memory_space<vmem_shared>>
      %dma_start3A_109 = arith.constant 0 : i32
      %dma_start3A_110 = tpu.memref_slice %arg9[%add3A_19, %dma_start3A_109] : memref<50048x32xf32, #tpu.memory_space<vmem_shared>> -> memref<136x32xf32, #tpu.memory_space<vmem_shared>>
      tpu.enqueue_dma source(%arg10 : memref<136x32xf32, #tpu.memory_space<vmem>>) target(%dma_start3A_110 : memref<136x32xf32, #tpu.memory_space<vmem_shared>>) target_semaphore(%run_scoped3A : memref<!tpu.dma_semaphore, #tpu.memory_space<semaphore_mem>>)
      %dma_wait3A = arith.constant 0 : i32
      %dma_wait3A_111 = tpu.memref_slice %arg9[%add3A_19, %dma_wait3A] : memref<50048x32xf32, #tpu.memory_space<vmem_shared>> -> memref<136x32xf32, #tpu.memory_space<vmem_shared>>
      %dma_wait3A_112 = arith.constant 0 : i32
      %dma_wait3A_113 = tpu.memref_slice %arg9[%add3A_19, %dma_wait3A_112] : memref<50048x32xf32, #tpu.memory_space<vmem_shared>> -> memref<136x32xf32, #tpu.memory_space<vmem_shared>>
      tpu.wait_dma2 semaphore(%run_scoped3A : memref<!tpu.dma_semaphore, #tpu.memory_space<semaphore_mem>>) src(%arg10 : memref<136x32xf32, #tpu.memory_space<vmem>>) dst(%dma_wait3A_113 : memref<136x32xf32, #tpu.memory_space<vmem_shared>>)
      tpu.yield
    }) : () -> ()
    %mul3A_20 = arith.constant 3128 : i32
    %mul3A_21 = arith.muli %arg1, %mul3A_20 : i32
    %add3A_22 = arith.constant 544 : i32
    %add3A_23 = arith.addi %mul3A_21, %add3A_22 : i32
    "tpu.region"() ({
      %run_scoped3A = tpu.sem_alloc : memref<!tpu.dma_semaphore, #tpu.memory_space<semaphore_mem>>
      %dma_start3A = arith.constant 0 : i32
      %dma_start3A_108 = tpu.memref_slice %arg9[%add3A_23, %dma_start3A] : memref<50048x32xf32, #tpu.memory_space<vmem_shared>> -> memref<136x32xf32, #tpu.memory_space<vmem_shared>>
      %dma_start3A_109 = arith.constant 0 : i32
      %dma_start3A_110 = tpu.memref_slice %arg9[%add3A_23, %dma_start3A_109] : memref<50048x32xf32, #tpu.memory_space<vmem_shared>> -> memref<136x32xf32, #tpu.memory_space<vmem_shared>>
      tpu.enqueue_dma source(%arg10 : memref<136x32xf32, #tpu.memory_space<vmem>>) target(%dma_start3A_110 : memref<136x32xf32, #tpu.memory_space<vmem_shared>>) target_semaphore(%run_scoped3A : memref<!tpu.dma_semaphore, #tpu.memory_space<semaphore_mem>>)
      %dma_wait3A = arith.constant 0 : i32
      %dma_wait3A_111 = tpu.memref_slice %arg9[%add3A_23, %dma_wait3A] : memref<50048x32xf32, #tpu.memory_space<vmem_shared>> -> memref<136x32xf32, #tpu.memory_space<vmem_shared>>
      %dma_wait3A_112 = arith.constant 0 : i32
      %dma_wait3A_113 = tpu.memref_slice %arg9[%add3A_23, %dma_wait3A_112] : memref<50048x32xf32, #tpu.memory_space<vmem_shared>> -> memref<136x32xf32, #tpu.memory_space<vmem_shared>>
      tpu.wait_dma2 semaphore(%run_scoped3A : memref<!tpu.dma_semaphore, #tpu.memory_space<semaphore_mem>>) src(%arg10 : memref<136x32xf32, #tpu.memory_space<vmem>>) dst(%dma_wait3A_113 : memref<136x32xf32, #tpu.memory_space<vmem_shared>>)
      tpu.yield
    }) : () -> ()
    %mul3A_24 = arith.constant 3128 : i32
    %mul3A_25 = arith.muli %arg1, %mul3A_24 : i32
    %add3A_26 = arith.constant 680 : i32
    %add3A_27 = arith.addi %mul3A_25, %add3A_26 : i32
    "tpu.region"() ({
      %run_scoped3A = tpu.sem_alloc : memref<!tpu.dma_semaphore, #tpu.memory_space<semaphore_mem>>
      %dma_start3A = arith.constant 0 : i32
      %dma_start3A_108 = tpu.memref_slice %arg9[%add3A_27, %dma_start3A] : memref<50048x32xf32, #tpu.memory_space<vmem_shared>> -> memref<136x32xf32, #tpu.memory_space<vmem_shared>>
      %dma_start3A_109 = arith.constant 0 : i32
      %dma_start3A_110 = tpu.memref_slice %arg9[%add3A_27, %dma_start3A_109] : memref<50048x32xf32, #tpu.memory_space<vmem_shared>> -> memref<136x32xf32, #tpu.memory_space<vmem_shared>>
      tpu.enqueue_dma source(%arg10 : memref<136x32xf32, #tpu.memory_space<vmem>>) target(%dma_start3A_110 : memref<136x32xf32, #tpu.memory_space<vmem_shared>>) target_semaphore(%run_scoped3A : memref<!tpu.dma_semaphore, #tpu.memory_space<semaphore_mem>>)
      %dma_wait3A = arith.constant 0 : i32
      %dma_wait3A_111 = tpu.memref_slice %arg9[%add3A_27, %dma_wait3A] : memref<50048x32xf32, #tpu.memory_space<vmem_shared>> -> memref<136x32xf32, #tpu.memory_space<vmem_shared>>
      %dma_wait3A_112 = arith.constant 0 : i32
      %dma_wait3A_113 = tpu.memref_slice %arg9[%add3A_27, %dma_wait3A_112] : memref<50048x32xf32, #tpu.memory_space<vmem_shared>> -> memref<136x32xf32, #tpu.memory_space<vmem_shared>>
      tpu.wait_dma2 semaphore(%run_scoped3A : memref<!tpu.dma_semaphore, #tpu.memory_space<semaphore_mem>>) src(%arg10 : memref<136x32xf32, #tpu.memory_space<vmem>>) dst(%dma_wait3A_113 : memref<136x32xf32, #tpu.memory_space<vmem_shared>>)
      tpu.yield
    }) : () -> ()
    %mul3A_28 = arith.constant 3128 : i32
    %mul3A_29 = arith.muli %arg1, %mul3A_28 : i32
    %add3A_30 = arith.constant 816 : i32
    %add3A_31 = arith.addi %mul3A_29, %add3A_30 : i32
    "tpu.region"() ({
      %run_scoped3A = tpu.sem_alloc : memref<!tpu.dma_semaphore, #tpu.memory_space<semaphore_mem>>
      %dma_start3A = arith.constant 0 : i32
      %dma_start3A_108 = tpu.memref_slice %arg9[%add3A_31, %dma_start3A] : memref<50048x32xf32, #tpu.memory_space<vmem_shared>> -> memref<136x32xf32, #tpu.memory_space<vmem_shared>>
      %dma_start3A_109 = arith.constant 0 : i32
      %dma_start3A_110 = tpu.memref_slice %arg9[%add3A_31, %dma_start3A_109] : memref<50048x32xf32, #tpu.memory_space<vmem_shared>> -> memref<136x32xf32, #tpu.memory_space<vmem_shared>>
      tpu.enqueue_dma source(%arg10 : memref<136x32xf32, #tpu.memory_space<vmem>>) target(%dma_start3A_110 : memref<136x32xf32, #tpu.memory_space<vmem_shared>>) target_semaphore(%run_scoped3A : memref<!tpu.dma_semaphore, #tpu.memory_space<semaphore_mem>>)
      %dma_wait3A = arith.constant 0 : i32
      %dma_wait3A_111 = tpu.memref_slice %arg9[%add3A_31, %dma_wait3A] : memref<50048x32xf32, #tpu.memory_space<vmem_shared>> -> memref<136x32xf32, #tpu.memory_space<vmem_shared>>
      %dma_wait3A_112 = arith.constant 0 : i32
      %dma_wait3A_113 = tpu.memref_slice %arg9[%add3A_31, %dma_wait3A_112] : memref<50048x32xf32, #tpu.memory_space<vmem_shared>> -> memref<136x32xf32, #tpu.memory_space<vmem_shared>>
      tpu.wait_dma2 semaphore(%run_scoped3A : memref<!tpu.dma_semaphore, #tpu.memory_space<semaphore_mem>>) src(%arg10 : memref<136x32xf32, #tpu.memory_space<vmem>>) dst(%dma_wait3A_113 : memref<136x32xf32, #tpu.memory_space<vmem_shared>>)
      tpu.yield
    }) : () -> ()
    %mul3A_32 = arith.constant 3128 : i32
    %mul3A_33 = arith.muli %arg1, %mul3A_32 : i32
    %add3A_34 = arith.constant 952 : i32
    %add3A_35 = arith.addi %mul3A_33, %add3A_34 : i32
    "tpu.region"() ({
      %run_scoped3A = tpu.sem_alloc : memref<!tpu.dma_semaphore, #tpu.memory_space<semaphore_mem>>
      %dma_start3A = arith.constant 0 : i32
      %dma_start3A_108 = tpu.memref_slice %arg9[%add3A_35, %dma_start3A] : memref<50048x32xf32, #tpu.memory_space<vmem_shared>> -> memref<136x32xf32, #tpu.memory_space<vmem_shared>>
      %dma_start3A_109 = arith.constant 0 : i32
      %dma_start3A_110 = tpu.memref_slice %arg9[%add3A_35, %dma_start3A_109] : memref<50048x32xf32, #tpu.memory_space<vmem_shared>> -> memref<136x32xf32, #tpu.memory_space<vmem_shared>>
      tpu.enqueue_dma source(%arg10 : memref<136x32xf32, #tpu.memory_space<vmem>>) target(%dma_start3A_110 : memref<136x32xf32, #tpu.memory_space<vmem_shared>>) target_semaphore(%run_scoped3A : memref<!tpu.dma_semaphore, #tpu.memory_space<semaphore_mem>>)
      %dma_wait3A = arith.constant 0 : i32
      %dma_wait3A_111 = tpu.memref_slice %arg9[%add3A_35, %dma_wait3A] : memref<50048x32xf32, #tpu.memory_space<vmem_shared>> -> memref<136x32xf32, #tpu.memory_space<vmem_shared>>
      %dma_wait3A_112 = arith.constant 0 : i32
      %dma_wait3A_113 = tpu.memref_slice %arg9[%add3A_35, %dma_wait3A_112] : memref<50048x32xf32, #tpu.memory_space<vmem_shared>> -> memref<136x32xf32, #tpu.memory_space<vmem_shared>>
      tpu.wait_dma2 semaphore(%run_scoped3A : memref<!tpu.dma_semaphore, #tpu.memory_space<semaphore_mem>>) src(%arg10 : memref<136x32xf32, #tpu.memory_space<vmem>>) dst(%dma_wait3A_113 : memref<136x32xf32, #tpu.memory_space<vmem_shared>>)
      tpu.yield
    }) : () -> ()
    %mul3A_36 = arith.constant 3128 : i32
    %mul3A_37 = arith.muli %arg1, %mul3A_36 : i32
    %add3A_38 = arith.constant 1088 : i32
    %add3A_39 = arith.addi %mul3A_37, %add3A_38 : i32
    "tpu.region"() ({
      %run_scoped3A = tpu.sem_alloc : memref<!tpu.dma_semaphore, #tpu.memory_space<semaphore_mem>>
      %dma_start3A = arith.constant 0 : i32
      %dma_start3A_108 = tpu.memref_slice %arg9[%add3A_39, %dma_start3A] : memref<50048x32xf32, #tpu.memory_space<vmem_shared>> -> memref<136x32xf32, #tpu.memory_space<vmem_shared>>
      %dma_start3A_109 = arith.constant 0 : i32
      %dma_start3A_110 = tpu.memref_slice %arg9[%add3A_39, %dma_start3A_109] : memref<50048x32xf32, #tpu.memory_space<vmem_shared>> -> memref<136x32xf32, #tpu.memory_space<vmem_shared>>
      tpu.enqueue_dma source(%arg10 : memref<136x32xf32, #tpu.memory_space<vmem>>) target(%dma_start3A_110 : memref<136x32xf32, #tpu.memory_space<vmem_shared>>) target_semaphore(%run_scoped3A : memref<!tpu.dma_semaphore, #tpu.memory_space<semaphore_mem>>)
      %dma_wait3A = arith.constant 0 : i32
      %dma_wait3A_111 = tpu.memref_slice %arg9[%add3A_39, %dma_wait3A] : memref<50048x32xf32, #tpu.memory_space<vmem_shared>> -> memref<136x32xf32, #tpu.memory_space<vmem_shared>>
      %dma_wait3A_112 = arith.constant 0 : i32
      %dma_wait3A_113 = tpu.memref_slice %arg9[%add3A_39, %dma_wait3A_112] : memref<50048x32xf32, #tpu.memory_space<vmem_shared>> -> memref<136x32xf32, #tpu.memory_space<vmem_shared>>
      tpu.wait_dma2 semaphore(%run_scoped3A : memref<!tpu.dma_semaphore, #tpu.memory_space<semaphore_mem>>) src(%arg10 : memref<136x32xf32, #tpu.memory_space<vmem>>) dst(%dma_wait3A_113 : memref<136x32xf32, #tpu.memory_space<vmem_shared>>)
      tpu.yield
    }) : () -> ()
    %mul3A_40 = arith.constant 3128 : i32
    %mul3A_41 = arith.muli %arg1, %mul3A_40 : i32
    %add3A_42 = arith.constant 1224 : i32
    %add3A_43 = arith.addi %mul3A_41, %add3A_42 : i32
    "tpu.region"() ({
      %run_scoped3A = tpu.sem_alloc : memref<!tpu.dma_semaphore, #tpu.memory_space<semaphore_mem>>
      %dma_start3A = arith.constant 0 : i32
      %dma_start3A_108 = tpu.memref_slice %arg9[%add3A_43, %dma_start3A] : memref<50048x32xf32, #tpu.memory_space<vmem_shared>> -> memref<136x32xf32, #tpu.memory_space<vmem_shared>>
      %dma_start3A_109 = arith.constant 0 : i32
      %dma_start3A_110 = tpu.memref_slice %arg9[%add3A_43, %dma_start3A_109] : memref<50048x32xf32, #tpu.memory_space<vmem_shared>> -> memref<136x32xf32, #tpu.memory_space<vmem_shared>>
      tpu.enqueue_dma source(%arg10 : memref<136x32xf32, #tpu.memory_space<vmem>>) target(%dma_start3A_110 : memref<136x32xf32, #tpu.memory_space<vmem_shared>>) target_semaphore(%run_scoped3A : memref<!tpu.dma_semaphore, #tpu.memory_space<semaphore_mem>>)
      %dma_wait3A = arith.constant 0 : i32
      %dma_wait3A_111 = tpu.memref_slice %arg9[%add3A_43, %dma_wait3A] : memref<50048x32xf32, #tpu.memory_space<vmem_shared>> -> memref<136x32xf32, #tpu.memory_space<vmem_shared>>
      %dma_wait3A_112 = arith.constant 0 : i32
      %dma_wait3A_113 = tpu.memref_slice %arg9[%add3A_43, %dma_wait3A_112] : memref<50048x32xf32, #tpu.memory_space<vmem_shared>> -> memref<136x32xf32, #tpu.memory_space<vmem_shared>>
      tpu.wait_dma2 semaphore(%run_scoped3A : memref<!tpu.dma_semaphore, #tpu.memory_space<semaphore_mem>>) src(%arg10 : memref<136x32xf32, #tpu.memory_space<vmem>>) dst(%dma_wait3A_113 : memref<136x32xf32, #tpu.memory_space<vmem_shared>>)
      tpu.yield
    }) : () -> ()
    %mul3A_44 = arith.constant 3128 : i32
    %mul3A_45 = arith.muli %arg1, %mul3A_44 : i32
    %add3A_46 = arith.constant 1360 : i32
    %add3A_47 = arith.addi %mul3A_45, %add3A_46 : i32
    "tpu.region"() ({
      %run_scoped3A = tpu.sem_alloc : memref<!tpu.dma_semaphore, #tpu.memory_space<semaphore_mem>>
      %dma_start3A = arith.constant 0 : i32
      %dma_start3A_108 = tpu.memref_slice %arg9[%add3A_47, %dma_start3A] : memref<50048x32xf32, #tpu.memory_space<vmem_shared>> -> memref<136x32xf32, #tpu.memory_space<vmem_shared>>
      %dma_start3A_109 = arith.constant 0 : i32
      %dma_start3A_110 = tpu.memref_slice %arg9[%add3A_47, %dma_start3A_109] : memref<50048x32xf32, #tpu.memory_space<vmem_shared>> -> memref<136x32xf32, #tpu.memory_space<vmem_shared>>
      tpu.enqueue_dma source(%arg10 : memref<136x32xf32, #tpu.memory_space<vmem>>) target(%dma_start3A_110 : memref<136x32xf32, #tpu.memory_space<vmem_shared>>) target_semaphore(%run_scoped3A : memref<!tpu.dma_semaphore, #tpu.memory_space<semaphore_mem>>)
      %dma_wait3A = arith.constant 0 : i32
      %dma_wait3A_111 = tpu.memref_slice %arg9[%add3A_47, %dma_wait3A] : memref<50048x32xf32, #tpu.memory_space<vmem_shared>> -> memref<136x32xf32, #tpu.memory_space<vmem_shared>>
      %dma_wait3A_112 = arith.constant 0 : i32
      %dma_wait3A_113 = tpu.memref_slice %arg9[%add3A_47, %dma_wait3A_112] : memref<50048x32xf32, #tpu.memory_space<vmem_shared>> -> memref<136x32xf32, #tpu.memory_space<vmem_shared>>
      tpu.wait_dma2 semaphore(%run_scoped3A : memref<!tpu.dma_semaphore, #tpu.memory_space<semaphore_mem>>) src(%arg10 : memref<136x32xf32, #tpu.memory_space<vmem>>) dst(%dma_wait3A_113 : memref<136x32xf32, #tpu.memory_space<vmem_shared>>)
      tpu.yield
    }) : () -> ()
    %mul3A_48 = arith.constant 3128 : i32
    %mul3A_49 = arith.muli %arg1, %mul3A_48 : i32
    %add3A_50 = arith.constant 1496 : i32
    %add3A_51 = arith.addi %mul3A_49, %add3A_50 : i32
    "tpu.region"() ({
      %run_scoped3A = tpu.sem_alloc : memref<!tpu.dma_semaphore, #tpu.memory_space<semaphore_mem>>
      %dma_start3A = arith.constant 0 : i32
      %dma_start3A_108 = tpu.memref_slice %arg9[%add3A_51, %dma_start3A] : memref<50048x32xf32, #tpu.memory_space<vmem_shared>> -> memref<136x32xf32, #tpu.memory_space<vmem_shared>>
      %dma_start3A_109 = arith.constant 0 : i32
      %dma_start3A_110 = tpu.memref_slice %arg9[%add3A_51, %dma_start3A_109] : memref<50048x32xf32, #tpu.memory_space<vmem_shared>> -> memref<136x32xf32, #tpu.memory_space<vmem_shared>>
      tpu.enqueue_dma source(%arg10 : memref<136x32xf32, #tpu.memory_space<vmem>>) target(%dma_start3A_110 : memref<136x32xf32, #tpu.memory_space<vmem_shared>>) target_semaphore(%run_scoped3A : memref<!tpu.dma_semaphore, #tpu.memory_space<semaphore_mem>>)
      %dma_wait3A = arith.constant 0 : i32
      %dma_wait3A_111 = tpu.memref_slice %arg9[%add3A_51, %dma_wait3A] : memref<50048x32xf32, #tpu.memory_space<vmem_shared>> -> memref<136x32xf32, #tpu.memory_space<vmem_shared>>
      %dma_wait3A_112 = arith.constant 0 : i32
      %dma_wait3A_113 = tpu.memref_slice %arg9[%add3A_51, %dma_wait3A_112] : memref<50048x32xf32, #tpu.memory_space<vmem_shared>> -> memref<136x32xf32, #tpu.memory_space<vmem_shared>>
      tpu.wait_dma2 semaphore(%run_scoped3A : memref<!tpu.dma_semaphore, #tpu.memory_space<semaphore_mem>>) src(%arg10 : memref<136x32xf32, #tpu.memory_space<vmem>>) dst(%dma_wait3A_113 : memref<136x32xf32, #tpu.memory_space<vmem_shared>>)
      tpu.yield
    }) : () -> ()
    %mul3A_52 = arith.constant 3128 : i32
    %mul3A_53 = arith.muli %arg1, %mul3A_52 : i32
    %add3A_54 = arith.constant 1632 : i32
    %add3A_55 = arith.addi %mul3A_53, %add3A_54 : i32
    "tpu.region"() ({
      %run_scoped3A = tpu.sem_alloc : memref<!tpu.dma_semaphore, #tpu.memory_space<semaphore_mem>>
      %dma_start3A = arith.constant 0 : i32
      %dma_start3A_108 = tpu.memref_slice %arg9[%add3A_55, %dma_start3A] : memref<50048x32xf32, #tpu.memory_space<vmem_shared>> -> memref<136x32xf32, #tpu.memory_space<vmem_shared>>
      %dma_start3A_109 = arith.constant 0 : i32
      %dma_start3A_110 = tpu.memref_slice %arg9[%add3A_55, %dma_start3A_109] : memref<50048x32xf32, #tpu.memory_space<vmem_shared>> -> memref<136x32xf32, #tpu.memory_space<vmem_shared>>
      tpu.enqueue_dma source(%arg10 : memref<136x32xf32, #tpu.memory_space<vmem>>) target(%dma_start3A_110 : memref<136x32xf32, #tpu.memory_space<vmem_shared>>) target_semaphore(%run_scoped3A : memref<!tpu.dma_semaphore, #tpu.memory_space<semaphore_mem>>)
      %dma_wait3A = arith.constant 0 : i32
      %dma_wait3A_111 = tpu.memref_slice %arg9[%add3A_55, %dma_wait3A] : memref<50048x32xf32, #tpu.memory_space<vmem_shared>> -> memref<136x32xf32, #tpu.memory_space<vmem_shared>>
      %dma_wait3A_112 = arith.constant 0 : i32
      %dma_wait3A_113 = tpu.memref_slice %arg9[%add3A_55, %dma_wait3A_112] : memref<50048x32xf32, #tpu.memory_space<vmem_shared>> -> memref<136x32xf32, #tpu.memory_space<vmem_shared>>
      tpu.wait_dma2 semaphore(%run_scoped3A : memref<!tpu.dma_semaphore, #tpu.memory_space<semaphore_mem>>) src(%arg10 : memref<136x32xf32, #tpu.memory_space<vmem>>) dst(%dma_wait3A_113 : memref<136x32xf32, #tpu.memory_space<vmem_shared>>)
      tpu.yield
    }) : () -> ()
    %mul3A_56 = arith.constant 3128 : i32
    %mul3A_57 = arith.muli %arg1, %mul3A_56 : i32
    %add3A_58 = arith.constant 1768 : i32
    %add3A_59 = arith.addi %mul3A_57, %add3A_58 : i32
    "tpu.region"() ({
      %run_scoped3A = tpu.sem_alloc : memref<!tpu.dma_semaphore, #tpu.memory_space<semaphore_mem>>
      %dma_start3A = arith.constant 0 : i32
      %dma_start3A_108 = tpu.memref_slice %arg9[%add3A_59, %dma_start3A] : memref<50048x32xf32, #tpu.memory_space<vmem_shared>> -> memref<136x32xf32, #tpu.memory_space<vmem_shared>>
      %dma_start3A_109 = arith.constant 0 : i32
      %dma_start3A_110 = tpu.memref_slice %arg9[%add3A_59, %dma_start3A_109] : memref<50048x32xf32, #tpu.memory_space<vmem_shared>> -> memref<136x32xf32, #tpu.memory_space<vmem_shared>>
      tpu.enqueue_dma source(%arg10 : memref<136x32xf32, #tpu.memory_space<vmem>>) target(%dma_start3A_110 : memref<136x32xf32, #tpu.memory_space<vmem_shared>>) target_semaphore(%run_scoped3A : memref<!tpu.dma_semaphore, #tpu.memory_space<semaphore_mem>>)
      %dma_wait3A = arith.constant 0 : i32
      %dma_wait3A_111 = tpu.memref_slice %arg9[%add3A_59, %dma_wait3A] : memref<50048x32xf32, #tpu.memory_space<vmem_shared>> -> memref<136x32xf32, #tpu.memory_space<vmem_shared>>
      %dma_wait3A_112 = arith.constant 0 : i32
      %dma_wait3A_113 = tpu.memref_slice %arg9[%add3A_59, %dma_wait3A_112] : memref<50048x32xf32, #tpu.memory_space<vmem_shared>> -> memref<136x32xf32, #tpu.memory_space<vmem_shared>>
      tpu.wait_dma2 semaphore(%run_scoped3A : memref<!tpu.dma_semaphore, #tpu.memory_space<semaphore_mem>>) src(%arg10 : memref<136x32xf32, #tpu.memory_space<vmem>>) dst(%dma_wait3A_113 : memref<136x32xf32, #tpu.memory_space<vmem_shared>>)
      tpu.yield
    }) : () -> ()
    %mul3A_60 = arith.constant 3128 : i32
    %mul3A_61 = arith.muli %arg1, %mul3A_60 : i32
    %add3A_62 = arith.constant 1904 : i32
    %add3A_63 = arith.addi %mul3A_61, %add3A_62 : i32
    "tpu.region"() ({
      %run_scoped3A = tpu.sem_alloc : memref<!tpu.dma_semaphore, #tpu.memory_space<semaphore_mem>>
      %dma_start3A = arith.constant 0 : i32
      %dma_start3A_108 = tpu.memref_slice %arg9[%add3A_63, %dma_start3A] : memref<50048x32xf32, #tpu.memory_space<vmem_shared>> -> memref<136x32xf32, #tpu.memory_space<vmem_shared>>
      %dma_start3A_109 = arith.constant 0 : i32
      %dma_start3A_110 = tpu.memref_slice %arg9[%add3A_63, %dma_start3A_109] : memref<50048x32xf32, #tpu.memory_space<vmem_shared>> -> memref<136x32xf32, #tpu.memory_space<vmem_shared>>
      tpu.enqueue_dma source(%arg10 : memref<136x32xf32, #tpu.memory_space<vmem>>) target(%dma_start3A_110 : memref<136x32xf32, #tpu.memory_space<vmem_shared>>) target_semaphore(%run_scoped3A : memref<!tpu.dma_semaphore, #tpu.memory_space<semaphore_mem>>)
      %dma_wait3A = arith.constant 0 : i32
      %dma_wait3A_111 = tpu.memref_slice %arg9[%add3A_63, %dma_wait3A] : memref<50048x32xf32, #tpu.memory_space<vmem_shared>> -> memref<136x32xf32, #tpu.memory_space<vmem_shared>>
      %dma_wait3A_112 = arith.constant 0 : i32
      %dma_wait3A_113 = tpu.memref_slice %arg9[%add3A_63, %dma_wait3A_112] : memref<50048x32xf32, #tpu.memory_space<vmem_shared>> -> memref<136x32xf32, #tpu.memory_space<vmem_shared>>
      tpu.wait_dma2 semaphore(%run_scoped3A : memref<!tpu.dma_semaphore, #tpu.memory_space<semaphore_mem>>) src(%arg10 : memref<136x32xf32, #tpu.memory_space<vmem>>) dst(%dma_wait3A_113 : memref<136x32xf32, #tpu.memory_space<vmem_shared>>)
      tpu.yield
    }) : () -> ()
    %mul3A_64 = arith.constant 3128 : i32
    %mul3A_65 = arith.muli %arg1, %mul3A_64 : i32
    %add3A_66 = arith.constant 2040 : i32
    %add3A_67 = arith.addi %mul3A_65, %add3A_66 : i32
    "tpu.region"() ({
      %run_scoped3A = tpu.sem_alloc : memref<!tpu.dma_semaphore, #tpu.memory_space<semaphore_mem>>
      %dma_start3A = arith.constant 0 : i32
      %dma_start3A_108 = tpu.memref_slice %arg9[%add3A_67, %dma_start3A] : memref<50048x32xf32, #tpu.memory_space<vmem_shared>> -> memref<136x32xf32, #tpu.memory_space<vmem_shared>>
      %dma_start3A_109 = arith.constant 0 : i32
      %dma_start3A_110 = tpu.memref_slice %arg9[%add3A_67, %dma_start3A_109] : memref<50048x32xf32, #tpu.memory_space<vmem_shared>> -> memref<136x32xf32, #tpu.memory_space<vmem_shared>>
      tpu.enqueue_dma source(%arg10 : memref<136x32xf32, #tpu.memory_space<vmem>>) target(%dma_start3A_110 : memref<136x32xf32, #tpu.memory_space<vmem_shared>>) target_semaphore(%run_scoped3A : memref<!tpu.dma_semaphore, #tpu.memory_space<semaphore_mem>>)
      %dma_wait3A = arith.constant 0 : i32
      %dma_wait3A_111 = tpu.memref_slice %arg9[%add3A_67, %dma_wait3A] : memref<50048x32xf32, #tpu.memory_space<vmem_shared>> -> memref<136x32xf32, #tpu.memory_space<vmem_shared>>
      %dma_wait3A_112 = arith.constant 0 : i32
      %dma_wait3A_113 = tpu.memref_slice %arg9[%add3A_67, %dma_wait3A_112] : memref<50048x32xf32, #tpu.memory_space<vmem_shared>> -> memref<136x32xf32, #tpu.memory_space<vmem_shared>>
      tpu.wait_dma2 semaphore(%run_scoped3A : memref<!tpu.dma_semaphore, #tpu.memory_space<semaphore_mem>>) src(%arg10 : memref<136x32xf32, #tpu.memory_space<vmem>>) dst(%dma_wait3A_113 : memref<136x32xf32, #tpu.memory_space<vmem_shared>>)
      tpu.yield
    }) : () -> ()
    %mul3A_68 = arith.constant 3128 : i32
    %mul3A_69 = arith.muli %arg1, %mul3A_68 : i32
    %add3A_70 = arith.constant 2176 : i32
    %add3A_71 = arith.addi %mul3A_69, %add3A_70 : i32
    "tpu.region"() ({
      %run_scoped3A = tpu.sem_alloc : memref<!tpu.dma_semaphore, #tpu.memory_space<semaphore_mem>>
      %dma_start3A = arith.constant 0 : i32
      %dma_start3A_108 = tpu.memref_slice %arg9[%add3A_71, %dma_start3A] : memref<50048x32xf32, #tpu.memory_space<vmem_shared>> -> memref<136x32xf32, #tpu.memory_space<vmem_shared>>
      %dma_start3A_109 = arith.constant 0 : i32
      %dma_start3A_110 = tpu.memref_slice %arg9[%add3A_71, %dma_start3A_109] : memref<50048x32xf32, #tpu.memory_space<vmem_shared>> -> memref<136x32xf32, #tpu.memory_space<vmem_shared>>
      tpu.enqueue_dma source(%arg10 : memref<136x32xf32, #tpu.memory_space<vmem>>) target(%dma_start3A_110 : memref<136x32xf32, #tpu.memory_space<vmem_shared>>) target_semaphore(%run_scoped3A : memref<!tpu.dma_semaphore, #tpu.memory_space<semaphore_mem>>)
      %dma_wait3A = arith.constant 0 : i32
      %dma_wait3A_111 = tpu.memref_slice %arg9[%add3A_71, %dma_wait3A] : memref<50048x32xf32, #tpu.memory_space<vmem_shared>> -> memref<136x32xf32, #tpu.memory_space<vmem_shared>>
      %dma_wait3A_112 = arith.constant 0 : i32
      %dma_wait3A_113 = tpu.memref_slice %arg9[%add3A_71, %dma_wait3A_112] : memref<50048x32xf32, #tpu.memory_space<vmem_shared>> -> memref<136x32xf32, #tpu.memory_space<vmem_shared>>
      tpu.wait_dma2 semaphore(%run_scoped3A : memref<!tpu.dma_semaphore, #tpu.memory_space<semaphore_mem>>) src(%arg10 : memref<136x32xf32, #tpu.memory_space<vmem>>) dst(%dma_wait3A_113 : memref<136x32xf32, #tpu.memory_space<vmem_shared>>)
      tpu.yield
    }) : () -> ()
    %mul3A_72 = arith.constant 3128 : i32
    %mul3A_73 = arith.muli %arg1, %mul3A_72 : i32
    %add3A_74 = arith.constant 2312 : i32
    %add3A_75 = arith.addi %mul3A_73, %add3A_74 : i32
    "tpu.region"() ({
      %run_scoped3A = tpu.sem_alloc : memref<!tpu.dma_semaphore, #tpu.memory_space<semaphore_mem>>
      %dma_start3A = arith.constant 0 : i32
      %dma_start3A_108 = tpu.memref_slice %arg9[%add3A_75, %dma_start3A] : memref<50048x32xf32, #tpu.memory_space<vmem_shared>> -> memref<136x32xf32, #tpu.memory_space<vmem_shared>>
      %dma_start3A_109 = arith.constant 0 : i32
      %dma_start3A_110 = tpu.memref_slice %arg9[%add3A_75, %dma_start3A_109] : memref<50048x32xf32, #tpu.memory_space<vmem_shared>> -> memref<136x32xf32, #tpu.memory_space<vmem_shared>>
      tpu.enqueue_dma source(%arg10 : memref<136x32xf32, #tpu.memory_space<vmem>>) target(%dma_start3A_110 : memref<136x32xf32, #tpu.memory_space<vmem_shared>>) target_semaphore(%run_scoped3A : memref<!tpu.dma_semaphore, #tpu.memory_space<semaphore_mem>>)
      %dma_wait3A = arith.constant 0 : i32
      %dma_wait3A_111 = tpu.memref_slice %arg9[%add3A_75, %dma_wait3A] : memref<50048x32xf32, #tpu.memory_space<vmem_shared>> -> memref<136x32xf32, #tpu.memory_space<vmem_shared>>
      %dma_wait3A_112 = arith.constant 0 : i32
      %dma_wait3A_113 = tpu.memref_slice %arg9[%add3A_75, %dma_wait3A_112] : memref<50048x32xf32, #tpu.memory_space<vmem_shared>> -> memref<136x32xf32, #tpu.memory_space<vmem_shared>>
      tpu.wait_dma2 semaphore(%run_scoped3A : memref<!tpu.dma_semaphore, #tpu.memory_space<semaphore_mem>>) src(%arg10 : memref<136x32xf32, #tpu.memory_space<vmem>>) dst(%dma_wait3A_113 : memref<136x32xf32, #tpu.memory_space<vmem_shared>>)
      tpu.yield
    }) : () -> ()
    %mul3A_76 = arith.constant 3128 : i32
    %mul3A_77 = arith.muli %arg1, %mul3A_76 : i32
    %add3A_78 = arith.constant 2448 : i32
    %add3A_79 = arith.addi %mul3A_77, %add3A_78 : i32
    "tpu.region"() ({
      %run_scoped3A = tpu.sem_alloc : memref<!tpu.dma_semaphore, #tpu.memory_space<semaphore_mem>>
      %dma_start3A = arith.constant 0 : i32
      %dma_start3A_108 = tpu.memref_slice %arg9[%add3A_79, %dma_start3A] : memref<50048x32xf32, #tpu.memory_space<vmem_shared>> -> memref<136x32xf32, #tpu.memory_space<vmem_shared>>
      %dma_start3A_109 = arith.constant 0 : i32
      %dma_start3A_110 = tpu.memref_slice %arg9[%add3A_79, %dma_start3A_109] : memref<50048x32xf32, #tpu.memory_space<vmem_shared>> -> memref<136x32xf32, #tpu.memory_space<vmem_shared>>
      tpu.enqueue_dma source(%arg10 : memref<136x32xf32, #tpu.memory_space<vmem>>) target(%dma_start3A_110 : memref<136x32xf32, #tpu.memory_space<vmem_shared>>) target_semaphore(%run_scoped3A : memref<!tpu.dma_semaphore, #tpu.memory_space<semaphore_mem>>)
      %dma_wait3A = arith.constant 0 : i32
      %dma_wait3A_111 = tpu.memref_slice %arg9[%add3A_79, %dma_wait3A] : memref<50048x32xf32, #tpu.memory_space<vmem_shared>> -> memref<136x32xf32, #tpu.memory_space<vmem_shared>>
      %dma_wait3A_112 = arith.constant 0 : i32
      %dma_wait3A_113 = tpu.memref_slice %arg9[%add3A_79, %dma_wait3A_112] : memref<50048x32xf32, #tpu.memory_space<vmem_shared>> -> memref<136x32xf32, #tpu.memory_space<vmem_shared>>
      tpu.wait_dma2 semaphore(%run_scoped3A : memref<!tpu.dma_semaphore, #tpu.memory_space<semaphore_mem>>) src(%arg10 : memref<136x32xf32, #tpu.memory_space<vmem>>) dst(%dma_wait3A_113 : memref<136x32xf32, #tpu.memory_space<vmem_shared>>)
      tpu.yield
    }) : () -> ()
    %mul3A_80 = arith.constant 3128 : i32
    %mul3A_81 = arith.muli %arg1, %mul3A_80 : i32
    %add3A_82 = arith.constant 2584 : i32
    %add3A_83 = arith.addi %mul3A_81, %add3A_82 : i32
    "tpu.region"() ({
      %run_scoped3A = tpu.sem_alloc : memref<!tpu.dma_semaphore, #tpu.memory_space<semaphore_mem>>
      %dma_start3A = arith.constant 0 : i32
      %dma_start3A_108 = tpu.memref_slice %arg9[%add3A_83, %dma_start3A] : memref<50048x32xf32, #tpu.memory_space<vmem_shared>> -> memref<136x32xf32, #tpu.memory_space<vmem_shared>>
      %dma_start3A_109 = arith.constant 0 : i32
      %dma_start3A_110 = tpu.memref_slice %arg9[%add3A_83, %dma_start3A_109] : memref<50048x32xf32, #tpu.memory_space<vmem_shared>> -> memref<136x32xf32, #tpu.memory_space<vmem_shared>>
      tpu.enqueue_dma source(%arg10 : memref<136x32xf32, #tpu.memory_space<vmem>>) target(%dma_start3A_110 : memref<136x32xf32, #tpu.memory_space<vmem_shared>>) target_semaphore(%run_scoped3A : memref<!tpu.dma_semaphore, #tpu.memory_space<semaphore_mem>>)
      %dma_wait3A = arith.constant 0 : i32
      %dma_wait3A_111 = tpu.memref_slice %arg9[%add3A_83, %dma_wait3A] : memref<50048x32xf32, #tpu.memory_space<vmem_shared>> -> memref<136x32xf32, #tpu.memory_space<vmem_shared>>
      %dma_wait3A_112 = arith.constant 0 : i32
      %dma_wait3A_113 = tpu.memref_slice %arg9[%add3A_83, %dma_wait3A_112] : memref<50048x32xf32, #tpu.memory_space<vmem_shared>> -> memref<136x32xf32, #tpu.memory_space<vmem_shared>>
      tpu.wait_dma2 semaphore(%run_scoped3A : memref<!tpu.dma_semaphore, #tpu.memory_space<semaphore_mem>>) src(%arg10 : memref<136x32xf32, #tpu.memory_space<vmem>>) dst(%dma_wait3A_113 : memref<136x32xf32, #tpu.memory_space<vmem_shared>>)
      tpu.yield
    }) : () -> ()
    %mul3A_84 = arith.constant 3128 : i32
    %mul3A_85 = arith.muli %arg1, %mul3A_84 : i32
    %add3A_86 = arith.constant 2720 : i32
    %add3A_87 = arith.addi %mul3A_85, %add3A_86 : i32
    "tpu.region"() ({
      %run_scoped3A = tpu.sem_alloc : memref<!tpu.dma_semaphore, #tpu.memory_space<semaphore_mem>>
      %dma_start3A = arith.constant 0 : i32
      %dma_start3A_108 = tpu.memref_slice %arg9[%add3A_87, %dma_start3A] : memref<50048x32xf32, #tpu.memory_space<vmem_shared>> -> memref<136x32xf32, #tpu.memory_space<vmem_shared>>
      %dma_start3A_109 = arith.constant 0 : i32
      %dma_start3A_110 = tpu.memref_slice %arg9[%add3A_87, %dma_start3A_109] : memref<50048x32xf32, #tpu.memory_space<vmem_shared>> -> memref<136x32xf32, #tpu.memory_space<vmem_shared>>
      tpu.enqueue_dma source(%arg10 : memref<136x32xf32, #tpu.memory_space<vmem>>) target(%dma_start3A_110 : memref<136x32xf32, #tpu.memory_space<vmem_shared>>) target_semaphore(%run_scoped3A : memref<!tpu.dma_semaphore, #tpu.memory_space<semaphore_mem>>)
      %dma_wait3A = arith.constant 0 : i32
      %dma_wait3A_111 = tpu.memref_slice %arg9[%add3A_87, %dma_wait3A] : memref<50048x32xf32, #tpu.memory_space<vmem_shared>> -> memref<136x32xf32, #tpu.memory_space<vmem_shared>>
      %dma_wait3A_112 = arith.constant 0 : i32
      %dma_wait3A_113 = tpu.memref_slice %arg9[%add3A_87, %dma_wait3A_112] : memref<50048x32xf32, #tpu.memory_space<vmem_shared>> -> memref<136x32xf32, #tpu.memory_space<vmem_shared>>
      tpu.wait_dma2 semaphore(%run_scoped3A : memref<!tpu.dma_semaphore, #tpu.memory_space<semaphore_mem>>) src(%arg10 : memref<136x32xf32, #tpu.memory_space<vmem>>) dst(%dma_wait3A_113 : memref<136x32xf32, #tpu.memory_space<vmem_shared>>)
      tpu.yield
    }) : () -> ()
    %mul3A_88 = arith.constant 3128 : i32
    %mul3A_89 = arith.muli %arg1, %mul3A_88 : i32
    %add3A_90 = arith.constant 2856 : i32
    %add3A_91 = arith.addi %mul3A_89, %add3A_90 : i32
    "tpu.region"() ({
      %run_scoped3A = tpu.sem_alloc : memref<!tpu.dma_semaphore, #tpu.memory_space<semaphore_mem>>
      %dma_start3A = arith.constant 0 : i32
      %dma_start3A_108 = tpu.memref_slice %arg9[%add3A_91, %dma_start3A] : memref<50048x32xf32, #tpu.memory_space<vmem_shared>> -> memref<136x32xf32, #tpu.memory_space<vmem_shared>>
      %dma_start3A_109 = arith.constant 0 : i32
      %dma_start3A_110 = tpu.memref_slice %arg9[%add3A_91, %dma_start3A_109] : memref<50048x32xf32, #tpu.memory_space<vmem_shared>> -> memref<136x32xf32, #tpu.memory_space<vmem_shared>>
      tpu.enqueue_dma source(%arg10 : memref<136x32xf32, #tpu.memory_space<vmem>>) target(%dma_start3A_110 : memref<136x32xf32, #tpu.memory_space<vmem_shared>>) target_semaphore(%run_scoped3A : memref<!tpu.dma_semaphore, #tpu.memory_space<semaphore_mem>>)
      %dma_wait3A = arith.constant 0 : i32
      %dma_wait3A_111 = tpu.memref_slice %arg9[%add3A_91, %dma_wait3A] : memref<50048x32xf32, #tpu.memory_space<vmem_shared>> -> memref<136x32xf32, #tpu.memory_space<vmem_shared>>
      %dma_wait3A_112 = arith.constant 0 : i32
      %dma_wait3A_113 = tpu.memref_slice %arg9[%add3A_91, %dma_wait3A_112] : memref<50048x32xf32, #tpu.memory_space<vmem_shared>> -> memref<136x32xf32, #tpu.memory_space<vmem_shared>>
      tpu.wait_dma2 semaphore(%run_scoped3A : memref<!tpu.dma_semaphore, #tpu.memory_space<semaphore_mem>>) src(%arg10 : memref<136x32xf32, #tpu.memory_space<vmem>>) dst(%dma_wait3A_113 : memref<136x32xf32, #tpu.memory_space<vmem_shared>>)
      tpu.yield
    }) : () -> ()
    %mul3A_92 = arith.constant 3128 : i32
    %mul3A_93 = arith.muli %arg1, %mul3A_92 : i32
    %add3A_94 = arith.constant 2992 : i32
    %add3A_95 = arith.addi %mul3A_93, %add3A_94 : i32
    "tpu.region"() ({
      %run_scoped3A = tpu.sem_alloc : memref<!tpu.dma_semaphore, #tpu.memory_space<semaphore_mem>>
      %dma_start3A = arith.constant 0 : i32
      %dma_start3A_108 = tpu.memref_slice %arg9[%add3A_95, %dma_start3A] : memref<50048x32xf32, #tpu.memory_space<vmem_shared>> -> memref<136x32xf32, #tpu.memory_space<vmem_shared>>
      %dma_start3A_109 = arith.constant 0 : i32
      %dma_start3A_110 = tpu.memref_slice %arg9[%add3A_95, %dma_start3A_109] : memref<50048x32xf32, #tpu.memory_space<vmem_shared>> -> memref<136x32xf32, #tpu.memory_space<vmem_shared>>
      tpu.enqueue_dma source(%arg10 : memref<136x32xf32, #tpu.memory_space<vmem>>) target(%dma_start3A_110 : memref<136x32xf32, #tpu.memory_space<vmem_shared>>) target_semaphore(%run_scoped3A : memref<!tpu.dma_semaphore, #tpu.memory_space<semaphore_mem>>)
      %dma_wait3A = arith.constant 0 : i32
      %dma_wait3A_111 = tpu.memref_slice %arg9[%add3A_95, %dma_wait3A] : memref<50048x32xf32, #tpu.memory_space<vmem_shared>> -> memref<136x32xf32, #tpu.memory_space<vmem_shared>>
      %dma_wait3A_112 = arith.constant 0 : i32
      %dma_wait3A_113 = tpu.memref_slice %arg9[%add3A_95, %dma_wait3A_112] : memref<50048x32xf32, #tpu.memory_space<vmem_shared>> -> memref<136x32xf32, #tpu.memory_space<vmem_shared>>
      tpu.wait_dma2 semaphore(%run_scoped3A : memref<!tpu.dma_semaphore, #tpu.memory_space<semaphore_mem>>) src(%arg10 : memref<136x32xf32, #tpu.memory_space<vmem>>) dst(%dma_wait3A_113 : memref<136x32xf32, #tpu.memory_space<vmem_shared>>)
      tpu.yield
    }) : () -> ()
    %barrier3A = arith.constant 0 : index
    tpu.barrier barrier_id(%barrier3A)
    %scan3A_96 = arith.constant 0 : i32
    %scan3A_97 = arith.constant 0 : i32
    %scan3A_98 = arith.constant 391 : i32
    %scan3A_99 = arith.addi %scan3A_97, %scan3A_98 : i32
    %scan3A_100 = arith.constant 1 : i32
    scf.for %scan3A_108 = %scan3A_97 to %scan3A_99 step %scan3A_100  : i32 {
      %mul3A_109 = arith.constant 16 : i32
      %mul3A_110 = arith.muli %scan3A_108, %mul3A_109 : i32
      %add3A_111 = arith.addi %mul3A_110, %arg1 : i32
      %lt3A = arith.constant 6250 : i32
      %lt3A_112 = arith.cmpi slt, %add3A_111, %lt3A : i32
      %convert_element_type3A = arith.extui %lt3A_112 : i1 to i32
      %cond3A = arith.constant 0 : i32
      %cond3A_113 = arith.cmpi ne, %convert_element_type3A, %cond3A : i32
      scf.if %cond3A_113 {
        %mul3A_114 = arith.constant 128 : i32
        %mul3A_115 = arith.muli %add3A_111, %mul3A_114 : i32
        "tpu.region"() ({
          %run_scoped3A = tpu.sem_alloc : memref<!tpu.dma_semaphore, #tpu.memory_space<semaphore_mem>>
          %dma_start3A_192 = tpu.memref_slice %arg3[%mul3A_115] : memref<800000xi32, #tpu.memory_space<hbm>> -> memref<128xi32, #tpu.memory_space<hbm>>
          %dma_start3A_193 = tpu.memref_slice %arg3[%mul3A_115] : memref<800000xi32, #tpu.memory_space<hbm>> -> memref<128xi32, #tpu.memory_space<hbm>>
          tpu.enqueue_dma source(%dma_start3A_193 : memref<128xi32, #tpu.memory_space<hbm>>) target(%arg6 : memref<128xi32, #tpu.memory_space<vmem>>) target_semaphore(%run_scoped3A : memref<!tpu.dma_semaphore, #tpu.memory_space<semaphore_mem>>)
          %dma_wait3A_194 = tpu.memref_slice %arg3[%mul3A_115] : memref<800000xi32, #tpu.memory_space<hbm>> -> memref<128xi32, #tpu.memory_space<hbm>>
          %dma_wait3A_195 = tpu.memref_slice %arg3[%mul3A_115] : memref<800000xi32, #tpu.memory_space<hbm>> -> memref<128xi32, #tpu.memory_space<hbm>>
          tpu.wait_dma2 semaphore(%run_scoped3A : memref<!tpu.dma_semaphore, #tpu.memory_space<semaphore_mem>>) src(%dma_wait3A_195 : memref<128xi32, #tpu.memory_space<hbm>>) dst(%arg6 : memref<128xi32, #tpu.memory_space<vmem>>)
          tpu.yield
        }) : () -> ()
        "tpu.region"() ({
          %run_scoped3A = tpu.sem_alloc : memref<!tpu.dma_semaphore, #tpu.memory_space<semaphore_mem>>
          %dma_start3A_192 = tpu.memref_slice %arg4[%mul3A_115] : memref<800000xi32, #tpu.memory_space<hbm>> -> memref<128xi32, #tpu.memory_space<hbm>>
          %dma_start3A_193 = tpu.memref_slice %arg4[%mul3A_115] : memref<800000xi32, #tpu.memory_space<hbm>> -> memref<128xi32, #tpu.memory_space<hbm>>
          tpu.enqueue_dma source(%dma_start3A_193 : memref<128xi32, #tpu.memory_space<hbm>>) target(%arg7 : memref<128xi32, #tpu.memory_space<vmem>>) target_semaphore(%run_scoped3A : memref<!tpu.dma_semaphore, #tpu.memory_space<semaphore_mem>>)
          %dma_wait3A_194 = tpu.memref_slice %arg4[%mul3A_115] : memref<800000xi32, #tpu.memory_space<hbm>> -> memref<128xi32, #tpu.memory_space<hbm>>
          %dma_wait3A_195 = tpu.memref_slice %arg4[%mul3A_115] : memref<800000xi32, #tpu.memory_space<hbm>> -> memref<128xi32, #tpu.memory_space<hbm>>
          tpu.wait_dma2 semaphore(%run_scoped3A : memref<!tpu.dma_semaphore, #tpu.memory_space<semaphore_mem>>) src(%dma_wait3A_195 : memref<128xi32, #tpu.memory_space<hbm>>) dst(%arg7 : memref<128xi32, #tpu.memory_space<vmem>>)
          tpu.yield
        }) : () -> ()
        %mul3A_116 = arith.constant 50000 : i32
        %mul3A_117 = arith.muli %arg0, %mul3A_116 : i32
        %get3A = arith.constant 0 : index
        %get3A_118 = tpu.vector_load %arg6[%get3A] {strides = array<i32>} : memref<128xi32, #tpu.memory_space<vmem>>, vector<16xi32>,
        %get3A_119 = vector.shape_cast %get3A_118 : vector<16xi32> to vector<16xi32>
        %add3A_120 = vector.broadcast %mul3A_117 : i32 to vector<16xi32>
        %add3A_121 = arith.addi %get3A_119, %add3A_120 : vector<16xi32>
        %swap3A = arith.constant 0 : index
        %swap3A_122 = tpu.vector_load %arg6[%swap3A] {strides = array<i32>} : memref<128xi32, #tpu.memory_space<vmem>>, vector<16xi32>,
        %swap3A_123 = vector.shape_cast %swap3A_122 : vector<16xi32> to vector<16xi32>
        %swap3A_124 = vector.shape_cast %add3A_121 : vector<16xi32> to vector<16xi32>
        tpu.vector_store %arg6[%swap3A], %swap3A_124 {strides = array<i32>} : memref<128xi32, #tpu.memory_space<vmem>>, vector<16xi32>,
        %get3A_125 = arith.constant 16 : index
        %get3A_126 = tpu.vector_load %arg6[%get3A_125] {strides = array<i32>} : memref<128xi32, #tpu.memory_space<vmem>>, vector<16xi32>,
        %get3A_127 = vector.shape_cast %get3A_126 : vector<16xi32> to vector<16xi32>
        %add3A_128 = vector.broadcast %mul3A_117 : i32 to vector<16xi32>
        %add3A_129 = arith.addi %get3A_127, %add3A_128 : vector<16xi32>
        %swap3A_130 = arith.constant 16 : index
        %swap3A_131 = tpu.vector_load %arg6[%swap3A_130] {strides = array<i32>} : memref<128xi32, #tpu.memory_space<vmem>>, vector<16xi32>,
        %swap3A_132 = vector.shape_cast %swap3A_131 : vector<16xi32> to vector<16xi32>
        %swap3A_133 = vector.shape_cast %add3A_129 : vector<16xi32> to vector<16xi32>
        tpu.vector_store %arg6[%swap3A_130], %swap3A_133 {strides = array<i32>} : memref<128xi32, #tpu.memory_space<vmem>>, vector<16xi32>,
        %get3A_134 = arith.constant 32 : index
        %get3A_135 = tpu.vector_load %arg6[%get3A_134] {strides = array<i32>} : memref<128xi32, #tpu.memory_space<vmem>>, vector<16xi32>,
        %get3A_136 = vector.shape_cast %get3A_135 : vector<16xi32> to vector<16xi32>
        %add3A_137 = vector.broadcast %mul3A_117 : i32 to vector<16xi32>
        %add3A_138 = arith.addi %get3A_136, %add3A_137 : vector<16xi32>
        %swap3A_139 = arith.constant 32 : index
        %swap3A_140 = tpu.vector_load %arg6[%swap3A_139] {strides = array<i32>} : memref<128xi32, #tpu.memory_space<vmem>>, vector<16xi32>,
        %swap3A_141 = vector.shape_cast %swap3A_140 : vector<16xi32> to vector<16xi32>
        %swap3A_142 = vector.shape_cast %add3A_138 : vector<16xi32> to vector<16xi32>
        tpu.vector_store %arg6[%swap3A_139], %swap3A_142 {strides = array<i32>} : memref<128xi32, #tpu.memory_space<vmem>>, vector<16xi32>,
        %get3A_143 = arith.constant 48 : index
        %get3A_144 = tpu.vector_load %arg6[%get3A_143] {strides = array<i32>} : memref<128xi32, #tpu.memory_space<vmem>>, vector<16xi32>,
        %get3A_145 = vector.shape_cast %get3A_144 : vector<16xi32> to vector<16xi32>
        %add3A_146 = vector.broadcast %mul3A_117 : i32 to vector<16xi32>
        %add3A_147 = arith.addi %get3A_145, %add3A_146 : vector<16xi32>
        %swap3A_148 = arith.constant 48 : index
        %swap3A_149 = tpu.vector_load %arg6[%swap3A_148] {strides = array<i32>} : memref<128xi32, #tpu.memory_space<vmem>>, vector<16xi32>,
        %swap3A_150 = vector.shape_cast %swap3A_149 : vector<16xi32> to vector<16xi32>
        %swap3A_151 = vector.shape_cast %add3A_147 : vector<16xi32> to vector<16xi32>
        tpu.vector_store %arg6[%swap3A_148], %swap3A_151 {strides = array<i32>} : memref<128xi32, #tpu.memory_space<vmem>>, vector<16xi32>,
        %get3A_152 = arith.constant 64 : index
        %get3A_153 = tpu.vector_load %arg6[%get3A_152] {strides = array<i32>} : memref<128xi32, #tpu.memory_space<vmem>>, vector<16xi32>,
        %get3A_154 = vector.shape_cast %get3A_153 : vector<16xi32> to vector<16xi32>
        %add3A_155 = vector.broadcast %mul3A_117 : i32 to vector<16xi32>
        %add3A_156 = arith.addi %get3A_154, %add3A_155 : vector<16xi32>
        %swap3A_157 = arith.constant 64 : index
        %swap3A_158 = tpu.vector_load %arg6[%swap3A_157] {strides = array<i32>} : memref<128xi32, #tpu.memory_space<vmem>>, vector<16xi32>,
        %swap3A_159 = vector.shape_cast %swap3A_158 : vector<16xi32> to vector<16xi32>
        %swap3A_160 = vector.shape_cast %add3A_156 : vector<16xi32> to vector<16xi32>
        tpu.vector_store %arg6[%swap3A_157], %swap3A_160 {strides = array<i32>} : memref<128xi32, #tpu.memory_space<vmem>>, vector<16xi32>,
        %get3A_161 = arith.constant 80 : index
        %get3A_162 = tpu.vector_load %arg6[%get3A_161] {strides = array<i32>} : memref<128xi32, #tpu.memory_space<vmem>>, vector<16xi32>,
        %get3A_163 = vector.shape_cast %get3A_162 : vector<16xi32> to vector<16xi32>
        %add3A_164 = vector.broadcast %mul3A_117 : i32 to vector<16xi32>
        %add3A_165 = arith.addi %get3A_163, %add3A_164 : vector<16xi32>
        %swap3A_166 = arith.constant 80 : index
        %swap3A_167 = tpu.vector_load %arg6[%swap3A_166] {strides = array<i32>} : memref<128xi32, #tpu.memory_space<vmem>>, vector<16xi32>,
        %swap3A_168 = vector.shape_cast %swap3A_167 : vector<16xi32> to vector<16xi32>
        %swap3A_169 = vector.shape_cast %add3A_165 : vector<16xi32> to vector<16xi32>
        tpu.vector_store %arg6[%swap3A_166], %swap3A_169 {strides = array<i32>} : memref<128xi32, #tpu.memory_space<vmem>>, vector<16xi32>,
        %get3A_170 = arith.constant 96 : index
        %get3A_171 = tpu.vector_load %arg6[%get3A_170] {strides = array<i32>} : memref<128xi32, #tpu.memory_space<vmem>>, vector<16xi32>,
        %get3A_172 = vector.shape_cast %get3A_171 : vector<16xi32> to vector<16xi32>
        %add3A_173 = vector.broadcast %mul3A_117 : i32 to vector<16xi32>
        %add3A_174 = arith.addi %get3A_172, %add3A_173 : vector<16xi32>
        %swap3A_175 = arith.constant 96 : index
        %swap3A_176 = tpu.vector_load %arg6[%swap3A_175] {strides = array<i32>} : memref<128xi32, #tpu.memory_space<vmem>>, vector<16xi32>,
        %swap3A_177 = vector.shape_cast %swap3A_176 : vector<16xi32> to vector<16xi32>
        %swap3A_178 = vector.shape_cast %add3A_174 : vector<16xi32> to vector<16xi32>
        tpu.vector_store %arg6[%swap3A_175], %swap3A_178 {strides = array<i32>} : memref<128xi32, #tpu.memory_space<vmem>>, vector<16xi32>,
        %get3A_179 = arith.constant 112 : index
        %get3A_180 = tpu.vector_load %arg6[%get3A_179] {strides = array<i32>} : memref<128xi32, #tpu.memory_space<vmem>>, vector<16xi32>,
        %get3A_181 = vector.shape_cast %get3A_180 : vector<16xi32> to vector<16xi32>
        %add3A_182 = vector.broadcast %mul3A_117 : i32 to vector<16xi32>
        %add3A_183 = arith.addi %get3A_181, %add3A_182 : vector<16xi32>
        %swap3A_184 = arith.constant 112 : index
        %swap3A_185 = tpu.vector_load %arg6[%swap3A_184] {strides = array<i32>} : memref<128xi32, #tpu.memory_space<vmem>>, vector<16xi32>,
        %swap3A_186 = vector.shape_cast %swap3A_185 : vector<16xi32> to vector<16xi32>
        %swap3A_187 = vector.shape_cast %add3A_183 : vector<16xi32> to vector<16xi32>
        tpu.vector_store %arg6[%swap3A_184], %swap3A_187 {strides = array<i32>} : memref<128xi32, #tpu.memory_space<vmem>>, vector<16xi32>,
        %dma_start3A = arith.constant 0 : i32
        %dma_start3A_188 = arith.constant 0 : i32
        %dma_start3A_189 = tpu.memref_slice %arg2[%dma_start3A, %dma_start3A_188] : memref<100000x32xf32, #tpu.memory_space<hbm>> -> memref<100000x32xf32, #tpu.memory_space<hbm>>
        tpu.enqueue_indirect_dma source(%dma_start3A_189 : memref<100000x32xf32, #tpu.memory_space<hbm>>) target(%arg8 : memref<128x32xf32, #tpu.memory_space<vmem>>) offsets(%arg6 : memref<128xi32, #tpu.memory_space<vmem>>) semaphore(%arg11 : memref<!tpu.dma_semaphore, #tpu.memory_space<semaphore_mem>>)
        %dma_wait3A = arith.constant 0 : i32
        %dma_wait3A_190 = arith.constant 0 : i32
        %dma_wait3A_191 = tpu.memref_slice %arg2[%dma_wait3A, %dma_wait3A_190] : memref<100000x32xf32, #tpu.memory_space<hbm>> -> memref<100000x32xf32, #tpu.memory_space<hbm>>
        tpu.wait_indirect_dma semaphore(%arg11 : memref<!tpu.dma_semaphore, #tpu.memory_space<semaphore_mem>>) src(%dma_wait3A_191 : memref<100000x32xf32, #tpu.memory_space<hbm>>) dst(%arg8 : memref<128x32xf32, #tpu.memory_space<vmem>>)
        "tpu.region"() ({
          %run_scoped3A = tpu.sem_alloc : memref<!tpu.dma_semaphore, #tpu.memory_space<semaphore_mem>>
          %dma_start3A_192 = arith.constant 0 : i32
          %dma_start3A_193 = arith.constant 0 : i32
          %dma_start3A_194 = tpu.memref_slice %arg9[%dma_start3A_192, %dma_start3A_193] : memref<50048x32xf32, #tpu.memory_space<vmem_shared>> -> memref<50048x32xf32, #tpu.memory_space<vmem_shared>>
          tpu.enqueue_indirect_dma source(%arg8 : memref<128x32xf32, #tpu.memory_space<vmem>>) target(%dma_start3A_194 : memref<50048x32xf32, #tpu.memory_space<vmem_shared>>) offsets(%arg7 : memref<128xi32, #tpu.memory_space<vmem>>) semaphore(%run_scoped3A : memref<!tpu.dma_semaphore, #tpu.memory_space<semaphore_mem>>) {add = true}
          %dma_wait3A_195 = arith.constant 0 : i32
          %dma_wait3A_196 = arith.constant 0 : i32
          %dma_wait3A_197 = tpu.memref_slice %arg9[%dma_wait3A_195, %dma_wait3A_196] : memref<50048x32xf32, #tpu.memory_space<vmem_shared>> -> memref<50048x32xf32, #tpu.memory_space<vmem_shared>>
          tpu.wait_indirect_dma semaphore(%run_scoped3A : memref<!tpu.dma_semaphore, #tpu.memory_space<semaphore_mem>>) src(%arg8 : memref<128x32xf32, #tpu.memory_space<vmem>>) dst(%dma_wait3A_197 : memref<50048x32xf32, #tpu.memory_space<vmem_shared>>)
          tpu.yield
        }) : () -> ()
      } else {
      }
    }
    %scan3A_101 = arith.constant 391 : i32
    %barrier3A_102 = arith.constant 0 : index
    tpu.barrier barrier_id(%barrier3A_102)
    %mul3A_103 = arith.constant 3128 : i32
    %mul3A_104 = arith.muli %arg1, %mul3A_103 : i32
    %mul3A_105 = arith.constant 50048 : i32
    %mul3A_106 = arith.muli %arg0, %mul3A_105 : i32
    %add3A_107 = arith.addi %mul3A_106, %mul3A_104 : i32
    "tpu.region"() ({
      %run_scoped3A = tpu.sem_alloc : memref<!tpu.dma_semaphore, #tpu.memory_space<semaphore_mem>>
      %dma_start3A = arith.constant 0 : i32
      %dma_start3A_108 = tpu.memref_slice %arg5[%add3A_107, %dma_start3A] : memref<100096x32xf32, #tpu.memory_space<hbm>> -> memref<3128x32xf32, #tpu.memory_space<hbm>>
      %dma_start3A_109 = arith.constant 0 : i32
      %dma_start3A_110 = tpu.memref_slice %arg9[%mul3A_104, %dma_start3A_109] : memref<50048x32xf32, #tpu.memory_space<vmem_shared>> -> memref<3128x32xf32, #tpu.memory_space<vmem_shared>>
      tpu.enqueue_dma source(%dma_start3A_110 : memref<3128x32xf32, #tpu.memory_space<vmem_shared>>) target(%dma_start3A_108 : memref<3128x32xf32, #tpu.memory_space<hbm>>) target_semaphore(%run_scoped3A : memref<!tpu.dma_semaphore, #tpu.memory_space<semaphore_mem>>)
      %dma_wait3A = arith.constant 0 : i32
      %dma_wait3A_111 = tpu.memref_slice %arg5[%add3A_107, %dma_wait3A] : memref<100096x32xf32, #tpu.memory_space<hbm>> -> memref<3128x32xf32, #tpu.memory_space<hbm>>
      %dma_wait3A_112 = arith.constant 0 : i32
      %dma_wait3A_113 = tpu.memref_slice %arg9[%mul3A_104, %dma_wait3A_112] : memref<50048x32xf32, #tpu.memory_space<vmem_shared>> -> memref<3128x32xf32, #tpu.memory_space<vmem_shared>>
      tpu.wait_dma2 semaphore(%run_scoped3A : memref<!tpu.dma_semaphore, #tpu.memory_space<semaphore_mem>>) src(%dma_wait3A_113 : memref<3128x32xf32, #tpu.memory_space<vmem_shared>>) dst(%dma_wait3A_111 : memref<3128x32xf32, #tpu.memory_space<hbm>>)
      tpu.yield
    }) : () -> ()
    return
  }
}

#map = affine_map<(d0, d1) -> (0, 0)>
#map1 = affine_map<(d0, d1) -> (0)>
module attributes {stable_mosaic.version = 14 : i64} {
  func.func @_agg_sc(%arg0: i32, %arg1: i32, %arg2: memref<100000x32xf32, #tpu.memory_space<hbm>>, %arg3: memref<800000xi32, #tpu.memory_space<hbm>>, %arg4: memref<800000xi32, #tpu.memory_space<hbm>>, %arg5: memref<100096x32xf32, #tpu.memory_space<hbm>>, %arg6: memref<128xi32, #tpu.memory_space<vmem>>, %arg7: memref<128xi32, #tpu.memory_space<vmem>>, %arg8: memref<128x32xf32, #tpu.memory_space<vmem>>, %arg9: memref<50048x32xf32, #tpu.memory_space<vmem_shared>>, %arg10: memref<136x32xf32, #tpu.memory_space<vmem>>, %arg11: memref<!tpu.dma_semaphore, #tpu.memory_space<semaphore_mem>>) attributes {dimension_semantics = [#tpu.dimension_semantics<core_parallel>, #tpu.dimension_semantics<subcore_parallel>], iteration_bounds = array<i64: 2, 16>, scalar_prefetch = 0 : i64, scratch_operands = 6 : i64, tpu.core_type = #tpu.core_type<sc_vector_subcore>, window_params = [{transform_indices = #map}, {transform_indices = #map1}, {transform_indices = #map1}, {transform_indices = #map}]} {
    %broadcast_in_dim3A = arith.constant 0.000000e+00 : f32
    %broadcast_in_dim3A_0 = vector.broadcast %broadcast_in_dim3A : f32 to vector<16xf32>
    %scan3A = arith.constant 0 : i32
    %scan3A_1 = arith.constant 0 : i32
    %scan3A_2 = arith.constant 136 : i32
    %scan3A_3 = arith.addi %scan3A_1, %scan3A_2 : i32
    %scan3A_4 = arith.constant 1 : i32
    scf.for %scan3A_108 = %scan3A_1 to %scan3A_3 step %scan3A_4  : i32 {
      %swap3A = arith.index_cast %scan3A_108 : i32 to index
      %swap3A_109 = arith.constant 0 : index
      %swap3A_110 = tpu.vector_load %arg10[%swap3A, %swap3A_109] {strides = array<i32>} : memref<136x32xf32, #tpu.memory_space<vmem>>, vector<1x16xf32>,
      %swap3A_111 = vector.shape_cast %swap3A_110 : vector<1x16xf32> to vector<16xf32>
      %swap3A_112 = vector.shape_cast %broadcast_in_dim3A_0 : vector<16xf32> to vector<1x16xf32>
      tpu.vector_store %arg10[%swap3A, %swap3A_109], %swap3A_112 {strides = array<i32>} : memref<136x32xf32, #tpu.memory_space<vmem>>, vector<1x16xf32>,
      %swap3A_113 = arith.index_cast %scan3A_108 : i32 to index
      %swap3A_114 = arith.constant 16 : index
      %swap3A_115 = tpu.vector_load %arg10[%swap3A_113, %swap3A_114] {strides = array<i32>} : memref<136x32xf32, #tpu.memory_space<vmem>>, vector<1x16xf32>,
      %swap3A_116 = vector.shape_cast %swap3A_115 : vector<1x16xf32> to vector<16xf32>
      %swap3A_117 = vector.shape_cast %broadcast_in_dim3A_0 : vector<16xf32> to vector<1x16xf32>
      tpu.vector_store %arg10[%swap3A_113, %swap3A_114], %swap3A_117 {strides = array<i32>} : memref<136x32xf32, #tpu.memory_space<vmem>>, vector<1x16xf32>,
    }
    %scan3A_5 = arith.constant 136 : i32
    %mul3A = arith.constant 3128 : i32
    %mul3A_6 = arith.muli %arg1, %mul3A : i32
    %add3A = arith.constant 0 : i32
    %add3A_7 = arith.addi %mul3A_6, %add3A : i32
    "tpu.region"() ({
      %run_scoped3A = tpu.sem_alloc : memref<!tpu.dma_semaphore, #tpu.memory_space<semaphore_mem>>
      %dma_start3A = arith.constant 0 : i32
      %dma_start3A_108 = tpu.memref_slice %arg9[%add3A_7, %dma_start3A] : memref<50048x32xf32, #tpu.memory_space<vmem_shared>> -> memref<136x32xf32, #tpu.memory_space<vmem_shared>>
      %dma_start3A_109 = arith.constant 0 : i32
      %dma_start3A_110 = tpu.memref_slice %arg9[%add3A_7, %dma_start3A_109] : memref<50048x32xf32, #tpu.memory_space<vmem_shared>> -> memref<136x32xf32, #tpu.memory_space<vmem_shared>>
      tpu.enqueue_dma source(%arg10 : memref<136x32xf32, #tpu.memory_space<vmem>>) target(%dma_start3A_110 : memref<136x32xf32, #tpu.memory_space<vmem_shared>>) target_semaphore(%run_scoped3A : memref<!tpu.dma_semaphore, #tpu.memory_space<semaphore_mem>>)
      %dma_wait3A = arith.constant 0 : i32
      %dma_wait3A_111 = tpu.memref_slice %arg9[%add3A_7, %dma_wait3A] : memref<50048x32xf32, #tpu.memory_space<vmem_shared>> -> memref<136x32xf32, #tpu.memory_space<vmem_shared>>
      %dma_wait3A_112 = arith.constant 0 : i32
      %dma_wait3A_113 = tpu.memref_slice %arg9[%add3A_7, %dma_wait3A_112] : memref<50048x32xf32, #tpu.memory_space<vmem_shared>> -> memref<136x32xf32, #tpu.memory_space<vmem_shared>>
      tpu.wait_dma2 semaphore(%run_scoped3A : memref<!tpu.dma_semaphore, #tpu.memory_space<semaphore_mem>>) src(%arg10 : memref<136x32xf32, #tpu.memory_space<vmem>>) dst(%dma_wait3A_113 : memref<136x32xf32, #tpu.memory_space<vmem_shared>>)
      tpu.yield
    }) : () -> ()
    %mul3A_8 = arith.constant 3128 : i32
    %mul3A_9 = arith.muli %arg1, %mul3A_8 : i32
    %add3A_10 = arith.constant 136 : i32
    %add3A_11 = arith.addi %mul3A_9, %add3A_10 : i32
    "tpu.region"() ({
      %run_scoped3A = tpu.sem_alloc : memref<!tpu.dma_semaphore, #tpu.memory_space<semaphore_mem>>
      %dma_start3A = arith.constant 0 : i32
      %dma_start3A_108 = tpu.memref_slice %arg9[%add3A_11, %dma_start3A] : memref<50048x32xf32, #tpu.memory_space<vmem_shared>> -> memref<136x32xf32, #tpu.memory_space<vmem_shared>>
      %dma_start3A_109 = arith.constant 0 : i32
      %dma_start3A_110 = tpu.memref_slice %arg9[%add3A_11, %dma_start3A_109] : memref<50048x32xf32, #tpu.memory_space<vmem_shared>> -> memref<136x32xf32, #tpu.memory_space<vmem_shared>>
      tpu.enqueue_dma source(%arg10 : memref<136x32xf32, #tpu.memory_space<vmem>>) target(%dma_start3A_110 : memref<136x32xf32, #tpu.memory_space<vmem_shared>>) target_semaphore(%run_scoped3A : memref<!tpu.dma_semaphore, #tpu.memory_space<semaphore_mem>>)
      %dma_wait3A = arith.constant 0 : i32
      %dma_wait3A_111 = tpu.memref_slice %arg9[%add3A_11, %dma_wait3A] : memref<50048x32xf32, #tpu.memory_space<vmem_shared>> -> memref<136x32xf32, #tpu.memory_space<vmem_shared>>
      %dma_wait3A_112 = arith.constant 0 : i32
      %dma_wait3A_113 = tpu.memref_slice %arg9[%add3A_11, %dma_wait3A_112] : memref<50048x32xf32, #tpu.memory_space<vmem_shared>> -> memref<136x32xf32, #tpu.memory_space<vmem_shared>>
      tpu.wait_dma2 semaphore(%run_scoped3A : memref<!tpu.dma_semaphore, #tpu.memory_space<semaphore_mem>>) src(%arg10 : memref<136x32xf32, #tpu.memory_space<vmem>>) dst(%dma_wait3A_113 : memref<136x32xf32, #tpu.memory_space<vmem_shared>>)
      tpu.yield
    }) : () -> ()
    %mul3A_12 = arith.constant 3128 : i32
    %mul3A_13 = arith.muli %arg1, %mul3A_12 : i32
    %add3A_14 = arith.constant 272 : i32
    %add3A_15 = arith.addi %mul3A_13, %add3A_14 : i32
    "tpu.region"() ({
      %run_scoped3A = tpu.sem_alloc : memref<!tpu.dma_semaphore, #tpu.memory_space<semaphore_mem>>
      %dma_start3A = arith.constant 0 : i32
      %dma_start3A_108 = tpu.memref_slice %arg9[%add3A_15, %dma_start3A] : memref<50048x32xf32, #tpu.memory_space<vmem_shared>> -> memref<136x32xf32, #tpu.memory_space<vmem_shared>>
      %dma_start3A_109 = arith.constant 0 : i32
      %dma_start3A_110 = tpu.memref_slice %arg9[%add3A_15, %dma_start3A_109] : memref<50048x32xf32, #tpu.memory_space<vmem_shared>> -> memref<136x32xf32, #tpu.memory_space<vmem_shared>>
      tpu.enqueue_dma source(%arg10 : memref<136x32xf32, #tpu.memory_space<vmem>>) target(%dma_start3A_110 : memref<136x32xf32, #tpu.memory_space<vmem_shared>>) target_semaphore(%run_scoped3A : memref<!tpu.dma_semaphore, #tpu.memory_space<semaphore_mem>>)
      %dma_wait3A = arith.constant 0 : i32
      %dma_wait3A_111 = tpu.memref_slice %arg9[%add3A_15, %dma_wait3A] : memref<50048x32xf32, #tpu.memory_space<vmem_shared>> -> memref<136x32xf32, #tpu.memory_space<vmem_shared>>
      %dma_wait3A_112 = arith.constant 0 : i32
      %dma_wait3A_113 = tpu.memref_slice %arg9[%add3A_15, %dma_wait3A_112] : memref<50048x32xf32, #tpu.memory_space<vmem_shared>> -> memref<136x32xf32, #tpu.memory_space<vmem_shared>>
      tpu.wait_dma2 semaphore(%run_scoped3A : memref<!tpu.dma_semaphore, #tpu.memory_space<semaphore_mem>>) src(%arg10 : memref<136x32xf32, #tpu.memory_space<vmem>>) dst(%dma_wait3A_113 : memref<136x32xf32, #tpu.memory_space<vmem_shared>>)
      tpu.yield
    }) : () -> ()
    %mul3A_16 = arith.constant 3128 : i32
    %mul3A_17 = arith.muli %arg1, %mul3A_16 : i32
    %add3A_18 = arith.constant 408 : i32
    %add3A_19 = arith.addi %mul3A_17, %add3A_18 : i32
    "tpu.region"() ({
      %run_scoped3A = tpu.sem_alloc : memref<!tpu.dma_semaphore, #tpu.memory_space<semaphore_mem>>
      %dma_start3A = arith.constant 0 : i32
      %dma_start3A_108 = tpu.memref_slice %arg9[%add3A_19, %dma_start3A] : memref<50048x32xf32, #tpu.memory_space<vmem_shared>> -> memref<136x32xf32, #tpu.memory_space<vmem_shared>>
      %dma_start3A_109 = arith.constant 0 : i32
      %dma_start3A_110 = tpu.memref_slice %arg9[%add3A_19, %dma_start3A_109] : memref<50048x32xf32, #tpu.memory_space<vmem_shared>> -> memref<136x32xf32, #tpu.memory_space<vmem_shared>>
      tpu.enqueue_dma source(%arg10 : memref<136x32xf32, #tpu.memory_space<vmem>>) target(%dma_start3A_110 : memref<136x32xf32, #tpu.memory_space<vmem_shared>>) target_semaphore(%run_scoped3A : memref<!tpu.dma_semaphore, #tpu.memory_space<semaphore_mem>>)
      %dma_wait3A = arith.constant 0 : i32
      %dma_wait3A_111 = tpu.memref_slice %arg9[%add3A_19, %dma_wait3A] : memref<50048x32xf32, #tpu.memory_space<vmem_shared>> -> memref<136x32xf32, #tpu.memory_space<vmem_shared>>
      %dma_wait3A_112 = arith.constant 0 : i32
      %dma_wait3A_113 = tpu.memref_slice %arg9[%add3A_19, %dma_wait3A_112] : memref<50048x32xf32, #tpu.memory_space<vmem_shared>> -> memref<136x32xf32, #tpu.memory_space<vmem_shared>>
      tpu.wait_dma2 semaphore(%run_scoped3A : memref<!tpu.dma_semaphore, #tpu.memory_space<semaphore_mem>>) src(%arg10 : memref<136x32xf32, #tpu.memory_space<vmem>>) dst(%dma_wait3A_113 : memref<136x32xf32, #tpu.memory_space<vmem_shared>>)
      tpu.yield
    }) : () -> ()
    %mul3A_20 = arith.constant 3128 : i32
    %mul3A_21 = arith.muli %arg1, %mul3A_20 : i32
    %add3A_22 = arith.constant 544 : i32
    %add3A_23 = arith.addi %mul3A_21, %add3A_22 : i32
    "tpu.region"() ({
      %run_scoped3A = tpu.sem_alloc : memref<!tpu.dma_semaphore, #tpu.memory_space<semaphore_mem>>
      %dma_start3A = arith.constant 0 : i32
      %dma_start3A_108 = tpu.memref_slice %arg9[%add3A_23, %dma_start3A] : memref<50048x32xf32, #tpu.memory_space<vmem_shared>> -> memref<136x32xf32, #tpu.memory_space<vmem_shared>>
      %dma_start3A_109 = arith.constant 0 : i32
      %dma_start3A_110 = tpu.memref_slice %arg9[%add3A_23, %dma_start3A_109] : memref<50048x32xf32, #tpu.memory_space<vmem_shared>> -> memref<136x32xf32, #tpu.memory_space<vmem_shared>>
      tpu.enqueue_dma source(%arg10 : memref<136x32xf32, #tpu.memory_space<vmem>>) target(%dma_start3A_110 : memref<136x32xf32, #tpu.memory_space<vmem_shared>>) target_semaphore(%run_scoped3A : memref<!tpu.dma_semaphore, #tpu.memory_space<semaphore_mem>>)
      %dma_wait3A = arith.constant 0 : i32
      %dma_wait3A_111 = tpu.memref_slice %arg9[%add3A_23, %dma_wait3A] : memref<50048x32xf32, #tpu.memory_space<vmem_shared>> -> memref<136x32xf32, #tpu.memory_space<vmem_shared>>
      %dma_wait3A_112 = arith.constant 0 : i32
      %dma_wait3A_113 = tpu.memref_slice %arg9[%add3A_23, %dma_wait3A_112] : memref<50048x32xf32, #tpu.memory_space<vmem_shared>> -> memref<136x32xf32, #tpu.memory_space<vmem_shared>>
      tpu.wait_dma2 semaphore(%run_scoped3A : memref<!tpu.dma_semaphore, #tpu.memory_space<semaphore_mem>>) src(%arg10 : memref<136x32xf32, #tpu.memory_space<vmem>>) dst(%dma_wait3A_113 : memref<136x32xf32, #tpu.memory_space<vmem_shared>>)
      tpu.yield
    }) : () -> ()
    %mul3A_24 = arith.constant 3128 : i32
    %mul3A_25 = arith.muli %arg1, %mul3A_24 : i32
    %add3A_26 = arith.constant 680 : i32
    %add3A_27 = arith.addi %mul3A_25, %add3A_26 : i32
    "tpu.region"() ({
      %run_scoped3A = tpu.sem_alloc : memref<!tpu.dma_semaphore, #tpu.memory_space<semaphore_mem>>
      %dma_start3A = arith.constant 0 : i32
      %dma_start3A_108 = tpu.memref_slice %arg9[%add3A_27, %dma_start3A] : memref<50048x32xf32, #tpu.memory_space<vmem_shared>> -> memref<136x32xf32, #tpu.memory_space<vmem_shared>>
      %dma_start3A_109 = arith.constant 0 : i32
      %dma_start3A_110 = tpu.memref_slice %arg9[%add3A_27, %dma_start3A_109] : memref<50048x32xf32, #tpu.memory_space<vmem_shared>> -> memref<136x32xf32, #tpu.memory_space<vmem_shared>>
      tpu.enqueue_dma source(%arg10 : memref<136x32xf32, #tpu.memory_space<vmem>>) target(%dma_start3A_110 : memref<136x32xf32, #tpu.memory_space<vmem_shared>>) target_semaphore(%run_scoped3A : memref<!tpu.dma_semaphore, #tpu.memory_space<semaphore_mem>>)
      %dma_wait3A = arith.constant 0 : i32
      %dma_wait3A_111 = tpu.memref_slice %arg9[%add3A_27, %dma_wait3A] : memref<50048x32xf32, #tpu.memory_space<vmem_shared>> -> memref<136x32xf32, #tpu.memory_space<vmem_shared>>
      %dma_wait3A_112 = arith.constant 0 : i32
      %dma_wait3A_113 = tpu.memref_slice %arg9[%add3A_27, %dma_wait3A_112] : memref<50048x32xf32, #tpu.memory_space<vmem_shared>> -> memref<136x32xf32, #tpu.memory_space<vmem_shared>>
      tpu.wait_dma2 semaphore(%run_scoped3A : memref<!tpu.dma_semaphore, #tpu.memory_space<semaphore_mem>>) src(%arg10 : memref<136x32xf32, #tpu.memory_space<vmem>>) dst(%dma_wait3A_113 : memref<136x32xf32, #tpu.memory_space<vmem_shared>>)
      tpu.yield
    }) : () -> ()
    %mul3A_28 = arith.constant 3128 : i32
    %mul3A_29 = arith.muli %arg1, %mul3A_28 : i32
    %add3A_30 = arith.constant 816 : i32
    %add3A_31 = arith.addi %mul3A_29, %add3A_30 : i32
    "tpu.region"() ({
      %run_scoped3A = tpu.sem_alloc : memref<!tpu.dma_semaphore, #tpu.memory_space<semaphore_mem>>
      %dma_start3A = arith.constant 0 : i32
      %dma_start3A_108 = tpu.memref_slice %arg9[%add3A_31, %dma_start3A] : memref<50048x32xf32, #tpu.memory_space<vmem_shared>> -> memref<136x32xf32, #tpu.memory_space<vmem_shared>>
      %dma_start3A_109 = arith.constant 0 : i32
      %dma_start3A_110 = tpu.memref_slice %arg9[%add3A_31, %dma_start3A_109] : memref<50048x32xf32, #tpu.memory_space<vmem_shared>> -> memref<136x32xf32, #tpu.memory_space<vmem_shared>>
      tpu.enqueue_dma source(%arg10 : memref<136x32xf32, #tpu.memory_space<vmem>>) target(%dma_start3A_110 : memref<136x32xf32, #tpu.memory_space<vmem_shared>>) target_semaphore(%run_scoped3A : memref<!tpu.dma_semaphore, #tpu.memory_space<semaphore_mem>>)
      %dma_wait3A = arith.constant 0 : i32
      %dma_wait3A_111 = tpu.memref_slice %arg9[%add3A_31, %dma_wait3A] : memref<50048x32xf32, #tpu.memory_space<vmem_shared>> -> memref<136x32xf32, #tpu.memory_space<vmem_shared>>
      %dma_wait3A_112 = arith.constant 0 : i32
      %dma_wait3A_113 = tpu.memref_slice %arg9[%add3A_31, %dma_wait3A_112] : memref<50048x32xf32, #tpu.memory_space<vmem_shared>> -> memref<136x32xf32, #tpu.memory_space<vmem_shared>>
      tpu.wait_dma2 semaphore(%run_scoped3A : memref<!tpu.dma_semaphore, #tpu.memory_space<semaphore_mem>>) src(%arg10 : memref<136x32xf32, #tpu.memory_space<vmem>>) dst(%dma_wait3A_113 : memref<136x32xf32, #tpu.memory_space<vmem_shared>>)
      tpu.yield
    }) : () -> ()
    %mul3A_32 = arith.constant 3128 : i32
    %mul3A_33 = arith.muli %arg1, %mul3A_32 : i32
    %add3A_34 = arith.constant 952 : i32
    %add3A_35 = arith.addi %mul3A_33, %add3A_34 : i32
    "tpu.region"() ({
      %run_scoped3A = tpu.sem_alloc : memref<!tpu.dma_semaphore, #tpu.memory_space<semaphore_mem>>
      %dma_start3A = arith.constant 0 : i32
      %dma_start3A_108 = tpu.memref_slice %arg9[%add3A_35, %dma_start3A] : memref<50048x32xf32, #tpu.memory_space<vmem_shared>> -> memref<136x32xf32, #tpu.memory_space<vmem_shared>>
      %dma_start3A_109 = arith.constant 0 : i32
      %dma_start3A_110 = tpu.memref_slice %arg9[%add3A_35, %dma_start3A_109] : memref<50048x32xf32, #tpu.memory_space<vmem_shared>> -> memref<136x32xf32, #tpu.memory_space<vmem_shared>>
      tpu.enqueue_dma source(%arg10 : memref<136x32xf32, #tpu.memory_space<vmem>>) target(%dma_start3A_110 : memref<136x32xf32, #tpu.memory_space<vmem_shared>>) target_semaphore(%run_scoped3A : memref<!tpu.dma_semaphore, #tpu.memory_space<semaphore_mem>>)
      %dma_wait3A = arith.constant 0 : i32
      %dma_wait3A_111 = tpu.memref_slice %arg9[%add3A_35, %dma_wait3A] : memref<50048x32xf32, #tpu.memory_space<vmem_shared>> -> memref<136x32xf32, #tpu.memory_space<vmem_shared>>
      %dma_wait3A_112 = arith.constant 0 : i32
      %dma_wait3A_113 = tpu.memref_slice %arg9[%add3A_35, %dma_wait3A_112] : memref<50048x32xf32, #tpu.memory_space<vmem_shared>> -> memref<136x32xf32, #tpu.memory_space<vmem_shared>>
      tpu.wait_dma2 semaphore(%run_scoped3A : memref<!tpu.dma_semaphore, #tpu.memory_space<semaphore_mem>>) src(%arg10 : memref<136x32xf32, #tpu.memory_space<vmem>>) dst(%dma_wait3A_113 : memref<136x32xf32, #tpu.memory_space<vmem_shared>>)
      tpu.yield
    }) : () -> ()
    %mul3A_36 = arith.constant 3128 : i32
    %mul3A_37 = arith.muli %arg1, %mul3A_36 : i32
    %add3A_38 = arith.constant 1088 : i32
    %add3A_39 = arith.addi %mul3A_37, %add3A_38 : i32
    "tpu.region"() ({
      %run_scoped3A = tpu.sem_alloc : memref<!tpu.dma_semaphore, #tpu.memory_space<semaphore_mem>>
      %dma_start3A = arith.constant 0 : i32
      %dma_start3A_108 = tpu.memref_slice %arg9[%add3A_39, %dma_start3A] : memref<50048x32xf32, #tpu.memory_space<vmem_shared>> -> memref<136x32xf32, #tpu.memory_space<vmem_shared>>
      %dma_start3A_109 = arith.constant 0 : i32
      %dma_start3A_110 = tpu.memref_slice %arg9[%add3A_39, %dma_start3A_109] : memref<50048x32xf32, #tpu.memory_space<vmem_shared>> -> memref<136x32xf32, #tpu.memory_space<vmem_shared>>
      tpu.enqueue_dma source(%arg10 : memref<136x32xf32, #tpu.memory_space<vmem>>) target(%dma_start3A_110 : memref<136x32xf32, #tpu.memory_space<vmem_shared>>) target_semaphore(%run_scoped3A : memref<!tpu.dma_semaphore, #tpu.memory_space<semaphore_mem>>)
      %dma_wait3A = arith.constant 0 : i32
      %dma_wait3A_111 = tpu.memref_slice %arg9[%add3A_39, %dma_wait3A] : memref<50048x32xf32, #tpu.memory_space<vmem_shared>> -> memref<136x32xf32, #tpu.memory_space<vmem_shared>>
      %dma_wait3A_112 = arith.constant 0 : i32
      %dma_wait3A_113 = tpu.memref_slice %arg9[%add3A_39, %dma_wait3A_112] : memref<50048x32xf32, #tpu.memory_space<vmem_shared>> -> memref<136x32xf32, #tpu.memory_space<vmem_shared>>
      tpu.wait_dma2 semaphore(%run_scoped3A : memref<!tpu.dma_semaphore, #tpu.memory_space<semaphore_mem>>) src(%arg10 : memref<136x32xf32, #tpu.memory_space<vmem>>) dst(%dma_wait3A_113 : memref<136x32xf32, #tpu.memory_space<vmem_shared>>)
      tpu.yield
    }) : () -> ()
    %mul3A_40 = arith.constant 3128 : i32
    %mul3A_41 = arith.muli %arg1, %mul3A_40 : i32
    %add3A_42 = arith.constant 1224 : i32
    %add3A_43 = arith.addi %mul3A_41, %add3A_42 : i32
    "tpu.region"() ({
      %run_scoped3A = tpu.sem_alloc : memref<!tpu.dma_semaphore, #tpu.memory_space<semaphore_mem>>
      %dma_start3A = arith.constant 0 : i32
      %dma_start3A_108 = tpu.memref_slice %arg9[%add3A_43, %dma_start3A] : memref<50048x32xf32, #tpu.memory_space<vmem_shared>> -> memref<136x32xf32, #tpu.memory_space<vmem_shared>>
      %dma_start3A_109 = arith.constant 0 : i32
      %dma_start3A_110 = tpu.memref_slice %arg9[%add3A_43, %dma_start3A_109] : memref<50048x32xf32, #tpu.memory_space<vmem_shared>> -> memref<136x32xf32, #tpu.memory_space<vmem_shared>>
      tpu.enqueue_dma source(%arg10 : memref<136x32xf32, #tpu.memory_space<vmem>>) target(%dma_start3A_110 : memref<136x32xf32, #tpu.memory_space<vmem_shared>>) target_semaphore(%run_scoped3A : memref<!tpu.dma_semaphore, #tpu.memory_space<semaphore_mem>>)
      %dma_wait3A = arith.constant 0 : i32
      %dma_wait3A_111 = tpu.memref_slice %arg9[%add3A_43, %dma_wait3A] : memref<50048x32xf32, #tpu.memory_space<vmem_shared>> -> memref<136x32xf32, #tpu.memory_space<vmem_shared>>
      %dma_wait3A_112 = arith.constant 0 : i32
      %dma_wait3A_113 = tpu.memref_slice %arg9[%add3A_43, %dma_wait3A_112] : memref<50048x32xf32, #tpu.memory_space<vmem_shared>> -> memref<136x32xf32, #tpu.memory_space<vmem_shared>>
      tpu.wait_dma2 semaphore(%run_scoped3A : memref<!tpu.dma_semaphore, #tpu.memory_space<semaphore_mem>>) src(%arg10 : memref<136x32xf32, #tpu.memory_space<vmem>>) dst(%dma_wait3A_113 : memref<136x32xf32, #tpu.memory_space<vmem_shared>>)
      tpu.yield
    }) : () -> ()
    %mul3A_44 = arith.constant 3128 : i32
    %mul3A_45 = arith.muli %arg1, %mul3A_44 : i32
    %add3A_46 = arith.constant 1360 : i32
    %add3A_47 = arith.addi %mul3A_45, %add3A_46 : i32
    "tpu.region"() ({
      %run_scoped3A = tpu.sem_alloc : memref<!tpu.dma_semaphore, #tpu.memory_space<semaphore_mem>>
      %dma_start3A = arith.constant 0 : i32
      %dma_start3A_108 = tpu.memref_slice %arg9[%add3A_47, %dma_start3A] : memref<50048x32xf32, #tpu.memory_space<vmem_shared>> -> memref<136x32xf32, #tpu.memory_space<vmem_shared>>
      %dma_start3A_109 = arith.constant 0 : i32
      %dma_start3A_110 = tpu.memref_slice %arg9[%add3A_47, %dma_start3A_109] : memref<50048x32xf32, #tpu.memory_space<vmem_shared>> -> memref<136x32xf32, #tpu.memory_space<vmem_shared>>
      tpu.enqueue_dma source(%arg10 : memref<136x32xf32, #tpu.memory_space<vmem>>) target(%dma_start3A_110 : memref<136x32xf32, #tpu.memory_space<vmem_shared>>) target_semaphore(%run_scoped3A : memref<!tpu.dma_semaphore, #tpu.memory_space<semaphore_mem>>)
      %dma_wait3A = arith.constant 0 : i32
      %dma_wait3A_111 = tpu.memref_slice %arg9[%add3A_47, %dma_wait3A] : memref<50048x32xf32, #tpu.memory_space<vmem_shared>> -> memref<136x32xf32, #tpu.memory_space<vmem_shared>>
      %dma_wait3A_112 = arith.constant 0 : i32
      %dma_wait3A_113 = tpu.memref_slice %arg9[%add3A_47, %dma_wait3A_112] : memref<50048x32xf32, #tpu.memory_space<vmem_shared>> -> memref<136x32xf32, #tpu.memory_space<vmem_shared>>
      tpu.wait_dma2 semaphore(%run_scoped3A : memref<!tpu.dma_semaphore, #tpu.memory_space<semaphore_mem>>) src(%arg10 : memref<136x32xf32, #tpu.memory_space<vmem>>) dst(%dma_wait3A_113 : memref<136x32xf32, #tpu.memory_space<vmem_shared>>)
      tpu.yield
    }) : () -> ()
    %mul3A_48 = arith.constant 3128 : i32
    %mul3A_49 = arith.muli %arg1, %mul3A_48 : i32
    %add3A_50 = arith.constant 1496 : i32
    %add3A_51 = arith.addi %mul3A_49, %add3A_50 : i32
    "tpu.region"() ({
      %run_scoped3A = tpu.sem_alloc : memref<!tpu.dma_semaphore, #tpu.memory_space<semaphore_mem>>
      %dma_start3A = arith.constant 0 : i32
      %dma_start3A_108 = tpu.memref_slice %arg9[%add3A_51, %dma_start3A] : memref<50048x32xf32, #tpu.memory_space<vmem_shared>> -> memref<136x32xf32, #tpu.memory_space<vmem_shared>>
      %dma_start3A_109 = arith.constant 0 : i32
      %dma_start3A_110 = tpu.memref_slice %arg9[%add3A_51, %dma_start3A_109] : memref<50048x32xf32, #tpu.memory_space<vmem_shared>> -> memref<136x32xf32, #tpu.memory_space<vmem_shared>>
      tpu.enqueue_dma source(%arg10 : memref<136x32xf32, #tpu.memory_space<vmem>>) target(%dma_start3A_110 : memref<136x32xf32, #tpu.memory_space<vmem_shared>>) target_semaphore(%run_scoped3A : memref<!tpu.dma_semaphore, #tpu.memory_space<semaphore_mem>>)
      %dma_wait3A = arith.constant 0 : i32
      %dma_wait3A_111 = tpu.memref_slice %arg9[%add3A_51, %dma_wait3A] : memref<50048x32xf32, #tpu.memory_space<vmem_shared>> -> memref<136x32xf32, #tpu.memory_space<vmem_shared>>
      %dma_wait3A_112 = arith.constant 0 : i32
      %dma_wait3A_113 = tpu.memref_slice %arg9[%add3A_51, %dma_wait3A_112] : memref<50048x32xf32, #tpu.memory_space<vmem_shared>> -> memref<136x32xf32, #tpu.memory_space<vmem_shared>>
      tpu.wait_dma2 semaphore(%run_scoped3A : memref<!tpu.dma_semaphore, #tpu.memory_space<semaphore_mem>>) src(%arg10 : memref<136x32xf32, #tpu.memory_space<vmem>>) dst(%dma_wait3A_113 : memref<136x32xf32, #tpu.memory_space<vmem_shared>>)
      tpu.yield
    }) : () -> ()
    %mul3A_52 = arith.constant 3128 : i32
    %mul3A_53 = arith.muli %arg1, %mul3A_52 : i32
    %add3A_54 = arith.constant 1632 : i32
    %add3A_55 = arith.addi %mul3A_53, %add3A_54 : i32
    "tpu.region"() ({
      %run_scoped3A = tpu.sem_alloc : memref<!tpu.dma_semaphore, #tpu.memory_space<semaphore_mem>>
      %dma_start3A = arith.constant 0 : i32
      %dma_start3A_108 = tpu.memref_slice %arg9[%add3A_55, %dma_start3A] : memref<50048x32xf32, #tpu.memory_space<vmem_shared>> -> memref<136x32xf32, #tpu.memory_space<vmem_shared>>
      %dma_start3A_109 = arith.constant 0 : i32
      %dma_start3A_110 = tpu.memref_slice %arg9[%add3A_55, %dma_start3A_109] : memref<50048x32xf32, #tpu.memory_space<vmem_shared>> -> memref<136x32xf32, #tpu.memory_space<vmem_shared>>
      tpu.enqueue_dma source(%arg10 : memref<136x32xf32, #tpu.memory_space<vmem>>) target(%dma_start3A_110 : memref<136x32xf32, #tpu.memory_space<vmem_shared>>) target_semaphore(%run_scoped3A : memref<!tpu.dma_semaphore, #tpu.memory_space<semaphore_mem>>)
      %dma_wait3A = arith.constant 0 : i32
      %dma_wait3A_111 = tpu.memref_slice %arg9[%add3A_55, %dma_wait3A] : memref<50048x32xf32, #tpu.memory_space<vmem_shared>> -> memref<136x32xf32, #tpu.memory_space<vmem_shared>>
      %dma_wait3A_112 = arith.constant 0 : i32
      %dma_wait3A_113 = tpu.memref_slice %arg9[%add3A_55, %dma_wait3A_112] : memref<50048x32xf32, #tpu.memory_space<vmem_shared>> -> memref<136x32xf32, #tpu.memory_space<vmem_shared>>
      tpu.wait_dma2 semaphore(%run_scoped3A : memref<!tpu.dma_semaphore, #tpu.memory_space<semaphore_mem>>) src(%arg10 : memref<136x32xf32, #tpu.memory_space<vmem>>) dst(%dma_wait3A_113 : memref<136x32xf32, #tpu.memory_space<vmem_shared>>)
      tpu.yield
    }) : () -> ()
    %mul3A_56 = arith.constant 3128 : i32
    %mul3A_57 = arith.muli %arg1, %mul3A_56 : i32
    %add3A_58 = arith.constant 1768 : i32
    %add3A_59 = arith.addi %mul3A_57, %add3A_58 : i32
    "tpu.region"() ({
      %run_scoped3A = tpu.sem_alloc : memref<!tpu.dma_semaphore, #tpu.memory_space<semaphore_mem>>
      %dma_start3A = arith.constant 0 : i32
      %dma_start3A_108 = tpu.memref_slice %arg9[%add3A_59, %dma_start3A] : memref<50048x32xf32, #tpu.memory_space<vmem_shared>> -> memref<136x32xf32, #tpu.memory_space<vmem_shared>>
      %dma_start3A_109 = arith.constant 0 : i32
      %dma_start3A_110 = tpu.memref_slice %arg9[%add3A_59, %dma_start3A_109] : memref<50048x32xf32, #tpu.memory_space<vmem_shared>> -> memref<136x32xf32, #tpu.memory_space<vmem_shared>>
      tpu.enqueue_dma source(%arg10 : memref<136x32xf32, #tpu.memory_space<vmem>>) target(%dma_start3A_110 : memref<136x32xf32, #tpu.memory_space<vmem_shared>>) target_semaphore(%run_scoped3A : memref<!tpu.dma_semaphore, #tpu.memory_space<semaphore_mem>>)
      %dma_wait3A = arith.constant 0 : i32
      %dma_wait3A_111 = tpu.memref_slice %arg9[%add3A_59, %dma_wait3A] : memref<50048x32xf32, #tpu.memory_space<vmem_shared>> -> memref<136x32xf32, #tpu.memory_space<vmem_shared>>
      %dma_wait3A_112 = arith.constant 0 : i32
      %dma_wait3A_113 = tpu.memref_slice %arg9[%add3A_59, %dma_wait3A_112] : memref<50048x32xf32, #tpu.memory_space<vmem_shared>> -> memref<136x32xf32, #tpu.memory_space<vmem_shared>>
      tpu.wait_dma2 semaphore(%run_scoped3A : memref<!tpu.dma_semaphore, #tpu.memory_space<semaphore_mem>>) src(%arg10 : memref<136x32xf32, #tpu.memory_space<vmem>>) dst(%dma_wait3A_113 : memref<136x32xf32, #tpu.memory_space<vmem_shared>>)
      tpu.yield
    }) : () -> ()
    %mul3A_60 = arith.constant 3128 : i32
    %mul3A_61 = arith.muli %arg1, %mul3A_60 : i32
    %add3A_62 = arith.constant 1904 : i32
    %add3A_63 = arith.addi %mul3A_61, %add3A_62 : i32
    "tpu.region"() ({
      %run_scoped3A = tpu.sem_alloc : memref<!tpu.dma_semaphore, #tpu.memory_space<semaphore_mem>>
      %dma_start3A = arith.constant 0 : i32
      %dma_start3A_108 = tpu.memref_slice %arg9[%add3A_63, %dma_start3A] : memref<50048x32xf32, #tpu.memory_space<vmem_shared>> -> memref<136x32xf32, #tpu.memory_space<vmem_shared>>
      %dma_start3A_109 = arith.constant 0 : i32
      %dma_start3A_110 = tpu.memref_slice %arg9[%add3A_63, %dma_start3A_109] : memref<50048x32xf32, #tpu.memory_space<vmem_shared>> -> memref<136x32xf32, #tpu.memory_space<vmem_shared>>
      tpu.enqueue_dma source(%arg10 : memref<136x32xf32, #tpu.memory_space<vmem>>) target(%dma_start3A_110 : memref<136x32xf32, #tpu.memory_space<vmem_shared>>) target_semaphore(%run_scoped3A : memref<!tpu.dma_semaphore, #tpu.memory_space<semaphore_mem>>)
      %dma_wait3A = arith.constant 0 : i32
      %dma_wait3A_111 = tpu.memref_slice %arg9[%add3A_63, %dma_wait3A] : memref<50048x32xf32, #tpu.memory_space<vmem_shared>> -> memref<136x32xf32, #tpu.memory_space<vmem_shared>>
      %dma_wait3A_112 = arith.constant 0 : i32
      %dma_wait3A_113 = tpu.memref_slice %arg9[%add3A_63, %dma_wait3A_112] : memref<50048x32xf32, #tpu.memory_space<vmem_shared>> -> memref<136x32xf32, #tpu.memory_space<vmem_shared>>
      tpu.wait_dma2 semaphore(%run_scoped3A : memref<!tpu.dma_semaphore, #tpu.memory_space<semaphore_mem>>) src(%arg10 : memref<136x32xf32, #tpu.memory_space<vmem>>) dst(%dma_wait3A_113 : memref<136x32xf32, #tpu.memory_space<vmem_shared>>)
      tpu.yield
    }) : () -> ()
    %mul3A_64 = arith.constant 3128 : i32
    %mul3A_65 = arith.muli %arg1, %mul3A_64 : i32
    %add3A_66 = arith.constant 2040 : i32
    %add3A_67 = arith.addi %mul3A_65, %add3A_66 : i32
    "tpu.region"() ({
      %run_scoped3A = tpu.sem_alloc : memref<!tpu.dma_semaphore, #tpu.memory_space<semaphore_mem>>
      %dma_start3A = arith.constant 0 : i32
      %dma_start3A_108 = tpu.memref_slice %arg9[%add3A_67, %dma_start3A] : memref<50048x32xf32, #tpu.memory_space<vmem_shared>> -> memref<136x32xf32, #tpu.memory_space<vmem_shared>>
      %dma_start3A_109 = arith.constant 0 : i32
      %dma_start3A_110 = tpu.memref_slice %arg9[%add3A_67, %dma_start3A_109] : memref<50048x32xf32, #tpu.memory_space<vmem_shared>> -> memref<136x32xf32, #tpu.memory_space<vmem_shared>>
      tpu.enqueue_dma source(%arg10 : memref<136x32xf32, #tpu.memory_space<vmem>>) target(%dma_start3A_110 : memref<136x32xf32, #tpu.memory_space<vmem_shared>>) target_semaphore(%run_scoped3A : memref<!tpu.dma_semaphore, #tpu.memory_space<semaphore_mem>>)
      %dma_wait3A = arith.constant 0 : i32
      %dma_wait3A_111 = tpu.memref_slice %arg9[%add3A_67, %dma_wait3A] : memref<50048x32xf32, #tpu.memory_space<vmem_shared>> -> memref<136x32xf32, #tpu.memory_space<vmem_shared>>
      %dma_wait3A_112 = arith.constant 0 : i32
      %dma_wait3A_113 = tpu.memref_slice %arg9[%add3A_67, %dma_wait3A_112] : memref<50048x32xf32, #tpu.memory_space<vmem_shared>> -> memref<136x32xf32, #tpu.memory_space<vmem_shared>>
      tpu.wait_dma2 semaphore(%run_scoped3A : memref<!tpu.dma_semaphore, #tpu.memory_space<semaphore_mem>>) src(%arg10 : memref<136x32xf32, #tpu.memory_space<vmem>>) dst(%dma_wait3A_113 : memref<136x32xf32, #tpu.memory_space<vmem_shared>>)
      tpu.yield
    }) : () -> ()
    %mul3A_68 = arith.constant 3128 : i32
    %mul3A_69 = arith.muli %arg1, %mul3A_68 : i32
    %add3A_70 = arith.constant 2176 : i32
    %add3A_71 = arith.addi %mul3A_69, %add3A_70 : i32
    "tpu.region"() ({
      %run_scoped3A = tpu.sem_alloc : memref<!tpu.dma_semaphore, #tpu.memory_space<semaphore_mem>>
      %dma_start3A = arith.constant 0 : i32
      %dma_start3A_108 = tpu.memref_slice %arg9[%add3A_71, %dma_start3A] : memref<50048x32xf32, #tpu.memory_space<vmem_shared>> -> memref<136x32xf32, #tpu.memory_space<vmem_shared>>
      %dma_start3A_109 = arith.constant 0 : i32
      %dma_start3A_110 = tpu.memref_slice %arg9[%add3A_71, %dma_start3A_109] : memref<50048x32xf32, #tpu.memory_space<vmem_shared>> -> memref<136x32xf32, #tpu.memory_space<vmem_shared>>
      tpu.enqueue_dma source(%arg10 : memref<136x32xf32, #tpu.memory_space<vmem>>) target(%dma_start3A_110 : memref<136x32xf32, #tpu.memory_space<vmem_shared>>) target_semaphore(%run_scoped3A : memref<!tpu.dma_semaphore, #tpu.memory_space<semaphore_mem>>)
      %dma_wait3A = arith.constant 0 : i32
      %dma_wait3A_111 = tpu.memref_slice %arg9[%add3A_71, %dma_wait3A] : memref<50048x32xf32, #tpu.memory_space<vmem_shared>> -> memref<136x32xf32, #tpu.memory_space<vmem_shared>>
      %dma_wait3A_112 = arith.constant 0 : i32
      %dma_wait3A_113 = tpu.memref_slice %arg9[%add3A_71, %dma_wait3A_112] : memref<50048x32xf32, #tpu.memory_space<vmem_shared>> -> memref<136x32xf32, #tpu.memory_space<vmem_shared>>
      tpu.wait_dma2 semaphore(%run_scoped3A : memref<!tpu.dma_semaphore, #tpu.memory_space<semaphore_mem>>) src(%arg10 : memref<136x32xf32, #tpu.memory_space<vmem>>) dst(%dma_wait3A_113 : memref<136x32xf32, #tpu.memory_space<vmem_shared>>)
      tpu.yield
    }) : () -> ()
    %mul3A_72 = arith.constant 3128 : i32
    %mul3A_73 = arith.muli %arg1, %mul3A_72 : i32
    %add3A_74 = arith.constant 2312 : i32
    %add3A_75 = arith.addi %mul3A_73, %add3A_74 : i32
    "tpu.region"() ({
      %run_scoped3A = tpu.sem_alloc : memref<!tpu.dma_semaphore, #tpu.memory_space<semaphore_mem>>
      %dma_start3A = arith.constant 0 : i32
      %dma_start3A_108 = tpu.memref_slice %arg9[%add3A_75, %dma_start3A] : memref<50048x32xf32, #tpu.memory_space<vmem_shared>> -> memref<136x32xf32, #tpu.memory_space<vmem_shared>>
      %dma_start3A_109 = arith.constant 0 : i32
      %dma_start3A_110 = tpu.memref_slice %arg9[%add3A_75, %dma_start3A_109] : memref<50048x32xf32, #tpu.memory_space<vmem_shared>> -> memref<136x32xf32, #tpu.memory_space<vmem_shared>>
      tpu.enqueue_dma source(%arg10 : memref<136x32xf32, #tpu.memory_space<vmem>>) target(%dma_start3A_110 : memref<136x32xf32, #tpu.memory_space<vmem_shared>>) target_semaphore(%run_scoped3A : memref<!tpu.dma_semaphore, #tpu.memory_space<semaphore_mem>>)
      %dma_wait3A = arith.constant 0 : i32
      %dma_wait3A_111 = tpu.memref_slice %arg9[%add3A_75, %dma_wait3A] : memref<50048x32xf32, #tpu.memory_space<vmem_shared>> -> memref<136x32xf32, #tpu.memory_space<vmem_shared>>
      %dma_wait3A_112 = arith.constant 0 : i32
      %dma_wait3A_113 = tpu.memref_slice %arg9[%add3A_75, %dma_wait3A_112] : memref<50048x32xf32, #tpu.memory_space<vmem_shared>> -> memref<136x32xf32, #tpu.memory_space<vmem_shared>>
      tpu.wait_dma2 semaphore(%run_scoped3A : memref<!tpu.dma_semaphore, #tpu.memory_space<semaphore_mem>>) src(%arg10 : memref<136x32xf32, #tpu.memory_space<vmem>>) dst(%dma_wait3A_113 : memref<136x32xf32, #tpu.memory_space<vmem_shared>>)
      tpu.yield
    }) : () -> ()
    %mul3A_76 = arith.constant 3128 : i32
    %mul3A_77 = arith.muli %arg1, %mul3A_76 : i32
    %add3A_78 = arith.constant 2448 : i32
    %add3A_79 = arith.addi %mul3A_77, %add3A_78 : i32
    "tpu.region"() ({
      %run_scoped3A = tpu.sem_alloc : memref<!tpu.dma_semaphore, #tpu.memory_space<semaphore_mem>>
      %dma_start3A = arith.constant 0 : i32
      %dma_start3A_108 = tpu.memref_slice %arg9[%add3A_79, %dma_start3A] : memref<50048x32xf32, #tpu.memory_space<vmem_shared>> -> memref<136x32xf32, #tpu.memory_space<vmem_shared>>
      %dma_start3A_109 = arith.constant 0 : i32
      %dma_start3A_110 = tpu.memref_slice %arg9[%add3A_79, %dma_start3A_109] : memref<50048x32xf32, #tpu.memory_space<vmem_shared>> -> memref<136x32xf32, #tpu.memory_space<vmem_shared>>
      tpu.enqueue_dma source(%arg10 : memref<136x32xf32, #tpu.memory_space<vmem>>) target(%dma_start3A_110 : memref<136x32xf32, #tpu.memory_space<vmem_shared>>) target_semaphore(%run_scoped3A : memref<!tpu.dma_semaphore, #tpu.memory_space<semaphore_mem>>)
      %dma_wait3A = arith.constant 0 : i32
      %dma_wait3A_111 = tpu.memref_slice %arg9[%add3A_79, %dma_wait3A] : memref<50048x32xf32, #tpu.memory_space<vmem_shared>> -> memref<136x32xf32, #tpu.memory_space<vmem_shared>>
      %dma_wait3A_112 = arith.constant 0 : i32
      %dma_wait3A_113 = tpu.memref_slice %arg9[%add3A_79, %dma_wait3A_112] : memref<50048x32xf32, #tpu.memory_space<vmem_shared>> -> memref<136x32xf32, #tpu.memory_space<vmem_shared>>
      tpu.wait_dma2 semaphore(%run_scoped3A : memref<!tpu.dma_semaphore, #tpu.memory_space<semaphore_mem>>) src(%arg10 : memref<136x32xf32, #tpu.memory_space<vmem>>) dst(%dma_wait3A_113 : memref<136x32xf32, #tpu.memory_space<vmem_shared>>)
      tpu.yield
    }) : () -> ()
    %mul3A_80 = arith.constant 3128 : i32
    %mul3A_81 = arith.muli %arg1, %mul3A_80 : i32
    %add3A_82 = arith.constant 2584 : i32
    %add3A_83 = arith.addi %mul3A_81, %add3A_82 : i32
    "tpu.region"() ({
      %run_scoped3A = tpu.sem_alloc : memref<!tpu.dma_semaphore, #tpu.memory_space<semaphore_mem>>
      %dma_start3A = arith.constant 0 : i32
      %dma_start3A_108 = tpu.memref_slice %arg9[%add3A_83, %dma_start3A] : memref<50048x32xf32, #tpu.memory_space<vmem_shared>> -> memref<136x32xf32, #tpu.memory_space<vmem_shared>>
      %dma_start3A_109 = arith.constant 0 : i32
      %dma_start3A_110 = tpu.memref_slice %arg9[%add3A_83, %dma_start3A_109] : memref<50048x32xf32, #tpu.memory_space<vmem_shared>> -> memref<136x32xf32, #tpu.memory_space<vmem_shared>>
      tpu.enqueue_dma source(%arg10 : memref<136x32xf32, #tpu.memory_space<vmem>>) target(%dma_start3A_110 : memref<136x32xf32, #tpu.memory_space<vmem_shared>>) target_semaphore(%run_scoped3A : memref<!tpu.dma_semaphore, #tpu.memory_space<semaphore_mem>>)
      %dma_wait3A = arith.constant 0 : i32
      %dma_wait3A_111 = tpu.memref_slice %arg9[%add3A_83, %dma_wait3A] : memref<50048x32xf32, #tpu.memory_space<vmem_shared>> -> memref<136x32xf32, #tpu.memory_space<vmem_shared>>
      %dma_wait3A_112 = arith.constant 0 : i32
      %dma_wait3A_113 = tpu.memref_slice %arg9[%add3A_83, %dma_wait3A_112] : memref<50048x32xf32, #tpu.memory_space<vmem_shared>> -> memref<136x32xf32, #tpu.memory_space<vmem_shared>>
      tpu.wait_dma2 semaphore(%run_scoped3A : memref<!tpu.dma_semaphore, #tpu.memory_space<semaphore_mem>>) src(%arg10 : memref<136x32xf32, #tpu.memory_space<vmem>>) dst(%dma_wait3A_113 : memref<136x32xf32, #tpu.memory_space<vmem_shared>>)
      tpu.yield
    }) : () -> ()
    %mul3A_84 = arith.constant 3128 : i32
    %mul3A_85 = arith.muli %arg1, %mul3A_84 : i32
    %add3A_86 = arith.constant 2720 : i32
    %add3A_87 = arith.addi %mul3A_85, %add3A_86 : i32
    "tpu.region"() ({
      %run_scoped3A = tpu.sem_alloc : memref<!tpu.dma_semaphore, #tpu.memory_space<semaphore_mem>>
      %dma_start3A = arith.constant 0 : i32
      %dma_start3A_108 = tpu.memref_slice %arg9[%add3A_87, %dma_start3A] : memref<50048x32xf32, #tpu.memory_space<vmem_shared>> -> memref<136x32xf32, #tpu.memory_space<vmem_shared>>
      %dma_start3A_109 = arith.constant 0 : i32
      %dma_start3A_110 = tpu.memref_slice %arg9[%add3A_87, %dma_start3A_109] : memref<50048x32xf32, #tpu.memory_space<vmem_shared>> -> memref<136x32xf32, #tpu.memory_space<vmem_shared>>
      tpu.enqueue_dma source(%arg10 : memref<136x32xf32, #tpu.memory_space<vmem>>) target(%dma_start3A_110 : memref<136x32xf32, #tpu.memory_space<vmem_shared>>) target_semaphore(%run_scoped3A : memref<!tpu.dma_semaphore, #tpu.memory_space<semaphore_mem>>)
      %dma_wait3A = arith.constant 0 : i32
      %dma_wait3A_111 = tpu.memref_slice %arg9[%add3A_87, %dma_wait3A] : memref<50048x32xf32, #tpu.memory_space<vmem_shared>> -> memref<136x32xf32, #tpu.memory_space<vmem_shared>>
      %dma_wait3A_112 = arith.constant 0 : i32
      %dma_wait3A_113 = tpu.memref_slice %arg9[%add3A_87, %dma_wait3A_112] : memref<50048x32xf32, #tpu.memory_space<vmem_shared>> -> memref<136x32xf32, #tpu.memory_space<vmem_shared>>
      tpu.wait_dma2 semaphore(%run_scoped3A : memref<!tpu.dma_semaphore, #tpu.memory_space<semaphore_mem>>) src(%arg10 : memref<136x32xf32, #tpu.memory_space<vmem>>) dst(%dma_wait3A_113 : memref<136x32xf32, #tpu.memory_space<vmem_shared>>)
      tpu.yield
    }) : () -> ()
    %mul3A_88 = arith.constant 3128 : i32
    %mul3A_89 = arith.muli %arg1, %mul3A_88 : i32
    %add3A_90 = arith.constant 2856 : i32
    %add3A_91 = arith.addi %mul3A_89, %add3A_90 : i32
    "tpu.region"() ({
      %run_scoped3A = tpu.sem_alloc : memref<!tpu.dma_semaphore, #tpu.memory_space<semaphore_mem>>
      %dma_start3A = arith.constant 0 : i32
      %dma_start3A_108 = tpu.memref_slice %arg9[%add3A_91, %dma_start3A] : memref<50048x32xf32, #tpu.memory_space<vmem_shared>> -> memref<136x32xf32, #tpu.memory_space<vmem_shared>>
      %dma_start3A_109 = arith.constant 0 : i32
      %dma_start3A_110 = tpu.memref_slice %arg9[%add3A_91, %dma_start3A_109] : memref<50048x32xf32, #tpu.memory_space<vmem_shared>> -> memref<136x32xf32, #tpu.memory_space<vmem_shared>>
      tpu.enqueue_dma source(%arg10 : memref<136x32xf32, #tpu.memory_space<vmem>>) target(%dma_start3A_110 : memref<136x32xf32, #tpu.memory_space<vmem_shared>>) target_semaphore(%run_scoped3A : memref<!tpu.dma_semaphore, #tpu.memory_space<semaphore_mem>>)
      %dma_wait3A = arith.constant 0 : i32
      %dma_wait3A_111 = tpu.memref_slice %arg9[%add3A_91, %dma_wait3A] : memref<50048x32xf32, #tpu.memory_space<vmem_shared>> -> memref<136x32xf32, #tpu.memory_space<vmem_shared>>
      %dma_wait3A_112 = arith.constant 0 : i32
      %dma_wait3A_113 = tpu.memref_slice %arg9[%add3A_91, %dma_wait3A_112] : memref<50048x32xf32, #tpu.memory_space<vmem_shared>> -> memref<136x32xf32, #tpu.memory_space<vmem_shared>>
      tpu.wait_dma2 semaphore(%run_scoped3A : memref<!tpu.dma_semaphore, #tpu.memory_space<semaphore_mem>>) src(%arg10 : memref<136x32xf32, #tpu.memory_space<vmem>>) dst(%dma_wait3A_113 : memref<136x32xf32, #tpu.memory_space<vmem_shared>>)
      tpu.yield
    }) : () -> ()
    %mul3A_92 = arith.constant 3128 : i32
    %mul3A_93 = arith.muli %arg1, %mul3A_92 : i32
    %add3A_94 = arith.constant 2992 : i32
    %add3A_95 = arith.addi %mul3A_93, %add3A_94 : i32
    "tpu.region"() ({
      %run_scoped3A = tpu.sem_alloc : memref<!tpu.dma_semaphore, #tpu.memory_space<semaphore_mem>>
      %dma_start3A = arith.constant 0 : i32
      %dma_start3A_108 = tpu.memref_slice %arg9[%add3A_95, %dma_start3A] : memref<50048x32xf32, #tpu.memory_space<vmem_shared>> -> memref<136x32xf32, #tpu.memory_space<vmem_shared>>
      %dma_start3A_109 = arith.constant 0 : i32
      %dma_start3A_110 = tpu.memref_slice %arg9[%add3A_95, %dma_start3A_109] : memref<50048x32xf32, #tpu.memory_space<vmem_shared>> -> memref<136x32xf32, #tpu.memory_space<vmem_shared>>
      tpu.enqueue_dma source(%arg10 : memref<136x32xf32, #tpu.memory_space<vmem>>) target(%dma_start3A_110 : memref<136x32xf32, #tpu.memory_space<vmem_shared>>) target_semaphore(%run_scoped3A : memref<!tpu.dma_semaphore, #tpu.memory_space<semaphore_mem>>)
      %dma_wait3A = arith.constant 0 : i32
      %dma_wait3A_111 = tpu.memref_slice %arg9[%add3A_95, %dma_wait3A] : memref<50048x32xf32, #tpu.memory_space<vmem_shared>> -> memref<136x32xf32, #tpu.memory_space<vmem_shared>>
      %dma_wait3A_112 = arith.constant 0 : i32
      %dma_wait3A_113 = tpu.memref_slice %arg9[%add3A_95, %dma_wait3A_112] : memref<50048x32xf32, #tpu.memory_space<vmem_shared>> -> memref<136x32xf32, #tpu.memory_space<vmem_shared>>
      tpu.wait_dma2 semaphore(%run_scoped3A : memref<!tpu.dma_semaphore, #tpu.memory_space<semaphore_mem>>) src(%arg10 : memref<136x32xf32, #tpu.memory_space<vmem>>) dst(%dma_wait3A_113 : memref<136x32xf32, #tpu.memory_space<vmem_shared>>)
      tpu.yield
    }) : () -> ()
    %barrier3A = arith.constant 0 : index
    tpu.barrier barrier_id(%barrier3A)
    %scan3A_96 = arith.constant 0 : i32
    %scan3A_97 = arith.constant 0 : i32
    %scan3A_98 = arith.constant 391 : i32
    %scan3A_99 = arith.addi %scan3A_97, %scan3A_98 : i32
    %scan3A_100 = arith.constant 1 : i32
    scf.for %scan3A_108 = %scan3A_97 to %scan3A_99 step %scan3A_100  : i32 {
      %mul3A_109 = arith.constant 16 : i32
      %mul3A_110 = arith.muli %scan3A_108, %mul3A_109 : i32
      %add3A_111 = arith.addi %mul3A_110, %arg1 : i32
      %lt3A = arith.constant 6250 : i32
      %lt3A_112 = arith.cmpi slt, %add3A_111, %lt3A : i32
      %convert_element_type3A = arith.extui %lt3A_112 : i1 to i32
      %cond3A = arith.constant 0 : i32
      %cond3A_113 = arith.cmpi ne, %convert_element_type3A, %cond3A : i32
      scf.if %cond3A_113 {
        %mul3A_114 = arith.constant 128 : i32
        %mul3A_115 = arith.muli %add3A_111, %mul3A_114 : i32
        "tpu.region"() ({
          %run_scoped3A = tpu.sem_alloc : memref<!tpu.dma_semaphore, #tpu.memory_space<semaphore_mem>>
          %dma_start3A_192 = tpu.memref_slice %arg3[%mul3A_115] : memref<800000xi32, #tpu.memory_space<hbm>> -> memref<128xi32, #tpu.memory_space<hbm>>
          %dma_start3A_193 = tpu.memref_slice %arg3[%mul3A_115] : memref<800000xi32, #tpu.memory_space<hbm>> -> memref<128xi32, #tpu.memory_space<hbm>>
          tpu.enqueue_dma source(%dma_start3A_193 : memref<128xi32, #tpu.memory_space<hbm>>) target(%arg6 : memref<128xi32, #tpu.memory_space<vmem>>) target_semaphore(%run_scoped3A : memref<!tpu.dma_semaphore, #tpu.memory_space<semaphore_mem>>)
          %dma_wait3A_194 = tpu.memref_slice %arg3[%mul3A_115] : memref<800000xi32, #tpu.memory_space<hbm>> -> memref<128xi32, #tpu.memory_space<hbm>>
          %dma_wait3A_195 = tpu.memref_slice %arg3[%mul3A_115] : memref<800000xi32, #tpu.memory_space<hbm>> -> memref<128xi32, #tpu.memory_space<hbm>>
          tpu.wait_dma2 semaphore(%run_scoped3A : memref<!tpu.dma_semaphore, #tpu.memory_space<semaphore_mem>>) src(%dma_wait3A_195 : memref<128xi32, #tpu.memory_space<hbm>>) dst(%arg6 : memref<128xi32, #tpu.memory_space<vmem>>)
          tpu.yield
        }) : () -> ()
        "tpu.region"() ({
          %run_scoped3A = tpu.sem_alloc : memref<!tpu.dma_semaphore, #tpu.memory_space<semaphore_mem>>
          %dma_start3A_192 = tpu.memref_slice %arg4[%mul3A_115] : memref<800000xi32, #tpu.memory_space<hbm>> -> memref<128xi32, #tpu.memory_space<hbm>>
          %dma_start3A_193 = tpu.memref_slice %arg4[%mul3A_115] : memref<800000xi32, #tpu.memory_space<hbm>> -> memref<128xi32, #tpu.memory_space<hbm>>
          tpu.enqueue_dma source(%dma_start3A_193 : memref<128xi32, #tpu.memory_space<hbm>>) target(%arg7 : memref<128xi32, #tpu.memory_space<vmem>>) target_semaphore(%run_scoped3A : memref<!tpu.dma_semaphore, #tpu.memory_space<semaphore_mem>>)
          %dma_wait3A_194 = tpu.memref_slice %arg4[%mul3A_115] : memref<800000xi32, #tpu.memory_space<hbm>> -> memref<128xi32, #tpu.memory_space<hbm>>
          %dma_wait3A_195 = tpu.memref_slice %arg4[%mul3A_115] : memref<800000xi32, #tpu.memory_space<hbm>> -> memref<128xi32, #tpu.memory_space<hbm>>
          tpu.wait_dma2 semaphore(%run_scoped3A : memref<!tpu.dma_semaphore, #tpu.memory_space<semaphore_mem>>) src(%dma_wait3A_195 : memref<128xi32, #tpu.memory_space<hbm>>) dst(%arg7 : memref<128xi32, #tpu.memory_space<vmem>>)
          tpu.yield
        }) : () -> ()
        %mul3A_116 = arith.constant 50000 : i32
        %mul3A_117 = arith.muli %arg0, %mul3A_116 : i32
        %get3A = arith.constant 0 : index
        %get3A_118 = tpu.vector_load %arg6[%get3A] {strides = array<i32>} : memref<128xi32, #tpu.memory_space<vmem>>, vector<16xi32>,
        %get3A_119 = vector.shape_cast %get3A_118 : vector<16xi32> to vector<16xi32>
        %add3A_120 = vector.broadcast %mul3A_117 : i32 to vector<16xi32>
        %add3A_121 = arith.addi %get3A_119, %add3A_120 : vector<16xi32>
        %swap3A = arith.constant 0 : index
        %swap3A_122 = tpu.vector_load %arg6[%swap3A] {strides = array<i32>} : memref<128xi32, #tpu.memory_space<vmem>>, vector<16xi32>,
        %swap3A_123 = vector.shape_cast %swap3A_122 : vector<16xi32> to vector<16xi32>
        %swap3A_124 = vector.shape_cast %add3A_121 : vector<16xi32> to vector<16xi32>
        tpu.vector_store %arg6[%swap3A], %swap3A_124 {strides = array<i32>} : memref<128xi32, #tpu.memory_space<vmem>>, vector<16xi32>,
        %get3A_125 = arith.constant 16 : index
        %get3A_126 = tpu.vector_load %arg6[%get3A_125] {strides = array<i32>} : memref<128xi32, #tpu.memory_space<vmem>>, vector<16xi32>,
        %get3A_127 = vector.shape_cast %get3A_126 : vector<16xi32> to vector<16xi32>
        %add3A_128 = vector.broadcast %mul3A_117 : i32 to vector<16xi32>
        %add3A_129 = arith.addi %get3A_127, %add3A_128 : vector<16xi32>
        %swap3A_130 = arith.constant 16 : index
        %swap3A_131 = tpu.vector_load %arg6[%swap3A_130] {strides = array<i32>} : memref<128xi32, #tpu.memory_space<vmem>>, vector<16xi32>,
        %swap3A_132 = vector.shape_cast %swap3A_131 : vector<16xi32> to vector<16xi32>
        %swap3A_133 = vector.shape_cast %add3A_129 : vector<16xi32> to vector<16xi32>
        tpu.vector_store %arg6[%swap3A_130], %swap3A_133 {strides = array<i32>} : memref<128xi32, #tpu.memory_space<vmem>>, vector<16xi32>,
        %get3A_134 = arith.constant 32 : index
        %get3A_135 = tpu.vector_load %arg6[%get3A_134] {strides = array<i32>} : memref<128xi32, #tpu.memory_space<vmem>>, vector<16xi32>,
        %get3A_136 = vector.shape_cast %get3A_135 : vector<16xi32> to vector<16xi32>
        %add3A_137 = vector.broadcast %mul3A_117 : i32 to vector<16xi32>
        %add3A_138 = arith.addi %get3A_136, %add3A_137 : vector<16xi32>
        %swap3A_139 = arith.constant 32 : index
        %swap3A_140 = tpu.vector_load %arg6[%swap3A_139] {strides = array<i32>} : memref<128xi32, #tpu.memory_space<vmem>>, vector<16xi32>,
        %swap3A_141 = vector.shape_cast %swap3A_140 : vector<16xi32> to vector<16xi32>
        %swap3A_142 = vector.shape_cast %add3A_138 : vector<16xi32> to vector<16xi32>
        tpu.vector_store %arg6[%swap3A_139], %swap3A_142 {strides = array<i32>} : memref<128xi32, #tpu.memory_space<vmem>>, vector<16xi32>,
        %get3A_143 = arith.constant 48 : index
        %get3A_144 = tpu.vector_load %arg6[%get3A_143] {strides = array<i32>} : memref<128xi32, #tpu.memory_space<vmem>>, vector<16xi32>,
        %get3A_145 = vector.shape_cast %get3A_144 : vector<16xi32> to vector<16xi32>
        %add3A_146 = vector.broadcast %mul3A_117 : i32 to vector<16xi32>
        %add3A_147 = arith.addi %get3A_145, %add3A_146 : vector<16xi32>
        %swap3A_148 = arith.constant 48 : index
        %swap3A_149 = tpu.vector_load %arg6[%swap3A_148] {strides = array<i32>} : memref<128xi32, #tpu.memory_space<vmem>>, vector<16xi32>,
        %swap3A_150 = vector.shape_cast %swap3A_149 : vector<16xi32> to vector<16xi32>
        %swap3A_151 = vector.shape_cast %add3A_147 : vector<16xi32> to vector<16xi32>
        tpu.vector_store %arg6[%swap3A_148], %swap3A_151 {strides = array<i32>} : memref<128xi32, #tpu.memory_space<vmem>>, vector<16xi32>,
        %get3A_152 = arith.constant 64 : index
        %get3A_153 = tpu.vector_load %arg6[%get3A_152] {strides = array<i32>} : memref<128xi32, #tpu.memory_space<vmem>>, vector<16xi32>,
        %get3A_154 = vector.shape_cast %get3A_153 : vector<16xi32> to vector<16xi32>
        %add3A_155 = vector.broadcast %mul3A_117 : i32 to vector<16xi32>
        %add3A_156 = arith.addi %get3A_154, %add3A_155 : vector<16xi32>
        %swap3A_157 = arith.constant 64 : index
        %swap3A_158 = tpu.vector_load %arg6[%swap3A_157] {strides = array<i32>} : memref<128xi32, #tpu.memory_space<vmem>>, vector<16xi32>,
        %swap3A_159 = vector.shape_cast %swap3A_158 : vector<16xi32> to vector<16xi32>
        %swap3A_160 = vector.shape_cast %add3A_156 : vector<16xi32> to vector<16xi32>
        tpu.vector_store %arg6[%swap3A_157], %swap3A_160 {strides = array<i32>} : memref<128xi32, #tpu.memory_space<vmem>>, vector<16xi32>,
        %get3A_161 = arith.constant 80 : index
        %get3A_162 = tpu.vector_load %arg6[%get3A_161] {strides = array<i32>} : memref<128xi32, #tpu.memory_space<vmem>>, vector<16xi32>,
        %get3A_163 = vector.shape_cast %get3A_162 : vector<16xi32> to vector<16xi32>
        %add3A_164 = vector.broadcast %mul3A_117 : i32 to vector<16xi32>
        %add3A_165 = arith.addi %get3A_163, %add3A_164 : vector<16xi32>
        %swap3A_166 = arith.constant 80 : index
        %swap3A_167 = tpu.vector_load %arg6[%swap3A_166] {strides = array<i32>} : memref<128xi32, #tpu.memory_space<vmem>>, vector<16xi32>,
        %swap3A_168 = vector.shape_cast %swap3A_167 : vector<16xi32> to vector<16xi32>
        %swap3A_169 = vector.shape_cast %add3A_165 : vector<16xi32> to vector<16xi32>
        tpu.vector_store %arg6[%swap3A_166], %swap3A_169 {strides = array<i32>} : memref<128xi32, #tpu.memory_space<vmem>>, vector<16xi32>,
        %get3A_170 = arith.constant 96 : index
        %get3A_171 = tpu.vector_load %arg6[%get3A_170] {strides = array<i32>} : memref<128xi32, #tpu.memory_space<vmem>>, vector<16xi32>,
        %get3A_172 = vector.shape_cast %get3A_171 : vector<16xi32> to vector<16xi32>
        %add3A_173 = vector.broadcast %mul3A_117 : i32 to vector<16xi32>
        %add3A_174 = arith.addi %get3A_172, %add3A_173 : vector<16xi32>
        %swap3A_175 = arith.constant 96 : index
        %swap3A_176 = tpu.vector_load %arg6[%swap3A_175] {strides = array<i32>} : memref<128xi32, #tpu.memory_space<vmem>>, vector<16xi32>,
        %swap3A_177 = vector.shape_cast %swap3A_176 : vector<16xi32> to vector<16xi32>
        %swap3A_178 = vector.shape_cast %add3A_174 : vector<16xi32> to vector<16xi32>
        tpu.vector_store %arg6[%swap3A_175], %swap3A_178 {strides = array<i32>} : memref<128xi32, #tpu.memory_space<vmem>>, vector<16xi32>,
        %get3A_179 = arith.constant 112 : index
        %get3A_180 = tpu.vector_load %arg6[%get3A_179] {strides = array<i32>} : memref<128xi32, #tpu.memory_space<vmem>>, vector<16xi32>,
        %get3A_181 = vector.shape_cast %get3A_180 : vector<16xi32> to vector<16xi32>
        %add3A_182 = vector.broadcast %mul3A_117 : i32 to vector<16xi32>
        %add3A_183 = arith.addi %get3A_181, %add3A_182 : vector<16xi32>
        %swap3A_184 = arith.constant 112 : index
        %swap3A_185 = tpu.vector_load %arg6[%swap3A_184] {strides = array<i32>} : memref<128xi32, #tpu.memory_space<vmem>>, vector<16xi32>,
        %swap3A_186 = vector.shape_cast %swap3A_185 : vector<16xi32> to vector<16xi32>
        %swap3A_187 = vector.shape_cast %add3A_183 : vector<16xi32> to vector<16xi32>
        tpu.vector_store %arg6[%swap3A_184], %swap3A_187 {strides = array<i32>} : memref<128xi32, #tpu.memory_space<vmem>>, vector<16xi32>,
        %dma_start3A = arith.constant 0 : i32
        %dma_start3A_188 = arith.constant 0 : i32
        %dma_start3A_189 = tpu.memref_slice %arg2[%dma_start3A, %dma_start3A_188] : memref<100000x32xf32, #tpu.memory_space<hbm>> -> memref<100000x32xf32, #tpu.memory_space<hbm>>
        tpu.enqueue_indirect_dma source(%dma_start3A_189 : memref<100000x32xf32, #tpu.memory_space<hbm>>) target(%arg8 : memref<128x32xf32, #tpu.memory_space<vmem>>) offsets(%arg6 : memref<128xi32, #tpu.memory_space<vmem>>) semaphore(%arg11 : memref<!tpu.dma_semaphore, #tpu.memory_space<semaphore_mem>>)
        %dma_wait3A = arith.constant 0 : i32
        %dma_wait3A_190 = arith.constant 0 : i32
        %dma_wait3A_191 = tpu.memref_slice %arg2[%dma_wait3A, %dma_wait3A_190] : memref<100000x32xf32, #tpu.memory_space<hbm>> -> memref<100000x32xf32, #tpu.memory_space<hbm>>
        tpu.wait_indirect_dma semaphore(%arg11 : memref<!tpu.dma_semaphore, #tpu.memory_space<semaphore_mem>>) src(%dma_wait3A_191 : memref<100000x32xf32, #tpu.memory_space<hbm>>) dst(%arg8 : memref<128x32xf32, #tpu.memory_space<vmem>>)
        "tpu.region"() ({
          %run_scoped3A = tpu.sem_alloc : memref<!tpu.dma_semaphore, #tpu.memory_space<semaphore_mem>>
          %dma_start3A_192 = arith.constant 0 : i32
          %dma_start3A_193 = arith.constant 0 : i32
          %dma_start3A_194 = tpu.memref_slice %arg9[%dma_start3A_192, %dma_start3A_193] : memref<50048x32xf32, #tpu.memory_space<vmem_shared>> -> memref<50048x32xf32, #tpu.memory_space<vmem_shared>>
          tpu.enqueue_indirect_dma source(%arg8 : memref<128x32xf32, #tpu.memory_space<vmem>>) target(%dma_start3A_194 : memref<50048x32xf32, #tpu.memory_space<vmem_shared>>) offsets(%arg7 : memref<128xi32, #tpu.memory_space<vmem>>) semaphore(%run_scoped3A : memref<!tpu.dma_semaphore, #tpu.memory_space<semaphore_mem>>) {add = true}
          %dma_wait3A_195 = arith.constant 0 : i32
          %dma_wait3A_196 = arith.constant 0 : i32
          %dma_wait3A_197 = tpu.memref_slice %arg9[%dma_wait3A_195, %dma_wait3A_196] : memref<50048x32xf32, #tpu.memory_space<vmem_shared>> -> memref<50048x32xf32, #tpu.memory_space<vmem_shared>>
          tpu.wait_indirect_dma semaphore(%run_scoped3A : memref<!tpu.dma_semaphore, #tpu.memory_space<semaphore_mem>>) src(%arg8 : memref<128x32xf32, #tpu.memory_space<vmem>>) dst(%dma_wait3A_197 : memref<50048x32xf32, #tpu.memory_space<vmem_shared>>)
          tpu.yield
        }) : () -> ()
      } else {
      }
    }
    %scan3A_101 = arith.constant 391 : i32
    %barrier3A_102 = arith.constant 0 : index
    tpu.barrier barrier_id(%barrier3A_102)
    %mul3A_103 = arith.constant 3128 : i32
    %mul3A_104 = arith.muli %arg1, %mul3A_103 : i32
    %mul3A_105 = arith.constant 50048 : i32
    %mul3A_106 = arith.muli %arg0, %mul3A_105 : i32
    %add3A_107 = arith.addi %mul3A_106, %mul3A_104 : i32
    "tpu.region"() ({
      %run_scoped3A = tpu.sem_alloc : memref<!tpu.dma_semaphore, #tpu.memory_space<semaphore_mem>>
      %dma_start3A = arith.constant 0 : i32
      %dma_start3A_108 = tpu.memref_slice %arg5[%add3A_107, %dma_start3A] : memref<100096x32xf32, #tpu.memory_space<hbm>> -> memref<3128x32xf32, #tpu.memory_space<hbm>>
      %dma_start3A_109 = arith.constant 0 : i32
      %dma_start3A_110 = tpu.memref_slice %arg9[%mul3A_104, %dma_start3A_109] : memref<50048x32xf32, #tpu.memory_space<vmem_shared>> -> memref<3128x32xf32, #tpu.memory_space<vmem_shared>>
      tpu.enqueue_dma source(%dma_start3A_110 : memref<3128x32xf32, #tpu.memory_space<vmem_shared>>) target(%dma_start3A_108 : memref<3128x32xf32, #tpu.memory_space<hbm>>) target_semaphore(%run_scoped3A : memref<!tpu.dma_semaphore, #tpu.memory_space<semaphore_mem>>)
      %dma_wait3A = arith.constant 0 : i32
      %dma_wait3A_111 = tpu.memref_slice %arg5[%add3A_107, %dma_wait3A] : memref<100096x32xf32, #tpu.memory_space<hbm>> -> memref<3128x32xf32, #tpu.memory_space<hbm>>
      %dma_wait3A_112 = arith.constant 0 : i32
      %dma_wait3A_113 = tpu.memref_slice %arg9[%mul3A_104, %dma_wait3A_112] : memref<50048x32xf32, #tpu.memory_space<vmem_shared>> -> memref<3128x32xf32, #tpu.memory_space<vmem_shared>>
      tpu.wait_dma2 semaphore(%run_scoped3A : memref<!tpu.dma_semaphore, #tpu.memory_space<semaphore_mem>>) src(%dma_wait3A_113 : memref<3128x32xf32, #tpu.memory_space<vmem_shared>>) dst(%dma_wait3A_111 : memref<3128x32xf32, #tpu.memory_space<hbm>>)
      tpu.yield
    }) : () -> ()
    return
  }
}

#map = affine_map<(d0, d1) -> (0, 0)>
#map1 = affine_map<(d0, d1) -> (0)>
module attributes {stable_mosaic.version = 14 : i64} {
  func.func @_agg_sc(%arg0: i32, %arg1: i32, %arg2: memref<100000x32xf32, #tpu.memory_space<hbm>>, %arg3: memref<800000xi32, #tpu.memory_space<hbm>>, %arg4: memref<800000xi32, #tpu.memory_space<hbm>>, %arg5: memref<100096x32xf32, #tpu.memory_space<hbm>>, %arg6: memref<128xi32, #tpu.memory_space<vmem>>, %arg7: memref<128xi32, #tpu.memory_space<vmem>>, %arg8: memref<128x32xf32, #tpu.memory_space<vmem>>, %arg9: memref<50048x32xf32, #tpu.memory_space<vmem_shared>>, %arg10: memref<136x32xf32, #tpu.memory_space<vmem>>, %arg11: memref<!tpu.dma_semaphore, #tpu.memory_space<semaphore_mem>>) attributes {dimension_semantics = [#tpu.dimension_semantics<core_parallel>, #tpu.dimension_semantics<subcore_parallel>], iteration_bounds = array<i64: 2, 16>, scalar_prefetch = 0 : i64, scratch_operands = 6 : i64, tpu.core_type = #tpu.core_type<sc_vector_subcore>, window_params = [{transform_indices = #map}, {transform_indices = #map1}, {transform_indices = #map1}, {transform_indices = #map}]} {
    %broadcast_in_dim3A = arith.constant 0.000000e+00 : f32
    %broadcast_in_dim3A_0 = vector.broadcast %broadcast_in_dim3A : f32 to vector<16xf32>
    %scan3A = arith.constant 0 : i32
    %scan3A_1 = arith.constant 0 : i32
    %scan3A_2 = arith.constant 136 : i32
    %scan3A_3 = arith.addi %scan3A_1, %scan3A_2 : i32
    %scan3A_4 = arith.constant 1 : i32
    scf.for %scan3A_108 = %scan3A_1 to %scan3A_3 step %scan3A_4  : i32 {
      %swap3A = arith.index_cast %scan3A_108 : i32 to index
      %swap3A_109 = arith.constant 0 : index
      %swap3A_110 = tpu.vector_load %arg10[%swap3A, %swap3A_109] {strides = array<i32>} : memref<136x32xf32, #tpu.memory_space<vmem>>, vector<1x16xf32>,
      %swap3A_111 = vector.shape_cast %swap3A_110 : vector<1x16xf32> to vector<16xf32>
      %swap3A_112 = vector.shape_cast %broadcast_in_dim3A_0 : vector<16xf32> to vector<1x16xf32>
      tpu.vector_store %arg10[%swap3A, %swap3A_109], %swap3A_112 {strides = array<i32>} : memref<136x32xf32, #tpu.memory_space<vmem>>, vector<1x16xf32>,
      %swap3A_113 = arith.index_cast %scan3A_108 : i32 to index
      %swap3A_114 = arith.constant 16 : index
      %swap3A_115 = tpu.vector_load %arg10[%swap3A_113, %swap3A_114] {strides = array<i32>} : memref<136x32xf32, #tpu.memory_space<vmem>>, vector<1x16xf32>,
      %swap3A_116 = vector.shape_cast %swap3A_115 : vector<1x16xf32> to vector<16xf32>
      %swap3A_117 = vector.shape_cast %broadcast_in_dim3A_0 : vector<16xf32> to vector<1x16xf32>
      tpu.vector_store %arg10[%swap3A_113, %swap3A_114], %swap3A_117 {strides = array<i32>} : memref<136x32xf32, #tpu.memory_space<vmem>>, vector<1x16xf32>,
    }
    %scan3A_5 = arith.constant 136 : i32
    %mul3A = arith.constant 3128 : i32
    %mul3A_6 = arith.muli %arg1, %mul3A : i32
    %add3A = arith.constant 0 : i32
    %add3A_7 = arith.addi %mul3A_6, %add3A : i32
    "tpu.region"() ({
      %run_scoped3A = tpu.sem_alloc : memref<!tpu.dma_semaphore, #tpu.memory_space<semaphore_mem>>
      %dma_start3A = arith.constant 0 : i32
      %dma_start3A_108 = tpu.memref_slice %arg9[%add3A_7, %dma_start3A] : memref<50048x32xf32, #tpu.memory_space<vmem_shared>> -> memref<136x32xf32, #tpu.memory_space<vmem_shared>>
      %dma_start3A_109 = arith.constant 0 : i32
      %dma_start3A_110 = tpu.memref_slice %arg9[%add3A_7, %dma_start3A_109] : memref<50048x32xf32, #tpu.memory_space<vmem_shared>> -> memref<136x32xf32, #tpu.memory_space<vmem_shared>>
      tpu.enqueue_dma source(%arg10 : memref<136x32xf32, #tpu.memory_space<vmem>>) target(%dma_start3A_110 : memref<136x32xf32, #tpu.memory_space<vmem_shared>>) target_semaphore(%run_scoped3A : memref<!tpu.dma_semaphore, #tpu.memory_space<semaphore_mem>>)
      %dma_wait3A = arith.constant 0 : i32
      %dma_wait3A_111 = tpu.memref_slice %arg9[%add3A_7, %dma_wait3A] : memref<50048x32xf32, #tpu.memory_space<vmem_shared>> -> memref<136x32xf32, #tpu.memory_space<vmem_shared>>
      %dma_wait3A_112 = arith.constant 0 : i32
      %dma_wait3A_113 = tpu.memref_slice %arg9[%add3A_7, %dma_wait3A_112] : memref<50048x32xf32, #tpu.memory_space<vmem_shared>> -> memref<136x32xf32, #tpu.memory_space<vmem_shared>>
      tpu.wait_dma2 semaphore(%run_scoped3A : memref<!tpu.dma_semaphore, #tpu.memory_space<semaphore_mem>>) src(%arg10 : memref<136x32xf32, #tpu.memory_space<vmem>>) dst(%dma_wait3A_113 : memref<136x32xf32, #tpu.memory_space<vmem_shared>>)
      tpu.yield
    }) : () -> ()
    %mul3A_8 = arith.constant 3128 : i32
    %mul3A_9 = arith.muli %arg1, %mul3A_8 : i32
    %add3A_10 = arith.constant 136 : i32
    %add3A_11 = arith.addi %mul3A_9, %add3A_10 : i32
    "tpu.region"() ({
      %run_scoped3A = tpu.sem_alloc : memref<!tpu.dma_semaphore, #tpu.memory_space<semaphore_mem>>
      %dma_start3A = arith.constant 0 : i32
      %dma_start3A_108 = tpu.memref_slice %arg9[%add3A_11, %dma_start3A] : memref<50048x32xf32, #tpu.memory_space<vmem_shared>> -> memref<136x32xf32, #tpu.memory_space<vmem_shared>>
      %dma_start3A_109 = arith.constant 0 : i32
      %dma_start3A_110 = tpu.memref_slice %arg9[%add3A_11, %dma_start3A_109] : memref<50048x32xf32, #tpu.memory_space<vmem_shared>> -> memref<136x32xf32, #tpu.memory_space<vmem_shared>>
      tpu.enqueue_dma source(%arg10 : memref<136x32xf32, #tpu.memory_space<vmem>>) target(%dma_start3A_110 : memref<136x32xf32, #tpu.memory_space<vmem_shared>>) target_semaphore(%run_scoped3A : memref<!tpu.dma_semaphore, #tpu.memory_space<semaphore_mem>>)
      %dma_wait3A = arith.constant 0 : i32
      %dma_wait3A_111 = tpu.memref_slice %arg9[%add3A_11, %dma_wait3A] : memref<50048x32xf32, #tpu.memory_space<vmem_shared>> -> memref<136x32xf32, #tpu.memory_space<vmem_shared>>
      %dma_wait3A_112 = arith.constant 0 : i32
      %dma_wait3A_113 = tpu.memref_slice %arg9[%add3A_11, %dma_wait3A_112] : memref<50048x32xf32, #tpu.memory_space<vmem_shared>> -> memref<136x32xf32, #tpu.memory_space<vmem_shared>>
      tpu.wait_dma2 semaphore(%run_scoped3A : memref<!tpu.dma_semaphore, #tpu.memory_space<semaphore_mem>>) src(%arg10 : memref<136x32xf32, #tpu.memory_space<vmem>>) dst(%dma_wait3A_113 : memref<136x32xf32, #tpu.memory_space<vmem_shared>>)
      tpu.yield
    }) : () -> ()
    %mul3A_12 = arith.constant 3128 : i32
    %mul3A_13 = arith.muli %arg1, %mul3A_12 : i32
    %add3A_14 = arith.constant 272 : i32
    %add3A_15 = arith.addi %mul3A_13, %add3A_14 : i32
    "tpu.region"() ({
      %run_scoped3A = tpu.sem_alloc : memref<!tpu.dma_semaphore, #tpu.memory_space<semaphore_mem>>
      %dma_start3A = arith.constant 0 : i32
      %dma_start3A_108 = tpu.memref_slice %arg9[%add3A_15, %dma_start3A] : memref<50048x32xf32, #tpu.memory_space<vmem_shared>> -> memref<136x32xf32, #tpu.memory_space<vmem_shared>>
      %dma_start3A_109 = arith.constant 0 : i32
      %dma_start3A_110 = tpu.memref_slice %arg9[%add3A_15, %dma_start3A_109] : memref<50048x32xf32, #tpu.memory_space<vmem_shared>> -> memref<136x32xf32, #tpu.memory_space<vmem_shared>>
      tpu.enqueue_dma source(%arg10 : memref<136x32xf32, #tpu.memory_space<vmem>>) target(%dma_start3A_110 : memref<136x32xf32, #tpu.memory_space<vmem_shared>>) target_semaphore(%run_scoped3A : memref<!tpu.dma_semaphore, #tpu.memory_space<semaphore_mem>>)
      %dma_wait3A = arith.constant 0 : i32
      %dma_wait3A_111 = tpu.memref_slice %arg9[%add3A_15, %dma_wait3A] : memref<50048x32xf32, #tpu.memory_space<vmem_shared>> -> memref<136x32xf32, #tpu.memory_space<vmem_shared>>
      %dma_wait3A_112 = arith.constant 0 : i32
      %dma_wait3A_113 = tpu.memref_slice %arg9[%add3A_15, %dma_wait3A_112] : memref<50048x32xf32, #tpu.memory_space<vmem_shared>> -> memref<136x32xf32, #tpu.memory_space<vmem_shared>>
      tpu.wait_dma2 semaphore(%run_scoped3A : memref<!tpu.dma_semaphore, #tpu.memory_space<semaphore_mem>>) src(%arg10 : memref<136x32xf32, #tpu.memory_space<vmem>>) dst(%dma_wait3A_113 : memref<136x32xf32, #tpu.memory_space<vmem_shared>>)
      tpu.yield
    }) : () -> ()
    %mul3A_16 = arith.constant 3128 : i32
    %mul3A_17 = arith.muli %arg1, %mul3A_16 : i32
    %add3A_18 = arith.constant 408 : i32
    %add3A_19 = arith.addi %mul3A_17, %add3A_18 : i32
    "tpu.region"() ({
      %run_scoped3A = tpu.sem_alloc : memref<!tpu.dma_semaphore, #tpu.memory_space<semaphore_mem>>
      %dma_start3A = arith.constant 0 : i32
      %dma_start3A_108 = tpu.memref_slice %arg9[%add3A_19, %dma_start3A] : memref<50048x32xf32, #tpu.memory_space<vmem_shared>> -> memref<136x32xf32, #tpu.memory_space<vmem_shared>>
      %dma_start3A_109 = arith.constant 0 : i32
      %dma_start3A_110 = tpu.memref_slice %arg9[%add3A_19, %dma_start3A_109] : memref<50048x32xf32, #tpu.memory_space<vmem_shared>> -> memref<136x32xf32, #tpu.memory_space<vmem_shared>>
      tpu.enqueue_dma source(%arg10 : memref<136x32xf32, #tpu.memory_space<vmem>>) target(%dma_start3A_110 : memref<136x32xf32, #tpu.memory_space<vmem_shared>>) target_semaphore(%run_scoped3A : memref<!tpu.dma_semaphore, #tpu.memory_space<semaphore_mem>>)
      %dma_wait3A = arith.constant 0 : i32
      %dma_wait3A_111 = tpu.memref_slice %arg9[%add3A_19, %dma_wait3A] : memref<50048x32xf32, #tpu.memory_space<vmem_shared>> -> memref<136x32xf32, #tpu.memory_space<vmem_shared>>
      %dma_wait3A_112 = arith.constant 0 : i32
      %dma_wait3A_113 = tpu.memref_slice %arg9[%add3A_19, %dma_wait3A_112] : memref<50048x32xf32, #tpu.memory_space<vmem_shared>> -> memref<136x32xf32, #tpu.memory_space<vmem_shared>>
      tpu.wait_dma2 semaphore(%run_scoped3A : memref<!tpu.dma_semaphore, #tpu.memory_space<semaphore_mem>>) src(%arg10 : memref<136x32xf32, #tpu.memory_space<vmem>>) dst(%dma_wait3A_113 : memref<136x32xf32, #tpu.memory_space<vmem_shared>>)
      tpu.yield
    }) : () -> ()
    %mul3A_20 = arith.constant 3128 : i32
    %mul3A_21 = arith.muli %arg1, %mul3A_20 : i32
    %add3A_22 = arith.constant 544 : i32
    %add3A_23 = arith.addi %mul3A_21, %add3A_22 : i32
    "tpu.region"() ({
      %run_scoped3A = tpu.sem_alloc : memref<!tpu.dma_semaphore, #tpu.memory_space<semaphore_mem>>
      %dma_start3A = arith.constant 0 : i32
      %dma_start3A_108 = tpu.memref_slice %arg9[%add3A_23, %dma_start3A] : memref<50048x32xf32, #tpu.memory_space<vmem_shared>> -> memref<136x32xf32, #tpu.memory_space<vmem_shared>>
      %dma_start3A_109 = arith.constant 0 : i32
      %dma_start3A_110 = tpu.memref_slice %arg9[%add3A_23, %dma_start3A_109] : memref<50048x32xf32, #tpu.memory_space<vmem_shared>> -> memref<136x32xf32, #tpu.memory_space<vmem_shared>>
      tpu.enqueue_dma source(%arg10 : memref<136x32xf32, #tpu.memory_space<vmem>>) target(%dma_start3A_110 : memref<136x32xf32, #tpu.memory_space<vmem_shared>>) target_semaphore(%run_scoped3A : memref<!tpu.dma_semaphore, #tpu.memory_space<semaphore_mem>>)
      %dma_wait3A = arith.constant 0 : i32
      %dma_wait3A_111 = tpu.memref_slice %arg9[%add3A_23, %dma_wait3A] : memref<50048x32xf32, #tpu.memory_space<vmem_shared>> -> memref<136x32xf32, #tpu.memory_space<vmem_shared>>
      %dma_wait3A_112 = arith.constant 0 : i32
      %dma_wait3A_113 = tpu.memref_slice %arg9[%add3A_23, %dma_wait3A_112] : memref<50048x32xf32, #tpu.memory_space<vmem_shared>> -> memref<136x32xf32, #tpu.memory_space<vmem_shared>>
      tpu.wait_dma2 semaphore(%run_scoped3A : memref<!tpu.dma_semaphore, #tpu.memory_space<semaphore_mem>>) src(%arg10 : memref<136x32xf32, #tpu.memory_space<vmem>>) dst(%dma_wait3A_113 : memref<136x32xf32, #tpu.memory_space<vmem_shared>>)
      tpu.yield
    }) : () -> ()
    %mul3A_24 = arith.constant 3128 : i32
    %mul3A_25 = arith.muli %arg1, %mul3A_24 : i32
    %add3A_26 = arith.constant 680 : i32
    %add3A_27 = arith.addi %mul3A_25, %add3A_26 : i32
    "tpu.region"() ({
      %run_scoped3A = tpu.sem_alloc : memref<!tpu.dma_semaphore, #tpu.memory_space<semaphore_mem>>
      %dma_start3A = arith.constant 0 : i32
      %dma_start3A_108 = tpu.memref_slice %arg9[%add3A_27, %dma_start3A] : memref<50048x32xf32, #tpu.memory_space<vmem_shared>> -> memref<136x32xf32, #tpu.memory_space<vmem_shared>>
      %dma_start3A_109 = arith.constant 0 : i32
      %dma_start3A_110 = tpu.memref_slice %arg9[%add3A_27, %dma_start3A_109] : memref<50048x32xf32, #tpu.memory_space<vmem_shared>> -> memref<136x32xf32, #tpu.memory_space<vmem_shared>>
      tpu.enqueue_dma source(%arg10 : memref<136x32xf32, #tpu.memory_space<vmem>>) target(%dma_start3A_110 : memref<136x32xf32, #tpu.memory_space<vmem_shared>>) target_semaphore(%run_scoped3A : memref<!tpu.dma_semaphore, #tpu.memory_space<semaphore_mem>>)
      %dma_wait3A = arith.constant 0 : i32
      %dma_wait3A_111 = tpu.memref_slice %arg9[%add3A_27, %dma_wait3A] : memref<50048x32xf32, #tpu.memory_space<vmem_shared>> -> memref<136x32xf32, #tpu.memory_space<vmem_shared>>
      %dma_wait3A_112 = arith.constant 0 : i32
      %dma_wait3A_113 = tpu.memref_slice %arg9[%add3A_27, %dma_wait3A_112] : memref<50048x32xf32, #tpu.memory_space<vmem_shared>> -> memref<136x32xf32, #tpu.memory_space<vmem_shared>>
      tpu.wait_dma2 semaphore(%run_scoped3A : memref<!tpu.dma_semaphore, #tpu.memory_space<semaphore_mem>>) src(%arg10 : memref<136x32xf32, #tpu.memory_space<vmem>>) dst(%dma_wait3A_113 : memref<136x32xf32, #tpu.memory_space<vmem_shared>>)
      tpu.yield
    }) : () -> ()
    %mul3A_28 = arith.constant 3128 : i32
    %mul3A_29 = arith.muli %arg1, %mul3A_28 : i32
    %add3A_30 = arith.constant 816 : i32
    %add3A_31 = arith.addi %mul3A_29, %add3A_30 : i32
    "tpu.region"() ({
      %run_scoped3A = tpu.sem_alloc : memref<!tpu.dma_semaphore, #tpu.memory_space<semaphore_mem>>
      %dma_start3A = arith.constant 0 : i32
      %dma_start3A_108 = tpu.memref_slice %arg9[%add3A_31, %dma_start3A] : memref<50048x32xf32, #tpu.memory_space<vmem_shared>> -> memref<136x32xf32, #tpu.memory_space<vmem_shared>>
      %dma_start3A_109 = arith.constant 0 : i32
      %dma_start3A_110 = tpu.memref_slice %arg9[%add3A_31, %dma_start3A_109] : memref<50048x32xf32, #tpu.memory_space<vmem_shared>> -> memref<136x32xf32, #tpu.memory_space<vmem_shared>>
      tpu.enqueue_dma source(%arg10 : memref<136x32xf32, #tpu.memory_space<vmem>>) target(%dma_start3A_110 : memref<136x32xf32, #tpu.memory_space<vmem_shared>>) target_semaphore(%run_scoped3A : memref<!tpu.dma_semaphore, #tpu.memory_space<semaphore_mem>>)
      %dma_wait3A = arith.constant 0 : i32
      %dma_wait3A_111 = tpu.memref_slice %arg9[%add3A_31, %dma_wait3A] : memref<50048x32xf32, #tpu.memory_space<vmem_shared>> -> memref<136x32xf32, #tpu.memory_space<vmem_shared>>
      %dma_wait3A_112 = arith.constant 0 : i32
      %dma_wait3A_113 = tpu.memref_slice %arg9[%add3A_31, %dma_wait3A_112] : memref<50048x32xf32, #tpu.memory_space<vmem_shared>> -> memref<136x32xf32, #tpu.memory_space<vmem_shared>>
      tpu.wait_dma2 semaphore(%run_scoped3A : memref<!tpu.dma_semaphore, #tpu.memory_space<semaphore_mem>>) src(%arg10 : memref<136x32xf32, #tpu.memory_space<vmem>>) dst(%dma_wait3A_113 : memref<136x32xf32, #tpu.memory_space<vmem_shared>>)
      tpu.yield
    }) : () -> ()
    %mul3A_32 = arith.constant 3128 : i32
    %mul3A_33 = arith.muli %arg1, %mul3A_32 : i32
    %add3A_34 = arith.constant 952 : i32
    %add3A_35 = arith.addi %mul3A_33, %add3A_34 : i32
    "tpu.region"() ({
      %run_scoped3A = tpu.sem_alloc : memref<!tpu.dma_semaphore, #tpu.memory_space<semaphore_mem>>
      %dma_start3A = arith.constant 0 : i32
      %dma_start3A_108 = tpu.memref_slice %arg9[%add3A_35, %dma_start3A] : memref<50048x32xf32, #tpu.memory_space<vmem_shared>> -> memref<136x32xf32, #tpu.memory_space<vmem_shared>>
      %dma_start3A_109 = arith.constant 0 : i32
      %dma_start3A_110 = tpu.memref_slice %arg9[%add3A_35, %dma_start3A_109] : memref<50048x32xf32, #tpu.memory_space<vmem_shared>> -> memref<136x32xf32, #tpu.memory_space<vmem_shared>>
      tpu.enqueue_dma source(%arg10 : memref<136x32xf32, #tpu.memory_space<vmem>>) target(%dma_start3A_110 : memref<136x32xf32, #tpu.memory_space<vmem_shared>>) target_semaphore(%run_scoped3A : memref<!tpu.dma_semaphore, #tpu.memory_space<semaphore_mem>>)
      %dma_wait3A = arith.constant 0 : i32
      %dma_wait3A_111 = tpu.memref_slice %arg9[%add3A_35, %dma_wait3A] : memref<50048x32xf32, #tpu.memory_space<vmem_shared>> -> memref<136x32xf32, #tpu.memory_space<vmem_shared>>
      %dma_wait3A_112 = arith.constant 0 : i32
      %dma_wait3A_113 = tpu.memref_slice %arg9[%add3A_35, %dma_wait3A_112] : memref<50048x32xf32, #tpu.memory_space<vmem_shared>> -> memref<136x32xf32, #tpu.memory_space<vmem_shared>>
      tpu.wait_dma2 semaphore(%run_scoped3A : memref<!tpu.dma_semaphore, #tpu.memory_space<semaphore_mem>>) src(%arg10 : memref<136x32xf32, #tpu.memory_space<vmem>>) dst(%dma_wait3A_113 : memref<136x32xf32, #tpu.memory_space<vmem_shared>>)
      tpu.yield
    }) : () -> ()
    %mul3A_36 = arith.constant 3128 : i32
    %mul3A_37 = arith.muli %arg1, %mul3A_36 : i32
    %add3A_38 = arith.constant 1088 : i32
    %add3A_39 = arith.addi %mul3A_37, %add3A_38 : i32
    "tpu.region"() ({
      %run_scoped3A = tpu.sem_alloc : memref<!tpu.dma_semaphore, #tpu.memory_space<semaphore_mem>>
      %dma_start3A = arith.constant 0 : i32
      %dma_start3A_108 = tpu.memref_slice %arg9[%add3A_39, %dma_start3A] : memref<50048x32xf32, #tpu.memory_space<vmem_shared>> -> memref<136x32xf32, #tpu.memory_space<vmem_shared>>
      %dma_start3A_109 = arith.constant 0 : i32
      %dma_start3A_110 = tpu.memref_slice %arg9[%add3A_39, %dma_start3A_109] : memref<50048x32xf32, #tpu.memory_space<vmem_shared>> -> memref<136x32xf32, #tpu.memory_space<vmem_shared>>
      tpu.enqueue_dma source(%arg10 : memref<136x32xf32, #tpu.memory_space<vmem>>) target(%dma_start3A_110 : memref<136x32xf32, #tpu.memory_space<vmem_shared>>) target_semaphore(%run_scoped3A : memref<!tpu.dma_semaphore, #tpu.memory_space<semaphore_mem>>)
      %dma_wait3A = arith.constant 0 : i32
      %dma_wait3A_111 = tpu.memref_slice %arg9[%add3A_39, %dma_wait3A] : memref<50048x32xf32, #tpu.memory_space<vmem_shared>> -> memref<136x32xf32, #tpu.memory_space<vmem_shared>>
      %dma_wait3A_112 = arith.constant 0 : i32
      %dma_wait3A_113 = tpu.memref_slice %arg9[%add3A_39, %dma_wait3A_112] : memref<50048x32xf32, #tpu.memory_space<vmem_shared>> -> memref<136x32xf32, #tpu.memory_space<vmem_shared>>
      tpu.wait_dma2 semaphore(%run_scoped3A : memref<!tpu.dma_semaphore, #tpu.memory_space<semaphore_mem>>) src(%arg10 : memref<136x32xf32, #tpu.memory_space<vmem>>) dst(%dma_wait3A_113 : memref<136x32xf32, #tpu.memory_space<vmem_shared>>)
      tpu.yield
    }) : () -> ()
    %mul3A_40 = arith.constant 3128 : i32
    %mul3A_41 = arith.muli %arg1, %mul3A_40 : i32
    %add3A_42 = arith.constant 1224 : i32
    %add3A_43 = arith.addi %mul3A_41, %add3A_42 : i32
    "tpu.region"() ({
      %run_scoped3A = tpu.sem_alloc : memref<!tpu.dma_semaphore, #tpu.memory_space<semaphore_mem>>
      %dma_start3A = arith.constant 0 : i32
      %dma_start3A_108 = tpu.memref_slice %arg9[%add3A_43, %dma_start3A] : memref<50048x32xf32, #tpu.memory_space<vmem_shared>> -> memref<136x32xf32, #tpu.memory_space<vmem_shared>>
      %dma_start3A_109 = arith.constant 0 : i32
      %dma_start3A_110 = tpu.memref_slice %arg9[%add3A_43, %dma_start3A_109] : memref<50048x32xf32, #tpu.memory_space<vmem_shared>> -> memref<136x32xf32, #tpu.memory_space<vmem_shared>>
      tpu.enqueue_dma source(%arg10 : memref<136x32xf32, #tpu.memory_space<vmem>>) target(%dma_start3A_110 : memref<136x32xf32, #tpu.memory_space<vmem_shared>>) target_semaphore(%run_scoped3A : memref<!tpu.dma_semaphore, #tpu.memory_space<semaphore_mem>>)
      %dma_wait3A = arith.constant 0 : i32
      %dma_wait3A_111 = tpu.memref_slice %arg9[%add3A_43, %dma_wait3A] : memref<50048x32xf32, #tpu.memory_space<vmem_shared>> -> memref<136x32xf32, #tpu.memory_space<vmem_shared>>
      %dma_wait3A_112 = arith.constant 0 : i32
      %dma_wait3A_113 = tpu.memref_slice %arg9[%add3A_43, %dma_wait3A_112] : memref<50048x32xf32, #tpu.memory_space<vmem_shared>> -> memref<136x32xf32, #tpu.memory_space<vmem_shared>>
      tpu.wait_dma2 semaphore(%run_scoped3A : memref<!tpu.dma_semaphore, #tpu.memory_space<semaphore_mem>>) src(%arg10 : memref<136x32xf32, #tpu.memory_space<vmem>>) dst(%dma_wait3A_113 : memref<136x32xf32, #tpu.memory_space<vmem_shared>>)
      tpu.yield
    }) : () -> ()
    %mul3A_44 = arith.constant 3128 : i32
    %mul3A_45 = arith.muli %arg1, %mul3A_44 : i32
    %add3A_46 = arith.constant 1360 : i32
    %add3A_47 = arith.addi %mul3A_45, %add3A_46 : i32
    "tpu.region"() ({
      %run_scoped3A = tpu.sem_alloc : memref<!tpu.dma_semaphore, #tpu.memory_space<semaphore_mem>>
      %dma_start3A = arith.constant 0 : i32
      %dma_start3A_108 = tpu.memref_slice %arg9[%add3A_47, %dma_start3A] : memref<50048x32xf32, #tpu.memory_space<vmem_shared>> -> memref<136x32xf32, #tpu.memory_space<vmem_shared>>
      %dma_start3A_109 = arith.constant 0 : i32
      %dma_start3A_110 = tpu.memref_slice %arg9[%add3A_47, %dma_start3A_109] : memref<50048x32xf32, #tpu.memory_space<vmem_shared>> -> memref<136x32xf32, #tpu.memory_space<vmem_shared>>
      tpu.enqueue_dma source(%arg10 : memref<136x32xf32, #tpu.memory_space<vmem>>) target(%dma_start3A_110 : memref<136x32xf32, #tpu.memory_space<vmem_shared>>) target_semaphore(%run_scoped3A : memref<!tpu.dma_semaphore, #tpu.memory_space<semaphore_mem>>)
      %dma_wait3A = arith.constant 0 : i32
      %dma_wait3A_111 = tpu.memref_slice %arg9[%add3A_47, %dma_wait3A] : memref<50048x32xf32, #tpu.memory_space<vmem_shared>> -> memref<136x32xf32, #tpu.memory_space<vmem_shared>>
      %dma_wait3A_112 = arith.constant 0 : i32
      %dma_wait3A_113 = tpu.memref_slice %arg9[%add3A_47, %dma_wait3A_112] : memref<50048x32xf32, #tpu.memory_space<vmem_shared>> -> memref<136x32xf32, #tpu.memory_space<vmem_shared>>
      tpu.wait_dma2 semaphore(%run_scoped3A : memref<!tpu.dma_semaphore, #tpu.memory_space<semaphore_mem>>) src(%arg10 : memref<136x32xf32, #tpu.memory_space<vmem>>) dst(%dma_wait3A_113 : memref<136x32xf32, #tpu.memory_space<vmem_shared>>)
      tpu.yield
    }) : () -> ()
    %mul3A_48 = arith.constant 3128 : i32
    %mul3A_49 = arith.muli %arg1, %mul3A_48 : i32
    %add3A_50 = arith.constant 1496 : i32
    %add3A_51 = arith.addi %mul3A_49, %add3A_50 : i32
    "tpu.region"() ({
      %run_scoped3A = tpu.sem_alloc : memref<!tpu.dma_semaphore, #tpu.memory_space<semaphore_mem>>
      %dma_start3A = arith.constant 0 : i32
      %dma_start3A_108 = tpu.memref_slice %arg9[%add3A_51, %dma_start3A] : memref<50048x32xf32, #tpu.memory_space<vmem_shared>> -> memref<136x32xf32, #tpu.memory_space<vmem_shared>>
      %dma_start3A_109 = arith.constant 0 : i32
      %dma_start3A_110 = tpu.memref_slice %arg9[%add3A_51, %dma_start3A_109] : memref<50048x32xf32, #tpu.memory_space<vmem_shared>> -> memref<136x32xf32, #tpu.memory_space<vmem_shared>>
      tpu.enqueue_dma source(%arg10 : memref<136x32xf32, #tpu.memory_space<vmem>>) target(%dma_start3A_110 : memref<136x32xf32, #tpu.memory_space<vmem_shared>>) target_semaphore(%run_scoped3A : memref<!tpu.dma_semaphore, #tpu.memory_space<semaphore_mem>>)
      %dma_wait3A = arith.constant 0 : i32
      %dma_wait3A_111 = tpu.memref_slice %arg9[%add3A_51, %dma_wait3A] : memref<50048x32xf32, #tpu.memory_space<vmem_shared>> -> memref<136x32xf32, #tpu.memory_space<vmem_shared>>
      %dma_wait3A_112 = arith.constant 0 : i32
      %dma_wait3A_113 = tpu.memref_slice %arg9[%add3A_51, %dma_wait3A_112] : memref<50048x32xf32, #tpu.memory_space<vmem_shared>> -> memref<136x32xf32, #tpu.memory_space<vmem_shared>>
      tpu.wait_dma2 semaphore(%run_scoped3A : memref<!tpu.dma_semaphore, #tpu.memory_space<semaphore_mem>>) src(%arg10 : memref<136x32xf32, #tpu.memory_space<vmem>>) dst(%dma_wait3A_113 : memref<136x32xf32, #tpu.memory_space<vmem_shared>>)
      tpu.yield
    }) : () -> ()
    %mul3A_52 = arith.constant 3128 : i32
    %mul3A_53 = arith.muli %arg1, %mul3A_52 : i32
    %add3A_54 = arith.constant 1632 : i32
    %add3A_55 = arith.addi %mul3A_53, %add3A_54 : i32
    "tpu.region"() ({
      %run_scoped3A = tpu.sem_alloc : memref<!tpu.dma_semaphore, #tpu.memory_space<semaphore_mem>>
      %dma_start3A = arith.constant 0 : i32
      %dma_start3A_108 = tpu.memref_slice %arg9[%add3A_55, %dma_start3A] : memref<50048x32xf32, #tpu.memory_space<vmem_shared>> -> memref<136x32xf32, #tpu.memory_space<vmem_shared>>
      %dma_start3A_109 = arith.constant 0 : i32
      %dma_start3A_110 = tpu.memref_slice %arg9[%add3A_55, %dma_start3A_109] : memref<50048x32xf32, #tpu.memory_space<vmem_shared>> -> memref<136x32xf32, #tpu.memory_space<vmem_shared>>
      tpu.enqueue_dma source(%arg10 : memref<136x32xf32, #tpu.memory_space<vmem>>) target(%dma_start3A_110 : memref<136x32xf32, #tpu.memory_space<vmem_shared>>) target_semaphore(%run_scoped3A : memref<!tpu.dma_semaphore, #tpu.memory_space<semaphore_mem>>)
      %dma_wait3A = arith.constant 0 : i32
      %dma_wait3A_111 = tpu.memref_slice %arg9[%add3A_55, %dma_wait3A] : memref<50048x32xf32, #tpu.memory_space<vmem_shared>> -> memref<136x32xf32, #tpu.memory_space<vmem_shared>>
      %dma_wait3A_112 = arith.constant 0 : i32
      %dma_wait3A_113 = tpu.memref_slice %arg9[%add3A_55, %dma_wait3A_112] : memref<50048x32xf32, #tpu.memory_space<vmem_shared>> -> memref<136x32xf32, #tpu.memory_space<vmem_shared>>
      tpu.wait_dma2 semaphore(%run_scoped3A : memref<!tpu.dma_semaphore, #tpu.memory_space<semaphore_mem>>) src(%arg10 : memref<136x32xf32, #tpu.memory_space<vmem>>) dst(%dma_wait3A_113 : memref<136x32xf32, #tpu.memory_space<vmem_shared>>)
      tpu.yield
    }) : () -> ()
    %mul3A_56 = arith.constant 3128 : i32
    %mul3A_57 = arith.muli %arg1, %mul3A_56 : i32
    %add3A_58 = arith.constant 1768 : i32
    %add3A_59 = arith.addi %mul3A_57, %add3A_58 : i32
    "tpu.region"() ({
      %run_scoped3A = tpu.sem_alloc : memref<!tpu.dma_semaphore, #tpu.memory_space<semaphore_mem>>
      %dma_start3A = arith.constant 0 : i32
      %dma_start3A_108 = tpu.memref_slice %arg9[%add3A_59, %dma_start3A] : memref<50048x32xf32, #tpu.memory_space<vmem_shared>> -> memref<136x32xf32, #tpu.memory_space<vmem_shared>>
      %dma_start3A_109 = arith.constant 0 : i32
      %dma_start3A_110 = tpu.memref_slice %arg9[%add3A_59, %dma_start3A_109] : memref<50048x32xf32, #tpu.memory_space<vmem_shared>> -> memref<136x32xf32, #tpu.memory_space<vmem_shared>>
      tpu.enqueue_dma source(%arg10 : memref<136x32xf32, #tpu.memory_space<vmem>>) target(%dma_start3A_110 : memref<136x32xf32, #tpu.memory_space<vmem_shared>>) target_semaphore(%run_scoped3A : memref<!tpu.dma_semaphore, #tpu.memory_space<semaphore_mem>>)
      %dma_wait3A = arith.constant 0 : i32
      %dma_wait3A_111 = tpu.memref_slice %arg9[%add3A_59, %dma_wait3A] : memref<50048x32xf32, #tpu.memory_space<vmem_shared>> -> memref<136x32xf32, #tpu.memory_space<vmem_shared>>
      %dma_wait3A_112 = arith.constant 0 : i32
      %dma_wait3A_113 = tpu.memref_slice %arg9[%add3A_59, %dma_wait3A_112] : memref<50048x32xf32, #tpu.memory_space<vmem_shared>> -> memref<136x32xf32, #tpu.memory_space<vmem_shared>>
      tpu.wait_dma2 semaphore(%run_scoped3A : memref<!tpu.dma_semaphore, #tpu.memory_space<semaphore_mem>>) src(%arg10 : memref<136x32xf32, #tpu.memory_space<vmem>>) dst(%dma_wait3A_113 : memref<136x32xf32, #tpu.memory_space<vmem_shared>>)
      tpu.yield
    }) : () -> ()
    %mul3A_60 = arith.constant 3128 : i32
    %mul3A_61 = arith.muli %arg1, %mul3A_60 : i32
    %add3A_62 = arith.constant 1904 : i32
    %add3A_63 = arith.addi %mul3A_61, %add3A_62 : i32
    "tpu.region"() ({
      %run_scoped3A = tpu.sem_alloc : memref<!tpu.dma_semaphore, #tpu.memory_space<semaphore_mem>>
      %dma_start3A = arith.constant 0 : i32
      %dma_start3A_108 = tpu.memref_slice %arg9[%add3A_63, %dma_start3A] : memref<50048x32xf32, #tpu.memory_space<vmem_shared>> -> memref<136x32xf32, #tpu.memory_space<vmem_shared>>
      %dma_start3A_109 = arith.constant 0 : i32
      %dma_start3A_110 = tpu.memref_slice %arg9[%add3A_63, %dma_start3A_109] : memref<50048x32xf32, #tpu.memory_space<vmem_shared>> -> memref<136x32xf32, #tpu.memory_space<vmem_shared>>
      tpu.enqueue_dma source(%arg10 : memref<136x32xf32, #tpu.memory_space<vmem>>) target(%dma_start3A_110 : memref<136x32xf32, #tpu.memory_space<vmem_shared>>) target_semaphore(%run_scoped3A : memref<!tpu.dma_semaphore, #tpu.memory_space<semaphore_mem>>)
      %dma_wait3A = arith.constant 0 : i32
      %dma_wait3A_111 = tpu.memref_slice %arg9[%add3A_63, %dma_wait3A] : memref<50048x32xf32, #tpu.memory_space<vmem_shared>> -> memref<136x32xf32, #tpu.memory_space<vmem_shared>>
      %dma_wait3A_112 = arith.constant 0 : i32
      %dma_wait3A_113 = tpu.memref_slice %arg9[%add3A_63, %dma_wait3A_112] : memref<50048x32xf32, #tpu.memory_space<vmem_shared>> -> memref<136x32xf32, #tpu.memory_space<vmem_shared>>
      tpu.wait_dma2 semaphore(%run_scoped3A : memref<!tpu.dma_semaphore, #tpu.memory_space<semaphore_mem>>) src(%arg10 : memref<136x32xf32, #tpu.memory_space<vmem>>) dst(%dma_wait3A_113 : memref<136x32xf32, #tpu.memory_space<vmem_shared>>)
      tpu.yield
    }) : () -> ()
    %mul3A_64 = arith.constant 3128 : i32
    %mul3A_65 = arith.muli %arg1, %mul3A_64 : i32
    %add3A_66 = arith.constant 2040 : i32
    %add3A_67 = arith.addi %mul3A_65, %add3A_66 : i32
    "tpu.region"() ({
      %run_scoped3A = tpu.sem_alloc : memref<!tpu.dma_semaphore, #tpu.memory_space<semaphore_mem>>
      %dma_start3A = arith.constant 0 : i32
      %dma_start3A_108 = tpu.memref_slice %arg9[%add3A_67, %dma_start3A] : memref<50048x32xf32, #tpu.memory_space<vmem_shared>> -> memref<136x32xf32, #tpu.memory_space<vmem_shared>>
      %dma_start3A_109 = arith.constant 0 : i32
      %dma_start3A_110 = tpu.memref_slice %arg9[%add3A_67, %dma_start3A_109] : memref<50048x32xf32, #tpu.memory_space<vmem_shared>> -> memref<136x32xf32, #tpu.memory_space<vmem_shared>>
      tpu.enqueue_dma source(%arg10 : memref<136x32xf32, #tpu.memory_space<vmem>>) target(%dma_start3A_110 : memref<136x32xf32, #tpu.memory_space<vmem_shared>>) target_semaphore(%run_scoped3A : memref<!tpu.dma_semaphore, #tpu.memory_space<semaphore_mem>>)
      %dma_wait3A = arith.constant 0 : i32
      %dma_wait3A_111 = tpu.memref_slice %arg9[%add3A_67, %dma_wait3A] : memref<50048x32xf32, #tpu.memory_space<vmem_shared>> -> memref<136x32xf32, #tpu.memory_space<vmem_shared>>
      %dma_wait3A_112 = arith.constant 0 : i32
      %dma_wait3A_113 = tpu.memref_slice %arg9[%add3A_67, %dma_wait3A_112] : memref<50048x32xf32, #tpu.memory_space<vmem_shared>> -> memref<136x32xf32, #tpu.memory_space<vmem_shared>>
      tpu.wait_dma2 semaphore(%run_scoped3A : memref<!tpu.dma_semaphore, #tpu.memory_space<semaphore_mem>>) src(%arg10 : memref<136x32xf32, #tpu.memory_space<vmem>>) dst(%dma_wait3A_113 : memref<136x32xf32, #tpu.memory_space<vmem_shared>>)
      tpu.yield
    }) : () -> ()
    %mul3A_68 = arith.constant 3128 : i32
    %mul3A_69 = arith.muli %arg1, %mul3A_68 : i32
    %add3A_70 = arith.constant 2176 : i32
    %add3A_71 = arith.addi %mul3A_69, %add3A_70 : i32
    "tpu.region"() ({
      %run_scoped3A = tpu.sem_alloc : memref<!tpu.dma_semaphore, #tpu.memory_space<semaphore_mem>>
      %dma_start3A = arith.constant 0 : i32
      %dma_start3A_108 = tpu.memref_slice %arg9[%add3A_71, %dma_start3A] : memref<50048x32xf32, #tpu.memory_space<vmem_shared>> -> memref<136x32xf32, #tpu.memory_space<vmem_shared>>
      %dma_start3A_109 = arith.constant 0 : i32
      %dma_start3A_110 = tpu.memref_slice %arg9[%add3A_71, %dma_start3A_109] : memref<50048x32xf32, #tpu.memory_space<vmem_shared>> -> memref<136x32xf32, #tpu.memory_space<vmem_shared>>
      tpu.enqueue_dma source(%arg10 : memref<136x32xf32, #tpu.memory_space<vmem>>) target(%dma_start3A_110 : memref<136x32xf32, #tpu.memory_space<vmem_shared>>) target_semaphore(%run_scoped3A : memref<!tpu.dma_semaphore, #tpu.memory_space<semaphore_mem>>)
      %dma_wait3A = arith.constant 0 : i32
      %dma_wait3A_111 = tpu.memref_slice %arg9[%add3A_71, %dma_wait3A] : memref<50048x32xf32, #tpu.memory_space<vmem_shared>> -> memref<136x32xf32, #tpu.memory_space<vmem_shared>>
      %dma_wait3A_112 = arith.constant 0 : i32
      %dma_wait3A_113 = tpu.memref_slice %arg9[%add3A_71, %dma_wait3A_112] : memref<50048x32xf32, #tpu.memory_space<vmem_shared>> -> memref<136x32xf32, #tpu.memory_space<vmem_shared>>
      tpu.wait_dma2 semaphore(%run_scoped3A : memref<!tpu.dma_semaphore, #tpu.memory_space<semaphore_mem>>) src(%arg10 : memref<136x32xf32, #tpu.memory_space<vmem>>) dst(%dma_wait3A_113 : memref<136x32xf32, #tpu.memory_space<vmem_shared>>)
      tpu.yield
    }) : () -> ()
    %mul3A_72 = arith.constant 3128 : i32
    %mul3A_73 = arith.muli %arg1, %mul3A_72 : i32
    %add3A_74 = arith.constant 2312 : i32
    %add3A_75 = arith.addi %mul3A_73, %add3A_74 : i32
    "tpu.region"() ({
      %run_scoped3A = tpu.sem_alloc : memref<!tpu.dma_semaphore, #tpu.memory_space<semaphore_mem>>
      %dma_start3A = arith.constant 0 : i32
      %dma_start3A_108 = tpu.memref_slice %arg9[%add3A_75, %dma_start3A] : memref<50048x32xf32, #tpu.memory_space<vmem_shared>> -> memref<136x32xf32, #tpu.memory_space<vmem_shared>>
      %dma_start3A_109 = arith.constant 0 : i32
      %dma_start3A_110 = tpu.memref_slice %arg9[%add3A_75, %dma_start3A_109] : memref<50048x32xf32, #tpu.memory_space<vmem_shared>> -> memref<136x32xf32, #tpu.memory_space<vmem_shared>>
      tpu.enqueue_dma source(%arg10 : memref<136x32xf32, #tpu.memory_space<vmem>>) target(%dma_start3A_110 : memref<136x32xf32, #tpu.memory_space<vmem_shared>>) target_semaphore(%run_scoped3A : memref<!tpu.dma_semaphore, #tpu.memory_space<semaphore_mem>>)
      %dma_wait3A = arith.constant 0 : i32
      %dma_wait3A_111 = tpu.memref_slice %arg9[%add3A_75, %dma_wait3A] : memref<50048x32xf32, #tpu.memory_space<vmem_shared>> -> memref<136x32xf32, #tpu.memory_space<vmem_shared>>
      %dma_wait3A_112 = arith.constant 0 : i32
      %dma_wait3A_113 = tpu.memref_slice %arg9[%add3A_75, %dma_wait3A_112] : memref<50048x32xf32, #tpu.memory_space<vmem_shared>> -> memref<136x32xf32, #tpu.memory_space<vmem_shared>>
      tpu.wait_dma2 semaphore(%run_scoped3A : memref<!tpu.dma_semaphore, #tpu.memory_space<semaphore_mem>>) src(%arg10 : memref<136x32xf32, #tpu.memory_space<vmem>>) dst(%dma_wait3A_113 : memref<136x32xf32, #tpu.memory_space<vmem_shared>>)
      tpu.yield
    }) : () -> ()
    %mul3A_76 = arith.constant 3128 : i32
    %mul3A_77 = arith.muli %arg1, %mul3A_76 : i32
    %add3A_78 = arith.constant 2448 : i32
    %add3A_79 = arith.addi %mul3A_77, %add3A_78 : i32
    "tpu.region"() ({
      %run_scoped3A = tpu.sem_alloc : memref<!tpu.dma_semaphore, #tpu.memory_space<semaphore_mem>>
      %dma_start3A = arith.constant 0 : i32
      %dma_start3A_108 = tpu.memref_slice %arg9[%add3A_79, %dma_start3A] : memref<50048x32xf32, #tpu.memory_space<vmem_shared>> -> memref<136x32xf32, #tpu.memory_space<vmem_shared>>
      %dma_start3A_109 = arith.constant 0 : i32
      %dma_start3A_110 = tpu.memref_slice %arg9[%add3A_79, %dma_start3A_109] : memref<50048x32xf32, #tpu.memory_space<vmem_shared>> -> memref<136x32xf32, #tpu.memory_space<vmem_shared>>
      tpu.enqueue_dma source(%arg10 : memref<136x32xf32, #tpu.memory_space<vmem>>) target(%dma_start3A_110 : memref<136x32xf32, #tpu.memory_space<vmem_shared>>) target_semaphore(%run_scoped3A : memref<!tpu.dma_semaphore, #tpu.memory_space<semaphore_mem>>)
      %dma_wait3A = arith.constant 0 : i32
      %dma_wait3A_111 = tpu.memref_slice %arg9[%add3A_79, %dma_wait3A] : memref<50048x32xf32, #tpu.memory_space<vmem_shared>> -> memref<136x32xf32, #tpu.memory_space<vmem_shared>>
      %dma_wait3A_112 = arith.constant 0 : i32
      %dma_wait3A_113 = tpu.memref_slice %arg9[%add3A_79, %dma_wait3A_112] : memref<50048x32xf32, #tpu.memory_space<vmem_shared>> -> memref<136x32xf32, #tpu.memory_space<vmem_shared>>
      tpu.wait_dma2 semaphore(%run_scoped3A : memref<!tpu.dma_semaphore, #tpu.memory_space<semaphore_mem>>) src(%arg10 : memref<136x32xf32, #tpu.memory_space<vmem>>) dst(%dma_wait3A_113 : memref<136x32xf32, #tpu.memory_space<vmem_shared>>)
      tpu.yield
    }) : () -> ()
    %mul3A_80 = arith.constant 3128 : i32
    %mul3A_81 = arith.muli %arg1, %mul3A_80 : i32
    %add3A_82 = arith.constant 2584 : i32
    %add3A_83 = arith.addi %mul3A_81, %add3A_82 : i32
    "tpu.region"() ({
      %run_scoped3A = tpu.sem_alloc : memref<!tpu.dma_semaphore, #tpu.memory_space<semaphore_mem>>
      %dma_start3A = arith.constant 0 : i32
      %dma_start3A_108 = tpu.memref_slice %arg9[%add3A_83, %dma_start3A] : memref<50048x32xf32, #tpu.memory_space<vmem_shared>> -> memref<136x32xf32, #tpu.memory_space<vmem_shared>>
      %dma_start3A_109 = arith.constant 0 : i32
      %dma_start3A_110 = tpu.memref_slice %arg9[%add3A_83, %dma_start3A_109] : memref<50048x32xf32, #tpu.memory_space<vmem_shared>> -> memref<136x32xf32, #tpu.memory_space<vmem_shared>>
      tpu.enqueue_dma source(%arg10 : memref<136x32xf32, #tpu.memory_space<vmem>>) target(%dma_start3A_110 : memref<136x32xf32, #tpu.memory_space<vmem_shared>>) target_semaphore(%run_scoped3A : memref<!tpu.dma_semaphore, #tpu.memory_space<semaphore_mem>>)
      %dma_wait3A = arith.constant 0 : i32
      %dma_wait3A_111 = tpu.memref_slice %arg9[%add3A_83, %dma_wait3A] : memref<50048x32xf32, #tpu.memory_space<vmem_shared>> -> memref<136x32xf32, #tpu.memory_space<vmem_shared>>
      %dma_wait3A_112 = arith.constant 0 : i32
      %dma_wait3A_113 = tpu.memref_slice %arg9[%add3A_83, %dma_wait3A_112] : memref<50048x32xf32, #tpu.memory_space<vmem_shared>> -> memref<136x32xf32, #tpu.memory_space<vmem_shared>>
      tpu.wait_dma2 semaphore(%run_scoped3A : memref<!tpu.dma_semaphore, #tpu.memory_space<semaphore_mem>>) src(%arg10 : memref<136x32xf32, #tpu.memory_space<vmem>>) dst(%dma_wait3A_113 : memref<136x32xf32, #tpu.memory_space<vmem_shared>>)
      tpu.yield
    }) : () -> ()
    %mul3A_84 = arith.constant 3128 : i32
    %mul3A_85 = arith.muli %arg1, %mul3A_84 : i32
    %add3A_86 = arith.constant 2720 : i32
    %add3A_87 = arith.addi %mul3A_85, %add3A_86 : i32
    "tpu.region"() ({
      %run_scoped3A = tpu.sem_alloc : memref<!tpu.dma_semaphore, #tpu.memory_space<semaphore_mem>>
      %dma_start3A = arith.constant 0 : i32
      %dma_start3A_108 = tpu.memref_slice %arg9[%add3A_87, %dma_start3A] : memref<50048x32xf32, #tpu.memory_space<vmem_shared>> -> memref<136x32xf32, #tpu.memory_space<vmem_shared>>
      %dma_start3A_109 = arith.constant 0 : i32
      %dma_start3A_110 = tpu.memref_slice %arg9[%add3A_87, %dma_start3A_109] : memref<50048x32xf32, #tpu.memory_space<vmem_shared>> -> memref<136x32xf32, #tpu.memory_space<vmem_shared>>
      tpu.enqueue_dma source(%arg10 : memref<136x32xf32, #tpu.memory_space<vmem>>) target(%dma_start3A_110 : memref<136x32xf32, #tpu.memory_space<vmem_shared>>) target_semaphore(%run_scoped3A : memref<!tpu.dma_semaphore, #tpu.memory_space<semaphore_mem>>)
      %dma_wait3A = arith.constant 0 : i32
      %dma_wait3A_111 = tpu.memref_slice %arg9[%add3A_87, %dma_wait3A] : memref<50048x32xf32, #tpu.memory_space<vmem_shared>> -> memref<136x32xf32, #tpu.memory_space<vmem_shared>>
      %dma_wait3A_112 = arith.constant 0 : i32
      %dma_wait3A_113 = tpu.memref_slice %arg9[%add3A_87, %dma_wait3A_112] : memref<50048x32xf32, #tpu.memory_space<vmem_shared>> -> memref<136x32xf32, #tpu.memory_space<vmem_shared>>
      tpu.wait_dma2 semaphore(%run_scoped3A : memref<!tpu.dma_semaphore, #tpu.memory_space<semaphore_mem>>) src(%arg10 : memref<136x32xf32, #tpu.memory_space<vmem>>) dst(%dma_wait3A_113 : memref<136x32xf32, #tpu.memory_space<vmem_shared>>)
      tpu.yield
    }) : () -> ()
    %mul3A_88 = arith.constant 3128 : i32
    %mul3A_89 = arith.muli %arg1, %mul3A_88 : i32
    %add3A_90 = arith.constant 2856 : i32
    %add3A_91 = arith.addi %mul3A_89, %add3A_90 : i32
    "tpu.region"() ({
      %run_scoped3A = tpu.sem_alloc : memref<!tpu.dma_semaphore, #tpu.memory_space<semaphore_mem>>
      %dma_start3A = arith.constant 0 : i32
      %dma_start3A_108 = tpu.memref_slice %arg9[%add3A_91, %dma_start3A] : memref<50048x32xf32, #tpu.memory_space<vmem_shared>> -> memref<136x32xf32, #tpu.memory_space<vmem_shared>>
      %dma_start3A_109 = arith.constant 0 : i32
      %dma_start3A_110 = tpu.memref_slice %arg9[%add3A_91, %dma_start3A_109] : memref<50048x32xf32, #tpu.memory_space<vmem_shared>> -> memref<136x32xf32, #tpu.memory_space<vmem_shared>>
      tpu.enqueue_dma source(%arg10 : memref<136x32xf32, #tpu.memory_space<vmem>>) target(%dma_start3A_110 : memref<136x32xf32, #tpu.memory_space<vmem_shared>>) target_semaphore(%run_scoped3A : memref<!tpu.dma_semaphore, #tpu.memory_space<semaphore_mem>>)
      %dma_wait3A = arith.constant 0 : i32
      %dma_wait3A_111 = tpu.memref_slice %arg9[%add3A_91, %dma_wait3A] : memref<50048x32xf32, #tpu.memory_space<vmem_shared>> -> memref<136x32xf32, #tpu.memory_space<vmem_shared>>
      %dma_wait3A_112 = arith.constant 0 : i32
      %dma_wait3A_113 = tpu.memref_slice %arg9[%add3A_91, %dma_wait3A_112] : memref<50048x32xf32, #tpu.memory_space<vmem_shared>> -> memref<136x32xf32, #tpu.memory_space<vmem_shared>>
      tpu.wait_dma2 semaphore(%run_scoped3A : memref<!tpu.dma_semaphore, #tpu.memory_space<semaphore_mem>>) src(%arg10 : memref<136x32xf32, #tpu.memory_space<vmem>>) dst(%dma_wait3A_113 : memref<136x32xf32, #tpu.memory_space<vmem_shared>>)
      tpu.yield
    }) : () -> ()
    %mul3A_92 = arith.constant 3128 : i32
    %mul3A_93 = arith.muli %arg1, %mul3A_92 : i32
    %add3A_94 = arith.constant 2992 : i32
    %add3A_95 = arith.addi %mul3A_93, %add3A_94 : i32
    "tpu.region"() ({
      %run_scoped3A = tpu.sem_alloc : memref<!tpu.dma_semaphore, #tpu.memory_space<semaphore_mem>>
      %dma_start3A = arith.constant 0 : i32
      %dma_start3A_108 = tpu.memref_slice %arg9[%add3A_95, %dma_start3A] : memref<50048x32xf32, #tpu.memory_space<vmem_shared>> -> memref<136x32xf32, #tpu.memory_space<vmem_shared>>
      %dma_start3A_109 = arith.constant 0 : i32
      %dma_start3A_110 = tpu.memref_slice %arg9[%add3A_95, %dma_start3A_109] : memref<50048x32xf32, #tpu.memory_space<vmem_shared>> -> memref<136x32xf32, #tpu.memory_space<vmem_shared>>
      tpu.enqueue_dma source(%arg10 : memref<136x32xf32, #tpu.memory_space<vmem>>) target(%dma_start3A_110 : memref<136x32xf32, #tpu.memory_space<vmem_shared>>) target_semaphore(%run_scoped3A : memref<!tpu.dma_semaphore, #tpu.memory_space<semaphore_mem>>)
      %dma_wait3A = arith.constant 0 : i32
      %dma_wait3A_111 = tpu.memref_slice %arg9[%add3A_95, %dma_wait3A] : memref<50048x32xf32, #tpu.memory_space<vmem_shared>> -> memref<136x32xf32, #tpu.memory_space<vmem_shared>>
      %dma_wait3A_112 = arith.constant 0 : i32
      %dma_wait3A_113 = tpu.memref_slice %arg9[%add3A_95, %dma_wait3A_112] : memref<50048x32xf32, #tpu.memory_space<vmem_shared>> -> memref<136x32xf32, #tpu.memory_space<vmem_shared>>
      tpu.wait_dma2 semaphore(%run_scoped3A : memref<!tpu.dma_semaphore, #tpu.memory_space<semaphore_mem>>) src(%arg10 : memref<136x32xf32, #tpu.memory_space<vmem>>) dst(%dma_wait3A_113 : memref<136x32xf32, #tpu.memory_space<vmem_shared>>)
      tpu.yield
    }) : () -> ()
    %barrier3A = arith.constant 0 : index
    tpu.barrier barrier_id(%barrier3A)
    %scan3A_96 = arith.constant 0 : i32
    %scan3A_97 = arith.constant 0 : i32
    %scan3A_98 = arith.constant 391 : i32
    %scan3A_99 = arith.addi %scan3A_97, %scan3A_98 : i32
    %scan3A_100 = arith.constant 1 : i32
    scf.for %scan3A_108 = %scan3A_97 to %scan3A_99 step %scan3A_100  : i32 {
      %mul3A_109 = arith.constant 16 : i32
      %mul3A_110 = arith.muli %scan3A_108, %mul3A_109 : i32
      %add3A_111 = arith.addi %mul3A_110, %arg1 : i32
      %lt3A = arith.constant 6250 : i32
      %lt3A_112 = arith.cmpi slt, %add3A_111, %lt3A : i32
      %convert_element_type3A = arith.extui %lt3A_112 : i1 to i32
      %cond3A = arith.constant 0 : i32
      %cond3A_113 = arith.cmpi ne, %convert_element_type3A, %cond3A : i32
      scf.if %cond3A_113 {
        %mul3A_114 = arith.constant 128 : i32
        %mul3A_115 = arith.muli %add3A_111, %mul3A_114 : i32
        "tpu.region"() ({
          %run_scoped3A = tpu.sem_alloc : memref<!tpu.dma_semaphore, #tpu.memory_space<semaphore_mem>>
          %dma_start3A_192 = tpu.memref_slice %arg3[%mul3A_115] : memref<800000xi32, #tpu.memory_space<hbm>> -> memref<128xi32, #tpu.memory_space<hbm>>
          %dma_start3A_193 = tpu.memref_slice %arg3[%mul3A_115] : memref<800000xi32, #tpu.memory_space<hbm>> -> memref<128xi32, #tpu.memory_space<hbm>>
          tpu.enqueue_dma source(%dma_start3A_193 : memref<128xi32, #tpu.memory_space<hbm>>) target(%arg6 : memref<128xi32, #tpu.memory_space<vmem>>) target_semaphore(%run_scoped3A : memref<!tpu.dma_semaphore, #tpu.memory_space<semaphore_mem>>)
          %dma_wait3A_194 = tpu.memref_slice %arg3[%mul3A_115] : memref<800000xi32, #tpu.memory_space<hbm>> -> memref<128xi32, #tpu.memory_space<hbm>>
          %dma_wait3A_195 = tpu.memref_slice %arg3[%mul3A_115] : memref<800000xi32, #tpu.memory_space<hbm>> -> memref<128xi32, #tpu.memory_space<hbm>>
          tpu.wait_dma2 semaphore(%run_scoped3A : memref<!tpu.dma_semaphore, #tpu.memory_space<semaphore_mem>>) src(%dma_wait3A_195 : memref<128xi32, #tpu.memory_space<hbm>>) dst(%arg6 : memref<128xi32, #tpu.memory_space<vmem>>)
          tpu.yield
        }) : () -> ()
        "tpu.region"() ({
          %run_scoped3A = tpu.sem_alloc : memref<!tpu.dma_semaphore, #tpu.memory_space<semaphore_mem>>
          %dma_start3A_192 = tpu.memref_slice %arg4[%mul3A_115] : memref<800000xi32, #tpu.memory_space<hbm>> -> memref<128xi32, #tpu.memory_space<hbm>>
          %dma_start3A_193 = tpu.memref_slice %arg4[%mul3A_115] : memref<800000xi32, #tpu.memory_space<hbm>> -> memref<128xi32, #tpu.memory_space<hbm>>
          tpu.enqueue_dma source(%dma_start3A_193 : memref<128xi32, #tpu.memory_space<hbm>>) target(%arg7 : memref<128xi32, #tpu.memory_space<vmem>>) target_semaphore(%run_scoped3A : memref<!tpu.dma_semaphore, #tpu.memory_space<semaphore_mem>>)
          %dma_wait3A_194 = tpu.memref_slice %arg4[%mul3A_115] : memref<800000xi32, #tpu.memory_space<hbm>> -> memref<128xi32, #tpu.memory_space<hbm>>
          %dma_wait3A_195 = tpu.memref_slice %arg4[%mul3A_115] : memref<800000xi32, #tpu.memory_space<hbm>> -> memref<128xi32, #tpu.memory_space<hbm>>
          tpu.wait_dma2 semaphore(%run_scoped3A : memref<!tpu.dma_semaphore, #tpu.memory_space<semaphore_mem>>) src(%dma_wait3A_195 : memref<128xi32, #tpu.memory_space<hbm>>) dst(%arg7 : memref<128xi32, #tpu.memory_space<vmem>>)
          tpu.yield
        }) : () -> ()
        %mul3A_116 = arith.constant 50000 : i32
        %mul3A_117 = arith.muli %arg0, %mul3A_116 : i32
        %get3A = arith.constant 0 : index
        %get3A_118 = tpu.vector_load %arg6[%get3A] {strides = array<i32>} : memref<128xi32, #tpu.memory_space<vmem>>, vector<16xi32>,
        %get3A_119 = vector.shape_cast %get3A_118 : vector<16xi32> to vector<16xi32>
        %add3A_120 = vector.broadcast %mul3A_117 : i32 to vector<16xi32>
        %add3A_121 = arith.addi %get3A_119, %add3A_120 : vector<16xi32>
        %swap3A = arith.constant 0 : index
        %swap3A_122 = tpu.vector_load %arg6[%swap3A] {strides = array<i32>} : memref<128xi32, #tpu.memory_space<vmem>>, vector<16xi32>,
        %swap3A_123 = vector.shape_cast %swap3A_122 : vector<16xi32> to vector<16xi32>
        %swap3A_124 = vector.shape_cast %add3A_121 : vector<16xi32> to vector<16xi32>
        tpu.vector_store %arg6[%swap3A], %swap3A_124 {strides = array<i32>} : memref<128xi32, #tpu.memory_space<vmem>>, vector<16xi32>,
        %get3A_125 = arith.constant 16 : index
        %get3A_126 = tpu.vector_load %arg6[%get3A_125] {strides = array<i32>} : memref<128xi32, #tpu.memory_space<vmem>>, vector<16xi32>,
        %get3A_127 = vector.shape_cast %get3A_126 : vector<16xi32> to vector<16xi32>
        %add3A_128 = vector.broadcast %mul3A_117 : i32 to vector<16xi32>
        %add3A_129 = arith.addi %get3A_127, %add3A_128 : vector<16xi32>
        %swap3A_130 = arith.constant 16 : index
        %swap3A_131 = tpu.vector_load %arg6[%swap3A_130] {strides = array<i32>} : memref<128xi32, #tpu.memory_space<vmem>>, vector<16xi32>,
        %swap3A_132 = vector.shape_cast %swap3A_131 : vector<16xi32> to vector<16xi32>
        %swap3A_133 = vector.shape_cast %add3A_129 : vector<16xi32> to vector<16xi32>
        tpu.vector_store %arg6[%swap3A_130], %swap3A_133 {strides = array<i32>} : memref<128xi32, #tpu.memory_space<vmem>>, vector<16xi32>,
        %get3A_134 = arith.constant 32 : index
        %get3A_135 = tpu.vector_load %arg6[%get3A_134] {strides = array<i32>} : memref<128xi32, #tpu.memory_space<vmem>>, vector<16xi32>,
        %get3A_136 = vector.shape_cast %get3A_135 : vector<16xi32> to vector<16xi32>
        %add3A_137 = vector.broadcast %mul3A_117 : i32 to vector<16xi32>
        %add3A_138 = arith.addi %get3A_136, %add3A_137 : vector<16xi32>
        %swap3A_139 = arith.constant 32 : index
        %swap3A_140 = tpu.vector_load %arg6[%swap3A_139] {strides = array<i32>} : memref<128xi32, #tpu.memory_space<vmem>>, vector<16xi32>,
        %swap3A_141 = vector.shape_cast %swap3A_140 : vector<16xi32> to vector<16xi32>
        %swap3A_142 = vector.shape_cast %add3A_138 : vector<16xi32> to vector<16xi32>
        tpu.vector_store %arg6[%swap3A_139], %swap3A_142 {strides = array<i32>} : memref<128xi32, #tpu.memory_space<vmem>>, vector<16xi32>,
        %get3A_143 = arith.constant 48 : index
        %get3A_144 = tpu.vector_load %arg6[%get3A_143] {strides = array<i32>} : memref<128xi32, #tpu.memory_space<vmem>>, vector<16xi32>,
        %get3A_145 = vector.shape_cast %get3A_144 : vector<16xi32> to vector<16xi32>
        %add3A_146 = vector.broadcast %mul3A_117 : i32 to vector<16xi32>
        %add3A_147 = arith.addi %get3A_145, %add3A_146 : vector<16xi32>
        %swap3A_148 = arith.constant 48 : index
        %swap3A_149 = tpu.vector_load %arg6[%swap3A_148] {strides = array<i32>} : memref<128xi32, #tpu.memory_space<vmem>>, vector<16xi32>,
        %swap3A_150 = vector.shape_cast %swap3A_149 : vector<16xi32> to vector<16xi32>
        %swap3A_151 = vector.shape_cast %add3A_147 : vector<16xi32> to vector<16xi32>
        tpu.vector_store %arg6[%swap3A_148], %swap3A_151 {strides = array<i32>} : memref<128xi32, #tpu.memory_space<vmem>>, vector<16xi32>,
        %get3A_152 = arith.constant 64 : index
        %get3A_153 = tpu.vector_load %arg6[%get3A_152] {strides = array<i32>} : memref<128xi32, #tpu.memory_space<vmem>>, vector<16xi32>,
        %get3A_154 = vector.shape_cast %get3A_153 : vector<16xi32> to vector<16xi32>
        %add3A_155 = vector.broadcast %mul3A_117 : i32 to vector<16xi32>
        %add3A_156 = arith.addi %get3A_154, %add3A_155 : vector<16xi32>
        %swap3A_157 = arith.constant 64 : index
        %swap3A_158 = tpu.vector_load %arg6[%swap3A_157] {strides = array<i32>} : memref<128xi32, #tpu.memory_space<vmem>>, vector<16xi32>,
        %swap3A_159 = vector.shape_cast %swap3A_158 : vector<16xi32> to vector<16xi32>
        %swap3A_160 = vector.shape_cast %add3A_156 : vector<16xi32> to vector<16xi32>
        tpu.vector_store %arg6[%swap3A_157], %swap3A_160 {strides = array<i32>} : memref<128xi32, #tpu.memory_space<vmem>>, vector<16xi32>,
        %get3A_161 = arith.constant 80 : index
        %get3A_162 = tpu.vector_load %arg6[%get3A_161] {strides = array<i32>} : memref<128xi32, #tpu.memory_space<vmem>>, vector<16xi32>,
        %get3A_163 = vector.shape_cast %get3A_162 : vector<16xi32> to vector<16xi32>
        %add3A_164 = vector.broadcast %mul3A_117 : i32 to vector<16xi32>
        %add3A_165 = arith.addi %get3A_163, %add3A_164 : vector<16xi32>
        %swap3A_166 = arith.constant 80 : index
        %swap3A_167 = tpu.vector_load %arg6[%swap3A_166] {strides = array<i32>} : memref<128xi32, #tpu.memory_space<vmem>>, vector<16xi32>,
        %swap3A_168 = vector.shape_cast %swap3A_167 : vector<16xi32> to vector<16xi32>
        %swap3A_169 = vector.shape_cast %add3A_165 : vector<16xi32> to vector<16xi32>
        tpu.vector_store %arg6[%swap3A_166], %swap3A_169 {strides = array<i32>} : memref<128xi32, #tpu.memory_space<vmem>>, vector<16xi32>,
        %get3A_170 = arith.constant 96 : index
        %get3A_171 = tpu.vector_load %arg6[%get3A_170] {strides = array<i32>} : memref<128xi32, #tpu.memory_space<vmem>>, vector<16xi32>,
        %get3A_172 = vector.shape_cast %get3A_171 : vector<16xi32> to vector<16xi32>
        %add3A_173 = vector.broadcast %mul3A_117 : i32 to vector<16xi32>
        %add3A_174 = arith.addi %get3A_172, %add3A_173 : vector<16xi32>
        %swap3A_175 = arith.constant 96 : index
        %swap3A_176 = tpu.vector_load %arg6[%swap3A_175] {strides = array<i32>} : memref<128xi32, #tpu.memory_space<vmem>>, vector<16xi32>,
        %swap3A_177 = vector.shape_cast %swap3A_176 : vector<16xi32> to vector<16xi32>
        %swap3A_178 = vector.shape_cast %add3A_174 : vector<16xi32> to vector<16xi32>
        tpu.vector_store %arg6[%swap3A_175], %swap3A_178 {strides = array<i32>} : memref<128xi32, #tpu.memory_space<vmem>>, vector<16xi32>,
        %get3A_179 = arith.constant 112 : index
        %get3A_180 = tpu.vector_load %arg6[%get3A_179] {strides = array<i32>} : memref<128xi32, #tpu.memory_space<vmem>>, vector<16xi32>,
        %get3A_181 = vector.shape_cast %get3A_180 : vector<16xi32> to vector<16xi32>
        %add3A_182 = vector.broadcast %mul3A_117 : i32 to vector<16xi32>
        %add3A_183 = arith.addi %get3A_181, %add3A_182 : vector<16xi32>
        %swap3A_184 = arith.constant 112 : index
        %swap3A_185 = tpu.vector_load %arg6[%swap3A_184] {strides = array<i32>} : memref<128xi32, #tpu.memory_space<vmem>>, vector<16xi32>,
        %swap3A_186 = vector.shape_cast %swap3A_185 : vector<16xi32> to vector<16xi32>
        %swap3A_187 = vector.shape_cast %add3A_183 : vector<16xi32> to vector<16xi32>
        tpu.vector_store %arg6[%swap3A_184], %swap3A_187 {strides = array<i32>} : memref<128xi32, #tpu.memory_space<vmem>>, vector<16xi32>,
        %dma_start3A = arith.constant 0 : i32
        %dma_start3A_188 = arith.constant 0 : i32
        %dma_start3A_189 = tpu.memref_slice %arg2[%dma_start3A, %dma_start3A_188] : memref<100000x32xf32, #tpu.memory_space<hbm>> -> memref<100000x32xf32, #tpu.memory_space<hbm>>
        tpu.enqueue_indirect_dma source(%dma_start3A_189 : memref<100000x32xf32, #tpu.memory_space<hbm>>) target(%arg8 : memref<128x32xf32, #tpu.memory_space<vmem>>) offsets(%arg6 : memref<128xi32, #tpu.memory_space<vmem>>) semaphore(%arg11 : memref<!tpu.dma_semaphore, #tpu.memory_space<semaphore_mem>>)
        %dma_wait3A = arith.constant 0 : i32
        %dma_wait3A_190 = arith.constant 0 : i32
        %dma_wait3A_191 = tpu.memref_slice %arg2[%dma_wait3A, %dma_wait3A_190] : memref<100000x32xf32, #tpu.memory_space<hbm>> -> memref<100000x32xf32, #tpu.memory_space<hbm>>
        tpu.wait_indirect_dma semaphore(%arg11 : memref<!tpu.dma_semaphore, #tpu.memory_space<semaphore_mem>>) src(%dma_wait3A_191 : memref<100000x32xf32, #tpu.memory_space<hbm>>) dst(%arg8 : memref<128x32xf32, #tpu.memory_space<vmem>>)
        "tpu.region"() ({
          %run_scoped3A = tpu.sem_alloc : memref<!tpu.dma_semaphore, #tpu.memory_space<semaphore_mem>>
          %dma_start3A_192 = arith.constant 0 : i32
          %dma_start3A_193 = arith.constant 0 : i32
          %dma_start3A_194 = tpu.memref_slice %arg9[%dma_start3A_192, %dma_start3A_193] : memref<50048x32xf32, #tpu.memory_space<vmem_shared>> -> memref<50048x32xf32, #tpu.memory_space<vmem_shared>>
          tpu.enqueue_indirect_dma source(%arg8 : memref<128x32xf32, #tpu.memory_space<vmem>>) target(%dma_start3A_194 : memref<50048x32xf32, #tpu.memory_space<vmem_shared>>) offsets(%arg7 : memref<128xi32, #tpu.memory_space<vmem>>) semaphore(%run_scoped3A : memref<!tpu.dma_semaphore, #tpu.memory_space<semaphore_mem>>) {add = true}
          %dma_wait3A_195 = arith.constant 0 : i32
          %dma_wait3A_196 = arith.constant 0 : i32
          %dma_wait3A_197 = tpu.memref_slice %arg9[%dma_wait3A_195, %dma_wait3A_196] : memref<50048x32xf32, #tpu.memory_space<vmem_shared>> -> memref<50048x32xf32, #tpu.memory_space<vmem_shared>>
          tpu.wait_indirect_dma semaphore(%run_scoped3A : memref<!tpu.dma_semaphore, #tpu.memory_space<semaphore_mem>>) src(%arg8 : memref<128x32xf32, #tpu.memory_space<vmem>>) dst(%dma_wait3A_197 : memref<50048x32xf32, #tpu.memory_space<vmem_shared>>)
          tpu.yield
        }) : () -> ()
      } else {
      }
    }
    %scan3A_101 = arith.constant 391 : i32
    %barrier3A_102 = arith.constant 0 : index
    tpu.barrier barrier_id(%barrier3A_102)
    %mul3A_103 = arith.constant 3128 : i32
    %mul3A_104 = arith.muli %arg1, %mul3A_103 : i32
    %mul3A_105 = arith.constant 50048 : i32
    %mul3A_106 = arith.muli %arg0, %mul3A_105 : i32
    %add3A_107 = arith.addi %mul3A_106, %mul3A_104 : i32
    "tpu.region"() ({
      %run_scoped3A = tpu.sem_alloc : memref<!tpu.dma_semaphore, #tpu.memory_space<semaphore_mem>>
      %dma_start3A = arith.constant 0 : i32
      %dma_start3A_108 = tpu.memref_slice %arg5[%add3A_107, %dma_start3A] : memref<100096x32xf32, #tpu.memory_space<hbm>> -> memref<3128x32xf32, #tpu.memory_space<hbm>>
      %dma_start3A_109 = arith.constant 0 : i32
      %dma_start3A_110 = tpu.memref_slice %arg9[%mul3A_104, %dma_start3A_109] : memref<50048x32xf32, #tpu.memory_space<vmem_shared>> -> memref<3128x32xf32, #tpu.memory_space<vmem_shared>>
      tpu.enqueue_dma source(%dma_start3A_110 : memref<3128x32xf32, #tpu.memory_space<vmem_shared>>) target(%dma_start3A_108 : memref<3128x32xf32, #tpu.memory_space<hbm>>) target_semaphore(%run_scoped3A : memref<!tpu.dma_semaphore, #tpu.memory_space<semaphore_mem>>)
      %dma_wait3A = arith.constant 0 : i32
      %dma_wait3A_111 = tpu.memref_slice %arg5[%add3A_107, %dma_wait3A] : memref<100096x32xf32, #tpu.memory_space<hbm>> -> memref<3128x32xf32, #tpu.memory_space<hbm>>
      %dma_wait3A_112 = arith.constant 0 : i32
      %dma_wait3A_113 = tpu.memref_slice %arg9[%mul3A_104, %dma_wait3A_112] : memref<50048x32xf32, #tpu.memory_space<vmem_shared>> -> memref<3128x32xf32, #tpu.memory_space<vmem_shared>>
      tpu.wait_dma2 semaphore(%run_scoped3A : memref<!tpu.dma_semaphore, #tpu.memory_space<semaphore_mem>>) src(%dma_wait3A_113 : memref<3128x32xf32, #tpu.memory_space<vmem_shared>>) dst(%dma_wait3A_111 : memref<3128x32xf32, #tpu.memory_space<hbm>>)
      tpu.yield
    }) : () -> ()
    return
  }
}

module attributes {stable_mosaic.version = 14 : i64} {
  func.func @_cvar_body(%arg0: i32, %arg1: memref<2000x128xf32, #tpu.memory_space<vmem>>, %arg2: memref<1x128xf32, #tpu.memory_space<vmem>>, %arg3: memref<1x128xf32, #tpu.memory_space<vmem>>) attributes {dimension_semantics = [#tpu.dimension_semantics<arbitrary>], iteration_bounds = array<i64: 25>, scalar_prefetch = 0 : i64, scratch_operands = 0 : i64, tpu.core_type = #tpu.core_type<tc>, window_params = [{transform_indices = @transform_0, window_bounds = array<i64: 2000, 128>}, {pipeline_mode = #tpu.pipeline_mode<synchronous>, transform_indices = @transform_1, window_bounds = array<i64: 1, 128>}, {pipeline_mode = #tpu.pipeline_mode<synchronous>, transform_indices = @transform_2, window_bounds = array<i64: 1, 128>}]} {
    %get3A = arith.constant 0 : index
    %get3A_0 = arith.constant 0 : index
    %get3A_1 = vector.load %arg2[%get3A, %get3A_0] : memref<1x128xf32, #tpu.memory_space<vmem>>, vector<1x128xf32>
    %div3A = arith.constant 5.000000e+04 : f32
    %div3A_2 = vector.broadcast %div3A : f32 to vector<1x128xf32>
    %div3A_3 = arith.divf %get3A_1, %div3A_2 : vector<1x128xf32>
    %eq3A = arith.constant 0 : i32
    %eq3A_4 = arith.cmpi eq, %arg0, %eq3A : i32
    %convert_element_type3A = arith.extui %eq3A_4 : i1 to i32
    %cond3A = arith.constant 0 : i32
    %cond3A_5 = arith.cmpi ne, %convert_element_type3A, %cond3A : i32
    scf.if %cond3A_5 {
      %broadcast_in_dim3A_16 = arith.constant 0.000000e+00 : f32
      %broadcast_in_dim3A_17 = vector.broadcast %broadcast_in_dim3A_16 : f32 to vector<1x128xf32>
      %swap3A_18 = arith.constant 0 : index
      %swap3A_19 = arith.constant 0 : index
      %swap3A_20 = vector.load %arg3[%swap3A_18, %swap3A_19] : memref<1x128xf32, #tpu.memory_space<vmem>>, vector<1x128xf32>
      tpu.vector_store %arg3[%swap3A_18, %swap3A_19], %broadcast_in_dim3A_17 {strides = array<i32>} : memref<1x128xf32, #tpu.memory_space<vmem>>, vector<1x128xf32>,
    } else {
    }
    %get3A_6 = arith.constant 0 : index
    %get3A_7 = arith.constant 0 : index
    %get3A_8 = vector.load %arg1[%get3A_6, %get3A_7] : memref<2000x128xf32, #tpu.memory_space<vmem>>, vector<2000x128xf32>
    %sub3A = vector.broadcast %div3A_3 : vector<1x128xf32> to vector<2000x128xf32>
    %sub3A_9 = arith.subf %get3A_8, %sub3A : vector<2000x128xf32>
    %get3A_10 = arith.constant 0 : index
    %get3A_11 = arith.constant 0 : index
    %get3A_12 = vector.load %arg3[%get3A_10, %get3A_11] : memref<1x128xf32, #tpu.memory_space<vmem>>, vector<1x128xf32>
    %mul3A = arith.mulf %sub3A_9, %sub3A_9 : vector<2000x128xf32>
    %reduce_sum3A = arith.constant dense<0.000000e+00> : vector<128xf32>
    %reduce_sum3A_13 = vector.multi_reduction <add>, %mul3A, %reduce_sum3A [0] : vector<2000x128xf32> to vector<128xf32>
    %broadcast_in_dim3A = vector.shape_cast %reduce_sum3A_13 : vector<128xf32> to vector<1x128xf32>
    %add3A = arith.addf %get3A_12, %broadcast_in_dim3A : vector<1x128xf32>
    %swap3A = arith.constant 0 : index
    %swap3A_14 = arith.constant 0 : index
    %swap3A_15 = vector.load %arg3[%swap3A, %swap3A_14] : memref<1x128xf32, #tpu.memory_space<vmem>>, vector<1x128xf32>
    tpu.vector_store %arg3[%swap3A, %swap3A_14], %add3A {strides = array<i32>} : memref<1x128xf32, #tpu.memory_space<vmem>>, vector<1x128xf32>,
    return
  }
  func.func @transform_0(%arg0: i32) -> (i32, i32) {
    %c0_i32 = arith.constant 0 : i32
    %c0_i32_0 = arith.constant 0 : i32
    return %arg0, %c0_i32 : i32, i32
  }
  func.func @transform_1(%arg0: i32) -> (i32, i32) {
    %c0_i32 = arith.constant 0 : i32
    %c0_i32_0 = arith.constant 0 : i32
    %c0_i32_1 = arith.constant 0 : i32
    return %c0_i32, %c0_i32_0 : i32, i32
  }
  func.func @transform_2(%arg0: i32) -> (i32, i32) {
    %c0_i32 = arith.constant 0 : i32
    %c0_i32_0 = arith.constant 0 : i32
    %c0_i32_1 = arith.constant 0 : i32
    return %c0_i32, %c0_i32_0 : i32, i32
  }
}

module attributes {stable_mosaic.version = 14 : i64} {
  func.func @_lin1_body(%arg0: i32, %arg1: memref<2000x32xf32, #tpu.memory_space<vmem>>, %arg2: memref<32x128xf32, #tpu.memory_space<vmem>>, %arg3: memref<1x128xf32, #tpu.memory_space<vmem>>, %arg4: memref<2000x128xf32, #tpu.memory_space<vmem>>, %arg5: memref<1x128xf32, #tpu.memory_space<vmem>>) attributes {dimension_semantics = [#tpu.dimension_semantics<arbitrary>], iteration_bounds = array<i64: 25>, scalar_prefetch = 0 : i64, scratch_operands = 0 : i64, tpu.core_type = #tpu.core_type<tc>, window_params = [{transform_indices = @transform_0, window_bounds = array<i64: 2000, 32>}, {pipeline_mode = #tpu.pipeline_mode<synchronous>, transform_indices = @transform_1, window_bounds = array<i64: 32, 128>}, {pipeline_mode = #tpu.pipeline_mode<synchronous>, transform_indices = @transform_2, window_bounds = array<i64: 1, 128>}, {transform_indices = @transform_3, window_bounds = array<i64: 2000, 128>}, {pipeline_mode = #tpu.pipeline_mode<synchronous>, transform_indices = @transform_4, window_bounds = array<i64: 1, 128>}]} {
    %get3A = arith.constant 0 : index
    %get3A_0 = arith.constant 0 : index
    %get3A_1 = vector.load %arg1[%get3A, %get3A_0] : memref<2000x32xf32, #tpu.memory_space<vmem>>, vector<2000x32xf32>
    %get3A_2 = arith.constant 0 : index
    %get3A_3 = arith.constant 0 : index
    %get3A_4 = vector.load %arg2[%get3A_2, %get3A_3] : memref<32x128xf32, #tpu.memory_space<vmem>>, vector<32x128xf32>
    %dot_general3A = arith.constant dense<0.000000e+00> : vector<2000x128xf32>
    %dot_general3A_5 = tpu.matmul %get3A_1, %get3A_4, %dot_general3A {dimension_numbers = #tpu.dot_dimension_numbers<[1], [0], [0], [1], [0, 0, 1, 1], [], []>, transpose_lhs_hint = false} : vector<2000x32xf32>, vector<32x128xf32>, vector<2000x128xf32> -> vector<2000x128xf32>
    %get3A_6 = arith.constant 0 : index
    %get3A_7 = arith.constant 0 : index
    %get3A_8 = vector.load %arg3[%get3A_6, %get3A_7] : memref<1x128xf32, #tpu.memory_space<vmem>>, vector<1x128xf32>
    %add3A = vector.broadcast %get3A_8 : vector<1x128xf32> to vector<2000x128xf32>
    %add3A_9 = arith.addf %dot_general3A_5, %add3A : vector<2000x128xf32>
    %swap3A = arith.constant 0 : index
    %swap3A_10 = arith.constant 0 : index
    %swap3A_11 = vector.load %arg4[%swap3A, %swap3A_10] : memref<2000x128xf32, #tpu.memory_space<vmem>>, vector<2000x128xf32>
    tpu.vector_store %arg4[%swap3A, %swap3A_10], %add3A_9 {strides = array<i32>} : memref<2000x128xf32, #tpu.memory_space<vmem>>, vector<2000x128xf32>,
    %eq3A = arith.constant 0 : i32
    %eq3A_12 = arith.cmpi eq, %arg0, %eq3A : i32
    %convert_element_type3A = arith.extui %eq3A_12 : i1 to i32
    %cond3A = arith.constant 0 : i32
    %cond3A_13 = arith.cmpi ne, %convert_element_type3A, %cond3A : i32
    scf.if %cond3A_13 {
      %broadcast_in_dim3A_22 = arith.constant 0.000000e+00 : f32
      %broadcast_in_dim3A_23 = vector.broadcast %broadcast_in_dim3A_22 : f32 to vector<1x128xf32>
      %swap3A_24 = arith.constant 0 : index
      %swap3A_25 = arith.constant 0 : index
      %swap3A_26 = vector.load %arg5[%swap3A_24, %swap3A_25] : memref<1x128xf32, #tpu.memory_space<vmem>>, vector<1x128xf32>
      tpu.vector_store %arg5[%swap3A_24, %swap3A_25], %broadcast_in_dim3A_23 {strides = array<i32>} : memref<1x128xf32, #tpu.memory_space<vmem>>, vector<1x128xf32>,
    } else {
    }
    %get3A_14 = arith.constant 0 : index
    %get3A_15 = arith.constant 0 : index
    %get3A_16 = vector.load %arg5[%get3A_14, %get3A_15] : memref<1x128xf32, #tpu.memory_space<vmem>>, vector<1x128xf32>
    %reduce_sum3A = arith.constant dense<0.000000e+00> : vector<128xf32>
    %reduce_sum3A_17 = vector.multi_reduction <add>, %add3A_9, %reduce_sum3A [0] : vector<2000x128xf32> to vector<128xf32>
    %broadcast_in_dim3A = vector.shape_cast %reduce_sum3A_17 : vector<128xf32> to vector<1x128xf32>
    %add3A_18 = arith.addf %get3A_16, %broadcast_in_dim3A : vector<1x128xf32>
    %swap3A_19 = arith.constant 0 : index
    %swap3A_20 = arith.constant 0 : index
    %swap3A_21 = vector.load %arg5[%swap3A_19, %swap3A_20] : memref<1x128xf32, #tpu.memory_space<vmem>>, vector<1x128xf32>
    tpu.vector_store %arg5[%swap3A_19, %swap3A_20], %add3A_18 {strides = array<i32>} : memref<1x128xf32, #tpu.memory_space<vmem>>, vector<1x128xf32>,
    return
  }
  func.func @transform_0(%arg0: i32) -> (i32, i32) {
    %c0_i32 = arith.constant 0 : i32
    %c0_i32_0 = arith.constant 0 : i32
    return %arg0, %c0_i32 : i32, i32
  }
  func.func @transform_1(%arg0: i32) -> (i32, i32) {
    %c0_i32 = arith.constant 0 : i32
    %c0_i32_0 = arith.constant 0 : i32
    %c0_i32_1 = arith.constant 0 : i32
    return %c0_i32, %c0_i32_0 : i32, i32
  }
  func.func @transform_2(%arg0: i32) -> (i32, i32) {
    %c0_i32 = arith.constant 0 : i32
    %c0_i32_0 = arith.constant 0 : i32
    %c0_i32_1 = arith.constant 0 : i32
    return %c0_i32, %c0_i32_0 : i32, i32
  }
  func.func @transform_3(%arg0: i32) -> (i32, i32) {
    %c0_i32 = arith.constant 0 : i32
    %c0_i32_0 = arith.constant 0 : i32
    return %arg0, %c0_i32 : i32, i32
  }
  func.func @transform_4(%arg0: i32) -> (i32, i32) {
    %c0_i32 = arith.constant 0 : i32
    %c0_i32_0 = arith.constant 0 : i32
    %c0_i32_1 = arith.constant 0 : i32
    return %c0_i32, %c0_i32_0 : i32, i32
  }
}

module attributes {stable_mosaic.version = 14 : i64} {
  func.func @_bnh_body(%arg0: i32, %arg1: memref<2000x128xf32, #tpu.memory_space<vmem>>, %arg2: memref<1x128xf32, #tpu.memory_space<vmem>>, %arg3: memref<1x128xf32, #tpu.memory_space<vmem>>, %arg4: memref<1x128xf32, #tpu.memory_space<vmem>>, %arg5: memref<1x128xf32, #tpu.memory_space<vmem>>, %arg6: memref<2000x16xf32, #tpu.memory_space<vmem>>, %arg7: memref<2000x16xf32, #tpu.memory_space<vmem>>, %arg8: memref<2000x128xf32, #tpu.memory_space<vmem>>, %arg9: memref<2000x16xf32, #tpu.memory_space<vmem>>) attributes {dimension_semantics = [#tpu.dimension_semantics<arbitrary>], iteration_bounds = array<i64: 25>, scalar_prefetch = 0 : i64, scratch_operands = 0 : i64, tpu.core_type = #tpu.core_type<tc>, window_params = [{transform_indices = @transform_0, window_bounds = array<i64: 2000, 128>}, {pipeline_mode = #tpu.pipeline_mode<synchronous>, transform_indices = @transform_1, window_bounds = array<i64: 1, 128>}, {pipeline_mode = #tpu.pipeline_mode<synchronous>, transform_indices = @transform_2, window_bounds = array<i64: 1, 128>}, {pipeline_mode = #tpu.pipeline_mode<synchronous>, transform_indices = @transform_3, window_bounds = array<i64: 1, 128>}, {pipeline_mode = #tpu.pipeline_mode<synchronous>, transform_indices = @transform_4, window_bounds = array<i64: 1, 128>}, {transform_indices = @transform_5, window_bounds = array<i64: 2000, 16>}, {transform_indices = @transform_6, window_bounds = array<i64: 2000, 16>}, {transform_indices = @transform_7, window_bounds = array<i64: 2000, 128>}, {transform_indices = @transform_8, window_bounds = array<i64: 2000, 16>}]} {
    %get3A = arith.constant 0 : index
    %get3A_0 = arith.constant 0 : index
    %get3A_1 = vector.load %arg1[%get3A, %get3A_0] : memref<2000x128xf32, #tpu.memory_space<vmem>>, vector<2000x128xf32>
    %get3A_2 = arith.constant 0 : index
    %get3A_3 = arith.constant 0 : index
    %get3A_4 = vector.load %arg2[%get3A_2, %get3A_3] : memref<1x128xf32, #tpu.memory_space<vmem>>, vector<1x128xf32>
    %div3A = arith.constant 5.000000e+04 : f32
    %div3A_5 = vector.broadcast %div3A : f32 to vector<1x128xf32>
    %div3A_6 = arith.divf %get3A_4, %div3A_5 : vector<1x128xf32>
    %get3A_7 = arith.constant 0 : index
    %get3A_8 = arith.constant 0 : index
    %get3A_9 = vector.load %arg3[%get3A_7, %get3A_8] : memref<1x128xf32, #tpu.memory_space<vmem>>, vector<1x128xf32>
    %div3A_10 = arith.constant 5.000000e+04 : f32
    %div3A_11 = vector.broadcast %div3A_10 : f32 to vector<1x128xf32>
    %div3A_12 = arith.divf %get3A_9, %div3A_11 : vector<1x128xf32>
    %sub3A = vector.broadcast %div3A_6 : vector<1x128xf32> to vector<2000x128xf32>
    %sub3A_13 = arith.subf %get3A_1, %sub3A : vector<2000x128xf32>
    %add3A = arith.constant 9.99999974E-6 : f32
    %add3A_14 = vector.broadcast %add3A : f32 to vector<1x128xf32>
    %add3A_15 = arith.addf %div3A_12, %add3A_14 : vector<1x128xf32>
    %sqrt3A = math.sqrt %add3A_15 : vector<1x128xf32>
    %div3A_16 = vector.broadcast %sqrt3A : vector<1x128xf32> to vector<2000x128xf32>
    %div3A_17 = arith.divf %sub3A_13, %div3A_16 : vector<2000x128xf32>
    %get3A_18 = arith.constant 0 : index
    %get3A_19 = arith.constant 0 : index
    %get3A_20 = vector.load %arg4[%get3A_18, %get3A_19] : memref<1x128xf32, #tpu.memory_space<vmem>>, vector<1x128xf32>
    %mul3A = vector.broadcast %get3A_20 : vector<1x128xf32> to vector<2000x128xf32>
    %mul3A_21 = arith.mulf %div3A_17, %mul3A : vector<2000x128xf32>
    %get3A_22 = arith.constant 0 : index
    %get3A_23 = arith.constant 0 : index
    %get3A_24 = vector.load %arg5[%get3A_22, %get3A_23] : memref<1x128xf32, #tpu.memory_space<vmem>>, vector<1x128xf32>
    %add3A_25 = vector.broadcast %get3A_24 : vector<1x128xf32> to vector<2000x128xf32>
    %add3A_26 = arith.addf %mul3A_21, %add3A_25 : vector<2000x128xf32>
    %max3A = arith.constant 0.000000e+00 : f32
    %max3A_27 = vector.broadcast %max3A : f32 to vector<2000x128xf32>
    %max3A_28 = arith.maximumf %add3A_26, %max3A_27 : vector<2000x128xf32>
    %swap3A = arith.constant 0 : index
    %swap3A_29 = arith.constant 0 : index
    %swap3A_30 = vector.load %arg8[%swap3A, %swap3A_29] : memref<2000x128xf32, #tpu.memory_space<vmem>>, vector<2000x128xf32>
    tpu.vector_store %arg8[%swap3A, %swap3A_29], %max3A_28 {strides = array<i32>} : memref<2000x128xf32, #tpu.memory_space<vmem>>, vector<2000x128xf32>,
    %get3A_31 = arith.constant 0 : index
    %get3A_32 = arith.constant 0 : index
    %get3A_33 = vector.load %arg6[%get3A_31, %get3A_32] : memref<2000x16xf32, #tpu.memory_space<vmem>>, vector<2000x16xf32>
    %get3A_34 = arith.constant 0 : index
    %get3A_35 = arith.constant 0 : index
    %get3A_36 = vector.load %arg7[%get3A_34, %get3A_35] : memref<2000x16xf32, #tpu.memory_space<vmem>>, vector<2000x16xf32>
    %add3A_37 = arith.addf %get3A_33, %get3A_36 : vector<2000x16xf32>
    %gt3A = arith.constant 0.000000e+00 : f32
    %gt3A_38 = vector.broadcast %gt3A : f32 to vector<2000x16xf32>
    %gt3A_39 = arith.cmpf ogt, %add3A_37, %gt3A_38 : vector<2000x16xf32>
    %pow3A = arith.constant -5.000000e-01 : f32
    %pow3A_40 = vector.broadcast %pow3A : f32 to vector<2000x16xf32>
    %pow3A_41 = math.powf %add3A_37, %pow3A_40 : vector<2000x16xf32>
    %jit3A = arith.constant 0.000000e+00 : f32
    %broadcast_in_dim3A = vector.broadcast %jit3A : f32 to vector<2000x16xf32>
    %select_n3A = arith.select %gt3A_39, %pow3A_41, %broadcast_in_dim3A : vector<2000x16xi1>, vector<2000x16xf32>
    %swap3A_42 = arith.constant 0 : index
    %swap3A_43 = arith.constant 0 : index
    %swap3A_44 = vector.load %arg9[%swap3A_42, %swap3A_43] : memref<2000x16xf32, #tpu.memory_space<vmem>>, vector<2000x16xf32>
    tpu.vector_store %arg9[%swap3A_42, %swap3A_43], %select_n3A {strides = array<i32>} : memref<2000x16xf32, #tpu.memory_space<vmem>>, vector<2000x16xf32>,
    return
  }
  func.func @transform_0(%arg0: i32) -> (i32, i32) {
    %c0_i32 = arith.constant 0 : i32
    %c0_i32_0 = arith.constant 0 : i32
    return %arg0, %c0_i32 : i32, i32
  }
  func.func @transform_1(%arg0: i32) -> (i32, i32) {
    %c0_i32 = arith.constant 0 : i32
    %c0_i32_0 = arith.constant 0 : i32
    %c0_i32_1 = arith.constant 0 : i32
    return %c0_i32, %c0_i32_0 : i32, i32
  }
  func.func @transform_2(%arg0: i32) -> (i32, i32) {
    %c0_i32 = arith.constant 0 : i32
    %c0_i32_0 = arith.constant 0 : i32
    %c0_i32_1 = arith.constant 0 : i32
    return %c0_i32, %c0_i32_0 : i32, i32
  }
  func.func @transform_3(%arg0: i32) -> (i32, i32) {
    %c0_i32 = arith.constant 0 : i32
    %c0_i32_0 = arith.constant 0 : i32
    %c0_i32_1 = arith.constant 0 : i32
    return %c0_i32, %c0_i32_0 : i32, i32
  }
  func.func @transform_4(%arg0: i32) -> (i32, i32) {
    %c0_i32 = arith.constant 0 : i32
    %c0_i32_0 = arith.constant 0 : i32
    %c0_i32_1 = arith.constant 0 : i32
    return %c0_i32, %c0_i32_0 : i32, i32
  }
  func.func @transform_5(%arg0: i32) -> (i32, i32) {
    %c0_i32 = arith.constant 0 : i32
    %c0_i32_0 = arith.constant 0 : i32
    return %arg0, %c0_i32 : i32, i32
  }
  func.func @transform_6(%arg0: i32) -> (i32, i32) {
    %c0_i32 = arith.constant 0 : i32
    %c0_i32_0 = arith.constant 0 : i32
    return %arg0, %c0_i32 : i32, i32
  }
  func.func @transform_7(%arg0: i32) -> (i32, i32) {
    %c0_i32 = arith.constant 0 : i32
    %c0_i32_0 = arith.constant 0 : i32
    return %arg0, %c0_i32 : i32, i32
  }
  func.func @transform_8(%arg0: i32) -> (i32, i32) {
    %c0_i32 = arith.constant 0 : i32
    %c0_i32_0 = arith.constant 0 : i32
    return %arg0, %c0_i32 : i32, i32
  }
}

module attributes {stable_mosaic.version = 14 : i64} {
  func.func @_pre_body(%arg0: i32, %arg1: memref<2000x128xf32, #tpu.memory_space<vmem>>, %arg2: memref<2000x16xf32, #tpu.memory_space<vmem>>, %arg3: memref<128x64xf32, #tpu.memory_space<vmem>>, %arg4: memref<128x32xf32, #tpu.memory_space<vmem>>, %arg5: memref<1x32xf32, #tpu.memory_space<vmem>>, %arg6: memref<2x2000x32xf32, #tpu.memory_space<vmem>>, %arg7: memref<2000x32xf32, #tpu.memory_space<vmem>>) attributes {dimension_semantics = [#tpu.dimension_semantics<arbitrary>], iteration_bounds = array<i64: 25>, scalar_prefetch = 0 : i64, scratch_operands = 0 : i64, tpu.core_type = #tpu.core_type<tc>, window_params = [{transform_indices = @transform_0, window_bounds = array<i64: 2000, 128>}, {transform_indices = @transform_1, window_bounds = array<i64: 2000, 16>}, {pipeline_mode = #tpu.pipeline_mode<synchronous>, transform_indices = @transform_2, window_bounds = array<i64: 128, 64>}, {pipeline_mode = #tpu.pipeline_mode<synchronous>, transform_indices = @transform_3, window_bounds = array<i64: 128, 32>}, {pipeline_mode = #tpu.pipeline_mode<synchronous>, transform_indices = @transform_4, window_bounds = array<i64: 1, 32>}, {transform_indices = @transform_5, window_bounds = array<i64: 2, 2000, 32>}, {transform_indices = @transform_6, window_bounds = array<i64: 2000, 32>}]} {
    %get3A = arith.constant 0 : index
    %get3A_0 = arith.constant 0 : index
    %get3A_1 = vector.load %arg1[%get3A, %get3A_0] : memref<2000x128xf32, #tpu.memory_space<vmem>>, vector<2000x128xf32>
    %get3A_2 = arith.constant 0 : index
    %get3A_3 = arith.constant 0 : index
    %get3A_4 = vector.load %arg3[%get3A_2, %get3A_3] : memref<128x64xf32, #tpu.memory_space<vmem>>, vector<128x64xf32>
    %dot_general3A = arith.constant dense<0.000000e+00> : vector<2000x64xf32>
    %dot_general3A_5 = tpu.matmul %get3A_1, %get3A_4, %dot_general3A {dimension_numbers = #tpu.dot_dimension_numbers<[1], [0], [0], [1], [0, 0, 1, 1], [], []>, transpose_lhs_hint = false} : vector<2000x128xf32>, vector<128x64xf32>, vector<2000x64xf32> -> vector<2000x64xf32>
    %get3A_6 = arith.constant 0 : index
    %get3A_7 = arith.constant 0 : index
    %get3A_8 = vector.load %arg2[%get3A_6, %get3A_7] : memref<2000x16xf32, #tpu.memory_space<vmem>>, vector<2000x1xf32>
    %mul3A = vector.broadcast %get3A_8 : vector<2000x1xf32> to vector<2000x64xf32>
    %mul3A_9 = arith.mulf %dot_general3A_5, %mul3A : vector<2000x64xf32>
    %slice3A = vector.extract_strided_slice %mul3A_9 {offsets = [0, 0], sizes = [2000, 32], strides = [1, 1]} : vector<2000x64xf32> to vector<2000x32xf32>
    %swap3A = arith.constant 0 : index
    %swap3A_10 = arith.constant 0 : index
    %swap3A_11 = arith.constant 0 : index
    %swap3A_12 = vector.load %arg6[%swap3A, %swap3A_10, %swap3A_11] : memref<2x2000x32xf32, #tpu.memory_space<vmem>>, vector<1x2000x32xf32>
    %swap3A_13 = vector.shape_cast %swap3A_12 : vector<1x2000x32xf32> to vector<2000x32xf32>
    %swap3A_14 = vector.shape_cast %slice3A : vector<2000x32xf32> to vector<1x2000x32xf32>
    tpu.vector_store %arg6[%swap3A, %swap3A_10, %swap3A_11], %swap3A_14 {strides = array<i32>} : memref<2x2000x32xf32, #tpu.memory_space<vmem>>, vector<1x2000x32xf32>,
    %slice3A_15 = vector.extract_strided_slice %mul3A_9 {offsets = [0, 32], sizes = [2000, 32], strides = [1, 1]} : vector<2000x64xf32> to vector<2000x32xf32>
    %swap3A_16 = arith.constant 1 : index
    %swap3A_17 = arith.constant 0 : index
    %swap3A_18 = arith.constant 0 : index
    %swap3A_19 = vector.load %arg6[%swap3A_16, %swap3A_17, %swap3A_18] : memref<2x2000x32xf32, #tpu.memory_space<vmem>>, vector<1x2000x32xf32>
    %swap3A_20 = vector.shape_cast %swap3A_19 : vector<1x2000x32xf32> to vector<2000x32xf32>
    %swap3A_21 = vector.shape_cast %slice3A_15 : vector<2000x32xf32> to vector<1x2000x32xf32>
    tpu.vector_store %arg6[%swap3A_16, %swap3A_17, %swap3A_18], %swap3A_21 {strides = array<i32>} : memref<2x2000x32xf32, #tpu.memory_space<vmem>>, vector<1x2000x32xf32>,
    %get3A_22 = arith.constant 0 : index
    %get3A_23 = arith.constant 0 : index
    %get3A_24 = vector.load %arg4[%get3A_22, %get3A_23] : memref<128x32xf32, #tpu.memory_space<vmem>>, vector<128x32xf32>
    %dot_general3A_25 = arith.constant dense<0.000000e+00> : vector<2000x32xf32>
    %dot_general3A_26 = tpu.matmul %get3A_1, %get3A_24, %dot_general3A_25 {dimension_numbers = #tpu.dot_dimension_numbers<[1], [0], [0], [1], [0, 0, 1, 1], [], []>, transpose_lhs_hint = false} : vector<2000x128xf32>, vector<128x32xf32>, vector<2000x32xf32> -> vector<2000x32xf32>
    %get3A_27 = arith.constant 0 : index
    %get3A_28 = arith.constant 0 : index
    %get3A_29 = vector.load %arg5[%get3A_27, %get3A_28] : memref<1x32xf32, #tpu.memory_space<vmem>>, vector<1x32xf32>
    %add3A = vector.broadcast %get3A_29 : vector<1x32xf32> to vector<2000x32xf32>
    %add3A_30 = arith.addf %dot_general3A_26, %add3A : vector<2000x32xf32>
    %swap3A_31 = arith.constant 0 : index
    %swap3A_32 = arith.constant 0 : index
    %swap3A_33 = vector.load %arg7[%swap3A_31, %swap3A_32] : memref<2000x32xf32, #tpu.memory_space<vmem>>, vector<2000x32xf32>
    tpu.vector_store %arg7[%swap3A_31, %swap3A_32], %add3A_30 {strides = array<i32>} : memref<2000x32xf32, #tpu.memory_space<vmem>>, vector<2000x32xf32>,
    return
  }
  func.func @transform_0(%arg0: i32) -> (i32, i32) {
    %c0_i32 = arith.constant 0 : i32
    %c0_i32_0 = arith.constant 0 : i32
    return %arg0, %c0_i32 : i32, i32
  }
  func.func @transform_1(%arg0: i32) -> (i32, i32) {
    %c0_i32 = arith.constant 0 : i32
    %c0_i32_0 = arith.constant 0 : i32
    return %arg0, %c0_i32 : i32, i32
  }
  func.func @transform_2(%arg0: i32) -> (i32, i32) {
    %c0_i32 = arith.constant 0 : i32
    %c0_i32_0 = arith.constant 0 : i32
    %c0_i32_1 = arith.constant 0 : i32
    return %c0_i32, %c0_i32_0 : i32, i32
  }
  func.func @transform_3(%arg0: i32) -> (i32, i32) {
    %c0_i32 = arith.constant 0 : i32
    %c0_i32_0 = arith.constant 0 : i32
    %c0_i32_1 = arith.constant 0 : i32
    return %c0_i32, %c0_i32_0 : i32, i32
  }
  func.func @transform_4(%arg0: i32) -> (i32, i32) {
    %c0_i32 = arith.constant 0 : i32
    %c0_i32_0 = arith.constant 0 : i32
    %c0_i32_1 = arith.constant 0 : i32
    return %c0_i32, %c0_i32_0 : i32, i32
  }
  func.func @transform_5(%arg0: i32) -> (i32, i32, i32) {
    %c0_i32 = arith.constant 0 : i32
    %c0_i32_0 = arith.constant 0 : i32
    %c0_i32_1 = arith.constant 0 : i32
    return %c0_i32, %arg0, %c0_i32_0 : i32, i32, i32
  }
  func.func @transform_6(%arg0: i32) -> (i32, i32) {
    %c0_i32 = arith.constant 0 : i32
    %c0_i32_0 = arith.constant 0 : i32
    return %arg0, %c0_i32 : i32, i32
  }
}

module attributes {stable_mosaic.version = 14 : i64} {
  func.func @_comb_body(%arg0: i32, %arg1: memref<2000x32xf32, #tpu.memory_space<vmem>>, %arg2: memref<2000x32xf32, #tpu.memory_space<vmem>>, %arg3: memref<2000x32xf32, #tpu.memory_space<vmem>>, %arg4: memref<2000x16xf32, #tpu.memory_space<vmem>>, %arg5: memref<1x128xf32, #tpu.memory_space<vmem>>, %arg6: memref<2000x128xf32, #tpu.memory_space<vmem>>, %arg7: memref<1x128xf32, #tpu.memory_space<vmem>>) attributes {dimension_semantics = [#tpu.dimension_semantics<arbitrary>], iteration_bounds = array<i64: 25>, scalar_prefetch = 0 : i64, scratch_operands = 0 : i64, tpu.core_type = #tpu.core_type<tc>, window_params = [{transform_indices = @transform_0, window_bounds = array<i64: 2000, 32>}, {transform_indices = @transform_1, window_bounds = array<i64: 2000, 32>}, {transform_indices = @transform_2, window_bounds = array<i64: 2000, 32>}, {transform_indices = @transform_3, window_bounds = array<i64: 2000, 16>}, {pipeline_mode = #tpu.pipeline_mode<synchronous>, transform_indices = @transform_4, window_bounds = array<i64: 1, 128>}, {transform_indices = @transform_5, window_bounds = array<i64: 2000, 128>}, {pipeline_mode = #tpu.pipeline_mode<synchronous>, transform_indices = @transform_6, window_bounds = array<i64: 1, 128>}]} {
    %get3A = arith.constant 0 : index
    %get3A_0 = arith.constant 0 : index
    %get3A_1 = vector.load %arg4[%get3A, %get3A_0] : memref<2000x16xf32, #tpu.memory_space<vmem>>, vector<2000x1xf32>
    %get3A_2 = arith.constant 0 : index
    %get3A_3 = arith.constant 0 : index
    %get3A_4 = vector.load %arg1[%get3A_2, %get3A_3] : memref<2000x32xf32, #tpu.memory_space<vmem>>, vector<2000x32xf32>
    %mul3A = vector.broadcast %get3A_1 : vector<2000x1xf32> to vector<2000x32xf32>
    %mul3A_5 = arith.mulf %get3A_4, %mul3A : vector<2000x32xf32>
    %get3A_6 = arith.constant 0 : index
    %get3A_7 = arith.constant 0 : index
    %get3A_8 = vector.load %arg2[%get3A_6, %get3A_7] : memref<2000x32xf32, #tpu.memory_space<vmem>>, vector<2000x32xf32>
    %mul3A_9 = vector.broadcast %get3A_1 : vector<2000x1xf32> to vector<2000x32xf32>
    %mul3A_10 = arith.mulf %get3A_8, %mul3A_9 : vector<2000x32xf32>
    %get3A_11 = arith.constant 0 : index
    %get3A_12 = arith.constant 0 : index
    %get3A_13 = vector.load %arg3[%get3A_11, %get3A_12] : memref<2000x32xf32, #tpu.memory_space<vmem>>, vector<2000x32xf32>
    %iota3A = tpu.iota {dimensions = array<i32: 0>} : vector<8x128xi32>
    %iota3A_14 = tpu.iota {dimensions = array<i32: 1>} : vector<8x128xi32>
    %jit3A = arith.constant 16 : i32
    %div3A = vector.broadcast %jit3A : i32 to vector<8x128xi32>
    %div3A_15 = arith.divsi %iota3A_14, %div3A : vector<8x128xi32>
    %sign3A = arith.constant 0 : i32
    %sign3A_16 = vector.broadcast %sign3A : i32 to vector<8x128xi32>
    %sign3A_17 = arith.cmpi sgt, %iota3A_14, %sign3A_16 : vector<8x128xi32>
    %sign3A_18 = arith.extui %sign3A_17 : vector<8x128xi1> to vector<8x128xi32>
    %sign3A_19 = arith.constant 0 : i32
    %sign3A_20 = vector.broadcast %sign3A_19 : i32 to vector<8x128xi32>
    %sign3A_21 = arith.cmpi slt, %iota3A_14, %sign3A_20 : vector<8x128xi32>
    %sign3A_22 = arith.extui %sign3A_21 : vector<8x128xi1> to vector<8x128xi32>
    %sign3A_23 = arith.subi %sign3A_18, %sign3A_22 : vector<8x128xi32>
    %sign3A_24 = arith.constant 0 : i32
    %sign3A_25 = arith.cmpi sgt, %jit3A, %sign3A_24 : i32
    %sign3A_26 = arith.extui %sign3A_25 : i1 to i32
    %sign3A_27 = arith.constant 0 : i32
    %sign3A_28 = arith.cmpi slt, %jit3A, %sign3A_27 : i32
    %sign3A_29 = arith.extui %sign3A_28 : i1 to i32
    %sign3A_30 = arith.subi %sign3A_26, %sign3A_29 : i32
    %ne3A = vector.broadcast %sign3A_30 : i32 to vector<8x128xi32>
    %ne3A_31 = arith.cmpi ne, %sign3A_23, %ne3A : vector<8x128xi32>
    %rem3A = vector.broadcast %jit3A : i32 to vector<8x128xi32>
    %rem3A_32 = arith.remsi %iota3A_14, %rem3A : vector<8x128xi32>
    %ne3A_33 = arith.constant 0 : i32
    %ne3A_34 = vector.broadcast %ne3A_33 : i32 to vector<8x128xi32>
    %ne3A_35 = arith.cmpi ne, %rem3A_32, %ne3A_34 : vector<8x128xi32>
    %and3A = arith.andi %ne3A_31, %ne3A_35 : vector<8x128xi1>
    %sub3A = arith.constant 1 : i32
    %sub3A_36 = vector.broadcast %sub3A : i32 to vector<8x128xi32>
    %sub3A_37 = arith.subi %div3A_15, %sub3A_36 : vector<8x128xi32>
    %select_n3A = arith.select %and3A, %sub3A_37, %div3A_15 : vector<8x128xi1>, vector<8x128xi32>
    %eq3A = arith.cmpi eq, %select_n3A, %iota3A : vector<8x128xi32>
    %convert_element_type3A = arith.extui %eq3A : vector<8x128xi1> to vector<8x128xi32>
    %convert_element_type3A_38 = arith.sitofp %convert_element_type3A : vector<8x128xi32> to vector<8x128xf32>
    %iota3A_39 = tpu.iota {dimensions = array<i32: 0>} : vector<16x128xi32>
    %iota3A_40 = tpu.iota {dimensions = array<i32: 1>} : vector<16x128xi32>
    %jit3A_41 = arith.constant 16 : i32
    %eq3A_42 = arith.constant 0 : i32
    %eq3A_43 = arith.cmpi eq, %jit3A_41, %eq3A_42 : i32
    %jit3A_44 = arith.constant 1 : i32
    %select_n3A_45 = arith.select %eq3A_43, %jit3A_44, %jit3A_41 : i32
    %rem3A_46 = vector.broadcast %select_n3A_45 : i32 to vector<16x128xi32>
    %rem3A_47 = arith.remsi %iota3A_40, %rem3A_46 : vector<16x128xi32>
    %ne3A_48 = arith.constant 0 : i32
    %ne3A_49 = vector.broadcast %ne3A_48 : i32 to vector<16x128xi32>
    %ne3A_50 = arith.cmpi ne, %rem3A_47, %ne3A_49 : vector<16x128xi32>
    %lt3A = arith.constant 0 : i32
    %lt3A_51 = vector.broadcast %lt3A : i32 to vector<16x128xi32>
    %lt3A_52 = arith.cmpi slt, %rem3A_47, %lt3A_51 : vector<16x128xi32>
    %lt3A_53 = arith.constant 0 : i32
    %lt3A_54 = arith.cmpi slt, %select_n3A_45, %lt3A_53 : i32
    %ne3A_55 = vector.broadcast %lt3A_54 : i1 to vector<16x128xi1>
    %ne3A_56 = vector.broadcast %ne3A_55 : vector<16x128xi1> to vector<16x128xi1>
    %ne3A_57 = arith.xori %lt3A_52, %ne3A_56 : vector<16x128xi1>
    %and3A_58 = arith.andi %ne3A_57, %ne3A_50 : vector<16x128xi1>
    %add3A = vector.broadcast %select_n3A_45 : i32 to vector<16x128xi32>
    %add3A_59 = arith.addi %rem3A_47, %add3A : vector<16x128xi32>
    %select_n3A_60 = arith.select %and3A_58, %add3A_59, %rem3A_47 : vector<16x128xi1>, vector<16x128xi32>
    %eq3A_61 = arith.cmpi eq, %select_n3A_60, %iota3A_39 : vector<16x128xi32>
    %convert_element_type3A_62 = arith.extui %eq3A_61 : vector<16x128xi1> to vector<16x128xi32>
    %convert_element_type3A_63 = arith.sitofp %convert_element_type3A_62 : vector<16x128xi32> to vector<16x128xf32>
    %slice3A = vector.extract_strided_slice %mul3A_5 {offsets = [0, 0], sizes = [2000, 16], strides = [1, 1]} : vector<2000x32xf32> to vector<2000x16xf32>
    %slice3A_64 = vector.extract_strided_slice %get3A_13 {offsets = [0, 0], sizes = [2000, 8], strides = [1, 1]} : vector<2000x32xf32> to vector<2000x8xf32>
    %dot_general3A = arith.constant dense<0.000000e+00> : vector<2000x128xf32>
    %dot_general3A_65 = tpu.matmul %slice3A_64, %convert_element_type3A_38, %dot_general3A {dimension_numbers = #tpu.dot_dimension_numbers<[1], [0], [0], [1], [0, 0, 1, 1], [], []>, transpose_lhs_hint = false} : vector<2000x8xf32>, vector<8x128xf32>, vector<2000x128xf32> -> vector<2000x128xf32>
    %dot_general3A_66 = arith.constant dense<0.000000e+00> : vector<2000x128xf32>
    %dot_general3A_67 = tpu.matmul %slice3A, %convert_element_type3A_63, %dot_general3A_66 {dimension_numbers = #tpu.dot_dimension_numbers<[1], [0], [0], [1], [0, 0, 1, 1], [], []>, transpose_lhs_hint = false} : vector<2000x16xf32>, vector<16x128xf32>, vector<2000x128xf32> -> vector<2000x128xf32>
    %mul3A_68 = arith.mulf %dot_general3A_65, %dot_general3A_67 : vector<2000x128xf32>
    %slice3A_69 = vector.extract_strided_slice %mul3A_5 {offsets = [0, 16], sizes = [2000, 16], strides = [1, 1]} : vector<2000x32xf32> to vector<2000x16xf32>
    %slice3A_70 = vector.extract_strided_slice %get3A_13 {offsets = [0, 8], sizes = [2000, 8], strides = [1, 1]} : vector<2000x32xf32> to vector<2000x8xf32>
    %dot_general3A_71 = arith.constant dense<0.000000e+00> : vector<2000x128xf32>
    %dot_general3A_72 = tpu.matmul %slice3A_70, %convert_element_type3A_38, %dot_general3A_71 {dimension_numbers = #tpu.dot_dimension_numbers<[1], [0], [0], [1], [0, 0, 1, 1], [], []>, transpose_lhs_hint = false} : vector<2000x8xf32>, vector<8x128xf32>, vector<2000x128xf32> -> vector<2000x128xf32>
    %dot_general3A_73 = arith.constant dense<0.000000e+00> : vector<2000x128xf32>
    %dot_general3A_74 = tpu.matmul %slice3A_69, %convert_element_type3A_63, %dot_general3A_73 {dimension_numbers = #tpu.dot_dimension_numbers<[1], [0], [0], [1], [0, 0, 1, 1], [], []>, transpose_lhs_hint = false} : vector<2000x16xf32>, vector<16x128xf32>, vector<2000x128xf32> -> vector<2000x128xf32>
    %mul3A_75 = arith.mulf %dot_general3A_72, %dot_general3A_74 : vector<2000x128xf32>
    %slice3A_76 = vector.extract_strided_slice %mul3A_10 {offsets = [0, 0], sizes = [2000, 16], strides = [1, 1]} : vector<2000x32xf32> to vector<2000x16xf32>
    %slice3A_77 = vector.extract_strided_slice %get3A_13 {offsets = [0, 16], sizes = [2000, 8], strides = [1, 1]} : vector<2000x32xf32> to vector<2000x8xf32>
    %dot_general3A_78 = arith.constant dense<0.000000e+00> : vector<2000x128xf32>
    %dot_general3A_79 = tpu.matmul %slice3A_77, %convert_element_type3A_38, %dot_general3A_78 {dimension_numbers = #tpu.dot_dimension_numbers<[1], [0], [0], [1], [0, 0, 1, 1], [], []>, transpose_lhs_hint = false} : vector<2000x8xf32>, vector<8x128xf32>, vector<2000x128xf32> -> vector<2000x128xf32>
    %dot_general3A_80 = arith.constant dense<0.000000e+00> : vector<2000x128xf32>
    %dot_general3A_81 = tpu.matmul %slice3A_76, %convert_element_type3A_63, %dot_general3A_80 {dimension_numbers = #tpu.dot_dimension_numbers<[1], [0], [0], [1], [0, 0, 1, 1], [], []>, transpose_lhs_hint = false} : vector<2000x16xf32>, vector<16x128xf32>, vector<2000x128xf32> -> vector<2000x128xf32>
    %mul3A_82 = arith.mulf %dot_general3A_79, %dot_general3A_81 : vector<2000x128xf32>
    %slice3A_83 = vector.extract_strided_slice %mul3A_10 {offsets = [0, 16], sizes = [2000, 16], strides = [1, 1]} : vector<2000x32xf32> to vector<2000x16xf32>
    %slice3A_84 = vector.extract_strided_slice %get3A_13 {offsets = [0, 24], sizes = [2000, 8], strides = [1, 1]} : vector<2000x32xf32> to vector<2000x8xf32>
    %dot_general3A_85 = arith.constant dense<0.000000e+00> : vector<2000x128xf32>
    %dot_general3A_86 = tpu.matmul %slice3A_84, %convert_element_type3A_38, %dot_general3A_85 {dimension_numbers = #tpu.dot_dimension_numbers<[1], [0], [0], [1], [0, 0, 1, 1], [], []>, transpose_lhs_hint = false} : vector<2000x8xf32>, vector<8x128xf32>, vector<2000x128xf32> -> vector<2000x128xf32>
    %dot_general3A_87 = arith.constant dense<0.000000e+00> : vector<2000x128xf32>
    %dot_general3A_88 = tpu.matmul %slice3A_83, %convert_element_type3A_63, %dot_general3A_87 {dimension_numbers = #tpu.dot_dimension_numbers<[1], [0], [0], [1], [0, 0, 1, 1], [], []>, transpose_lhs_hint = false} : vector<2000x16xf32>, vector<16x128xf32>, vector<2000x128xf32> -> vector<2000x128xf32>
    %mul3A_89 = arith.mulf %dot_general3A_86, %dot_general3A_88 : vector<2000x128xf32>
    %add3A_90 = arith.addf %mul3A_68, %mul3A_75 : vector<2000x128xf32>
    %add3A_91 = arith.addf %mul3A_82, %mul3A_89 : vector<2000x128xf32>
    %add3A_92 = arith.addf %add3A_90, %add3A_91 : vector<2000x128xf32>
    %get3A_93 = arith.constant 0 : index
    %get3A_94 = arith.constant 0 : index
    %get3A_95 = vector.load %arg5[%get3A_93, %get3A_94] : memref<1x128xf32, #tpu.memory_space<vmem>>, vector<1x128xf32>
    %add3A_96 = vector.broadcast %get3A_95 : vector<1x128xf32> to vector<2000x128xf32>
    %add3A_97 = arith.addf %add3A_92, %add3A_96 : vector<2000x128xf32>
    %swap3A = arith.constant 0 : index
    %swap3A_98 = arith.constant 0 : index
    %swap3A_99 = vector.load %arg6[%swap3A, %swap3A_98] : memref<2000x128xf32, #tpu.memory_space<vmem>>, vector<2000x128xf32>
    tpu.vector_store %arg6[%swap3A, %swap3A_98], %add3A_97 {strides = array<i32>} : memref<2000x128xf32, #tpu.memory_space<vmem>>, vector<2000x128xf32>,
    %eq3A_100 = arith.constant 0 : i32
    %eq3A_101 = arith.cmpi eq, %arg0, %eq3A_100 : i32
    %convert_element_type3A_102 = arith.extui %eq3A_101 : i1 to i32
    %cond3A = arith.constant 0 : i32
    %cond3A_103 = arith.cmpi ne, %convert_element_type3A_102, %cond3A : i32
    scf.if %cond3A_103 {
      %broadcast_in_dim3A_112 = arith.constant 0.000000e+00 : f32
      %broadcast_in_dim3A_113 = vector.broadcast %broadcast_in_dim3A_112 : f32 to vector<1x128xf32>
      %swap3A_114 = arith.constant 0 : index
      %swap3A_115 = arith.constant 0 : index
      %swap3A_116 = vector.load %arg7[%swap3A_114, %swap3A_115] : memref<1x128xf32, #tpu.memory_space<vmem>>, vector<1x128xf32>
      tpu.vector_store %arg7[%swap3A_114, %swap3A_115], %broadcast_in_dim3A_113 {strides = array<i32>} : memref<1x128xf32, #tpu.memory_space<vmem>>, vector<1x128xf32>,
    } else {
    }
    %get3A_104 = arith.constant 0 : index
    %get3A_105 = arith.constant 0 : index
    %get3A_106 = vector.load %arg7[%get3A_104, %get3A_105] : memref<1x128xf32, #tpu.memory_space<vmem>>, vector<1x128xf32>
    %reduce_sum3A = arith.constant dense<0.000000e+00> : vector<128xf32>
    %reduce_sum3A_107 = vector.multi_reduction <add>, %add3A_97, %reduce_sum3A [0] : vector<2000x128xf32> to vector<128xf32>
    %broadcast_in_dim3A = vector.shape_cast %reduce_sum3A_107 : vector<128xf32> to vector<1x128xf32>
    %add3A_108 = arith.addf %get3A_106, %broadcast_in_dim3A : vector<1x128xf32>
    %swap3A_109 = arith.constant 0 : index
    %swap3A_110 = arith.constant 0 : index
    %swap3A_111 = vector.load %arg7[%swap3A_109, %swap3A_110] : memref<1x128xf32, #tpu.memory_space<vmem>>, vector<1x128xf32>
    tpu.vector_store %arg7[%swap3A_109, %swap3A_110], %add3A_108 {strides = array<i32>} : memref<1x128xf32, #tpu.memory_space<vmem>>, vector<1x128xf32>,
    return
  }
  func.func @transform_0(%arg0: i32) -> (i32, i32) {
    %c0_i32 = arith.constant 0 : i32
    %c0_i32_0 = arith.constant 0 : i32
    return %arg0, %c0_i32 : i32, i32
  }
  func.func @transform_1(%arg0: i32) -> (i32, i32) {
    %c0_i32 = arith.constant 0 : i32
    %c0_i32_0 = arith.constant 0 : i32
    return %arg0, %c0_i32 : i32, i32
  }
  func.func @transform_2(%arg0: i32) -> (i32, i32) {
    %c0_i32 = arith.constant 0 : i32
    %c0_i32_0 = arith.constant 0 : i32
    return %arg0, %c0_i32 : i32, i32
  }
  func.func @transform_3(%arg0: i32) -> (i32, i32) {
    %c0_i32 = arith.constant 0 : i32
    %c0_i32_0 = arith.constant 0 : i32
    return %arg0, %c0_i32 : i32, i32
  }
  func.func @transform_4(%arg0: i32) -> (i32, i32) {
    %c0_i32 = arith.constant 0 : i32
    %c0_i32_0 = arith.constant 0 : i32
    %c0_i32_1 = arith.constant 0 : i32
    return %c0_i32, %c0_i32_0 : i32, i32
  }
  func.func @transform_5(%arg0: i32) -> (i32, i32) {
    %c0_i32 = arith.constant 0 : i32
    %c0_i32_0 = arith.constant 0 : i32
    return %arg0, %c0_i32 : i32, i32
  }
  func.func @transform_6(%arg0: i32) -> (i32, i32) {
    %c0_i32 = arith.constant 0 : i32
    %c0_i32_0 = arith.constant 0 : i32
    %c0_i32_1 = arith.constant 0 : i32
    return %c0_i32, %c0_i32_0 : i32, i32
  }
}

module attributes {stable_mosaic.version = 14 : i64} {
  func.func @_bnres_body(%arg0: i32, %arg1: memref<2000x128xf32, #tpu.memory_space<vmem>>, %arg2: memref<1x128xf32, #tpu.memory_space<vmem>>, %arg3: memref<1x128xf32, #tpu.memory_space<vmem>>, %arg4: memref<1x128xf32, #tpu.memory_space<vmem>>, %arg5: memref<1x128xf32, #tpu.memory_space<vmem>>, %arg6: memref<2000x128xf32, #tpu.memory_space<vmem>>, %arg7: memref<2000x128xf32, #tpu.memory_space<vmem>>) attributes {dimension_semantics = [#tpu.dimension_semantics<arbitrary>], iteration_bounds = array<i64: 25>, scalar_prefetch = 0 : i64, scratch_operands = 0 : i64, tpu.core_type = #tpu.core_type<tc>, window_params = [{transform_indices = @transform_0, window_bounds = array<i64: 2000, 128>}, {pipeline_mode = #tpu.pipeline_mode<synchronous>, transform_indices = @transform_1, window_bounds = array<i64: 1, 128>}, {pipeline_mode = #tpu.pipeline_mode<synchronous>, transform_indices = @transform_2, window_bounds = array<i64: 1, 128>}, {pipeline_mode = #tpu.pipeline_mode<synchronous>, transform_indices = @transform_3, window_bounds = array<i64: 1, 128>}, {pipeline_mode = #tpu.pipeline_mode<synchronous>, transform_indices = @transform_4, window_bounds = array<i64: 1, 128>}, {transform_indices = @transform_5, window_bounds = array<i64: 2000, 128>}, {transform_indices = @transform_6, window_bounds = array<i64: 2000, 128>}]} {
    %get3A = arith.constant 0 : index
    %get3A_0 = arith.constant 0 : index
    %get3A_1 = vector.load %arg1[%get3A, %get3A_0] : memref<2000x128xf32, #tpu.memory_space<vmem>>, vector<2000x128xf32>
    %get3A_2 = arith.constant 0 : index
    %get3A_3 = arith.constant 0 : index
    %get3A_4 = vector.load %arg2[%get3A_2, %get3A_3] : memref<1x128xf32, #tpu.memory_space<vmem>>, vector<1x128xf32>
    %div3A = arith.constant 5.000000e+04 : f32
    %div3A_5 = vector.broadcast %div3A : f32 to vector<1x128xf32>
    %div3A_6 = arith.divf %get3A_4, %div3A_5 : vector<1x128xf32>
    %get3A_7 = arith.constant 0 : index
    %get3A_8 = arith.constant 0 : index
    %get3A_9 = vector.load %arg3[%get3A_7, %get3A_8] : memref<1x128xf32, #tpu.memory_space<vmem>>, vector<1x128xf32>
    %div3A_10 = arith.constant 5.000000e+04 : f32
    %div3A_11 = vector.broadcast %div3A_10 : f32 to vector<1x128xf32>
    %div3A_12 = arith.divf %get3A_9, %div3A_11 : vector<1x128xf32>
    %sub3A = vector.broadcast %div3A_6 : vector<1x128xf32> to vector<2000x128xf32>
    %sub3A_13 = arith.subf %get3A_1, %sub3A : vector<2000x128xf32>
    %add3A = arith.constant 9.99999974E-6 : f32
    %add3A_14 = vector.broadcast %add3A : f32 to vector<1x128xf32>
    %add3A_15 = arith.addf %div3A_12, %add3A_14 : vector<1x128xf32>
    %sqrt3A = math.sqrt %add3A_15 : vector<1x128xf32>
    %div3A_16 = vector.broadcast %sqrt3A : vector<1x128xf32> to vector<2000x128xf32>
    %div3A_17 = arith.divf %sub3A_13, %div3A_16 : vector<2000x128xf32>
    %get3A_18 = arith.constant 0 : index
    %get3A_19 = arith.constant 0 : index
    %get3A_20 = vector.load %arg4[%get3A_18, %get3A_19] : memref<1x128xf32, #tpu.memory_space<vmem>>, vector<1x128xf32>
    %mul3A = vector.broadcast %get3A_20 : vector<1x128xf32> to vector<2000x128xf32>
    %mul3A_21 = arith.mulf %div3A_17, %mul3A : vector<2000x128xf32>
    %get3A_22 = arith.constant 0 : index
    %get3A_23 = arith.constant 0 : index
    %get3A_24 = vector.load %arg5[%get3A_22, %get3A_23] : memref<1x128xf32, #tpu.memory_space<vmem>>, vector<1x128xf32>
    %add3A_25 = vector.broadcast %get3A_24 : vector<1x128xf32> to vector<2000x128xf32>
    %add3A_26 = arith.addf %mul3A_21, %add3A_25 : vector<2000x128xf32>
    %get3A_27 = arith.constant 0 : index
    %get3A_28 = arith.constant 0 : index
    %get3A_29 = vector.load %arg6[%get3A_27, %get3A_28] : memref<2000x128xf32, #tpu.memory_space<vmem>>, vector<2000x128xf32>
    %max3A = arith.constant 0.000000e+00 : f32
    %max3A_30 = vector.broadcast %max3A : f32 to vector<2000x128xf32>
    %max3A_31 = arith.maximumf %add3A_26, %max3A_30 : vector<2000x128xf32>
    %add3A_32 = arith.addf %get3A_29, %max3A_31 : vector<2000x128xf32>
    %swap3A = arith.constant 0 : index
    %swap3A_33 = arith.constant 0 : index
    %swap3A_34 = vector.load %arg7[%swap3A, %swap3A_33] : memref<2000x128xf32, #tpu.memory_space<vmem>>, vector<2000x128xf32>
    tpu.vector_store %arg7[%swap3A, %swap3A_33], %add3A_32 {strides = array<i32>} : memref<2000x128xf32, #tpu.memory_space<vmem>>, vector<2000x128xf32>,
    return
  }
  func.func @transform_0(%arg0: i32) -> (i32, i32) {
    %c0_i32 = arith.constant 0 : i32
    %c0_i32_0 = arith.constant 0 : i32
    return %arg0, %c0_i32 : i32, i32
  }
  func.func @transform_1(%arg0: i32) -> (i32, i32) {
    %c0_i32 = arith.constant 0 : i32
    %c0_i32_0 = arith.constant 0 : i32
    %c0_i32_1 = arith.constant 0 : i32
    return %c0_i32, %c0_i32_0 : i32, i32
  }
  func.func @transform_2(%arg0: i32) -> (i32, i32) {
    %c0_i32 = arith.constant 0 : i32
    %c0_i32_0 = arith.constant 0 : i32
    %c0_i32_1 = arith.constant 0 : i32
    return %c0_i32, %c0_i32_0 : i32, i32
  }
  func.func @transform_3(%arg0: i32) -> (i32, i32) {
    %c0_i32 = arith.constant 0 : i32
    %c0_i32_0 = arith.constant 0 : i32
    %c0_i32_1 = arith.constant 0 : i32
    return %c0_i32, %c0_i32_0 : i32, i32
  }
  func.func @transform_4(%arg0: i32) -> (i32, i32) {
    %c0_i32 = arith.constant 0 : i32
    %c0_i32_0 = arith.constant 0 : i32
    %c0_i32_1 = arith.constant 0 : i32
    return %c0_i32, %c0_i32_0 : i32, i32
  }
  func.func @transform_5(%arg0: i32) -> (i32, i32) {
    %c0_i32 = arith.constant 0 : i32
    %c0_i32_0 = arith.constant 0 : i32
    return %arg0, %c0_i32 : i32, i32
  }
  func.func @transform_6(%arg0: i32) -> (i32, i32) {
    %c0_i32 = arith.constant 0 : i32
    %c0_i32_0 = arith.constant 0 : i32
    return %arg0, %c0_i32 : i32, i32
  }
}

module attributes {stable_mosaic.version = 14 : i64} {
  func.func @_pool_body(%arg0: i32, %arg1: memref<2000x128xf32, #tpu.memory_space<vmem>>, %arg2: memref<2000x1xi32, #tpu.memory_space<vmem>>, %arg3: memref<128x64xf32, #tpu.memory_space<vmem>>, %arg4: memref<1x64xf32, #tpu.memory_space<vmem>>, %arg5: memref<1x64xf32, #tpu.memory_space<vmem>>, %arg6: memref<64x32xf32, #tpu.memory_space<vmem>>, %arg7: memref<1x32xf32, #tpu.memory_space<vmem>>, %arg8: memref<1x32xf32, #tpu.memory_space<vmem>>, %arg9: memref<32x10xf32, #tpu.memory_space<vmem>>, %arg10: memref<1x10xf32, #tpu.memory_space<vmem>>, %arg11: memref<128x10xf32, #tpu.memory_space<vmem>>, %arg12: memref<128x128xf32, #tpu.memory_space<vmem>>, %arg13: memref<128x8xf32, #tpu.memory_space<vmem>>) attributes {dimension_semantics = [#tpu.dimension_semantics<arbitrary>], iteration_bounds = array<i64: 25>, scalar_prefetch = 0 : i64, scratch_operands = 2 : i64, tpu.core_type = #tpu.core_type<tc>, window_params = [{transform_indices = @transform_0, window_bounds = array<i64: 2000, 128>}, {transform_indices = @transform_1, window_bounds = array<i64: 2000, 1>}, {pipeline_mode = #tpu.pipeline_mode<synchronous>, transform_indices = @transform_2, window_bounds = array<i64: 128, 64>}, {pipeline_mode = #tpu.pipeline_mode<synchronous>, transform_indices = @transform_3, window_bounds = array<i64: 1, 64>}, {pipeline_mode = #tpu.pipeline_mode<synchronous>, transform_indices = @transform_4, window_bounds = array<i64: 1, 64>}, {pipeline_mode = #tpu.pipeline_mode<synchronous>, transform_indices = @transform_5, window_bounds = array<i64: 64, 32>}, {pipeline_mode = #tpu.pipeline_mode<synchronous>, transform_indices = @transform_6, window_bounds = array<i64: 1, 32>}, {pipeline_mode = #tpu.pipeline_mode<synchronous>, transform_indices = @transform_7, window_bounds = array<i64: 1, 32>}, {pipeline_mode = #tpu.pipeline_mode<synchronous>, transform_indices = @transform_8, window_bounds = array<i64: 32, 10>}, {pipeline_mode = #tpu.pipeline_mode<synchronous>, transform_indices = @transform_9, window_bounds = array<i64: 1, 10>}, {pipeline_mode = #tpu.pipeline_mode<synchronous>, transform_indices = @transform_10, window_bounds = array<i64: 128, 10>}]} {
    %eq3A = arith.constant 0 : i32
    %eq3A_0 = arith.cmpi eq, %arg0, %eq3A : i32
    %convert_element_type3A = arith.extui %eq3A_0 : i1 to i32
    %cond3A = arith.constant 0 : i32
    %cond3A_1 = arith.cmpi ne, %convert_element_type3A, %cond3A : i32
    scf.if %cond3A_1 {
      %broadcast_in_dim3A_33 = arith.constant 0.000000e+00 : f32
      %broadcast_in_dim3A_34 = vector.broadcast %broadcast_in_dim3A_33 : f32 to vector<128x128xf32>
      %swap3A_35 = arith.constant 0 : index
      %swap3A_36 = arith.constant 0 : index
      %swap3A_37 = vector.load %arg12[%swap3A_35, %swap3A_36] : memref<128x128xf32, #tpu.memory_space<vmem>>, vector<128x128xf32>
      tpu.vector_store %arg12[%swap3A_35, %swap3A_36], %broadcast_in_dim3A_34 {strides = array<i32>} : memref<128x128xf32, #tpu.memory_space<vmem>>, vector<128x128xf32>,
      %broadcast_in_dim3A_38 = arith.constant 0.000000e+00 : f32
      %broadcast_in_dim3A_39 = vector.broadcast %broadcast_in_dim3A_38 : f32 to vector<128x8xf32>
      %swap3A_40 = arith.constant 0 : index
      %swap3A_41 = arith.constant 0 : index
      %swap3A_42 = vector.load %arg13[%swap3A_40, %swap3A_41] : memref<128x8xf32, #tpu.memory_space<vmem>>, vector<128x8xf32>
      tpu.vector_store %arg13[%swap3A_40, %swap3A_41], %broadcast_in_dim3A_39 {strides = array<i32>} : memref<128x8xf32, #tpu.memory_space<vmem>>, vector<128x8xf32>,
    } else {
    }
    %get3A = arith.constant 0 : index
    %get3A_2 = arith.constant 0 : index
    %get3A_3 = vector.load %arg2[%get3A, %get3A_2] : memref<2000x1xi32, #tpu.memory_space<vmem>>, vector<2000x1xi32>
    %iota3A = tpu.iota {dimensions = array<i32: 1>} : vector<1x128xi32>
    %eq3A_4 = vector.broadcast %get3A_3 : vector<2000x1xi32> to vector<2000x128xi32>
    %eq3A_5 = vector.broadcast %iota3A : vector<1x128xi32> to vector<2000x128xi32>
    %eq3A_6 = arith.cmpi eq, %eq3A_4, %eq3A_5 : vector<2000x128xi32>
    %convert_element_type3A_7 = arith.extui %eq3A_6 : vector<2000x128xi1> to vector<2000x128xi32>
    %convert_element_type3A_8 = arith.sitofp %convert_element_type3A_7 : vector<2000x128xi32> to vector<2000x128xf32>
    %get3A_9 = arith.constant 0 : index
    %get3A_10 = arith.constant 0 : index
    %get3A_11 = vector.load %arg12[%get3A_9, %get3A_10] : memref<128x128xf32, #tpu.memory_space<vmem>>, vector<128x128xf32>
    %get3A_12 = arith.constant 0 : index
    %get3A_13 = arith.constant 0 : index
    %get3A_14 = vector.load %arg1[%get3A_12, %get3A_13] : memref<2000x128xf32, #tpu.memory_space<vmem>>, vector<2000x128xf32>
    %dot_general3A = arith.constant dense<0.000000e+00> : vector<128x128xf32>
    %dot_general3A_15 = tpu.matmul %convert_element_type3A_8, %get3A_14, %dot_general3A {dimension_numbers = #tpu.dot_dimension_numbers<[0], [0], [1], [1], [0, 1, 1, 1], [], []>, precision = #tpu.contract_precision<fp32>, transpose_lhs_hint = false} : vector<2000x128xf32>, vector<2000x128xf32>, vector<128x128xf32> -> vector<128x128xf32>
    %add3A = arith.addf %get3A_11, %dot_general3A_15 : vector<128x128xf32>
    %swap3A = arith.constant 0 : index
    %swap3A_16 = arith.constant 0 : index
    %swap3A_17 = vector.load %arg12[%swap3A, %swap3A_16] : memref<128x128xf32, #tpu.memory_space<vmem>>, vector<128x128xf32>
    tpu.vector_store %arg12[%swap3A, %swap3A_16], %add3A {strides = array<i32>} : memref<128x128xf32, #tpu.memory_space<vmem>>, vector<128x128xf32>,
    %get3A_18 = arith.constant 0 : index
    %get3A_19 = arith.constant 0 : index
    %get3A_20 = vector.load %arg13[%get3A_18, %get3A_19] : memref<128x8xf32, #tpu.memory_space<vmem>>, vector<128x8xf32>
    %broadcast_in_dim3A = arith.constant 1.000000e+00 : f32
    %broadcast_in_dim3A_21 = vector.broadcast %broadcast_in_dim3A : f32 to vector<2000x8xf32>
    %dot_general3A_22 = arith.constant dense<0.000000e+00> : vector<128x8xf32>
    %dot_general3A_23 = tpu.matmul %convert_element_type3A_8, %broadcast_in_dim3A_21, %dot_general3A_22 {dimension_numbers = #tpu.dot_dimension_numbers<[0], [0], [1], [1], [0, 1, 1, 1], [], []>, precision = #tpu.contract_precision<fp32>, transpose_lhs_hint = false} : vector<2000x128xf32>, vector<2000x8xf32>, vector<128x8xf32> -> vector<128x8xf32>
    %add3A_24 = arith.addf %get3A_20, %dot_general3A_23 : vector<128x8xf32>
    %swap3A_25 = arith.constant 0 : index
    %swap3A_26 = arith.constant 0 : index
    %swap3A_27 = vector.load %arg13[%swap3A_25, %swap3A_26] : memref<128x8xf32, #tpu.memory_space<vmem>>, vector<128x8xf32>
    tpu.vector_store %arg13[%swap3A_25, %swap3A_26], %add3A_24 {strides = array<i32>} : memref<128x8xf32, #tpu.memory_space<vmem>>, vector<128x8xf32>,
    %eq3A_28 = arith.constant 24 : i32
    %eq3A_29 = arith.cmpi eq, %arg0, %eq3A_28 : i32
    %convert_element_type3A_30 = arith.extui %eq3A_29 : i1 to i32
    %cond3A_31 = arith.constant 0 : i32
    %cond3A_32 = arith.cmpi ne, %convert_element_type3A_30, %cond3A_31 : i32
    scf.if %cond3A_32 {
      %get3A_33 = arith.constant 0 : index
      %get3A_34 = arith.constant 0 : index
      %get3A_35 = vector.load %arg13[%get3A_33, %get3A_34] : memref<128x8xf32, #tpu.memory_space<vmem>>, vector<128x1xf32>
      %get3A_36 = arith.constant 0 : index
      %get3A_37 = arith.constant 0 : index
      %get3A_38 = vector.load %arg12[%get3A_36, %get3A_37] : memref<128x128xf32, #tpu.memory_space<vmem>>, vector<128x128xf32>
      %max3A = arith.constant 1.000000e+00 : f32
      %max3A_39 = vector.broadcast %max3A : f32 to vector<128x1xf32>
      %max3A_40 = arith.maximumf %get3A_35, %max3A_39 : vector<128x1xf32>
      %div3A = vector.broadcast %max3A_40 : vector<128x1xf32> to vector<128x128xf32>
      %div3A_41 = arith.divf %get3A_38, %div3A : vector<128x128xf32>
      %get3A_42 = arith.constant 0 : index
      %get3A_43 = arith.constant 0 : index
      %get3A_44 = vector.load %arg3[%get3A_42, %get3A_43] : memref<128x64xf32, #tpu.memory_space<vmem>>, vector<128x64xf32>
      %dot_general3A_45 = arith.constant dense<0.000000e+00> : vector<128x64xf32>
      %dot_general3A_46 = tpu.matmul %div3A_41, %get3A_44, %dot_general3A_45 {dimension_numbers = #tpu.dot_dimension_numbers<[1], [0], [0], [1], [0, 0, 1, 1], [], []>, transpose_lhs_hint = false} : vector<128x128xf32>, vector<128x64xf32>, vector<128x64xf32> -> vector<128x64xf32>
      %reduce_sum3A = arith.constant dense<0.000000e+00> : vector<64xf32>
      %reduce_sum3A_47 = vector.multi_reduction <add>, %dot_general3A_46, %reduce_sum3A [0] : vector<128x64xf32> to vector<64xf32>
      %broadcast_in_dim3A_48 = vector.shape_cast %reduce_sum3A_47 : vector<64xf32> to vector<1x64xf32>
      %div3A_49 = arith.constant 1.280000e+02 : f32
      %div3A_50 = vector.broadcast %div3A_49 : f32 to vector<1x64xf32>
      %div3A_51 = arith.divf %broadcast_in_dim3A_48, %div3A_50 : vector<1x64xf32>
      %sub3A = vector.broadcast %div3A_51 : vector<1x64xf32> to vector<128x64xf32>
      %sub3A_52 = arith.subf %dot_general3A_46, %sub3A : vector<128x64xf32>
      %mul3A = arith.mulf %sub3A_52, %sub3A_52 : vector<128x64xf32>
      %reduce_sum3A_53 = arith.constant dense<0.000000e+00> : vector<64xf32>
      %reduce_sum3A_54 = vector.multi_reduction <add>, %mul3A, %reduce_sum3A_53 [0] : vector<128x64xf32> to vector<64xf32>
      %broadcast_in_dim3A_55 = vector.shape_cast %reduce_sum3A_54 : vector<64xf32> to vector<1x64xf32>
      %div3A_56 = arith.constant 1.280000e+02 : f32
      %div3A_57 = vector.broadcast %div3A_56 : f32 to vector<1x64xf32>
      %div3A_58 = arith.divf %broadcast_in_dim3A_55, %div3A_57 : vector<1x64xf32>
      %add3A_59 = arith.constant 9.99999974E-6 : f32
      %add3A_60 = vector.broadcast %add3A_59 : f32 to vector<1x64xf32>
      %add3A_61 = arith.addf %div3A_58, %add3A_60 : vector<1x64xf32>
      %sqrt3A = math.sqrt %add3A_61 : vector<1x64xf32>
      %div3A_62 = vector.broadcast %sqrt3A : vector<1x64xf32> to vector<128x64xf32>
      %div3A_63 = arith.divf %sub3A_52, %div3A_62 : vector<128x64xf32>
      %get3A_64 = arith.constant 0 : index
      %get3A_65 = arith.constant 0 : index
      %get3A_66 = vector.load %arg4[%get3A_64, %get3A_65] : memref<1x64xf32, #tpu.memory_space<vmem>>, vector<1x64xf32>
      %mul3A_67 = vector.broadcast %get3A_66 : vector<1x64xf32> to vector<128x64xf32>
      %mul3A_68 = arith.mulf %div3A_63, %mul3A_67 : vector<128x64xf32>
      %get3A_69 = arith.constant 0 : index
      %get3A_70 = arith.constant 0 : index
      %get3A_71 = vector.load %arg5[%get3A_69, %get3A_70] : memref<1x64xf32, #tpu.memory_space<vmem>>, vector<1x64xf32>
      %add3A_72 = vector.broadcast %get3A_71 : vector<1x64xf32> to vector<128x64xf32>
      %add3A_73 = arith.addf %mul3A_68, %add3A_72 : vector<128x64xf32>
      %max3A_74 = arith.constant 0.000000e+00 : f32
      %max3A_75 = vector.broadcast %max3A_74 : f32 to vector<128x64xf32>
      %max3A_76 = arith.maximumf %add3A_73, %max3A_75 : vector<128x64xf32>
      %get3A_77 = arith.constant 0 : index
      %get3A_78 = arith.constant 0 : index
      %get3A_79 = vector.load %arg6[%get3A_77, %get3A_78] : memref<64x32xf32, #tpu.memory_space<vmem>>, vector<64x32xf32>
      %dot_general3A_80 = arith.constant dense<0.000000e+00> : vector<128x32xf32>
      %dot_general3A_81 = tpu.matmul %max3A_76, %get3A_79, %dot_general3A_80 {dimension_numbers = #tpu.dot_dimension_numbers<[1], [0], [0], [1], [0, 0, 1, 1], [], []>, transpose_lhs_hint = false} : vector<128x64xf32>, vector<64x32xf32>, vector<128x32xf32> -> vector<128x32xf32>
      %reduce_sum3A_82 = arith.constant dense<0.000000e+00> : vector<32xf32>
      %reduce_sum3A_83 = vector.multi_reduction <add>, %dot_general3A_81, %reduce_sum3A_82 [0] : vector<128x32xf32> to vector<32xf32>
      %broadcast_in_dim3A_84 = vector.shape_cast %reduce_sum3A_83 : vector<32xf32> to vector<1x32xf32>
      %div3A_85 = arith.constant 1.280000e+02 : f32
      %div3A_86 = vector.broadcast %div3A_85 : f32 to vector<1x32xf32>
      %div3A_87 = arith.divf %broadcast_in_dim3A_84, %div3A_86 : vector<1x32xf32>
      %sub3A_88 = vector.broadcast %div3A_87 : vector<1x32xf32> to vector<128x32xf32>
      %sub3A_89 = arith.subf %dot_general3A_81, %sub3A_88 : vector<128x32xf32>
      %mul3A_90 = arith.mulf %sub3A_89, %sub3A_89 : vector<128x32xf32>
      %reduce_sum3A_91 = arith.constant dense<0.000000e+00> : vector<32xf32>
      %reduce_sum3A_92 = vector.multi_reduction <add>, %mul3A_90, %reduce_sum3A_91 [0] : vector<128x32xf32> to vector<32xf32>
      %broadcast_in_dim3A_93 = vector.shape_cast %reduce_sum3A_92 : vector<32xf32> to vector<1x32xf32>
      %div3A_94 = arith.constant 1.280000e+02 : f32
      %div3A_95 = vector.broadcast %div3A_94 : f32 to vector<1x32xf32>
      %div3A_96 = arith.divf %broadcast_in_dim3A_93, %div3A_95 : vector<1x32xf32>
      %add3A_97 = arith.constant 9.99999974E-6 : f32
      %add3A_98 = vector.broadcast %add3A_97 : f32 to vector<1x32xf32>
      %add3A_99 = arith.addf %div3A_96, %add3A_98 : vector<1x32xf32>
      %sqrt3A_100 = math.sqrt %add3A_99 : vector<1x32xf32>
      %div3A_101 = vector.broadcast %sqrt3A_100 : vector<1x32xf32> to vector<128x32xf32>
      %div3A_102 = arith.divf %sub3A_89, %div3A_101 : vector<128x32xf32>
      %get3A_103 = arith.constant 0 : index
      %get3A_104 = arith.constant 0 : index
      %get3A_105 = vector.load %arg7[%get3A_103, %get3A_104] : memref<1x32xf32, #tpu.memory_space<vmem>>, vector<1x32xf32>
      %mul3A_106 = vector.broadcast %get3A_105 : vector<1x32xf32> to vector<128x32xf32>
      %mul3A_107 = arith.mulf %div3A_102, %mul3A_106 : vector<128x32xf32>
      %get3A_108 = arith.constant 0 : index
      %get3A_109 = arith.constant 0 : index
      %get3A_110 = vector.load %arg8[%get3A_108, %get3A_109] : memref<1x32xf32, #tpu.memory_space<vmem>>, vector<1x32xf32>
      %add3A_111 = vector.broadcast %get3A_110 : vector<1x32xf32> to vector<128x32xf32>
      %add3A_112 = arith.addf %mul3A_107, %add3A_111 : vector<128x32xf32>
      %max3A_113 = arith.constant 0.000000e+00 : f32
      %max3A_114 = vector.broadcast %max3A_113 : f32 to vector<128x32xf32>
      %max3A_115 = arith.maximumf %add3A_112, %max3A_114 : vector<128x32xf32>
      %get3A_116 = arith.constant 0 : index
      %get3A_117 = arith.constant 0 : index
      %get3A_118 = vector.load %arg9[%get3A_116, %get3A_117] : memref<32x10xf32, #tpu.memory_space<vmem>>, vector<32x10xf32>
      %dot_general3A_119 = arith.constant dense<0.000000e+00> : vector<128x10xf32>
      %dot_general3A_120 = tpu.matmul %max3A_115, %get3A_118, %dot_general3A_119 {dimension_numbers = #tpu.dot_dimension_numbers<[1], [0], [0], [1], [0, 0, 1, 1], [], []>, transpose_lhs_hint = false} : vector<128x32xf32>, vector<32x10xf32>, vector<128x10xf32> -> vector<128x10xf32>
      %get3A_121 = arith.constant 0 : index
      %get3A_122 = arith.constant 0 : index
      %get3A_123 = vector.load %arg10[%get3A_121, %get3A_122] : memref<1x10xf32, #tpu.memory_space<vmem>>, vector<1x10xf32>
      %add3A_124 = vector.broadcast %get3A_123 : vector<1x10xf32> to vector<128x10xf32>
      %add3A_125 = arith.addf %dot_general3A_120, %add3A_124 : vector<128x10xf32>
      %swap3A_126 = arith.constant 0 : index
      %swap3A_127 = arith.constant 0 : index
      %swap3A_128 = vector.load %arg11[%swap3A_126, %swap3A_127] : memref<128x10xf32, #tpu.memory_space<vmem>>, vector<128x10xf32>
      tpu.vector_store %arg11[%swap3A_126, %swap3A_127], %add3A_125 {strides = array<i32>} : memref<128x10xf32, #tpu.memory_space<vmem>>, vector<128x10xf32>,
    } else {
    }
    return
  }
  func.func @transform_0(%arg0: i32) -> (i32, i32) {
    %c0_i32 = arith.constant 0 : i32
    %c0_i32_0 = arith.constant 0 : i32
    return %arg0, %c0_i32 : i32, i32
  }
  func.func @transform_1(%arg0: i32) -> (i32, i32) {
    %c0_i32 = arith.constant 0 : i32
    %c0_i32_0 = arith.constant 0 : i32
    return %arg0, %c0_i32 : i32, i32
  }
  func.func @transform_2(%arg0: i32) -> (i32, i32) {
    %c0_i32 = arith.constant 0 : i32
    %c0_i32_0 = arith.constant 0 : i32
    %c0_i32_1 = arith.constant 0 : i32
    return %c0_i32, %c0_i32_0 : i32, i32
  }
  func.func @transform_3(%arg0: i32) -> (i32, i32) {
    %c0_i32 = arith.constant 0 : i32
    %c0_i32_0 = arith.constant 0 : i32
    %c0_i32_1 = arith.constant 0 : i32
    return %c0_i32, %c0_i32_0 : i32, i32
  }
  func.func @transform_4(%arg0: i32) -> (i32, i32) {
    %c0_i32 = arith.constant 0 : i32
    %c0_i32_0 = arith.constant 0 : i32
    %c0_i32_1 = arith.constant 0 : i32
    return %c0_i32, %c0_i32_0 : i32, i32
  }
  func.func @transform_5(%arg0: i32) -> (i32, i32) {
    %c0_i32 = arith.constant 0 : i32
    %c0_i32_0 = arith.constant 0 : i32
    %c0_i32_1 = arith.constant 0 : i32
    return %c0_i32, %c0_i32_0 : i32, i32
  }
  func.func @transform_6(%arg0: i32) -> (i32, i32) {
    %c0_i32 = arith.constant 0 : i32
    %c0_i32_0 = arith.constant 0 : i32
    %c0_i32_1 = arith.constant 0 : i32
    return %c0_i32, %c0_i32_0 : i32, i32
  }
  func.func @transform_7(%arg0: i32) -> (i32, i32) {
    %c0_i32 = arith.constant 0 : i32
    %c0_i32_0 = arith.constant 0 : i32
    %c0_i32_1 = arith.constant 0 : i32
    return %c0_i32, %c0_i32_0 : i32, i32
  }
  func.func @transform_8(%arg0: i32) -> (i32, i32) {
    %c0_i32 = arith.constant 0 : i32
    %c0_i32_0 = arith.constant 0 : i32
    %c0_i32_1 = arith.constant 0 : i32
    return %c0_i32, %c0_i32_0 : i32, i32
  }
  func.func @transform_9(%arg0: i32) -> (i32, i32) {
    %c0_i32 = arith.constant 0 : i32
    %c0_i32_0 = arith.constant 0 : i32
    %c0_i32_1 = arith.constant 0 : i32
    return %c0_i32, %c0_i32_0 : i32, i32
  }
  func.func @transform_10(%arg0: i32) -> (i32, i32) {
    %c0_i32 = arith.constant 0 : i32
    %c0_i32_0 = arith.constant 0 : i32
    %c0_i32_1 = arith.constant 0 : i32
    return %c0_i32, %c0_i32_0 : i32, i32
  }
}

</mosaic_0001>

<sc_bundles>
// kernel: kernel.27.cloned.1.call-start
scs
__scs_entry_jumppad:
0x0: {  	(pc) =	sbr.rel $0x88, $3  }
0x1: {  	(tag) =	ssettag $0x0;
	lr =	simm.s32 $0x1  }
0x2: {  	[smem:$0x3F8C] =	sst lr;
	_ =	strace $0xD0000000  }
0x3: {  	_ = 	snop  }
0x4: {  	_ = 	snop  }
0x5: {  	_ = 	snop  }
0x6: {  	_ = 	snop  }
0x7: {  	_ = 	snop  }
__scs_overlays_trampoline_lowered:
0x8: {  	[smem:$0x3F9B] =	sst s0  }
0x9: {  	[smem:$0x3F9C] =	sst s1  }
0xa: {  	[smem:$0x3F9D] =	sst s2  }
0xb: {  	[smem:$0x3F9E] =	sst s3  }
0xc: {  	[smem:$0x3F9F] =	sst s4  }
0xd: {  	[smem:$0x3FA0] =	sst s5  }
0xe: {  	[smem:$0x3FA1] =	sst s6  }
0xf: {  	[smem:$0x3FA2] =	sst s7  }
0x10: {  	[smem:$0x3FA3] =	sst s8  }
0x11: {  	[smem:$0x3FA4] =	sst s9;
	s0 =	simm.s32 @!p0 $0x0  }
0x12: {  	s1 =	sld [smem:$0x3F8A];
	s0 =	simm.s32 @p0 $0x1  }
0x13: {  	[smem:$0x3FA5] =	sst s0;
	s0 =	simm.s32 @!p1 $0x0  }
0x14: {  	s2 =	sld [smem:$0x3F89];
	s0 =	simm.s32 @p1 $0x1  }
0x15: {  	[smem:$0x3FA6] =	sst s0;
	s0 =	simm.s32 @!p2 $0x0  }
0x16: {  	s3 =	sld [smem:$0x3FDB];
	s0 =	simm.s32 @p2 $0x1  }
0x17: {  	s4 =	simm.s32 $0x1BF5;
	[smem:$0x3FA8] =	sst s0  }
0x18: {  	s0 =	sld [smem:$0x3F8B];
	_ =	swait.ge [sflag:s4], $0x0  }
0x19: {  	s7 =	sld [smem:$0x3F8C]  }
0x1a: {  	s8 =	sadd.s32 $0xFFFFE003, lr  }
0x1b: {  	s9 =	sadd.s32 $0xFFFFFEF7, lr;
	s5 =	simm.s32 $0xFFFFFFFF;
	p2 =	slt.u32 s8, $0xFFFFF086  }
0x1c: {  	p1 =	slt.u32 s9, $0xF7A;
	s5 =	simm.s32 @!p2 $0x0  }
0x1d: {  	s5 =	simm.s32 @p1 $0x1;
	p0 =	seq.s32 s7, s2  }
0x1e: {  	s7 =	smul.u32 @!p0 $0xF7A, s2;
	p2 =	seq.s32 @!p0 s5, $0x0  }
0x1f: {  	s9 =	smul.u32 $0xF7A, s1;
	s8 =	simm.s32 @!p0 $0x1BF5;
	p2 =	por !p2, p0  }
0x20: {  	[sflag:s8] =	ssyncset.s32 @!p0 $0xFFFFF086;
	s6 =	sadd.s32 @!p0 s3, s7;
	s7 =	simm.s32 @!p0 $0x108  }
0x21: {  	s3 =	sadd.s32 s3, s9;
	s6 =	sadd.s32 @!p0 $0x88, s6;
	s7 =	simm.s32 @p2 $0x1082  }
0x22: {  	[simem:s7], [sflag:s8] =	dma.local @!p0 [hbm:s6], $0xF7A  }
0x23: {  	s9 =	sor.u32 $0xD0000000, s2;
	s6 =	simm.s32 $0x108;
	_ =	swait.ge @!p0 [sflag:s8], $0x0  }
0x24: {  	s3 =	sadd.s32 $0x88, s3;
	s6 =	simm.s32 @!p1 $0x1082;
	[sflag:s4] =	ssyncset.s32 $0xFFFFF086  }
0x25: {  	[simem:s6], [sflag:s4] =	dma.local [hbm:s3], $0xF7A  }
0x26: {  	[smem:$0x3F8C] =	sst s1;
	(tag) =	ssettag s2;
	_ =	strace s9  }
0x27: {  	s1 =	sld [smem:$0x3F9C]  }
0x28: {  	s2 =	sld [smem:$0x3F9D]  }
0x29: {  	s4 =	sld [smem:$0x3F9F]  }
0x2a: {  	p0 =	seq.s32 s5, $0x0;
	s5 =	sld [smem:$0x3FA0]  }
0x2b: {  	s6 =	sld [smem:$0x3FA1]  }
0x2c: {  	s7 =	sld [smem:$0x3FA2]  }
0x2d: {  	s3 =	simm.s32 $0x108;
	s8 =	sld [smem:$0x3FA3]  }
0x2e: {  	s3 =	simm.s32 @!p0 $0x1082;
	s9 =	sld [smem:$0x3FA4]  }
0x2f: {  	lr =	sadd.s32 s0, s3;
	s0 =	sld [smem:$0x3F9B]  }
0x30: {  	s3 =	sld [smem:$0x3F9E]  }
0x31: {  	[smem:$0x3FA7] =	sst s10  }
0x32: {  	s10 =	sld [smem:$0x3FA5];
	_ =	sdelay $0x3  }
0x33: {  	p0 =	seq.s32 s10, $0x1;
	s10 =	sld [smem:$0x3FA7];
	_ =	sdelay $0x3  }
0x34: {  	[smem:$0x3FA7] =	sst s10  }
0x35: {  	s10 =	sld [smem:$0x3FA6];
	_ =	sdelay $0x3  }
0x36: {  	p1 =	seq.s32 s10, $0x1;
	s10 =	sld [smem:$0x3FA7];
	_ =	sdelay $0x3  }
0x37: {  	[smem:$0x3FA7] =	sst s10  }
0x38: {  	s10 =	sld [smem:$0x3FA8]  }
0x39: {  	_ = 	snop;
	(pc) =	sbr.ind lr, $3  }
0x3a: {  	_ = 	snop  }
0x3b: {  	_ = 	snop  }
0x3c: {  	p2 =	seq.s32 s10, $0x1;
	s10 =	sld [smem:$0x3FA7]  }
0x3d: {  	_ =	shalt  }
0x3e: {  	_ =	shalt  }
0x3f: {  	_ =	shalt  }
0x40: {  	_ =	shalt  }
0x41: {  	_ =	shalt  }
0x42: {  	_ =	shalt  }
0x43: {  	_ =	shalt  }
0x44: {  	_ =	shalt  }
0x45: {  	_ =	shalt  }
0x46: {  	_ =	shalt  }
0x47: {  	_ =	shalt  }
0x48: {  	_ =	shalt  }
0x49: {  	_ =	shalt  }
0x4a: {  	_ =	shalt  }
0x4b: {  	_ =	shalt  }
0x4c: {  	_ =	shalt  }
0x4d: {  	_ =	shalt  }
0x4e: {  	_ =	shalt  }
0x4f: {  	_ =	shalt  }
0x50: {  	_ =	shalt  }
0x51: {  	_ =	shalt  }
0x52: {  	_ =	shalt  }
0x53: {  	_ =	shalt  }
0x54: {  	_ =	shalt  }
0x55: {  	_ =	shalt  }
0x56: {  	_ =	shalt  }
0x57: {  	_ =	shalt  }
0x58: {  	_ =	shalt  }
0x59: {  	_ =	shalt  }
0x5a: {  	_ =	shalt  }
0x5b: {  	_ =	shalt  }
0x5c: {  	_ =	shalt  }
0x5d: {  	_ =	shalt  }
0x5e: {  	_ =	shalt  }
0x5f: {  	_ =	shalt  }
0x60: {  	_ =	shalt  }
0x61: {  	_ =	shalt  }
0x62: {  	_ =	shalt  }
0x63: {  	_ =	shalt  }
0x64: {  	_ =	shalt  }
0x65: {  	_ =	shalt  }
0x66: {  	_ =	shalt  }
0x67: {  	_ =	shalt  }
0x68: {  	_ =	shalt  }
0x69: {  	_ =	shalt  }
0x6a: {  	_ =	shalt  }
0x6b: {  	_ =	shalt  }
0x6c: {  	_ =	shalt  }
0x6d: {  	_ =	shalt  }
0x6e: {  	_ =	shalt  }
0x6f: {  	_ =	shalt  }
0x70: {  	_ =	shalt  }
0x71: {  	_ =	shalt  }
0x72: {  	_ =	shalt  }
0x73: {  	_ =	shalt  }
0x74: {  	_ =	shalt  }
0x75: {  	_ =	shalt  }
0x76: {  	_ =	shalt  }
0x77: {  	_ =	shalt  }
0x78: {  	_ =	shalt  }
0x79: {  	_ =	shalt  }
0x7a: {  	_ =	shalt  }
0x7b: {  	_ =	shalt  }
0x7c: {  	_ =	shalt  }
0x7d: {  	_ =	shalt  }
0x7e: {  	_ =	shalt  }
0x7f: {  	_ =	shalt  }
0x80: {  	_ =	shalt  }
0x81: {  	_ =	shalt  }
0x82: {  	_ =	shalt  }
0x83: {  	_ =	shalt  }
0x84: {  	_ =	shalt  }
0x85: {  	_ =	shalt  }
0x86: {  	_ =	shalt  }
0x87: {  	_ =	shalt  }
.Lfunc_end0:
.L_simem_size_0:
called_computation_lowered:
.L_overlay_start_0:
0x88: {  	s2 =	sld [smem:$0x3FD9]  }
0x89: {  	s3 =	sld [smem:$0x3FFE];
	_ =	sdelay $0x1  }
0x8a: {  	s1 =	srdreg.scid  }
0x8b: {  	s0 =	sand.u32 $0x1, s1  }
0x8c: {  	s16 =	sshll.u32 s0, $0xA;
	s2 =	sadd.s32 s3, s2  }
0x8d: {  	s2 =	sadd.s32 s2, s16  }
0x8e: {  	[smem:$0x3FB3] =	sst s2  }
0x8f: {  	_ = 	snop  }
0x90: {  	(tm) =	ssettm $0x1  }
0x91: {  	s17 =	sld [smem:$0x3FFB];
	_ =	sdelay $0x3  }
0x92: {  	_ =	strace s17  }
0x93: {  	s2 =	sld [smem:$0x3FFC];
	_ =	sdelay $0x3  }
0x94: {  	_ =	strace s2  }
0x95: {  	s2 =	sld [smem:$0x3FFD];
	_ =	sdelay $0x3  }
0x96: {  	_ =	strace s2  }
0x97: {  	_ =	strace $0x8FFFFFFF  }
0x98: {  	s18 =	sld [smem:$0x3FDB];
	_ =	sdelay $0x1  }
0x99: {  	s19 =	simm.s32 $_scs_section_size  }
0x9a: {  	s4 =	simm.s32 $_size__tile_overlayer_lowered;
	s5 =	simm.s32 $_tile_overlayer_lowered  }
0x9b: {  	s22 =	simm.s32 $0x1BFF;
	s21 =	sshll.u32 s5, $0x1;
	s2 =	sadd.s32 s19, s18  }
0x9c: {  	s6 =	simm.s32 $0x0;
	s20 =	sshll.u32 s4, $0x1;
	s4 =	sadd.s32 s21, s2  }
0x9d: {  	[timem:s6], [sflag:s22] =	dma.local [hbm:s4], s20  }
0x9e: {  	_ =	swait.ge [sflag:s22], s20  }
0x9f: {  	s3 =	ssub.s32 $0x0, s20;
	[sflag:s22] =	ssyncset.done $0x0  }
0xa0: {  	[sflag:s22] =	ssyncadd.s32 s3;
	_ =	sdelay $0x1  }
0xa1: {  	s23 =	simm.s32 $0x1B8B  }
0xa2: {  	_ =	swait.ge [sflag:s23], $0x1  }
0xa3: {  	[sflag:s23] =	ssyncset.done $0x0  }
0xa4: {  	s25 =	simm.s32 $0x1B8E;
	s24 =	sld [smem:$0x3FFE];
	[sflag:s23] =	ssyncadd.s32 $0xFFFFFFFF  }
0xa5: {  	s26 =	simm.s32 $execute0_lowered;
	[smem:$0x3FD2] =	sst s25  }
0xa6: {  	s4 =	sshll.u32 s26, $0x1;
	_ =	strace $0x80000046;
	[dreg:$0x1] =	wrdreg $0xFFFFFFFF  }
0xa7: {  	s28 =	simm.s32 $_size_execute0_lowered;
	s2 =	sadd.s32 s2, s4;
	[dreg:$0x0] =	wrdreg $0x0  }
0xa8: {  	s4 =	sshll.u32 s28, $0x1;
	[dreg:$0x2] =	wrdreg s2  }
0xa9: {  	[dreg:$0x3] =	wrdreg s4  }
0xaa: {  	[dreg:$0x4] =	wrdreg $0xC0  }
0xab: {  	_ =	task [dreg:s6], $0x5FFFF  }
0xac: {  	[dreg:$0x1] =	wrdreg $0xFFFFFFFF  }
0xad: {  	[dreg:$0x0] =	wrdreg $0x60  }
0xae: {  	[dreg:$0x2] =	wrdreg s24  }
0xaf: {  	[dreg:$0x3] =	wrdreg $0x8800  }
0xb0: {  	[dreg:$0x4] =	wrdreg $0x9  }
0xb1: {  	_ =	task.clear_ibuf [dreg:s6], $0x5FFFF;
	_ =	strace $0x90000046  }
0xb2: {  	s29 =	simm.s32 $0x9;
	_ =	strace $0x80000048  }
0xb3: {  	_ =	swait.ge [sflag:s29], $0x1  }
0xb4: {  	[sflag:s29] =	ssyncadd.s32 $0xFFFFFFFF  }
0xb5: {  	_ =	strace $0x90000048  }
0xb6: {  	_ =	sfence  }
0xb7: {  	s30 =	sld [smem:$0x0];
	_ =	sdelay $0x2  }
0xb8: {  	s31 =	sshll.u32 s1, $0xD;
	s1 =	sshrl.u32 s1, $0x2  }
0xb9: {  	s3 =	sand.u32 $0x4000, s31;
	s1 =	sadd.s32 s1, s30  }
0xba: {  	s0 =	sor.u32 s3, s0;
	s1 =	sshll.u32 s1, $0x11  }
0xbb: {  	s0 =	sor.u32 s1, s0  }
0xbc: {  	s0 =	sadd.s32 $0x8F2B, s0  }
0xbd: {  	[sflag:s0] =	ssyncadd.remote.s32 $0x1  }
0xbe: {  	_ =	sfence.sel $0xFFFF  }
0xbf: {  	[dreg:$0x0] =	wrdreg $0xFFFFFFFF;
	(pc) =	sbr.abs _section_cstart, $3  }
0xc0: {  	[dreg:$0x1] =	wrdreg $0xFFFFFFFF  }
0xc1: {  	_ =	task.clear_ibuf [dreg:s6], $0x2FFFF;
	_ =	strace $0x9FFFFFFF  }
0xc2: {  	(tm) =	ssettm $0x7FFFFFFF  }
0xc3: {  	_ =	shalt  }
tec
execute0_lowered:
.L_overlay_start_1:
0x0: {  	(tag) =	ssettag $0x1  }
0x1: {  	s1 =	srdreg.scid  }
0x2: {  	s0 =	rddreg [dreg:$0x0];
	s4 =	sand.u32 $0x1, s1  }
0x3: {  	s1 =	stileid.u32;
	s5 =	smul.u32 $0x61A80, s4  }
0x4: {  	s2 =	rddreg [dreg:$0x1];
	s3 =	simm.s32 $0x0;
	s7 =	smul.u32 $0x1870, s1  }
0x5: {  	s31 =	simm.s32 $0xCC00;
	[smem:$0x7FF] =	sst s3;
	s26 =	smul.u32 $0x18700, s4  }
0x6: {  	s6 =	sshll.u32 s1, $0x7;
	s8 =	smul.u32 $0x30E00, s1;
	s4 =	ssub.s32 $0x2, s4  }
0x7: {  	_ =	strace $0x80000047;
	s9 =	sshrl.u32 s4, $0x1;
	s5 =	sadd.s32 s6, s5  }
0x8: {  	s6 =	sadd.s32 s7, s26;
	s8 =	sshrl.u32 s8, $0x2;
	s5 =	sshrl.u32 s5, $0x3  }
0x9: {  	s10 =	ssub.s32 s4, s9;
	s4 =	sadd.s32 s8, s2;
	s5 =	sadd.s32 s5, s0  }
0xa: {  	s0 =	sadd.s32 s6, s0;
	s21 =	sadd.s32 $0x880, s4;
	s22 =	sadd.s32 $0x1100, s4  }
0xb: {  	s23 =	sadd.s32 $0x1980, s4;
	s24 =	sadd.s32 $0x2200, s4;
	s25 =	sadd.s32 $0x2A80, s4  }
0xc: {  	s26 =	sadd.s32 $0x3300, s4;
	s11 =	sadd.s32 $0x3B80, s4;
	s12 =	sadd.s32 $0x4400, s4  }
0xd: {  	s13 =	sadd.s32 $0x4C80, s4;
	s14 =	sadd.s32 $0x5500, s4;
	[dreg:$0x3] =	wrdreg s21  }
0xe: {  	s15 =	sadd.s32 $0x5D80, s4;
	s16 =	sadd.s32 $0x6600, s4;
	[dreg:$0x4] =	wrdreg s22  }
0xf: {  	s17 =	sadd.s32 $0x6E80, s4;
	s18 =	sadd.s32 $0x7700, s4;
	[dreg:$0x5] =	wrdreg s23  }
0x10: {  	s19 =	sadd.s32 $0x7F80, s4;
	s20 =	sadd.s32 $0x8800, s4;
	[dreg:$0x6] =	wrdreg s24  }
0x11: {  	s28 =	sadd.s32 $0xAA00, s4;
	s29 =	sadd.s32 $0xB280, s4;
	[dreg:$0x7] =	wrdreg s25  }
0x12: {  	s30 =	sadd.s32 $0xBB00, s4;
	[dreg:$0x8] =	wrdreg s26;
	s21 =	sadd.s32 $0x9080, s4  }
0x13: {  	s22 =	sadd.s32 $0x9900, s4;
	s23 =	sadd.s32 $0x39400, s0;
	s24 =	smax.u32 s10, $0x1  }
0x14: {  	v0 =	vimm.f32 $0.0e+00;
	v1 =	vimm.f32 $1.000000000e+00;
	s25 =	sadd.s32 $0x20C00, s5;
	s26 =	sadd.s32 $0xA180, s4;
	s0 =	simm.s32 $0x1  }
.LBB2_1:
0x15: {  	s5 =	simm.s32 $0x0  }
.LBB2_2:
0x16: {  	p0 =	sne.s32 s5, $0x21C0  }
.Ltmp0:
0x17: {  	_ = 	snop;
	(pc) =	sbr.rel @p0 .LBB2_2-.Ltmp0, $3  }
0x18: {  	_ =	sdelay $0x1  }
0x19: {  	s6 =	sshra.s32 s5, $0x2  }
0x1a: {  	s5 =	sadd.s32 $0x40, s5;
	[tilespmem:s6+$0xCC00] =	vst v0  }
0x1b: {  	s5 =	simm.s32 $0x40;
	s6 =	simm.s32 $0x0  }
.LBB2_4:
0x1c: {  	p0 =	sne.s32 s5, $0x1FC0;
	[tilespmem:s6+$0x80] =	vst v1;
	s6 =	smov.u32 s5;
	s5 =	sadd.s32 $0x40, s5  }
.Ltmp1:
0x1d: {  	(pc) =	sbr.rel @p0 .LBB2_4-.Ltmp1, $2  }
0x1e: {  	_ =	sdelay $0x2  }
0x1f: {  	s6 =	sshra.s32 s6, $0x2  }
0x20: {  	[tilespmem:s6+$0x80] =	vst v1  }
0x21: {  	[spmem:s4] =	stream.linear.scatter [tilespmem:s31], [sflag:$0x1], $0x880, $0x38;
	[tilespmem:$0xD480] =	vst v63  }
0x22: {  	_ =	swait.ge [sflag:s0], $0x880  }
0x23: {  	[sflag:s0] =	ssyncset.done $0x0  }
0x24: {  	s5 =	rddreg [dreg:$0x3];
	[sflag:s0] =	ssyncadd.s32 $0xFFFFF780  }
0x25: {  	[spmem:s5] =	stream.linear.scatter [tilespmem:s31], [sflag:$0x1], $0x880, $0x38;
	[tilespmem:$0xD480] =	vst v63  }
0x26: {  	_ =	swait.ge [sflag:s0], $0x880  }
0x27: {  	[sflag:s0] =	ssyncset.done $0x0  }
0x28: {  	s9 =	rddreg [dreg:$0x4];
	[sflag:s0] =	ssyncadd.s32 $0xFFFFF780  }
0x29: {  	[spmem:s9] =	stream.linear.scatter [tilespmem:s31], [sflag:$0x1], $0x880, $0x38;
	[tilespmem:$0xD480] =	vst v63  }
0x2a: {  	_ =	swait.ge [sflag:s0], $0x880  }
0x2b: {  	[sflag:s0] =	ssyncset.done $0x0  }
0x2c: {  	s10 =	rddreg [dreg:$0x5];
	[sflag:s0] =	ssyncadd.s32 $0xFFFFF780  }
0x2d: {  	[spmem:s10] =	stream.linear.scatter [tilespmem:s31], [sflag:$0x1], $0x880, $0x38;
	[tilespmem:$0xD480] =	vst v63  }
0x2e: {  	_ =	swait.ge [sflag:s0], $0x880  }
0x2f: {  	[sflag:s0] =	ssyncset.done $0x0  }
0x30: {  	s6 =	rddreg [dreg:$0x6];
	[sflag:s0] =	ssyncadd.s32 $0xFFFFF780  }
0x31: {  	[spmem:s6] =	stream.linear.scatter [tilespmem:s31], [sflag:$0x1], $0x880, $0x38;
	[tilespmem:$0xD480] =	vst v63  }
0x32: {  	_ =	swait.ge [sflag:s0], $0x880  }
0x33: {  	[sflag:s0] =	ssyncset.done $0x0  }
0x34: {  	s7 =	rddreg [dreg:$0x7];
	[sflag:s0] =	ssyncadd.s32 $0xFFFFF780  }
0x35: {  	[spmem:s7] =	stream.linear.scatter [tilespmem:s31], [sflag:$0x1], $0x880, $0x38;
	[tilespmem:$0xD480] =	vst v63  }
0x36: {  	_ =	swait.ge [sflag:s0], $0x880  }
0x37: {  	[sflag:s0] =	ssyncset.done $0x0  }
0x38: {  	s8 =	rddreg [dreg:$0x8];
	[sflag:s0] =	ssyncadd.s32 $0xFFFFF780  }
0x39: {  	[spmem:s8] =	stream.linear.scatter [tilespmem:s31], [sflag:$0x1], $0x880, $0x38;
	[tilespmem:$0xD480] =	vst v63  }
0x3a: {  	_ =	swait.ge [sflag:s0], $0x880  }
0x3b: {  	[sflag:s0] =	ssyncset.done $0x0  }
0x3c: {  	[sflag:s0] =	ssyncadd.s32 $0xFFFFF780  }
0x3d: {  	[spmem:s11] =	stream.linear.scatter [tilespmem:s31], [sflag:$0x1], $0x880, $0x38;
	[tilespmem:$0xD480] =	vst v63  }
0x3e: {  	_ =	swait.ge [sflag:s0], $0x880  }
0x3f: {  	[sflag:s0] =	ssyncset.done $0x0  }
0x40: {  	[sflag:s0] =	ssyncadd.s32 $0xFFFFF780  }
0x41: {  	[spmem:s12] =	stream.linear.scatter [tilespmem:s31], [sflag:$0x1], $0x880, $0x38;
	[tilespmem:$0xD480] =	vst v63  }
0x42: {  	_ =	swait.ge [sflag:s0], $0x880  }
0x43: {  	[sflag:s0] =	ssyncset.done $0x0  }
0x44: {  	[sflag:s0] =	ssyncadd.s32 $0xFFFFF780  }
0x45: {  	[spmem:s13] =	stream.linear.scatter [tilespmem:s31], [sflag:$0x1], $0x880, $0x38;
	[tilespmem:$0xD480] =	vst v63  }
0x46: {  	_ =	swait.ge [sflag:s0], $0x880  }
0x47: {  	[sflag:s0] =	ssyncset.done $0x0  }
0x48: {  	[sflag:s0] =	ssyncadd.s32 $0xFFFFF780  }
0x49: {  	[spmem:s14] =	stream.linear.scatter [tilespmem:s31], [sflag:$0x1], $0x880, $0x38;
	[tilespmem:$0xD480] =	vst v63  }
0x4a: {  	_ =	swait.ge [sflag:s0], $0x880  }
0x4b: {  	[sflag:s0] =	ssyncset.done $0x0  }
0x4c: {  	[sflag:s0] =	ssyncadd.s32 $0xFFFFF780  }
0x4d: {  	[spmem:s15] =	stream.linear.scatter [tilespmem:s31], [sflag:$0x1], $0x880, $0x38;
	[tilespmem:$0xD480] =	vst v63  }
0x4e: {  	_ =	swait.ge [sflag:s0], $0x880  }
0x4f: {  	[sflag:s0] =	ssyncset.done $0x0  }
0x50: {  	[sflag:s0] =	ssyncadd.s32 $0xFFFFF780  }
0x51: {  	[spmem:s16] =	stream.linear.scatter [tilespmem:s31], [sflag:$0x1], $0x880, $0x38;
	[tilespmem:$0xD480] =	vst v63  }
0x52: {  	_ =	swait.ge [sflag:s0], $0x880  }
0x53: {  	[sflag:s0] =	ssyncset.done $0x0  }
0x54: {  	[sflag:s0] =	ssyncadd.s32 $0xFFFFF780  }
0x55: {  	[spmem:s17] =	stream.linear.scatter [tilespmem:s31], [sflag:$0x1], $0x880, $0x38;
	[tilespmem:$0xD480] =	vst v63  }
0x56: {  	_ =	swait.ge [sflag:s0], $0x880  }
0x57: {  	[sflag:s0] =	ssyncset.done $0x0  }
0x58: {  	[sflag:s0] =	ssyncadd.s32 $0xFFFFF780  }
0x59: {  	[spmem:s18] =	stream.linear.scatter [tilespmem:s31], [sflag:$0x1], $0x880, $0x38;
	[tilespmem:$0xD480] =	vst v63  }
0x5a: {  	_ =	swait.ge [sflag:s0], $0x880  }
0x5b: {  	[sflag:s0] =	ssyncset.done $0x0  }
0x5c: {  	[sflag:s0] =	ssyncadd.s32 $0xFFFFF780  }
0x5d: {  	[spmem:s19] =	stream.linear.scatter [tilespmem:s31], [sflag:$0x1], $0x880, $0x38;
	[tilespmem:$0xD480] =	vst v63  }
0x5e: {  	_ =	swait.ge [sflag:s0], $0x880  }
0x5f: {  	[sflag:s0] =	ssyncset.done $0x0  }
0x60: {  	[sflag:s0] =	ssyncadd.s32 $0xFFFFF780  }
0x61: {  	[spmem:s20] =	stream.linear.scatter [tilespmem:s31], [sflag:$0x1], $0x880, $0x38;
	[tilespmem:$0xD480] =	vst v63  }
0x62: {  	_ =	swait.ge [sflag:s0], $0x880  }
0x63: {  	[sflag:s0] =	ssyncset.done $0x0  }
0x64: {  	[sflag:s0] =	ssyncadd.s32 $0xFFFFF780  }
0x65: {  	[spmem:s21] =	stream.linear.scatter [tilespmem:s31], [sflag:$0x1], $0x880, $0x38;
	[tilespmem:$0xD480] =	vst v63  }
0x66: {  	_ =	swait.ge [sflag:s0], $0x880  }
0x67: {  	[sflag:s0] =	ssyncset.done $0x0  }
0x68: {  	[sflag:s0] =	ssyncadd.s32 $0xFFFFF780  }
0x69: {  	[spmem:s22] =	stream.linear.scatter [tilespmem:s31], [sflag:$0x1], $0x880, $0x38;
	[tilespmem:$0xD480] =	vst v63  }
0x6a: {  	_ =	swait.ge [sflag:s0], $0x880  }
0x6b: {  	[sflag:s0] =	ssyncset.done $0x0  }
0x6c: {  	[sflag:s0] =	ssyncadd.s32 $0xFFFFF780  }
0x6d: {  	[spmem:s26] =	stream.linear.scatter [tilespmem:s31], [sflag:$0x1], $0x880, $0x38;
	[tilespmem:$0xD480] =	vst v63  }
0x6e: {  	_ =	swait.ge [sflag:s0], $0x880  }
0x6f: {  	[sflag:s0] =	ssyncset.done $0x0  }
0x70: {  	[sflag:s0] =	ssyncadd.s32 $0xFFFFF780  }
0x71: {  	[spmem:s28] =	stream.linear.scatter [tilespmem:s31], [sflag:$0x1], $0x880, $0x38;
	[tilespmem:$0xD480] =	vst v63  }
0x72: {  	_ =	swait.ge [sflag:s0], $0x880  }
0x73: {  	[sflag:s0] =	ssyncset.done $0x0  }
0x74: {  	[sflag:s0] =	ssyncadd.s32 $0xFFFFF780  }
0x75: {  	[spmem:s29] =	stream.linear.scatter [tilespmem:s31], [sflag:$0x1], $0x880, $0x38;
	[tilespmem:$0xD480] =	vst v63  }
0x76: {  	_ =	swait.ge [sflag:s0], $0x880  }
0x77: {  	[sflag:s0] =	ssyncset.done $0x0  }
0x78: {  	[sflag:s0] =	ssyncadd.s32 $0xFFFFF780  }
0x79: {  	[spmem:s30] =	stream.linear.scatter [tilespmem:s31], [sflag:$0x1], $0x880, $0x38;
	[tilespmem:$0xD480] =	vst v63  }
0x7a: {  	_ =	swait.ge [sflag:s0], $0x880  }
0x7b: {  	s9 =	sadd.s32 $0x0, s1;
	[sflag:s0] =	ssyncset.done $0x0  }
0x7c: {  	p0 =	sgt.u32 s9, $0xC34;
	[sflag:s0] =	ssyncadd.s32 $0xFFFFF780  }
0x7d: {  	s5 =	simm.s32 @!p0 $0x0;
	s6 =	simm.s32 @!p0 $0x2;
	[bflag:$0x0] =	sbarrier.arrive $0xFFFF  }
0x7e: {  	[tilespmem:s5], [sflag:$0x2] =	stream.linear.gather @!p0 [hbm4b:s25+s5], $0x80, $0x38;
	[tilespmem:$0xD480] =	vst v63  }
0x7f: {  	_ =	swait.ge @!p0 [sflag:s6], $0x80  }
0x80: {  	p1 =	por p0, p0;
	[sflag:s6] =	ssyncset.done @!p0 $0x0  }
0x81: {  	s7 =	simm.s32 @!p0 $0x1;
	[sflag:s6] =	ssyncadd.s32 @!p0 $0xFFFFFF80;
	s6 =	simm.s32 @!p0 $0x80  }
0x82: {  	[spmem:s2] =	stream.indirect.scatter.add.f32 @!p0 [tilespmem:s6], [sflag:$0x1], $0x10, s5, s6, $0xb8;
	[tilespmem:$0xD480] =	vst v63  }
0x83: {  	s10 =	sadd.s32 $0x10, s1;
	s5 =	simm.s32 $0x20;
	_ =	swait.ge @!p0 [sflag:s7], $0x800  }
0x84: {  	s6 =	sadd.s32 $0x100, s25;
	p0 =	sgt.u32 s10, $0xC34;
	[sflag:s7] =	ssyncset.done @!p1 $0x0  }
.LBB2_6:
0x85: {  	s8 =	simm.s32 @!p0 $0x0;
	s9 =	simm.s32 @!p0 $0x2  }
0x86: {  	[sflag:s7] =	ssyncadd.s32 @!p1 $0xFFFFF800;
	s10 =	smov.u32 s5;
	s5 =	sadd.s32 $0x10, s5  }
0x87: {  	[tilespmem:s8], [sflag:$0x2] =	stream.linear.gather @!p0 [hbm4b:s6+s8], $0x80, $0x38;
	[tilespmem:$0xD480] =	vst v63  }
0x88: {  	p2 =	sne.s32 s5, $0xC40;
	_ =	swait.ge @!p0 [sflag:s9], $0x80  }
.Ltmp2:
0x89: {  	[sflag:s9] =	ssyncset.done @!p0 $0x0;
	(pc) =	sbr.rel @p2 .LBB2_6-.Ltmp2, $4  }
0x8a: {  	s7 =	simm.s32 @!p0 $0x1;
	[sflag:s9] =	ssyncadd.s32 @!p0 $0xFFFFFF80;
	s9 =	simm.s32 @!p0 $0x80  }
0x8b: {  	[spmem:s2] =	stream.indirect.scatter.add.f32 @!p0 [tilespmem:s9], [sflag:$0x1], $0x10, s8, s9, $0xb8;
	[tilespmem:$0xD480] =	vst v63  }
0x8c: {  	p1 =	por p0, p0;
	s8 =	sadd.s32 s10, s1;
	_ =	swait.ge @!p0 [sflag:s7], $0x800  }
0x8d: {  	s6 =	sadd.s32 $0x100, s6;
	p0 =	sgt.u32 s8, $0xC34;
	[sflag:s7] =	ssyncset.done @!p1 $0x0  }
0x8e: {  	s5 =	simm.s32 @!p0 $0x0;
	s8 =	simm.s32 @!p0 $0x2;
	[sflag:s7] =	ssyncadd.s32 @!p1 $0xFFFFF800  }
0x8f: {  	[tilespmem:s5], [sflag:$0x2] =	stream.linear.gather @!p0 [hbm4b:s6+s5], $0x80, $0x38;
	[tilespmem:$0xD480] =	vst v63  }
0x90: {  	_ =	swait.ge @!p0 [sflag:s8], $0x80  }
0x91: {  	[sflag:s8] =	ssyncset.done @!p0 $0x0  }
0x92: {  	s7 =	simm.s32 @!p0 $0x1;
	s6 =	simm.s32 @!p0 $0x80;
	[sflag:s8] =	ssyncadd.s32 @!p0 $0xFFFFFF80  }
0x93: {  	[spmem:s2] =	stream.indirect.scatter.add.f32 @!p0 [tilespmem:s6], [sflag:$0x1], $0x10, s5, s6, $0xb8;
	[tilespmem:$0xD480] =	vst v63  }
0x94: {  	_ =	swait.ge @!p0 [sflag:s7], $0x800;
	p0 =	por p0, p0  }
0x95: {  	s9 =	sshll.u32 s1, $0x6;
	s3 =	sadd.s32 $0x1, s3;
	[sflag:s7] =	ssyncset.done @!p0 $0x0  }
0x96: {  	s10 =	sshrl.u32 s4, $0x3;
	[sflag:s7] =	ssyncadd.s32 @!p0 $0xFFFFF800;
	p0 =	sne.s32 s3, s24  }
.Ltmp3:
0x97: {  	s5 =	sor.u32 $0x1C01, s9;
	[bflag:$0x0] =	sbarrier.arrive $0xFFFF;
	(pc) =	sbr.rel @p0 .LBB2_1-.Ltmp3, $4  }
0x98: {  	[hbm:s23], [sflag:s5] =	dma.local [spmem:s10], $0x1870  }
0x99: {  	_ =	swait.ge [sflag:s0], $0x1870  }
0x9a: {  	[sflag:s0] =	ssyncset.done $0x0  }
0x9b: {  	[sflag:s0] =	ssyncadd.s32 $0xFFFFE790  }
0x9c: {  	_ =	sfence.sel $0x180000  }
0x9d: {  	[bflag:$0x0] =	sbarrier.arrive $0xFFFF  }
0x9e: {  	_ =	strace $0x90000047  }
0x9f: {  	[bflag:$0x2] =	sbarrier.arrive $0xFFFF  }
0xa0: {  	p0 =	sne.s32 s1, $0x0;
	s0 =	rddreg [dreg:$0x2]  }
0xa1: {  	s0 =	sadd.s32 @!p0 $0x100000, s0  }
0xa2: {  	[sflag:s0] =	ssyncadd.tile.s32 @!p0 $0x1;
	_ =	shalt  }
.Lfunc_end2:
_tile_overlayer_lowered:
.L_overlay_start_2:
0xa3: {  	(tag) =	ssettag $0x2  }
0xa4: {  	s0 =	rddreg [dreg:$0x0];
	s2 =	stileid.u32  }
0xa5: {  	s1 =	rddreg [dreg:$0x1];
	p0 =	sne.s32 s2, $0x0  }
0xa6: {  	s3 =	rddreg [dreg:$0x2];
	[bflag:$0x3] =	sbarrier.arrive $0xFFFF;
	s2 =	simm.s32 @!p0 $0x1C01  }
0xa7: {  	[timem:s3], [sflag:s2] =	dma.local @!p0 [hbm:s0], s1  }
0xa8: {  	s0 =	simm.s32 @!p0 $0x1  }
0xa9: {  	_ =	swait.ge @!p0 [sflag:s0], s1  }
0xaa: {  	s1 =	ssub.s32 @!p0 $0x0, s1;
	[sflag:s0] =	ssyncset.done @!p0 $0x0  }
0xab: {  	[sflag:s0] =	ssyncadd.s32 @!p0 s1  }
0xac: {  	[bflag:$0x3] =	sbarrier.arrive $0xFFFF  }
0xad: {  	_ =	shalt  }

// kernel: kernel.30.cloned.1.call-start
scs
__scs_entry_jumppad:
0x0: {  	(pc) =	sbr.rel $0x88, $3  }
0x1: {  	(tag) =	ssettag $0x0;
	lr =	simm.s32 $0x1  }
0x2: {  	[smem:$0x3F8C] =	sst lr;
	_ =	strace $0xD0000000  }
0x3: {  	_ = 	snop  }
0x4: {  	_ = 	snop  }
0x5: {  	_ = 	snop  }
0x6: {  	_ = 	snop  }
0x7: {  	_ = 	snop  }
__scs_overlays_trampoline_lowered:
0x8: {  	[smem:$0x3F9B] =	sst s0  }
0x9: {  	[smem:$0x3F9C] =	sst s1  }
0xa: {  	[smem:$0x3F9D] =	sst s2  }
0xb: {  	[smem:$0x3F9E] =	sst s3  }
0xc: {  	[smem:$0x3F9F] =	sst s4  }
0xd: {  	[smem:$0x3FA0] =	sst s5  }
0xe: {  	[smem:$0x3FA1] =	sst s6  }
0xf: {  	[smem:$0x3FA2] =	sst s7  }
0x10: {  	[smem:$0x3FA3] =	sst s8  }
0x11: {  	[smem:$0x3FA4] =	sst s9;
	s0 =	simm.s32 @!p0 $0x0  }
0x12: {  	s1 =	sld [smem:$0x3F8A];
	s0 =	simm.s32 @p0 $0x1  }
0x13: {  	[smem:$0x3FA5] =	sst s0;
	s0 =	simm.s32 @!p1 $0x0  }
0x14: {  	s2 =	sld [smem:$0x3F89];
	s0 =	simm.s32 @p1 $0x1  }
0x15: {  	[smem:$0x3FA6] =	sst s0;
	s0 =	simm.s32 @!p2 $0x0  }
0x16: {  	s3 =	sld [smem:$0x3FDB];
	s0 =	simm.s32 @p2 $0x1  }
0x17: {  	s4 =	simm.s32 $0x1BF5;
	[smem:$0x3FA8] =	sst s0  }
0x18: {  	s0 =	sld [smem:$0x3F8B];
	_ =	swait.ge [sflag:s4], $0x0  }
0x19: {  	s7 =	sld [smem:$0x3F8C]  }
0x1a: {  	s8 =	sadd.s32 $0xFFFFE003, lr  }
0x1b: {  	s9 =	sadd.s32 $0xFFFFFEF7, lr;
	s5 =	simm.s32 $0xFFFFFFFF;
	p2 =	slt.u32 s8, $0xFFFFF086  }
0x1c: {  	p1 =	slt.u32 s9, $0xF7A;
	s5 =	simm.s32 @!p2 $0x0  }
0x1d: {  	s5 =	simm.s32 @p1 $0x1;
	p0 =	seq.s32 s7, s2  }
0x1e: {  	s7 =	smul.u32 @!p0 $0xF7A, s2;
	p2 =	seq.s32 @!p0 s5, $0x0  }
0x1f: {  	s9 =	smul.u32 $0xF7A, s1;
	s8 =	simm.s32 @!p0 $0x1BF5;
	p2 =	por !p2, p0  }
0x20: {  	[sflag:s8] =	ssyncset.s32 @!p0 $0xFFFFF086;
	s6 =	sadd.s32 @!p0 s3, s7;
	s7 =	simm.s32 @!p0 $0x108  }
0x21: {  	s3 =	sadd.s32 s3, s9;
	s6 =	sadd.s32 @!p0 $0x88, s6;
	s7 =	simm.s32 @p2 $0x1082  }
0x22: {  	[simem:s7], [sflag:s8] =	dma.local @!p0 [hbm:s6], $0xF7A  }
0x23: {  	s9 =	sor.u32 $0xD0000000, s2;
	s6 =	simm.s32 $0x108;
	_ =	swait.ge @!p0 [sflag:s8], $0x0  }
0x24: {  	s3 =	sadd.s32 $0x88, s3;
	s6 =	simm.s32 @!p1 $0x1082;
	[sflag:s4] =	ssyncset.s32 $0xFFFFF086  }
0x25: {  	[simem:s6], [sflag:s4] =	dma.local [hbm:s3], $0xF7A  }
0x26: {  	[smem:$0x3F8C] =	sst s1;
	(tag) =	ssettag s2;
	_ =	strace s9  }
0x27: {  	s1 =	sld [smem:$0x3F9C]  }
0x28: {  	s2 =	sld [smem:$0x3F9D]  }
0x29: {  	s4 =	sld [smem:$0x3F9F]  }
0x2a: {  	p0 =	seq.s32 s5, $0x0;
	s5 =	sld [smem:$0x3FA0]  }
0x2b: {  	s6 =	sld [smem:$0x3FA1]  }
0x2c: {  	s7 =	sld [smem:$0x3FA2]  }
0x2d: {  	s3 =	simm.s32 $0x108;
	s8 =	sld [smem:$0x3FA3]  }
0x2e: {  	s3 =	simm.s32 @!p0 $0x1082;
	s9 =	sld [smem:$0x3FA4]  }
0x2f: {  	lr =	sadd.s32 s0, s3;
	s0 =	sld [smem:$0x3F9B]  }
0x30: {  	s3 =	sld [smem:$0x3F9E]  }
0x31: {  	[smem:$0x3FA7] =	sst s10  }
0x32: {  	s10 =	sld [smem:$0x3FA5];
	_ =	sdelay $0x3  }
0x33: {  	p0 =	seq.s32 s10, $0x1;
	s10 =	sld [smem:$0x3FA7];
	_ =	sdelay $0x3  }
0x34: {  	[smem:$0x3FA7] =	sst s10  }
0x35: {  	s10 =	sld [smem:$0x3FA6];
	_ =	sdelay $0x3  }
0x36: {  	p1 =	seq.s32 s10, $0x1;
	s10 =	sld [smem:$0x3FA7];
	_ =	sdelay $0x3  }
0x37: {  	[smem:$0x3FA7] =	sst s10  }
0x38: {  	s10 =	sld [smem:$0x3FA8]  }
0x39: {  	_ = 	snop;
	(pc) =	sbr.ind lr, $3  }
0x3a: {  	_ = 	snop  }
0x3b: {  	_ = 	snop  }
0x3c: {  	p2 =	seq.s32 s10, $0x1;
	s10 =	sld [smem:$0x3FA7]  }
0x3d: {  	_ =	shalt  }
0x3e: {  	_ =	shalt  }
0x3f: {  	_ =	shalt  }
0x40: {  	_ =	shalt  }
0x41: {  	_ =	shalt  }
0x42: {  	_ =	shalt  }
0x43: {  	_ =	shalt  }
0x44: {  	_ =	shalt  }
0x45: {  	_ =	shalt  }
0x46: {  	_ =	shalt  }
0x47: {  	_ =	shalt  }
0x48: {  	_ =	shalt  }
0x49: {  	_ =	shalt  }
0x4a: {  	_ =	shalt  }
0x4b: {  	_ =	shalt  }
0x4c: {  	_ =	shalt  }
0x4d: {  	_ =	shalt  }
0x4e: {  	_ =	shalt  }
0x4f: {  	_ =	shalt  }
0x50: {  	_ =	shalt  }
0x51: {  	_ =	shalt  }
0x52: {  	_ =	shalt  }
0x53: {  	_ =	shalt  }
0x54: {  	_ =	shalt  }
0x55: {  	_ =	shalt  }
0x56: {  	_ =	shalt  }
0x57: {  	_ =	shalt  }
0x58: {  	_ =	shalt  }
0x59: {  	_ =	shalt  }
0x5a: {  	_ =	shalt  }
0x5b: {  	_ =	shalt  }
0x5c: {  	_ =	shalt  }
0x5d: {  	_ =	shalt  }
0x5e: {  	_ =	shalt  }
0x5f: {  	_ =	shalt  }
0x60: {  	_ =	shalt  }
0x61: {  	_ =	shalt  }
0x62: {  	_ =	shalt  }
0x63: {  	_ =	shalt  }
0x64: {  	_ =	shalt  }
0x65: {  	_ =	shalt  }
0x66: {  	_ =	shalt  }
0x67: {  	_ =	shalt  }
0x68: {  	_ =	shalt  }
0x69: {  	_ =	shalt  }
0x6a: {  	_ =	shalt  }
0x6b: {  	_ =	shalt  }
0x6c: {  	_ =	shalt  }
0x6d: {  	_ =	shalt  }
0x6e: {  	_ =	shalt  }
0x6f: {  	_ =	shalt  }
0x70: {  	_ =	shalt  }
0x71: {  	_ =	shalt  }
0x72: {  	_ =	shalt  }
0x73: {  	_ =	shalt  }
0x74: {  	_ =	shalt  }
0x75: {  	_ =	shalt  }
0x76: {  	_ =	shalt  }
0x77: {  	_ =	shalt  }
0x78: {  	_ =	shalt  }
0x79: {  	_ =	shalt  }
0x7a: {  	_ =	shalt  }
0x7b: {  	_ =	shalt  }
0x7c: {  	_ =	shalt  }
0x7d: {  	_ =	shalt  }
0x7e: {  	_ =	shalt  }
0x7f: {  	_ =	shalt  }
0x80: {  	_ =	shalt  }
0x81: {  	_ =	shalt  }
0x82: {  	_ =	shalt  }
0x83: {  	_ =	shalt  }
0x84: {  	_ =	shalt  }
0x85: {  	_ =	shalt  }
0x86: {  	_ =	shalt  }
0x87: {  	_ =	shalt  }
.Lfunc_end0:
.L_simem_size_0:
called_computation.1_lowered:
.L_overlay_start_0:
0x88: {  	s2 =	sld [smem:$0x3FD9]  }
0x89: {  	s3 =	sld [smem:$0x3FFE];
	_ =	sdelay $0x1  }
0x8a: {  	s1 =	srdreg.scid  }
0x8b: {  	s0 =	sand.u32 $0x1, s1  }
0x8c: {  	s16 =	sshll.u32 s0, $0xA;
	s2 =	sadd.s32 s3, s2  }
0x8d: {  	s2 =	sadd.s32 s2, s16  }
0x8e: {  	[smem:$0x3FB3] =	sst s2  }
0x8f: {  	_ = 	snop  }
0x90: {  	(tm) =	ssettm $0x1  }
0x91: {  	s17 =	sld [smem:$0x3FFB];
	_ =	sdelay $0x3  }
0x92: {  	_ =	strace s17  }
0x93: {  	s2 =	sld [smem:$0x3FFC];
	_ =	sdelay $0x3  }
0x94: {  	_ =	strace s2  }
0x95: {  	s2 =	sld [smem:$0x3FFD];
	_ =	sdelay $0x3  }
0x96: {  	_ =	strace s2  }
0x97: {  	_ =	strace $0x8FFFFFFF  }
0x98: {  	s18 =	sld [smem:$0x3FDB];
	_ =	sdelay $0x1  }
0x99: {  	s19 =	simm.s32 $_scs_section_size  }
0x9a: {  	s4 =	simm.s32 $_size__tile_overlayer_lowered;
	s5 =	simm.s32 $_tile_overlayer_lowered  }
0x9b: {  	s22 =	simm.s32 $0x1BFF;
	s21 =	sshll.u32 s5, $0x1;
	s2 =	sadd.s32 s19, s18  }
0x9c: {  	s6 =	simm.s32 $0x0;
	s20 =	sshll.u32 s4, $0x1;
	s4 =	sadd.s32 s21, s2  }
0x9d: {  	[timem:s6], [sflag:s22] =	dma.local [hbm:s4], s20  }
0x9e: {  	_ =	swait.ge [sflag:s22], s20  }
0x9f: {  	s3 =	ssub.s32 $0x0, s20;
	[sflag:s22] =	ssyncset.done $0x0  }
0xa0: {  	[sflag:s22] =	ssyncadd.s32 s3;
	_ =	sdelay $0x1  }
0xa1: {  	s23 =	simm.s32 $0x1B8B  }
0xa2: {  	_ =	swait.ge [sflag:s23], $0x1  }
0xa3: {  	[sflag:s23] =	ssyncset.done $0x0  }
0xa4: {  	s25 =	simm.s32 $0x1B8E;
	s24 =	sld [smem:$0x3FFE];
	[sflag:s23] =	ssyncadd.s32 $0xFFFFFFFF  }
0xa5: {  	s26 =	simm.s32 $execute0_lowered;
	[smem:$0x3FD2] =	sst s25  }
0xa6: {  	s4 =	sshll.u32 s26, $0x1;
	_ =	strace $0x80000049;
	[dreg:$0x1] =	wrdreg $0xFFFFFFFF  }
0xa7: {  	s28 =	simm.s32 $_size_execute0_lowered;
	s2 =	sadd.s32 s2, s4;
	[dreg:$0x0] =	wrdreg $0x0  }
0xa8: {  	s4 =	sshll.u32 s28, $0x1;
	[dreg:$0x2] =	wrdreg s2  }
0xa9: {  	[dreg:$0x3] =	wrdreg s4  }
0xaa: {  	[dreg:$0x4] =	wrdreg $0xC0  }
0xab: {  	_ =	task [dreg:s6], $0x5FFFF  }
0xac: {  	[dreg:$0x1] =	wrdreg $0xFFFFFFFF  }
0xad: {  	[dreg:$0x0] =	wrdreg $0x60  }
0xae: {  	[dreg:$0x2] =	wrdreg s24  }
0xaf: {  	[dreg:$0x3] =	wrdreg $0x11000  }
0xb0: {  	[dreg:$0x4] =	wrdreg $0x9  }
0xb1: {  	_ =	task.clear_ibuf [dreg:s6], $0x5FFFF;
	_ =	strace $0x90000049  }
0xb2: {  	s29 =	simm.s32 $0x9;
	_ =	strace $0x8000004B  }
0xb3: {  	_ =	swait.ge [sflag:s29], $0x1  }
0xb4: {  	[sflag:s29] =	ssyncadd.s32 $0xFFFFFFFF  }
0xb5: {  	_ =	strace $0x9000004B  }
0xb6: {  	_ =	sfence  }
0xb7: {  	s30 =	sld [smem:$0x0];
	_ =	sdelay $0x2  }
0xb8: {  	s31 =	sshll.u32 s1, $0xD;
	s1 =	sshrl.u32 s1, $0x2  }
0xb9: {  	s3 =	sand.u32 $0x4000, s31;
	s1 =	sadd.s32 s1, s30  }
0xba: {  	s0 =	sor.u32 s3, s0;
	s1 =	sshll.u32 s1, $0x11  }
0xbb: {  	s0 =	sor.u32 s1, s0  }
0xbc: {  	s0 =	sadd.s32 $0x8F2B, s0  }
0xbd: {  	[sflag:s0] =	ssyncadd.remote.s32 $0x1  }
0xbe: {  	_ =	sfence.sel $0xFFFF  }
0xbf: {  	[dreg:$0x0] =	wrdreg $0xFFFFFFFF;
	(pc) =	sbr.abs _section_cstart, $3  }
0xc0: {  	[dreg:$0x1] =	wrdreg $0xFFFFFFFF  }
0xc1: {  	_ =	task.clear_ibuf [dreg:s6], $0x2FFFF;
	_ =	strace $0x9FFFFFFF  }
0xc2: {  	(tm) =	ssettm $0x7FFFFFFF  }
0xc3: {  	_ =	shalt  }
tec
execute0_lowered:
.L_overlay_start_1:
0x0: {  	(tag) =	ssettag $0x1  }
0x1: {  	s0 =	rddreg [dreg:$0x0]  }
0x2: {  	s10 =	stileid.u32;
	s1 =	srdreg.scid  }
0x3: {  	s2 =	rddreg [dreg:$0x1];
	s5 =	smul.u32 $0x30E0, s10  }
0x4: {  	s3 =	simm.s32 $0x0;
	s1 =	sand.u32 $0x1, s1;
	s8 =	smul.u32 $0x61C00, s10  }
0x5: {  	[smem:$0x7FF] =	sst s3;
	s7 =	sshll.u32 s10, $0x4;
	s6 =	smul.u32 $0x30E00, s1  }
0x6: {  	s4 =	sadd.s32 $0x39400, s0;
	_ =	strace $0x8000004A;
	s7 =	sadd.s32 s7, s0  }
0x7: {  	s18 =	ssub.s32 $0x2, s1;
	s8 =	sshrl.u32 s8, $0x2;
	s5 =	sadd.s32 s5, s6  }
0x8: {  	s9 =	sshrl.u32 s18, $0x1;
	s0 =	sadd.s32 s5, s0;
	s5 =	sadd.s32 s8, s2  }
0x9: {  	s1 =	smul.u32 $0xC350, s1;
	s6 =	ssub.s32 s18, s9;
	s8 =	sadd.s32 $0x1100, s5  }
0xa: {  	s19 =	sadd.s32 $0x2200, s5;
	s20 =	sadd.s32 $0x3300, s5;
	[dreg:$0x3] =	wrdreg s8  }
0xb: {  	s21 =	sadd.s32 $0x4400, s5;
	s22 =	sadd.s32 $0x5500, s5;
	[dreg:$0x4] =	wrdreg s19  }
0xc: {  	s23 =	sadd.s32 $0x6600, s5;
	s24 =	sadd.s32 $0x7700, s5;
	[dreg:$0x5] =	wrdreg s20  }
0xd: {  	s25 =	sadd.s32 $0x8800, s5;
	s26 =	sadd.s32 $0x9900, s5;
	[dreg:$0x6] =	wrdreg s21  }
0xe: {  	s15 =	sadd.s32 $0xAA00, s5;
	s16 =	sadd.s32 $0xBB00, s5;
	[dreg:$0x7] =	wrdreg s22  }
0xf: {  	s17 =	sadd.s32 $0xCC00, s5;
	s18 =	sadd.s32 $0xDD00, s5;
	[dreg:$0x8] =	wrdreg s23  }
0x10: {  	s28 =	sadd.s32 $0x13200, s5;
	s29 =	sadd.s32 $0x14300, s5;
	[dreg:$0x9] =	wrdreg s24  }
0x11: {  	s30 =	sadd.s32 $0x15400, s5;
	s31 =	sadd.s32 $0x16500, s5;
	[dreg:$0xa] =	wrdreg s25  }
0x12: {  	v0 =	vmov s1;
	s1 =	sadd.s32 $0x17600, s5;
	[dreg:$0xb] =	wrdreg s26;
	s19 =	sadd.s32 $0xEE00, s5  }
0x13: {  	s20 =	sadd.s32 $0xFF00, s5;
	s21 =	sadd.s32 $0x9B000, s0;
	s22 =	smax.u32 s6, $0x1  }
0x14: {  	s23 =	sadd.s32 $0x20C00, s7;
	s24 =	sadd.s32 $0x8400, s7;
	s25 =	sadd.s32 $0x11000, s5  }
0x15: {  	v1 =	vimm.f32 $0.0e+00;
	s26 =	sadd.s32 $0x12100, s5;
	s0 =	simm.s32 $0x19800;
	s6 =	simm.s32 $0x2  }
.LBB2_1:
0x16: {  	s7 =	simm.s32 $0x80;
	s8 =	simm.s32 $0x0  }
.LBB2_2:
0x17: {  	p0 =	sne.s32 s7, $0x4380;
	[tilespmem:s8+$0x19800] =	vst v1;
	s9 =	smov.u32 s7;
	s7 =	sadd.s32 $0x80, s7  }
.Ltmp0:
0x18: {  	[tilespmem:s8+$0x19810] =	vst v1;
	(pc) =	sbr.rel @p0 .LBB2_2-.Ltmp0, $2  }
0x19: {  	_ =	sdelay $0x2  }
0x1a: {  	s8 =	sshra.s32 s9, $0x2  }
0x1b: {  	[tilespmem:s8+$0x19800] =	vst v1  }
0x1c: {  	[tilespmem:s8+$0x19810] =	vst v1  }
0x1d: {  	[spmem:s5] =	stream.linear.scatter [tilespmem:s0], [sflag:$0x2], $0x1100, $0x38;
	[tilespmem:$0x1A900] =	vst v63  }
0x1e: {  	_ =	swait.ge [sflag:s6], $0x1100  }
0x1f: {  	[sflag:s6] =	ssyncset.done $0x0  }
0x20: {  	s7 =	rddreg [dreg:$0x3];
	[sflag:s6] =	ssyncadd.s32 $0xFFFFEF00  }
0x21: {  	[spmem:s7] =	stream.linear.scatter [tilespmem:s0], [sflag:$0x2], $0x1100, $0x38;
	[tilespmem:$0x1A900] =	vst v63  }
0x22: {  	_ =	swait.ge [sflag:s6], $0x1100  }
0x23: {  	[sflag:s6] =	ssyncset.done $0x0  }
0x24: {  	s13 =	rddreg [dreg:$0x4];
	[sflag:s6] =	ssyncadd.s32 $0xFFFFEF00  }
0x25: {  	[spmem:s13] =	stream.linear.scatter [tilespmem:s0], [sflag:$0x2], $0x1100, $0x38;
	[tilespmem:$0x1A900] =	vst v63  }
0x26: {  	_ =	swait.ge [sflag:s6], $0x1100  }
0x27: {  	[sflag:s6] =	ssyncset.done $0x0  }
0x28: {  	s14 =	rddreg [dreg:$0x5];
	[sflag:s6] =	ssyncadd.s32 $0xFFFFEF00  }
0x29: {  	[spmem:s14] =	stream.linear.scatter [tilespmem:s0], [sflag:$0x2], $0x1100, $0x38;
	[tilespmem:$0x1A900] =	vst v63  }
0x2a: {  	_ =	swait.ge [sflag:s6], $0x1100  }
0x2b: {  	[sflag:s6] =	ssyncset.done $0x0  }
0x2c: {  	s8 =	rddreg [dreg:$0x6];
	[sflag:s6] =	ssyncadd.s32 $0xFFFFEF00  }
0x2d: {  	[spmem:s8] =	stream.linear.scatter [tilespmem:s0], [sflag:$0x2], $0x1100, $0x38;
	[tilespmem:$0x1A900] =	vst v63  }
0x2e: {  	_ =	swait.ge [sflag:s6], $0x1100  }
0x2f: {  	[sflag:s6] =	ssyncset.done $0x0  }
0x30: {  	s9 =	rddreg [dreg:$0x7];
	[sflag:s6] =	ssyncadd.s32 $0xFFFFEF00  }
0x31: {  	[spmem:s9] =	stream.linear.scatter [tilespmem:s0], [sflag:$0x2], $0x1100, $0x38;
	[tilespmem:$0x1A900] =	vst v63  }
0x32: {  	_ =	swait.ge [sflag:s6], $0x1100  }
0x33: {  	[sflag:s6] =	ssyncset.done $0x0  }
0x34: {  	s11 =	rddreg [dreg:$0x8];
	[sflag:s6] =	ssyncadd.s32 $0xFFFFEF00  }
0x35: {  	[spmem:s11] =	stream.linear.scatter [tilespmem:s0], [sflag:$0x2], $0x1100, $0x38;
	[tilespmem:$0x1A900] =	vst v63  }
0x36: {  	_ =	swait.ge [sflag:s6], $0x1100  }
0x37: {  	[sflag:s6] =	ssyncset.done $0x0  }
0x38: {  	s12 =	rddreg [dreg:$0x9];
	[sflag:s6] =	ssyncadd.s32 $0xFFFFEF00  }
0x39: {  	[spmem:s12] =	stream.linear.scatter [tilespmem:s0], [sflag:$0x2], $0x1100, $0x38;
	[tilespmem:$0x1A900] =	vst v63  }
0x3a: {  	_ =	swait.ge [sflag:s6], $0x1100  }
0x3b: {  	[sflag:s6] =	ssyncset.done $0x0  }
0x3c: {  	s13 =	rddreg [dreg:$0xa];
	[sflag:s6] =	ssyncadd.s32 $0xFFFFEF00  }
0x3d: {  	[spmem:s13] =	stream.linear.scatter [tilespmem:s0], [sflag:$0x2], $0x1100, $0x38;
	[tilespmem:$0x1A900] =	vst v63  }
0x3e: {  	_ =	swait.ge [sflag:s6], $0x1100  }
0x3f: {  	[sflag:s6] =	ssyncset.done $0x0  }
0x40: {  	s14 =	rddreg [dreg:$0xb];
	[sflag:s6] =	ssyncadd.s32 $0xFFFFEF00  }
0x41: {  	[spmem:s14] =	stream.linear.scatter [tilespmem:s0], [sflag:$0x2], $0x1100, $0x38;
	[tilespmem:$0x1A900] =	vst v63  }
0x42: {  	_ =	swait.ge [sflag:s6], $0x1100  }
0x43: {  	[sflag:s6] =	ssyncset.done $0x0  }
0x44: {  	[sflag:s6] =	ssyncadd.s32 $0xFFFFEF00  }
0x45: {  	[spmem:s15] =	stream.linear.scatter [tilespmem:s0], [sflag:$0x2], $0x1100, $0x38;
	[tilespmem:$0x1A900] =	vst v63  }
0x46: {  	_ =	swait.ge [sflag:s6], $0x1100  }
0x47: {  	[sflag:s6] =	ssyncset.done $0x0  }
0x48: {  	[sflag:s6] =	ssyncadd.s32 $0xFFFFEF00  }
0x49: {  	[spmem:s16] =	stream.linear.scatter [tilespmem:s0], [sflag:$0x2], $0x1100, $0x38;
	[tilespmem:$0x1A900] =	vst v63  }
0x4a: {  	_ =	swait.ge [sflag:s6], $0x1100  }
0x4b: {  	[sflag:s6] =	ssyncset.done $0x0  }
0x4c: {  	[sflag:s6] =	ssyncadd.s32 $0xFFFFEF00  }
0x4d: {  	[spmem:s17] =	stream.linear.scatter [tilespmem:s0], [sflag:$0x2], $0x1100, $0x38;
	[tilespmem:$0x1A900] =	vst v63  }
0x4e: {  	_ =	swait.ge [sflag:s6], $0x1100  }
0x4f: {  	[sflag:s6] =	ssyncset.done $0x0  }
0x50: {  	[sflag:s6] =	ssyncadd.s32 $0xFFFFEF00  }
0x51: {  	[spmem:s18] =	stream.linear.scatter [tilespmem:s0], [sflag:$0x2], $0x1100, $0x38;
	[tilespmem:$0x1A900] =	vst v63  }
0x52: {  	_ =	swait.ge [sflag:s6], $0x1100  }
0x53: {  	[sflag:s6] =	ssyncset.done $0x0  }
0x54: {  	[sflag:s6] =	ssyncadd.s32 $0xFFFFEF00  }
0x55: {  	[spmem:s19] =	stream.linear.scatter [tilespmem:s0], [sflag:$0x2], $0x1100, $0x38;
	[tilespmem:$0x1A900] =	vst v63  }
0x56: {  	_ =	swait.ge [sflag:s6], $0x1100  }
0x57: {  	[sflag:s6] =	ssyncset.done $0x0  }
0x58: {  	[sflag:s6] =	ssyncadd.s32 $0xFFFFEF00  }
0x59: {  	[spmem:s20] =	stream.linear.scatter [tilespmem:s0], [sflag:$0x2], $0x1100, $0x38;
	[tilespmem:$0x1A900] =	vst v63  }
0x5a: {  	_ =	swait.ge [sflag:s6], $0x1100  }
0x5b: {  	[sflag:s6] =	ssyncset.done $0x0  }
0x5c: {  	[sflag:s6] =	ssyncadd.s32 $0xFFFFEF00  }
0x5d: {  	[spmem:s25] =	stream.linear.scatter [tilespmem:s0], [sflag:$0x2], $0x1100, $0x38;
	[tilespmem:$0x1A900] =	vst v63  }
0x5e: {  	_ =	swait.ge [sflag:s6], $0x1100  }
0x5f: {  	[sflag:s6] =	ssyncset.done $0x0  }
0x60: {  	[sflag:s6] =	ssyncadd.s32 $0xFFFFEF00  }
0x61: {  	[spmem:s26] =	stream.linear.scatter [tilespmem:s0], [sflag:$0x2], $0x1100, $0x38;
	[tilespmem:$0x1A900] =	vst v63  }
0x62: {  	_ =	swait.ge [sflag:s6], $0x1100  }
0x63: {  	[sflag:s6] =	ssyncset.done $0x0  }
0x64: {  	[sflag:s6] =	ssyncadd.s32 $0xFFFFEF00  }
0x65: {  	[spmem:s28] =	stream.linear.scatter [tilespmem:s0], [sflag:$0x2], $0x1100, $0x38;
	[tilespmem:$0x1A900] =	vst v63  }
0x66: {  	_ =	swait.ge [sflag:s6], $0x1100  }
0x67: {  	[sflag:s6] =	ssyncset.done $0x0  }
0x68: {  	[sflag:s6] =	ssyncadd.s32 $0xFFFFEF00  }
0x69: {  	[spmem:s29] =	stream.linear.scatter [tilespmem:s0], [sflag:$0x2], $0x1100, $0x38;
	[tilespmem:$0x1A900] =	vst v63  }
0x6a: {  	_ =	swait.ge [sflag:s6], $0x1100  }
0x6b: {  	[sflag:s6] =	ssyncset.done $0x0  }
0x6c: {  	[sflag:s6] =	ssyncadd.s32 $0xFFFFEF00  }
0x6d: {  	[spmem:s30] =	stream.linear.scatter [tilespmem:s0], [sflag:$0x2], $0x1100, $0x38;
	[tilespmem:$0x1A900] =	vst v63  }
0x6e: {  	_ =	swait.ge [sflag:s6], $0x1100  }
0x6f: {  	[sflag:s6] =	ssyncset.done $0x0  }
0x70: {  	[sflag:s6] =	ssyncadd.s32 $0xFFFFEF00  }
0x71: {  	[spmem:s31] =	stream.linear.scatter [tilespmem:s0], [sflag:$0x2], $0x1100, $0x38;
	[tilespmem:$0x1A900] =	vst v63  }
0x72: {  	_ =	swait.ge [sflag:s6], $0x1100  }
0x73: {  	[sflag:s6] =	ssyncset.done $0x0  }
0x74: {  	[sflag:s6] =	ssyncadd.s32 $0xFFFFEF00  }
0x75: {  	[spmem:s1] =	stream.linear.scatter [tilespmem:s0], [sflag:$0x2], $0x1100, $0x38;
	[tilespmem:$0x1A900] =	vst v63  }
0x76: {  	_ =	swait.ge [sflag:s6], $0x1100  }
0x77: {  	p1 =	sgt.u32 s10, $0x1869;
	[sflag:s6] =	ssyncset.done $0x0  }
0x78: {  	s7 =	simm.s32 @!p1 $0x0;
	[sflag:s6] =	ssyncadd.s32 $0xFFFFEF00  }
0x79: {  	s8 =	sadd.s32 @!p1 $0x0, s24;
	s9 =	simm.s32 @!p1 $0x3;
	[bflag:$0x0] =	sbarrier.arrive $0xFFFF  }
0x7a: {  	[tilespmem:s7], [sflag:$0x3] =	stream.linear.gather @!p1 [hbm4b:s8+s7], $0x80, $0x38;
	[tilespmem:$0x1A900] =	vst v63  }
0x7b: {  	p0 =	por p1, p1;
	_ =	swait.ge @!p1 [sflag:s9], $0x80  }
0x7c: {  	[sflag:s9] =	ssyncset.done @!p0 $0x0  }
0x7d: {  	s10 =	sadd.s32 @!p0 $0x0, s23;
	s8 =	simm.s32 @!p0 $0x80;
	[sflag:s9] =	ssyncadd.s32 @!p0 $0xFFFFFF80  }
0x7e: {  	[tilespmem:s8], [sflag:$0x3] =	stream.linear.gather @!p0 [hbm4b:s10+s7], $0x80, $0x38;
	[tilespmem:$0x1A900] =	vst v63  }
0x7f: {  	_ =	swait.ge @!p0 [sflag:s9], $0x80  }
0x80: {  	[sflag:s9] =	ssyncset.done @!p0 $0x0  }
0x81: {  	[sflag:s9] =	ssyncadd.s32 @!p0 $0xFFFFFF80  }
0x82: {  	v2 =	vld @!p0 [tilespmem:$0x30]  }
0x83: {  	v3 =	vld @!p0 [tilespmem:$0x50]  }
0x84: {  	v4 =	vld @!p0 [tilespmem:$0x60]  }
0x85: {  	v5 =	vld @!p0 [tilespmem:$0x20]  }
0x86: {  	v6 =	vld @!p0 [tilespmem:$0x10]  }
0x87: {  	v8 =	vld @!p0 [tilespmem:$0x0];
	v2 =	vadd.s32 @!p0 v0, v2  }
0x88: {  	v7 =	vld @!p0 [tilespmem:$0x40];
	[tilespmem:$0x30] =	vst @!p0 v2;
	v2 =	vadd.s32 @!p0 v0, v3  }
0x89: {  	v3 =	vld @!p0 [tilespmem:$0x70];
	[tilespmem:$0x50] =	vst @!p0 v2;
	v2 =	vadd.s32 @!p0 v0, v4  }
0x8a: {  	v4 =	vadd.s32 @!p0 v0, v5;
	[tilespmem:$0x60] =	vst @!p0 v2  }
0x8b: {  	v2 =	vadd.s32 @!p0 v0, v6;
	[tilespmem:$0x20] =	vst @!p0 v4  }
0x8c: {  	v4 =	vadd.s32 @!p0 v0, v8;
	[tilespmem:$0x10] =	vst @!p0 v2  }
0x8d: {  	v2 =	vadd.s32 @!p0 v0, v7;
	[tilespmem:$0x0] =	vst @!p0 v4  }
0x8e: {  	s11 =	stileid.u32;
	s10 =	simm.s32 @!p1 $0x100;
	s9 =	simm.s32 $0x100;
	[tilespmem:$0x40] =	vst @!p0 v2;
	v2 =	vadd.s32 @!p0 v0, v3  }
.LBB2_4:
0x8f: {  	s12 =	simm.s32 @!p0 $0x1  }
0x90: {  	[tilespmem:$0x70] =	vst @!p0 v2;
	s11 =	sadd.s32 $0x10, s11;
	s13 =	smov.u32 s9;
	s9 =	sadd.s32 $0x100, s9  }
0x91: {  	[tilespmem:s10], [sflag:$0x1] =	stream.indirect.gather @!p0 [hbm4b:s4+s8], $0x20, s7, s8, $0xb8;
	[tilespmem:$0x1A900] =	vst v63  }
0x92: {  	p1 =	sne.s32 s9, $0x18700;
	_ =	swait.ge @!p0 [sflag:s12], $0x1000  }
0x93: {  	[sflag:s12] =	ssyncset.done @!p0 $0x0  }
0x94: {  	[sflag:s12] =	ssyncadd.s32 @!p0 $0xFFFFF000;
	s12 =	simm.s32 @!p0 $0x2  }
0x95: {  	[spmem:s2] =	stream.indirect.scatter.add.f32 @!p0 [tilespmem:s10], [sflag:$0x2], $0x20, s8, s8, $0xb8;
	[tilespmem:$0x1A900] =	vst v63  }
0x96: {  	p2 =	sgt.u32 s11, $0x1869;
	_ =	swait.ge @!p0 [sflag:s12], $0x1000  }
0x97: {  	s7 =	simm.s32 @!p2 $0x0;
	s8 =	sadd.s32 @!p2 s13, s24;
	[sflag:s12] =	ssyncset.done @!p0 $0x0  }
0x98: {  	s14 =	simm.s32 @!p2 $0x3;
	s10 =	simm.s32 @!p2 $0x100;
	[sflag:s12] =	ssyncadd.s32 @!p0 $0xFFFFF000  }
0x99: {  	[tilespmem:s7], [sflag:$0x3] =	stream.linear.gather @!p2 [hbm4b:s8+s7], $0x80, $0x38;
	[tilespmem:$0x1A900] =	vst v63  }
0x9a: {  	p0 =	por p2, p2;
	_ =	swait.ge @!p2 [sflag:s14], $0x80  }
0x9b: {  	s12 =	sadd.s32 @!p0 s13, s23;
	s8 =	simm.s32 @!p0 $0x80;
	[sflag:s14] =	ssyncset.done @!p0 $0x0  }
0x9c: {  	[sflag:s14] =	ssyncadd.s32 @!p0 $0xFFFFFF80  }
0x9d: {  	[tilespmem:s8], [sflag:$0x3] =	stream.linear.gather @!p0 [hbm4b:s12+s7], $0x80, $0x38;
	[tilespmem:$0x1A900] =	vst v63  }
0x9e: {  	_ =	swait.ge @!p0 [sflag:s14], $0x80  }
0x9f: {  	[sflag:s14] =	ssyncset.done @!p0 $0x0  }
0xa0: {  	[sflag:s14] =	ssyncadd.s32 @!p0 $0xFFFFFF80  }
0xa1: {  	v2 =	vld @!p0 [tilespmem:$0x30]  }
0xa2: {  	v3 =	vld @!p0 [tilespmem:$0x50]  }
0xa3: {  	v4 =	vld @!p0 [tilespmem:$0x60]  }
0xa4: {  	v5 =	vld @!p0 [tilespmem:$0x20]  }
0xa5: {  	v6 =	vld @!p0 [tilespmem:$0x10]  }
0xa6: {  	v2 =	vadd.s32 @!p0 v0, v2;
	v7 =	vld @!p0 [tilespmem:$0x40]  }
0xa7: {  	v8 =	vld @!p0 [tilespmem:$0x0];
	[tilespmem:$0x30] =	vst @!p0 v2;
	v2 =	vadd.s32 @!p0 v0, v3  }
0xa8: {  	[tilespmem:$0x50] =	vst @!p0 v2;
	v2 =	vadd.s32 @!p0 v0, v4;
	v3 =	vld @!p0 [tilespmem:$0x70]  }
.Ltmp1:
0xa9: {  	v4 =	vadd.s32 @!p0 v0, v5;
	[tilespmem:$0x60] =	vst @!p0 v2;
	(pc) =	sbr.rel @p1 .LBB2_4-.Ltmp1, $4  }
0xaa: {  	v2 =	vadd.s32 @!p0 v0, v6;
	[tilespmem:$0x20] =	vst @!p0 v4  }
0xab: {  	[tilespmem:$0x10] =	vst @!p0 v2;
	v2 =	vadd.s32 @!p0 v0, v7  }
0xac: {  	v4 =	vadd.s32 @!p0 v0, v8;
	[tilespmem:$0x40] =	vst @!p0 v2  }
0xad: {  	[tilespmem:$0x0] =	vst @!p0 v4;
	v2 =	vadd.s32 @!p0 v0, v3  }
0xae: {  	[tilespmem:$0x70] =	vst @!p0 v2;
	s9 =	simm.s32 @!p0 $0x1  }
0xaf: {  	[tilespmem:s10], [sflag:$0x1] =	stream.indirect.gather @!p0 [hbm4b:s4+s8], $0x20, s7, s8, $0xb8;
	[tilespmem:$0x1A900] =	vst v63  }
0xb0: {  	_ =	swait.ge @!p0 [sflag:s9], $0x1000  }
0xb1: {  	[sflag:s9] =	ssyncset.done @!p0 $0x0  }
0xb2: {  	s7 =	simm.s32 @!p0 $0x2;
	[sflag:s9] =	ssyncadd.s32 @!p0 $0xFFFFF000  }
0xb3: {  	[spmem:s2] =	stream.indirect.scatter.add.f32 @!p0 [tilespmem:s10], [sflag:$0x2], $0x20, s8, s8, $0xb8;
	[tilespmem:$0x1A900] =	vst v63  }
0xb4: {  	s14 =	sshrl.u32 s5, $0x3;
	_ =	swait.ge @!p0 [sflag:s7], $0x1000  }
0xb5: {  	s3 =	sadd.s32 $0x1, s3;
	s10 =	stileid.u32;
	[sflag:s7] =	ssyncset.done @!p0 $0x0  }
0xb6: {  	s13 =	sshll.u32 s10, $0x6;
	[sflag:s7] =	ssyncadd.s32 @!p0 $0xFFFFF000;
	p0 =	sne.s32 s3, s22  }
.Ltmp2:
0xb7: {  	s7 =	sor.u32 $0x1C02, s13;
	[bflag:$0x0] =	sbarrier.arrive $0xFFFF;
	(pc) =	sbr.rel @p0 .LBB2_1-.Ltmp2, $4  }
0xb8: {  	[hbm:s21], [sflag:s7] =	dma.local [spmem:s14], $0x30E0  }
0xb9: {  	_ =	swait.ge [sflag:s6], $0x30E0  }
0xba: {  	[sflag:s6] =	ssyncset.done $0x0  }
0xbb: {  	[sflag:s6] =	ssyncadd.s32 $0xFFFFCF20  }
0xbc: {  	_ =	sfence.sel $0x180000  }
0xbd: {  	[bflag:$0x0] =	sbarrier.arrive $0xFFFF  }
0xbe: {  	_ =	strace $0x9000004A  }
0xbf: {  	[bflag:$0x2] =	sbarrier.arrive $0xFFFF  }
0xc0: {  	p0 =	sne.s32 s10, $0x0;
	s0 =	rddreg [dreg:$0x2]  }
0xc1: {  	s0 =	sadd.s32 @!p0 $0x100000, s0  }
0xc2: {  	[sflag:s0] =	ssyncadd.tile.s32 @!p0 $0x1;
	_ =	shalt  }
.Lfunc_end2:
_tile_overlayer_lowered:
.L_overlay_start_2:
0xc3: {  	(tag) =	ssettag $0x2  }
0xc4: {  	s0 =	rddreg [dreg:$0x0];
	s2 =	stileid.u32  }
0xc5: {  	s1 =	rddreg [dreg:$0x1];
	p0 =	sne.s32 s2, $0x0  }
0xc6: {  	s3 =	rddreg [dreg:$0x2];
	[bflag:$0x3] =	sbarrier.arrive $0xFFFF;
	s2 =	simm.s32 @!p0 $0x1C02  }
0xc7: {  	[timem:s3], [sflag:s2] =	dma.local @!p0 [hbm:s0], s1  }
0xc8: {  	s0 =	simm.s32 @!p0 $0x2  }
0xc9: {  	_ =	swait.ge @!p0 [sflag:s0], s1  }
0xca: {  	s1 =	ssub.s32 @!p0 $0x0, s1;
	[sflag:s0] =	ssyncset.done @!p0 $0x0  }
0xcb: {  	[sflag:s0] =	ssyncadd.s32 @!p0 s1  }
0xcc: {  	[bflag:$0x3] =	sbarrier.arrive $0xFFFF  }
0xcd: {  	_ =	shalt  }

// kernel: kernel.33.cloned.1.call-start
scs
__scs_entry_jumppad:
0x0: {  	(pc) =	sbr.rel $0x88, $3  }
0x1: {  	(tag) =	ssettag $0x0;
	lr =	simm.s32 $0x1  }
0x2: {  	[smem:$0x3F8C] =	sst lr;
	_ =	strace $0xD0000000  }
0x3: {  	_ = 	snop  }
0x4: {  	_ = 	snop  }
0x5: {  	_ = 	snop  }
0x6: {  	_ = 	snop  }
0x7: {  	_ = 	snop  }
__scs_overlays_trampoline_lowered:
0x8: {  	[smem:$0x3F9B] =	sst s0  }
0x9: {  	[smem:$0x3F9C] =	sst s1  }
0xa: {  	[smem:$0x3F9D] =	sst s2  }
0xb: {  	[smem:$0x3F9E] =	sst s3  }
0xc: {  	[smem:$0x3F9F] =	sst s4  }
0xd: {  	[smem:$0x3FA0] =	sst s5  }
0xe: {  	[smem:$0x3FA1] =	sst s6  }
0xf: {  	[smem:$0x3FA2] =	sst s7  }
0x10: {  	[smem:$0x3FA3] =	sst s8  }
0x11: {  	[smem:$0x3FA4] =	sst s9;
	s0 =	simm.s32 @!p0 $0x0  }
0x12: {  	s1 =	sld [smem:$0x3F8A];
	s0 =	simm.s32 @p0 $0x1  }
0x13: {  	[smem:$0x3FA5] =	sst s0;
	s0 =	simm.s32 @!p1 $0x0  }
0x14: {  	s2 =	sld [smem:$0x3F89];
	s0 =	simm.s32 @p1 $0x1  }
0x15: {  	[smem:$0x3FA6] =	sst s0;
	s0 =	simm.s32 @!p2 $0x0  }
0x16: {  	s3 =	sld [smem:$0x3FDB];
	s0 =	simm.s32 @p2 $0x1  }
0x17: {  	s4 =	simm.s32 $0x1BF5;
	[smem:$0x3FA8] =	sst s0  }
0x18: {  	s0 =	sld [smem:$0x3F8B];
	_ =	swait.ge [sflag:s4], $0x0  }
0x19: {  	s7 =	sld [smem:$0x3F8C]  }
0x1a: {  	s8 =	sadd.s32 $0xFFFFE003, lr  }
0x1b: {  	s9 =	sadd.s32 $0xFFFFFEF7, lr;
	s5 =	simm.s32 $0xFFFFFFFF;
	p2 =	slt.u32 s8, $0xFFFFF086  }
0x1c: {  	p1 =	slt.u32 s9, $0xF7A;
	s5 =	simm.s32 @!p2 $0x0  }
0x1d: {  	s5 =	simm.s32 @p1 $0x1;
	p0 =	seq.s32 s7, s2  }
0x1e: {  	s7 =	smul.u32 @!p0 $0xF7A, s2;
	p2 =	seq.s32 @!p0 s5, $0x0  }
0x1f: {  	s9 =	smul.u32 $0xF7A, s1;
	s8 =	simm.s32 @!p0 $0x1BF5;
	p2 =	por !p2, p0  }
0x20: {  	[sflag:s8] =	ssyncset.s32 @!p0 $0xFFFFF086;
	s6 =	sadd.s32 @!p0 s3, s7;
	s7 =	simm.s32 @!p0 $0x108  }
0x21: {  	s3 =	sadd.s32 s3, s9;
	s6 =	sadd.s32 @!p0 $0x88, s6;
	s7 =	simm.s32 @p2 $0x1082  }
0x22: {  	[simem:s7], [sflag:s8] =	dma.local @!p0 [hbm:s6], $0xF7A  }
0x23: {  	s9 =	sor.u32 $0xD0000000, s2;
	s6 =	simm.s32 $0x108;
	_ =	swait.ge @!p0 [sflag:s8], $0x0  }
0x24: {  	s3 =	sadd.s32 $0x88, s3;
	s6 =	simm.s32 @!p1 $0x1082;
	[sflag:s4] =	ssyncset.s32 $0xFFFFF086  }
0x25: {  	[simem:s6], [sflag:s4] =	dma.local [hbm:s3], $0xF7A  }
0x26: {  	[smem:$0x3F8C] =	sst s1;
	(tag) =	ssettag s2;
	_ =	strace s9  }
0x27: {  	s1 =	sld [smem:$0x3F9C]  }
0x28: {  	s2 =	sld [smem:$0x3F9D]  }
0x29: {  	s4 =	sld [smem:$0x3F9F]  }
0x2a: {  	p0 =	seq.s32 s5, $0x0;
	s5 =	sld [smem:$0x3FA0]  }
0x2b: {  	s6 =	sld [smem:$0x3FA1]  }
0x2c: {  	s7 =	sld [smem:$0x3FA2]  }
0x2d: {  	s3 =	simm.s32 $0x108;
	s8 =	sld [smem:$0x3FA3]  }
0x2e: {  	s3 =	simm.s32 @!p0 $0x1082;
	s9 =	sld [smem:$0x3FA4]  }
0x2f: {  	lr =	sadd.s32 s0, s3;
	s0 =	sld [smem:$0x3F9B]  }
0x30: {  	s3 =	sld [smem:$0x3F9E]  }
0x31: {  	[smem:$0x3FA7] =	sst s10  }
0x32: {  	s10 =	sld [smem:$0x3FA5];
	_ =	sdelay $0x3  }
0x33: {  	p0 =	seq.s32 s10, $0x1;
	s10 =	sld [smem:$0x3FA7];
	_ =	sdelay $0x3  }
0x34: {  	[smem:$0x3FA7] =	sst s10  }
0x35: {  	s10 =	sld [smem:$0x3FA6];
	_ =	sdelay $0x3  }
0x36: {  	p1 =	seq.s32 s10, $0x1;
	s10 =	sld [smem:$0x3FA7];
	_ =	sdelay $0x3  }
0x37: {  	[smem:$0x3FA7] =	sst s10  }
0x38: {  	s10 =	sld [smem:$0x3FA8]  }
0x39: {  	_ = 	snop;
	(pc) =	sbr.ind lr, $3  }
0x3a: {  	_ = 	snop  }
0x3b: {  	_ = 	snop  }
0x3c: {  	p2 =	seq.s32 s10, $0x1;
	s10 =	sld [smem:$0x3FA7]  }
0x3d: {  	_ =	shalt  }
0x3e: {  	_ =	shalt  }
0x3f: {  	_ =	shalt  }
0x40: {  	_ =	shalt  }
0x41: {  	_ =	shalt  }
0x42: {  	_ =	shalt  }
0x43: {  	_ =	shalt  }
0x44: {  	_ =	shalt  }
0x45: {  	_ =	shalt  }
0x46: {  	_ =	shalt  }
0x47: {  	_ =	shalt  }
0x48: {  	_ =	shalt  }
0x49: {  	_ =	shalt  }
0x4a: {  	_ =	shalt  }
0x4b: {  	_ =	shalt  }
0x4c: {  	_ =	shalt  }
0x4d: {  	_ =	shalt  }
0x4e: {  	_ =	shalt  }
0x4f: {  	_ =	shalt  }
0x50: {  	_ =	shalt  }
0x51: {  	_ =	shalt  }
0x52: {  	_ =	shalt  }
0x53: {  	_ =	shalt  }
0x54: {  	_ =	shalt  }
0x55: {  	_ =	shalt  }
0x56: {  	_ =	shalt  }
0x57: {  	_ =	shalt  }
0x58: {  	_ =	shalt  }
0x59: {  	_ =	shalt  }
0x5a: {  	_ =	shalt  }
0x5b: {  	_ =	shalt  }
0x5c: {  	_ =	shalt  }
0x5d: {  	_ =	shalt  }
0x5e: {  	_ =	shalt  }
0x5f: {  	_ =	shalt  }
0x60: {  	_ =	shalt  }
0x61: {  	_ =	shalt  }
0x62: {  	_ =	shalt  }
0x63: {  	_ =	shalt  }
0x64: {  	_ =	shalt  }
0x65: {  	_ =	shalt  }
0x66: {  	_ =	shalt  }
0x67: {  	_ =	shalt  }
0x68: {  	_ =	shalt  }
0x69: {  	_ =	shalt  }
0x6a: {  	_ =	shalt  }
0x6b: {  	_ =	shalt  }
0x6c: {  	_ =	shalt  }
0x6d: {  	_ =	shalt  }
0x6e: {  	_ =	shalt  }
0x6f: {  	_ =	shalt  }
0x70: {  	_ =	shalt  }
0x71: {  	_ =	shalt  }
0x72: {  	_ =	shalt  }
0x73: {  	_ =	shalt  }
0x74: {  	_ =	shalt  }
0x75: {  	_ =	shalt  }
0x76: {  	_ =	shalt  }
0x77: {  	_ =	shalt  }
0x78: {  	_ =	shalt  }
0x79: {  	_ =	shalt  }
0x7a: {  	_ =	shalt  }
0x7b: {  	_ =	shalt  }
0x7c: {  	_ =	shalt  }
0x7d: {  	_ =	shalt  }
0x7e: {  	_ =	shalt  }
0x7f: {  	_ =	shalt  }
0x80: {  	_ =	shalt  }
0x81: {  	_ =	shalt  }
0x82: {  	_ =	shalt  }
0x83: {  	_ =	shalt  }
0x84: {  	_ =	shalt  }
0x85: {  	_ =	shalt  }
0x86: {  	_ =	shalt  }
0x87: {  	_ =	shalt  }
.Lfunc_end0:
.L_simem_size_0:
called_computation.2_lowered:
.L_overlay_start_0:
0x88: {  	s2 =	sld [smem:$0x3FD9]  }
0x89: {  	s3 =	sld [smem:$0x3FFE];
	_ =	sdelay $0x1  }
0x8a: {  	s1 =	srdreg.scid  }
0x8b: {  	s0 =	sand.u32 $0x1, s1  }
0x8c: {  	s16 =	sshll.u32 s0, $0xA;
	s2 =	sadd.s32 s3, s2  }
0x8d: {  	s2 =	sadd.s32 s2, s16  }
0x8e: {  	[smem:$0x3FB3] =	sst s2  }
0x8f: {  	_ = 	snop  }
0x90: {  	(tm) =	ssettm $0x1  }
0x91: {  	s17 =	sld [smem:$0x3FFB];
	_ =	sdelay $0x3  }
0x92: {  	_ =	strace s17  }
0x93: {  	s2 =	sld [smem:$0x3FFC];
	_ =	sdelay $0x3  }
0x94: {  	_ =	strace s2  }
0x95: {  	s2 =	sld [smem:$0x3FFD];
	_ =	sdelay $0x3  }
0x96: {  	_ =	strace s2  }
0x97: {  	_ =	strace $0x8FFFFFFF  }
0x98: {  	s18 =	sld [smem:$0x3FDB];
	_ =	sdelay $0x1  }
0x99: {  	s19 =	simm.s32 $_scs_section_size  }
0x9a: {  	s4 =	simm.s32 $_size__tile_overlayer_lowered;
	s5 =	simm.s32 $_tile_overlayer_lowered  }
0x9b: {  	s22 =	simm.s32 $0x1BFF;
	s21 =	sshll.u32 s5, $0x1;
	s2 =	sadd.s32 s19, s18  }
0x9c: {  	s6 =	simm.s32 $0x0;
	s20 =	sshll.u32 s4, $0x1;
	s4 =	sadd.s32 s21, s2  }
0x9d: {  	[timem:s6], [sflag:s22] =	dma.local [hbm:s4], s20  }
0x9e: {  	_ =	swait.ge [sflag:s22], s20  }
0x9f: {  	s3 =	ssub.s32 $0x0, s20;
	[sflag:s22] =	ssyncset.done $0x0  }
0xa0: {  	[sflag:s22] =	ssyncadd.s32 s3;
	_ =	sdelay $0x1  }
0xa1: {  	s23 =	simm.s32 $0x1B8B  }
0xa2: {  	_ =	swait.ge [sflag:s23], $0x1  }
0xa3: {  	[sflag:s23] =	ssyncset.done $0x0  }
0xa4: {  	s25 =	simm.s32 $0x1B8E;
	s24 =	sld [smem:$0x3FFE];
	[sflag:s23] =	ssyncadd.s32 $0xFFFFFFFF  }
0xa5: {  	s26 =	simm.s32 $execute0_lowered;
	[smem:$0x3FD2] =	sst s25  }
0xa6: {  	s4 =	sshll.u32 s26, $0x1;
	_ =	strace $0x8000004C;
	[dreg:$0x1] =	wrdreg $0xFFFFFFFF  }
0xa7: {  	s28 =	simm.s32 $_size_execute0_lowered;
	s2 =	sadd.s32 s2, s4;
	[dreg:$0x0] =	wrdreg $0x0  }
0xa8: {  	s4 =	sshll.u32 s28, $0x1;
	[dreg:$0x2] =	wrdreg s2  }
0xa9: {  	[dreg:$0x3] =	wrdreg s4  }
0xaa: {  	[dreg:$0x4] =	wrdreg $0xC0  }
0xab: {  	_ =	task [dreg:s6], $0x5FFFF  }
0xac: {  	[dreg:$0x1] =	wrdreg $0xFFFFFFFF  }
0xad: {  	[dreg:$0x0] =	wrdreg $0x60  }
0xae: {  	[dreg:$0x2] =	wrdreg s24  }
0xaf: {  	[dreg:$0x3] =	wrdreg $0x11000  }
0xb0: {  	[dreg:$0x4] =	wrdreg $0x9  }
0xb1: {  	_ =	task.clear_ibuf [dreg:s6], $0x5FFFF;
	_ =	strace $0x9000004C  }
0xb2: {  	s29 =	simm.s32 $0x9;
	_ =	strace $0x8000004E  }
0xb3: {  	_ =	swait.ge [sflag:s29], $0x1  }
0xb4: {  	[sflag:s29] =	ssyncadd.s32 $0xFFFFFFFF  }
0xb5: {  	_ =	strace $0x9000004E  }
0xb6: {  	_ =	sfence  }
0xb7: {  	s30 =	sld [smem:$0x0];
	_ =	sdelay $0x2  }
0xb8: {  	s31 =	sshll.u32 s1, $0xD;
	s1 =	sshrl.u32 s1, $0x2  }
0xb9: {  	s3 =	sand.u32 $0x4000, s31;
	s1 =	sadd.s32 s1, s30  }
0xba: {  	s0 =	sor.u32 s3, s0;
	s1 =	sshll.u32 s1, $0x11  }
0xbb: {  	s0 =	sor.u32 s1, s0  }
0xbc: {  	s0 =	sadd.s32 $0x8F2B, s0  }
0xbd: {  	[sflag:s0] =	ssyncadd.remote.s32 $0x1  }
0xbe: {  	_ =	sfence.sel $0xFFFF  }
0xbf: {  	[dreg:$0x0] =	wrdreg $0xFFFFFFFF;
	(pc) =	sbr.abs _section_cstart, $3  }
0xc0: {  	[dreg:$0x1] =	wrdreg $0xFFFFFFFF  }
0xc1: {  	_ =	task.clear_ibuf [dreg:s6], $0x2FFFF;
	_ =	strace $0x9FFFFFFF  }
0xc2: {  	(tm) =	ssettm $0x7FFFFFFF  }
0xc3: {  	_ =	shalt  }
tec
execute0_lowered:
.L_overlay_start_1:
0x0: {  	(tag) =	ssettag $0x1  }
0x1: {  	s0 =	rddreg [dreg:$0x0]  }
0x2: {  	s10 =	stileid.u32;
	s1 =	srdreg.scid  }
0x3: {  	s2 =	rddreg [dreg:$0x1];
	s5 =	smul.u32 $0x30E0, s10  }
0x4: {  	s3 =	simm.s32 $0x0;
	s1 =	sand.u32 $0x1, s1;
	s8 =	smul.u32 $0x61C00, s10  }
0x5: {  	[smem:$0x7FF] =	sst s3;
	s7 =	sshll.u32 s10, $0x4;
	s6 =	smul.u32 $0x30E00, s1  }
0x6: {  	s4 =	sadd.s32 $0x39400, s0;
	_ =	strace $0x8000004D;
	s7 =	sadd.s32 s7, s0  }
0x7: {  	s18 =	ssub.s32 $0x2, s1;
	s8 =	sshrl.u32 s8, $0x2;
	s5 =	sadd.s32 s5, s6  }
0x8: {  	s9 =	sshrl.u32 s18, $0x1;
	s0 =	sadd.s32 s5, s0;
	s5 =	sadd.s32 s8, s2  }
0x9: {  	s1 =	smul.u32 $0xC350, s1;
	s6 =	ssub.s32 s18, s9;
	s8 =	sadd.s32 $0x1100, s5  }
0xa: {  	s19 =	sadd.s32 $0x2200, s5;
	s20 =	sadd.s32 $0x3300, s5;
	[dreg:$0x3] =	wrdreg s8  }
0xb: {  	s21 =	sadd.s32 $0x4400, s5;
	s22 =	sadd.s32 $0x5500, s5;
	[dreg:$0x4] =	wrdreg s19  }
0xc: {  	s23 =	sadd.s32 $0x6600, s5;
	s24 =	sadd.s32 $0x7700, s5;
	[dreg:$0x5] =	wrdreg s20  }
0xd: {  	s25 =	sadd.s32 $0x8800, s5;
	s26 =	sadd.s32 $0x9900, s5;
	[dreg:$0x6] =	wrdreg s21  }
0xe: {  	s15 =	sadd.s32 $0xAA00, s5;
	s16 =	sadd.s32 $0xBB00, s5;
	[dreg:$0x7] =	wrdreg s22  }
0xf: {  	s17 =	sadd.s32 $0xCC00, s5;
	s18 =	sadd.s32 $0xDD00, s5;
	[dreg:$0x8] =	wrdreg s23  }
0x10: {  	s28 =	sadd.s32 $0x13200, s5;
	s29 =	sadd.s32 $0x14300, s5;
	[dreg:$0x9] =	wrdreg s24  }
0x11: {  	s30 =	sadd.s32 $0x15400, s5;
	s31 =	sadd.s32 $0x16500, s5;
	[dreg:$0xa] =	wrdreg s25  }
0x12: {  	v0 =	vmov s1;
	s1 =	sadd.s32 $0x17600, s5;
	[dreg:$0xb] =	wrdreg s26;
	s19 =	sadd.s32 $0xEE00, s5  }
0x13: {  	s20 =	sadd.s32 $0xFF00, s5;
	s21 =	sadd.s32 $0x9B000, s0;
	s22 =	smax.u32 s6, $0x1  }
0x14: {  	s23 =	sadd.s32 $0x20C00, s7;
	s24 =	sadd.s32 $0x8400, s7;
	s25 =	sadd.s32 $0x11000, s5  }
0x15: {  	v1 =	vimm.f32 $0.0e+00;
	s26 =	sadd.s32 $0x12100, s5;
	s0 =	simm.s32 $0x19800;
	s6 =	simm.s32 $0x2  }
.LBB2_1:
0x16: {  	s7 =	simm.s32 $0x80;
	s8 =	simm.s32 $0x0  }
.LBB2_2:
0x17: {  	p0 =	sne.s32 s7, $0x4380;
	[tilespmem:s8+$0x19800] =	vst v1;
	s9 =	smov.u32 s7;
	s7 =	sadd.s32 $0x80, s7  }
.Ltmp0:
0x18: {  	[tilespmem:s8+$0x19810] =	vst v1;
	(pc) =	sbr.rel @p0 .LBB2_2-.Ltmp0, $2  }
0x19: {  	_ =	sdelay $0x2  }
0x1a: {  	s8 =	sshra.s32 s9, $0x2  }
0x1b: {  	[tilespmem:s8+$0x19800] =	vst v1  }
0x1c: {  	[tilespmem:s8+$0x19810] =	vst v1  }
0x1d: {  	[spmem:s5] =	stream.linear.scatter [tilespmem:s0], [sflag:$0x2], $0x1100, $0x38;
	[tilespmem:$0x1A900] =	vst v63  }
0x1e: {  	_ =	swait.ge [sflag:s6], $0x1100  }
0x1f: {  	[sflag:s6] =	ssyncset.done $0x0  }
0x20: {  	s7 =	rddreg [dreg:$0x3];
	[sflag:s6] =	ssyncadd.s32 $0xFFFFEF00  }
0x21: {  	[spmem:s7] =	stream.linear.scatter [tilespmem:s0], [sflag:$0x2], $0x1100, $0x38;
	[tilespmem:$0x1A900] =	vst v63  }
0x22: {  	_ =	swait.ge [sflag:s6], $0x1100  }
0x23: {  	[sflag:s6] =	ssyncset.done $0x0  }
0x24: {  	s13 =	rddreg [dreg:$0x4];
	[sflag:s6] =	ssyncadd.s32 $0xFFFFEF00  }
0x25: {  	[spmem:s13] =	stream.linear.scatter [tilespmem:s0], [sflag:$0x2], $0x1100, $0x38;
	[tilespmem:$0x1A900] =	vst v63  }
0x26: {  	_ =	swait.ge [sflag:s6], $0x1100  }
0x27: {  	[sflag:s6] =	ssyncset.done $0x0  }
0x28: {  	s14 =	rddreg [dreg:$0x5];
	[sflag:s6] =	ssyncadd.s32 $0xFFFFEF00  }
0x29: {  	[spmem:s14] =	stream.linear.scatter [tilespmem:s0], [sflag:$0x2], $0x1100, $0x38;
	[tilespmem:$0x1A900] =	vst v63  }
0x2a: {  	_ =	swait.ge [sflag:s6], $0x1100  }
0x2b: {  	[sflag:s6] =	ssyncset.done $0x0  }
0x2c: {  	s8 =	rddreg [dreg:$0x6];
	[sflag:s6] =	ssyncadd.s32 $0xFFFFEF00  }
0x2d: {  	[spmem:s8] =	stream.linear.scatter [tilespmem:s0], [sflag:$0x2], $0x1100, $0x38;
	[tilespmem:$0x1A900] =	vst v63  }
0x2e: {  	_ =	swait.ge [sflag:s6], $0x1100  }
0x2f: {  	[sflag:s6] =	ssyncset.done $0x0  }
0x30: {  	s9 =	rddreg [dreg:$0x7];
	[sflag:s6] =	ssyncadd.s32 $0xFFFFEF00  }
0x31: {  	[spmem:s9] =	stream.linear.scatter [tilespmem:s0], [sflag:$0x2], $0x1100, $0x38;
	[tilespmem:$0x1A900] =	vst v63  }
0x32: {  	_ =	swait.ge [sflag:s6], $0x1100  }
0x33: {  	[sflag:s6] =	ssyncset.done $0x0  }
0x34: {  	s11 =	rddreg [dreg:$0x8];
	[sflag:s6] =	ssyncadd.s32 $0xFFFFEF00  }
0x35: {  	[spmem:s11] =	stream.linear.scatter [tilespmem:s0], [sflag:$0x2], $0x1100, $0x38;
	[tilespmem:$0x1A900] =	vst v63  }
0x36: {  	_ =	swait.ge [sflag:s6], $0x1100  }
0x37: {  	[sflag:s6] =	ssyncset.done $0x0  }
0x38: {  	s12 =	rddreg [dreg:$0x9];
	[sflag:s6] =	ssyncadd.s32 $0xFFFFEF00  }
0x39: {  	[spmem:s12] =	stream.linear.scatter [tilespmem:s0], [sflag:$0x2], $0x1100, $0x38;
	[tilespmem:$0x1A900] =	vst v63  }
0x3a: {  	_ =	swait.ge [sflag:s6], $0x1100  }
0x3b: {  	[sflag:s6] =	ssyncset.done $0x0  }
0x3c: {  	s13 =	rddreg [dreg:$0xa];
	[sflag:s6] =	ssyncadd.s32 $0xFFFFEF00  }
0x3d: {  	[spmem:s13] =	stream.linear.scatter [tilespmem:s0], [sflag:$0x2], $0x1100, $0x38;
	[tilespmem:$0x1A900] =	vst v63  }
0x3e: {  	_ =	swait.ge [sflag:s6], $0x1100  }
0x3f: {  	[sflag:s6] =	ssyncset.done $0x0  }
0x40: {  	s14 =	rddreg [dreg:$0xb];
	[sflag:s6] =	ssyncadd.s32 $0xFFFFEF00  }
0x41: {  	[spmem:s14] =	stream.linear.scatter [tilespmem:s0], [sflag:$0x2], $0x1100, $0x38;
	[tilespmem:$0x1A900] =	vst v63  }
0x42: {  	_ =	swait.ge [sflag:s6], $0x1100  }
0x43: {  	[sflag:s6] =	ssyncset.done $0x0  }
0x44: {  	[sflag:s6] =	ssyncadd.s32 $0xFFFFEF00  }
0x45: {  	[spmem:s15] =	stream.linear.scatter [tilespmem:s0], [sflag:$0x2], $0x1100, $0x38;
	[tilespmem:$0x1A900] =	vst v63  }
0x46: {  	_ =	swait.ge [sflag:s6], $0x1100  }
0x47: {  	[sflag:s6] =	ssyncset.done $0x0  }
0x48: {  	[sflag:s6] =	ssyncadd.s32 $0xFFFFEF00  }
0x49: {  	[spmem:s16] =	stream.linear.scatter [tilespmem:s0], [sflag:$0x2], $0x1100, $0x38;
	[tilespmem:$0x1A900] =	vst v63  }
0x4a: {  	_ =	swait.ge [sflag:s6], $0x1100  }
0x4b: {  	[sflag:s6] =	ssyncset.done $0x0  }
0x4c: {  	[sflag:s6] =	ssyncadd.s32 $0xFFFFEF00  }
0x4d: {  	[spmem:s17] =	stream.linear.scatter [tilespmem:s0], [sflag:$0x2], $0x1100, $0x38;
	[tilespmem:$0x1A900] =	vst v63  }
0x4e: {  	_ =	swait.ge [sflag:s6], $0x1100  }
0x4f: {  	[sflag:s6] =	ssyncset.done $0x0  }
0x50: {  	[sflag:s6] =	ssyncadd.s32 $0xFFFFEF00  }
0x51: {  	[spmem:s18] =	stream.linear.scatter [tilespmem:s0], [sflag:$0x2], $0x1100, $0x38;
	[tilespmem:$0x1A900] =	vst v63  }
0x52: {  	_ =	swait.ge [sflag:s6], $0x1100  }
0x53: {  	[sflag:s6] =	ssyncset.done $0x0  }
0x54: {  	[sflag:s6] =	ssyncadd.s32 $0xFFFFEF00  }
0x55: {  	[spmem:s19] =	stream.linear.scatter [tilespmem:s0], [sflag:$0x2], $0x1100, $0x38;
	[tilespmem:$0x1A900] =	vst v63  }
0x56: {  	_ =	swait.ge [sflag:s6], $0x1100  }
0x57: {  	[sflag:s6] =	ssyncset.done $0x0  }
0x58: {  	[sflag:s6] =	ssyncadd.s32 $0xFFFFEF00  }
0x59: {  	[spmem:s20] =	stream.linear.scatter [tilespmem:s0], [sflag:$0x2], $0x1100, $0x38;
	[tilespmem:$0x1A900] =	vst v63  }
0x5a: {  	_ =	swait.ge [sflag:s6], $0x1100  }
0x5b: {  	[sflag:s6] =	ssyncset.done $0x0  }
0x5c: {  	[sflag:s6] =	ssyncadd.s32 $0xFFFFEF00  }
0x5d: {  	[spmem:s25] =	stream.linear.scatter [tilespmem:s0], [sflag:$0x2], $0x1100, $0x38;
	[tilespmem:$0x1A900] =	vst v63  }
0x5e: {  	_ =	swait.ge [sflag:s6], $0x1100  }
0x5f: {  	[sflag:s6] =	ssyncset.done $0x0  }
0x60: {  	[sflag:s6] =	ssyncadd.s32 $0xFFFFEF00  }
0x61: {  	[spmem:s26] =	stream.linear.scatter [tilespmem:s0], [sflag:$0x2], $0x1100, $0x38;
	[tilespmem:$0x1A900] =	vst v63  }
0x62: {  	_ =	swait.ge [sflag:s6], $0x1100  }
0x63: {  	[sflag:s6] =	ssyncset.done $0x0  }
0x64: {  	[sflag:s6] =	ssyncadd.s32 $0xFFFFEF00  }
0x65: {  	[spmem:s28] =	stream.linear.scatter [tilespmem:s0], [sflag:$0x2], $0x1100, $0x38;
	[tilespmem:$0x1A900] =	vst v63  }
0x66: {  	_ =	swait.ge [sflag:s6], $0x1100  }
0x67: {  	[sflag:s6] =	ssyncset.done $0x0  }
0x68: {  	[sflag:s6] =	ssyncadd.s32 $0xFFFFEF00  }
0x69: {  	[spmem:s29] =	stream.linear.scatter [tilespmem:s0], [sflag:$0x2], $0x1100, $0x38;
	[tilespmem:$0x1A900] =	vst v63  }
0x6a: {  	_ =	swait.ge [sflag:s6], $0x1100  }
0x6b: {  	[sflag:s6] =	ssyncset.done $0x0  }
0x6c: {  	[sflag:s6] =	ssyncadd.s32 $0xFFFFEF00  }
0x6d: {  	[spmem:s30] =	stream.linear.scatter [tilespmem:s0], [sflag:$0x2], $0x1100, $0x38;
	[tilespmem:$0x1A900] =	vst v63  }
0x6e: {  	_ =	swait.ge [sflag:s6], $0x1100  }
0x6f: {  	[sflag:s6] =	ssyncset.done $0x0  }
0x70: {  	[sflag:s6] =	ssyncadd.s32 $0xFFFFEF00  }
0x71: {  	[spmem:s31] =	stream.linear.scatter [tilespmem:s0], [sflag:$0x2], $0x1100, $0x38;
	[tilespmem:$0x1A900] =	vst v63  }
0x72: {  	_ =	swait.ge [sflag:s6], $0x1100  }
0x73: {  	[sflag:s6] =	ssyncset.done $0x0  }
0x74: {  	[sflag:s6] =	ssyncadd.s32 $0xFFFFEF00  }
0x75: {  	[spmem:s1] =	stream.linear.scatter [tilespmem:s0], [sflag:$0x2], $0x1100, $0x38;
	[tilespmem:$0x1A900] =	vst v63  }
0x76: {  	_ =	swait.ge [sflag:s6], $0x1100  }
0x77: {  	p1 =	sgt.u32 s10, $0x1869;
	[sflag:s6] =	ssyncset.done $0x0  }
0x78: {  	s7 =	simm.s32 @!p1 $0x0;
	[sflag:s6] =	ssyncadd.s32 $0xFFFFEF00  }
0x79: {  	s8 =	sadd.s32 @!p1 $0x0, s24;
	s9 =	simm.s32 @!p1 $0x3;
	[bflag:$0x0] =	sbarrier.arrive $0xFFFF  }
0x7a: {  	[tilespmem:s7], [sflag:$0x3] =	stream.linear.gather @!p1 [hbm4b:s8+s7], $0x80, $0x38;
	[tilespmem:$0x1A900] =	vst v63  }
0x7b: {  	p0 =	por p1, p1;
	_ =	swait.ge @!p1 [sflag:s9], $0x80  }
0x7c: {  	[sflag:s9] =	ssyncset.done @!p0 $0x0  }
0x7d: {  	s10 =	sadd.s32 @!p0 $0x0, s23;
	s8 =	simm.s32 @!p0 $0x80;
	[sflag:s9] =	ssyncadd.s32 @!p0 $0xFFFFFF80  }
0x7e: {  	[tilespmem:s8], [sflag:$0x3] =	stream.linear.gather @!p0 [hbm4b:s10+s7], $0x80, $0x38;
	[tilespmem:$0x1A900] =	vst v63  }
0x7f: {  	_ =	swait.ge @!p0 [sflag:s9], $0x80  }
0x80: {  	[sflag:s9] =	ssyncset.done @!p0 $0x0  }
0x81: {  	[sflag:s9] =	ssyncadd.s32 @!p0 $0xFFFFFF80  }
0x82: {  	v2 =	vld @!p0 [tilespmem:$0x30]  }
0x83: {  	v3 =	vld @!p0 [tilespmem:$0x50]  }
0x84: {  	v4 =	vld @!p0 [tilespmem:$0x60]  }
0x85: {  	v5 =	vld @!p0 [tilespmem:$0x20]  }
0x86: {  	v6 =	vld @!p0 [tilespmem:$0x10]  }
0x87: {  	v8 =	vld @!p0 [tilespmem:$0x0];
	v2 =	vadd.s32 @!p0 v0, v2  }
0x88: {  	v7 =	vld @!p0 [tilespmem:$0x40];
	[tilespmem:$0x30] =	vst @!p0 v2;
	v2 =	vadd.s32 @!p0 v0, v3  }
0x89: {  	v3 =	vld @!p0 [tilespmem:$0x70];
	[tilespmem:$0x50] =	vst @!p0 v2;
	v2 =	vadd.s32 @!p0 v0, v4  }
0x8a: {  	v4 =	vadd.s32 @!p0 v0, v5;
	[tilespmem:$0x60] =	vst @!p0 v2  }
0x8b: {  	v2 =	vadd.s32 @!p0 v0, v6;
	[tilespmem:$0x20] =	vst @!p0 v4  }
0x8c: {  	v4 =	vadd.s32 @!p0 v0, v8;
	[tilespmem:$0x10] =	vst @!p0 v2  }
0x8d: {  	v2 =	vadd.s32 @!p0 v0, v7;
	[tilespmem:$0x0] =	vst @!p0 v4  }
0x8e: {  	s11 =	stileid.u32;
	s10 =	simm.s32 @!p1 $0x100;
	s9 =	simm.s32 $0x100;
	[tilespmem:$0x40] =	vst @!p0 v2;
	v2 =	vadd.s32 @!p0 v0, v3  }
.LBB2_4:
0x8f: {  	s12 =	simm.s32 @!p0 $0x1  }
0x90: {  	[tilespmem:$0x70] =	vst @!p0 v2;
	s11 =	sadd.s32 $0x10, s11;
	s13 =	smov.u32 s9;
	s9 =	sadd.s32 $0x100, s9  }
0x91: {  	[tilespmem:s10], [sflag:$0x1] =	stream.indirect.gather @!p0 [hbm4b:s4+s8], $0x20, s7, s8, $0xb8;
	[tilespmem:$0x1A900] =	vst v63  }
0x92: {  	p1 =	sne.s32 s9, $0x18700;
	_ =	swait.ge @!p0 [sflag:s12], $0x1000  }
0x93: {  	[sflag:s12] =	ssyncset.done @!p0 $0x0  }
0x94: {  	[sflag:s12] =	ssyncadd.s32 @!p0 $0xFFFFF000;
	s12 =	simm.s32 @!p0 $0x2  }
0x95: {  	[spmem:s2] =	stream.indirect.scatter.add.f32 @!p0 [tilespmem:s10], [sflag:$0x2], $0x20, s8, s8, $0xb8;
	[tilespmem:$0x1A900] =	vst v63  }
0x96: {  	p2 =	sgt.u32 s11, $0x1869;
	_ =	swait.ge @!p0 [sflag:s12], $0x1000  }
0x97: {  	s7 =	simm.s32 @!p2 $0x0;
	s8 =	sadd.s32 @!p2 s13, s24;
	[sflag:s12] =	ssyncset.done @!p0 $0x0  }
0x98: {  	s14 =	simm.s32 @!p2 $0x3;
	s10 =	simm.s32 @!p2 $0x100;
	[sflag:s12] =	ssyncadd.s32 @!p0 $0xFFFFF000  }
0x99: {  	[tilespmem:s7], [sflag:$0x3] =	stream.linear.gather @!p2 [hbm4b:s8+s7], $0x80, $0x38;
	[tilespmem:$0x1A900] =	vst v63  }
0x9a: {  	p0 =	por p2, p2;
	_ =	swait.ge @!p2 [sflag:s14], $0x80  }
0x9b: {  	s12 =	sadd.s32 @!p0 s13, s23;
	s8 =	simm.s32 @!p0 $0x80;
	[sflag:s14] =	ssyncset.done @!p0 $0x0  }
0x9c: {  	[sflag:s14] =	ssyncadd.s32 @!p0 $0xFFFFFF80  }
0x9d: {  	[tilespmem:s8], [sflag:$0x3] =	stream.linear.gather @!p0 [hbm4b:s12+s7], $0x80, $0x38;
	[tilespmem:$0x1A900] =	vst v63  }
0x9e: {  	_ =	swait.ge @!p0 [sflag:s14], $0x80  }
0x9f: {  	[sflag:s14] =	ssyncset.done @!p0 $0x0  }
0xa0: {  	[sflag:s14] =	ssyncadd.s32 @!p0 $0xFFFFFF80  }
0xa1: {  	v2 =	vld @!p0 [tilespmem:$0x30]  }
0xa2: {  	v3 =	vld @!p0 [tilespmem:$0x50]  }
0xa3: {  	v4 =	vld @!p0 [tilespmem:$0x60]  }
0xa4: {  	v5 =	vld @!p0 [tilespmem:$0x20]  }
0xa5: {  	v6 =	vld @!p0 [tilespmem:$0x10]  }
0xa6: {  	v2 =	vadd.s32 @!p0 v0, v2;
	v7 =	vld @!p0 [tilespmem:$0x40]  }
0xa7: {  	v8 =	vld @!p0 [tilespmem:$0x0];
	[tilespmem:$0x30] =	vst @!p0 v2;
	v2 =	vadd.s32 @!p0 v0, v3  }
0xa8: {  	[tilespmem:$0x50] =	vst @!p0 v2;
	v2 =	vadd.s32 @!p0 v0, v4;
	v3 =	vld @!p0 [tilespmem:$0x70]  }
.Ltmp1:
0xa9: {  	v4 =	vadd.s32 @!p0 v0, v5;
	[tilespmem:$0x60] =	vst @!p0 v2;
	(pc) =	sbr.rel @p1 .LBB2_4-.Ltmp1, $4  }
0xaa: {  	v2 =	vadd.s32 @!p0 v0, v6;
	[tilespmem:$0x20] =	vst @!p0 v4  }
0xab: {  	[tilespmem:$0x10] =	vst @!p0 v2;
	v2 =	vadd.s32 @!p0 v0, v7  }
0xac: {  	v4 =	vadd.s32 @!p0 v0, v8;
	[tilespmem:$0x40] =	vst @!p0 v2  }
0xad: {  	[tilespmem:$0x0] =	vst @!p0 v4;
	v2 =	vadd.s32 @!p0 v0, v3  }
0xae: {  	[tilespmem:$0x70] =	vst @!p0 v2;
	s9 =	simm.s32 @!p0 $0x1  }
0xaf: {  	[tilespmem:s10], [sflag:$0x1] =	stream.indirect.gather @!p0 [hbm4b:s4+s8], $0x20, s7, s8, $0xb8;
	[tilespmem:$0x1A900] =	vst v63  }
0xb0: {  	_ =	swait.ge @!p0 [sflag:s9], $0x1000  }
0xb1: {  	[sflag:s9] =	ssyncset.done @!p0 $0x0  }
0xb2: {  	s7 =	simm.s32 @!p0 $0x2;
	[sflag:s9] =	ssyncadd.s32 @!p0 $0xFFFFF000  }
0xb3: {  	[spmem:s2] =	stream.indirect.scatter.add.f32 @!p0 [tilespmem:s10], [sflag:$0x2], $0x20, s8, s8, $0xb8;
	[tilespmem:$0x1A900] =	vst v63  }
0xb4: {  	s14 =	sshrl.u32 s5, $0x3;
	_ =	swait.ge @!p0 [sflag:s7], $0x1000  }
0xb5: {  	s3 =	sadd.s32 $0x1, s3;
	s10 =	stileid.u32;
	[sflag:s7] =	ssyncset.done @!p0 $0x0  }
0xb6: {  	s13 =	sshll.u32 s10, $0x6;
	[sflag:s7] =	ssyncadd.s32 @!p0 $0xFFFFF000;
	p0 =	sne.s32 s3, s22  }
.Ltmp2:
0xb7: {  	s7 =	sor.u32 $0x1C02, s13;
	[bflag:$0x0] =	sbarrier.arrive $0xFFFF;
	(pc) =	sbr.rel @p0 .LBB2_1-.Ltmp2, $4  }
0xb8: {  	[hbm:s21], [sflag:s7] =	dma.local [spmem:s14], $0x30E0  }
0xb9: {  	_ =	swait.ge [sflag:s6], $0x30E0  }
0xba: {  	[sflag:s6] =	ssyncset.done $0x0  }
0xbb: {  	[sflag:s6] =	ssyncadd.s32 $0xFFFFCF20  }
0xbc: {  	_ =	sfence.sel $0x180000  }
0xbd: {  	[bflag:$0x0] =	sbarrier.arrive $0xFFFF  }
0xbe: {  	_ =	strace $0x9000004D  }
0xbf: {  	[bflag:$0x2] =	sbarrier.arrive $0xFFFF  }
0xc0: {  	p0 =	sne.s32 s10, $0x0;
	s0 =	rddreg [dreg:$0x2]  }
0xc1: {  	s0 =	sadd.s32 @!p0 $0x100000, s0  }
0xc2: {  	[sflag:s0] =	ssyncadd.tile.s32 @!p0 $0x1;
	_ =	shalt  }
.Lfunc_end2:
_tile_overlayer_lowered:
.L_overlay_start_2:
0xc3: {  	(tag) =	ssettag $0x2  }
0xc4: {  	s0 =	rddreg [dreg:$0x0];
	s2 =	stileid.u32  }
0xc5: {  	s1 =	rddreg [dreg:$0x1];
	p0 =	sne.s32 s2, $0x0  }
0xc6: {  	s3 =	rddreg [dreg:$0x2];
	[bflag:$0x3] =	sbarrier.arrive $0xFFFF;
	s2 =	simm.s32 @!p0 $0x1C02  }
0xc7: {  	[timem:s3], [sflag:s2] =	dma.local @!p0 [hbm:s0], s1  }
0xc8: {  	s0 =	simm.s32 @!p0 $0x2  }
0xc9: {  	_ =	swait.ge @!p0 [sflag:s0], s1  }
0xca: {  	s1 =	ssub.s32 @!p0 $0x0, s1;
	[sflag:s0] =	ssyncset.done @!p0 $0x0  }
0xcb: {  	[sflag:s0] =	ssyncadd.s32 @!p0 s1  }
0xcc: {  	[bflag:$0x3] =	sbarrier.arrive $0xFFFF  }
0xcd: {  	_ =	shalt  }

// kernel: kernel.36.cloned.1.call-start
scs
__scs_entry_jumppad:
0x0: {  	(pc) =	sbr.rel $0x88, $3  }
0x1: {  	(tag) =	ssettag $0x0;
	lr =	simm.s32 $0x1  }
0x2: {  	[smem:$0x3F8C] =	sst lr;
	_ =	strace $0xD0000000  }
0x3: {  	_ = 	snop  }
0x4: {  	_ = 	snop  }
0x5: {  	_ = 	snop  }
0x6: {  	_ = 	snop  }
0x7: {  	_ = 	snop  }
__scs_overlays_trampoline_lowered:
0x8: {  	[smem:$0x3F9B] =	sst s0  }
0x9: {  	[smem:$0x3F9C] =	sst s1  }
0xa: {  	[smem:$0x3F9D] =	sst s2  }
0xb: {  	[smem:$0x3F9E] =	sst s3  }
0xc: {  	[smem:$0x3F9F] =	sst s4  }
0xd: {  	[smem:$0x3FA0] =	sst s5  }
0xe: {  	[smem:$0x3FA1] =	sst s6  }
0xf: {  	[smem:$0x3FA2] =	sst s7  }
0x10: {  	[smem:$0x3FA3] =	sst s8  }
0x11: {  	[smem:$0x3FA4] =	sst s9;
	s0 =	simm.s32 @!p0 $0x0  }
0x12: {  	s1 =	sld [smem:$0x3F8A];
	s0 =	simm.s32 @p0 $0x1  }
0x13: {  	[smem:$0x3FA5] =	sst s0;
	s0 =	simm.s32 @!p1 $0x0  }
0x14: {  	s2 =	sld [smem:$0x3F89];
	s0 =	simm.s32 @p1 $0x1  }
0x15: {  	[smem:$0x3FA6] =	sst s0;
	s0 =	simm.s32 @!p2 $0x0  }
0x16: {  	s3 =	sld [smem:$0x3FDB];
	s0 =	simm.s32 @p2 $0x1  }
0x17: {  	s4 =	simm.s32 $0x1BF5;
	[smem:$0x3FA8] =	sst s0  }
0x18: {  	s0 =	sld [smem:$0x3F8B];
	_ =	swait.ge [sflag:s4], $0x0  }
0x19: {  	s7 =	sld [smem:$0x3F8C]  }
0x1a: {  	s8 =	sadd.s32 $0xFFFFE003, lr  }
0x1b: {  	s9 =	sadd.s32 $0xFFFFFEF7, lr;
	s5 =	simm.s32 $0xFFFFFFFF;
	p2 =	slt.u32 s8, $0xFFFFF086  }
0x1c: {  	p1 =	slt.u32 s9, $0xF7A;
	s5 =	simm.s32 @!p2 $0x0  }
0x1d: {  	s5 =	simm.s32 @p1 $0x1;
	p0 =	seq.s32 s7, s2  }
0x1e: {  	s7 =	smul.u32 @!p0 $0xF7A, s2;
	p2 =	seq.s32 @!p0 s5, $0x0  }
0x1f: {  	s9 =	smul.u32 $0xF7A, s1;
	s8 =	simm.s32 @!p0 $0x1BF5;
	p2 =	por !p2, p0  }
0x20: {  	[sflag:s8] =	ssyncset.s32 @!p0 $0xFFFFF086;
	s6 =	sadd.s32 @!p0 s3, s7;
	s7 =	simm.s32 @!p0 $0x108  }
0x21: {  	s3 =	sadd.s32 s3, s9;
	s6 =	sadd.s32 @!p0 $0x88, s6;
	s7 =	simm.s32 @p2 $0x1082  }
0x22: {  	[simem:s7], [sflag:s8] =	dma.local @!p0 [hbm:s6], $0xF7A  }
0x23: {  	s9 =	sor.u32 $0xD0000000, s2;
	s6 =	simm.s32 $0x108;
	_ =	swait.ge @!p0 [sflag:s8], $0x0  }
0x24: {  	s3 =	sadd.s32 $0x88, s3;
	s6 =	simm.s32 @!p1 $0x1082;
	[sflag:s4] =	ssyncset.s32 $0xFFFFF086  }
0x25: {  	[simem:s6], [sflag:s4] =	dma.local [hbm:s3], $0xF7A  }
0x26: {  	[smem:$0x3F8C] =	sst s1;
	(tag) =	ssettag s2;
	_ =	strace s9  }
0x27: {  	s1 =	sld [smem:$0x3F9C]  }
0x28: {  	s2 =	sld [smem:$0x3F9D]  }
0x29: {  	s4 =	sld [smem:$0x3F9F]  }
0x2a: {  	p0 =	seq.s32 s5, $0x0;
	s5 =	sld [smem:$0x3FA0]  }
0x2b: {  	s6 =	sld [smem:$0x3FA1]  }
0x2c: {  	s7 =	sld [smem:$0x3FA2]  }
0x2d: {  	s3 =	simm.s32 $0x108;
	s8 =	sld [smem:$0x3FA3]  }
0x2e: {  	s3 =	simm.s32 @!p0 $0x1082;
	s9 =	sld [smem:$0x3FA4]  }
0x2f: {  	lr =	sadd.s32 s0, s3;
	s0 =	sld [smem:$0x3F9B]  }
0x30: {  	s3 =	sld [smem:$0x3F9E]  }
0x31: {  	[smem:$0x3FA7] =	sst s10  }
0x32: {  	s10 =	sld [smem:$0x3FA5];
	_ =	sdelay $0x3  }
0x33: {  	p0 =	seq.s32 s10, $0x1;
	s10 =	sld [smem:$0x3FA7];
	_ =	sdelay $0x3  }
0x34: {  	[smem:$0x3FA7] =	sst s10  }
0x35: {  	s10 =	sld [smem:$0x3FA6];
	_ =	sdelay $0x3  }
0x36: {  	p1 =	seq.s32 s10, $0x1;
	s10 =	sld [smem:$0x3FA7];
	_ =	sdelay $0x3  }
0x37: {  	[smem:$0x3FA7] =	sst s10  }
0x38: {  	s10 =	sld [smem:$0x3FA8]  }
0x39: {  	_ = 	snop;
	(pc) =	sbr.ind lr, $3  }
0x3a: {  	_ = 	snop  }
0x3b: {  	_ = 	snop  }
0x3c: {  	p2 =	seq.s32 s10, $0x1;
	s10 =	sld [smem:$0x3FA7]  }
0x3d: {  	_ =	shalt  }
0x3e: {  	_ =	shalt  }
0x3f: {  	_ =	shalt  }
0x40: {  	_ =	shalt  }
0x41: {  	_ =	shalt  }
0x42: {  	_ =	shalt  }
0x43: {  	_ =	shalt  }
0x44: {  	_ =	shalt  }
0x45: {  	_ =	shalt  }
0x46: {  	_ =	shalt  }
0x47: {  	_ =	shalt  }
0x48: {  	_ =	shalt  }
0x49: {  	_ =	shalt  }
0x4a: {  	_ =	shalt  }
0x4b: {  	_ =	shalt  }
0x4c: {  	_ =	shalt  }
0x4d: {  	_ =	shalt  }
0x4e: {  	_ =	shalt  }
0x4f: {  	_ =	shalt  }
0x50: {  	_ =	shalt  }
0x51: {  	_ =	shalt  }
0x52: {  	_ =	shalt  }
0x53: {  	_ =	shalt  }
0x54: {  	_ =	shalt  }
0x55: {  	_ =	shalt  }
0x56: {  	_ =	shalt  }
0x57: {  	_ =	shalt  }
0x58: {  	_ =	shalt  }
0x59: {  	_ =	shalt  }
0x5a: {  	_ =	shalt  }
0x5b: {  	_ =	shalt  }
0x5c: {  	_ =	shalt  }
0x5d: {  	_ =	shalt  }
0x5e: {  	_ =	shalt  }
0x5f: {  	_ =	shalt  }
0x60: {  	_ =	shalt  }
0x61: {  	_ =	shalt  }
0x62: {  	_ =	shalt  }
0x63: {  	_ =	shalt  }
0x64: {  	_ =	shalt  }
0x65: {  	_ =	shalt  }
0x66: {  	_ =	shalt  }
0x67: {  	_ =	shalt  }
0x68: {  	_ =	shalt  }
0x69: {  	_ =	shalt  }
0x6a: {  	_ =	shalt  }
0x6b: {  	_ =	shalt  }
0x6c: {  	_ =	shalt  }
0x6d: {  	_ =	shalt  }
0x6e: {  	_ =	shalt  }
0x6f: {  	_ =	shalt  }
0x70: {  	_ =	shalt  }
0x71: {  	_ =	shalt  }
0x72: {  	_ =	shalt  }
0x73: {  	_ =	shalt  }
0x74: {  	_ =	shalt  }
0x75: {  	_ =	shalt  }
0x76: {  	_ =	shalt  }
0x77: {  	_ =	shalt  }
0x78: {  	_ =	shalt  }
0x79: {  	_ =	shalt  }
0x7a: {  	_ =	shalt  }
0x7b: {  	_ =	shalt  }
0x7c: {  	_ =	shalt  }
0x7d: {  	_ =	shalt  }
0x7e: {  	_ =	shalt  }
0x7f: {  	_ =	shalt  }
0x80: {  	_ =	shalt  }
0x81: {  	_ =	shalt  }
0x82: {  	_ =	shalt  }
0x83: {  	_ =	shalt  }
0x84: {  	_ =	shalt  }
0x85: {  	_ =	shalt  }
0x86: {  	_ =	shalt  }
0x87: {  	_ =	shalt  }
.Lfunc_end0:
.L_simem_size_0:
called_computation.3_lowered:
.L_overlay_start_0:
0x88: {  	s2 =	sld [smem:$0x3FD9]  }
0x89: {  	s3 =	sld [smem:$0x3FFE];
	_ =	sdelay $0x1  }
0x8a: {  	s1 =	srdreg.scid  }
0x8b: {  	s0 =	sand.u32 $0x1, s1  }
0x8c: {  	s16 =	sshll.u32 s0, $0xA;
	s2 =	sadd.s32 s3, s2  }
0x8d: {  	s2 =	sadd.s32 s2, s16  }
0x8e: {  	[smem:$0x3FB3] =	sst s2  }
0x8f: {  	_ = 	snop  }
0x90: {  	(tm) =	ssettm $0x1  }
0x91: {  	s17 =	sld [smem:$0x3FFB];
	_ =	sdelay $0x3  }
0x92: {  	_ =	strace s17  }
0x93: {  	s2 =	sld [smem:$0x3FFC];
	_ =	sdelay $0x3  }
0x94: {  	_ =	strace s2  }
0x95: {  	s2 =	sld [smem:$0x3FFD];
	_ =	sdelay $0x3  }
0x96: {  	_ =	strace s2  }
0x97: {  	_ =	strace $0x8FFFFFFF  }
0x98: {  	s18 =	sld [smem:$0x3FDB];
	_ =	sdelay $0x1  }
0x99: {  	s19 =	simm.s32 $_scs_section_size  }
0x9a: {  	s4 =	simm.s32 $_size__tile_overlayer_lowered;
	s5 =	simm.s32 $_tile_overlayer_lowered  }
0x9b: {  	s22 =	simm.s32 $0x1BFF;
	s21 =	sshll.u32 s5, $0x1;
	s2 =	sadd.s32 s19, s18  }
0x9c: {  	s6 =	simm.s32 $0x0;
	s20 =	sshll.u32 s4, $0x1;
	s4 =	sadd.s32 s21, s2  }
0x9d: {  	[timem:s6], [sflag:s22] =	dma.local [hbm:s4], s20  }
0x9e: {  	_ =	swait.ge [sflag:s22], s20  }
0x9f: {  	s3 =	ssub.s32 $0x0, s20;
	[sflag:s22] =	ssyncset.done $0x0  }
0xa0: {  	[sflag:s22] =	ssyncadd.s32 s3;
	_ =	sdelay $0x1  }
0xa1: {  	s23 =	simm.s32 $0x1B8B  }
0xa2: {  	_ =	swait.ge [sflag:s23], $0x1  }
0xa3: {  	[sflag:s23] =	ssyncset.done $0x0  }
0xa4: {  	s25 =	simm.s32 $0x1B8E;
	s24 =	sld [smem:$0x3FFE];
	[sflag:s23] =	ssyncadd.s32 $0xFFFFFFFF  }
0xa5: {  	s26 =	simm.s32 $execute0_lowered;
	[smem:$0x3FD2] =	sst s25  }
0xa6: {  	s4 =	sshll.u32 s26, $0x1;
	_ =	strace $0x8000004F;
	[dreg:$0x1] =	wrdreg $0xFFFFFFFF  }
0xa7: {  	s28 =	simm.s32 $_size_execute0_lowered;
	s2 =	sadd.s32 s2, s4;
	[dreg:$0x0] =	wrdreg $0x0  }
0xa8: {  	s4 =	sshll.u32 s28, $0x1;
	[dreg:$0x2] =	wrdreg s2  }
0xa9: {  	[dreg:$0x3] =	wrdreg s4  }
0xaa: {  	[dreg:$0x4] =	wrdreg $0xC0  }
0xab: {  	_ =	task [dreg:s6], $0x5FFFF  }
0xac: {  	[dreg:$0x1] =	wrdreg $0xFFFFFFFF  }
0xad: {  	[dreg:$0x0] =	wrdreg $0x60  }
0xae: {  	[dreg:$0x2] =	wrdreg s24  }
0xaf: {  	[dreg:$0x3] =	wrdreg $0x11000  }
0xb0: {  	[dreg:$0x4] =	wrdreg $0x9  }
0xb1: {  	_ =	task.clear_ibuf [dreg:s6], $0x5FFFF;
	_ =	strace $0x9000004F  }
0xb2: {  	s29 =	simm.s32 $0x9;
	_ =	strace $0x80000051  }
0xb3: {  	_ =	swait.ge [sflag:s29], $0x1  }
0xb4: {  	[sflag:s29] =	ssyncadd.s32 $0xFFFFFFFF  }
0xb5: {  	_ =	strace $0x90000051  }
0xb6: {  	_ =	sfence  }
0xb7: {  	s30 =	sld [smem:$0x0];
	_ =	sdelay $0x2  }
0xb8: {  	s31 =	sshll.u32 s1, $0xD;
	s1 =	sshrl.u32 s1, $0x2  }
0xb9: {  	s3 =	sand.u32 $0x4000, s31;
	s1 =	sadd.s32 s1, s30  }
0xba: {  	s0 =	sor.u32 s3, s0;
	s1 =	sshll.u32 s1, $0x11  }
0xbb: {  	s0 =	sor.u32 s1, s0  }
0xbc: {  	s0 =	sadd.s32 $0x8F2B, s0  }
0xbd: {  	[sflag:s0] =	ssyncadd.remote.s32 $0x1  }
0xbe: {  	_ =	sfence.sel $0xFFFF  }
0xbf: {  	[dreg:$0x0] =	wrdreg $0xFFFFFFFF;
	(pc) =	sbr.abs _section_cstart, $3  }
0xc0: {  	[dreg:$0x1] =	wrdreg $0xFFFFFFFF  }
0xc1: {  	_ =	task.clear_ibuf [dreg:s6], $0x2FFFF;
	_ =	strace $0x9FFFFFFF  }
0xc2: {  	(tm) =	ssettm $0x7FFFFFFF  }
0xc3: {  	_ =	shalt  }
tec
execute0_lowered:
.L_overlay_start_1:
0x0: {  	(tag) =	ssettag $0x1  }
0x1: {  	s0 =	rddreg [dreg:$0x0]  }
0x2: {  	s10 =	stileid.u32;
	s1 =	srdreg.scid  }
0x3: {  	s2 =	rddreg [dreg:$0x1];
	s5 =	smul.u32 $0x30E0, s10  }
0x4: {  	s3 =	simm.s32 $0x0;
	s1 =	sand.u32 $0x1, s1;
	s8 =	smul.u32 $0x61C00, s10  }
0x5: {  	[smem:$0x7FF] =	sst s3;
	s7 =	sshll.u32 s10, $0x4;
	s6 =	smul.u32 $0x30E00, s1  }
0x6: {  	s4 =	sadd.s32 $0x39400, s0;
	_ =	strace $0x80000050;
	s7 =	sadd.s32 s7, s0  }
0x7: {  	s18 =	ssub.s32 $0x2, s1;
	s8 =	sshrl.u32 s8, $0x2;
	s5 =	sadd.s32 s5, s6  }
0x8: {  	s9 =	sshrl.u32 s18, $0x1;
	s0 =	sadd.s32 s5, s0;
	s5 =	sadd.s32 s8, s2  }
0x9: {  	s1 =	smul.u32 $0xC350, s1;
	s6 =	ssub.s32 s18, s9;
	s8 =	sadd.s32 $0x1100, s5  }
0xa: {  	s19 =	sadd.s32 $0x2200, s5;
	s20 =	sadd.s32 $0x3300, s5;
	[dreg:$0x3] =	wrdreg s8  }
0xb: {  	s21 =	sadd.s32 $0x4400, s5;
	s22 =	sadd.s32 $0x5500, s5;
	[dreg:$0x4] =	wrdreg s19  }
0xc: {  	s23 =	sadd.s32 $0x6600, s5;
	s24 =	sadd.s32 $0x7700, s5;
	[dreg:$0x5] =	wrdreg s20  }
0xd: {  	s25 =	sadd.s32 $0x8800, s5;
	s26 =	sadd.s32 $0x9900, s5;
	[dreg:$0x6] =	wrdreg s21  }
0xe: {  	s15 =	sadd.s32 $0xAA00, s5;
	s16 =	sadd.s32 $0xBB00, s5;
	[dreg:$0x7] =	wrdreg s22  }
0xf: {  	s17 =	sadd.s32 $0xCC00, s5;
	s18 =	sadd.s32 $0xDD00, s5;
	[dreg:$0x8] =	wrdreg s23  }
0x10: {  	s28 =	sadd.s32 $0x13200, s5;
	s29 =	sadd.s32 $0x14300, s5;
	[dreg:$0x9] =	wrdreg s24  }
0x11: {  	s30 =	sadd.s32 $0x15400, s5;
	s31 =	sadd.s32 $0x16500, s5;
	[dreg:$0xa] =	wrdreg s25  }
0x12: {  	v0 =	vmov s1;
	s1 =	sadd.s32 $0x17600, s5;
	[dreg:$0xb] =	wrdreg s26;
	s19 =	sadd.s32 $0xEE00, s5  }
0x13: {  	s20 =	sadd.s32 $0xFF00, s5;
	s21 =	sadd.s32 $0x9B000, s0;
	s22 =	smax.u32 s6, $0x1  }
0x14: {  	s23 =	sadd.s32 $0x20C00, s7;
	s24 =	sadd.s32 $0x8400, s7;
	s25 =	sadd.s32 $0x11000, s5  }
0x15: {  	v1 =	vimm.f32 $0.0e+00;
	s26 =	sadd.s32 $0x12100, s5;
	s0 =	simm.s32 $0x19800;
	s6 =	simm.s32 $0x2  }
.LBB2_1:
0x16: {  	s7 =	simm.s32 $0x80;
	s8 =	simm.s32 $0x0  }
.LBB2_2:
0x17: {  	p0 =	sne.s32 s7, $0x4380;
	[tilespmem:s8+$0x19800] =	vst v1;
	s9 =	smov.u32 s7;
	s7 =	sadd.s32 $0x80, s7  }
.Ltmp0:
0x18: {  	[tilespmem:s8+$0x19810] =	vst v1;
	(pc) =	sbr.rel @p0 .LBB2_2-.Ltmp0, $2  }
0x19: {  	_ =	sdelay $0x2  }
0x1a: {  	s8 =	sshra.s32 s9, $0x2  }
0x1b: {  	[tilespmem:s8+$0x19800] =	vst v1  }
0x1c: {  	[tilespmem:s8+$0x19810] =	vst v1  }
0x1d: {  	[spmem:s5] =	stream.linear.scatter [tilespmem:s0], [sflag:$0x2], $0x1100, $0x38;
	[tilespmem:$0x1A900] =	vst v63  }
0x1e: {  	_ =	swait.ge [sflag:s6], $0x1100  }
0x1f: {  	[sflag:s6] =	ssyncset.done $0x0  }
0x20: {  	s7 =	rddreg [dreg:$0x3];
	[sflag:s6] =	ssyncadd.s32 $0xFFFFEF00  }
0x21: {  	[spmem:s7] =	stream.linear.scatter [tilespmem:s0], [sflag:$0x2], $0x1100, $0x38;
	[tilespmem:$0x1A900] =	vst v63  }
0x22: {  	_ =	swait.ge [sflag:s6], $0x1100  }
0x23: {  	[sflag:s6] =	ssyncset.done $0x0  }
0x24: {  	s13 =	rddreg [dreg:$0x4];
	[sflag:s6] =	ssyncadd.s32 $0xFFFFEF00  }
0x25: {  	[spmem:s13] =	stream.linear.scatter [tilespmem:s0], [sflag:$0x2], $0x1100, $0x38;
	[tilespmem:$0x1A900] =	vst v63  }
0x26: {  	_ =	swait.ge [sflag:s6], $0x1100  }
0x27: {  	[sflag:s6] =	ssyncset.done $0x0  }
0x28: {  	s14 =	rddreg [dreg:$0x5];
	[sflag:s6] =	ssyncadd.s32 $0xFFFFEF00  }
0x29: {  	[spmem:s14] =	stream.linear.scatter [tilespmem:s0], [sflag:$0x2], $0x1100, $0x38;
	[tilespmem:$0x1A900] =	vst v63  }
0x2a: {  	_ =	swait.ge [sflag:s6], $0x1100  }
0x2b: {  	[sflag:s6] =	ssyncset.done $0x0  }
0x2c: {  	s8 =	rddreg [dreg:$0x6];
	[sflag:s6] =	ssyncadd.s32 $0xFFFFEF00  }
0x2d: {  	[spmem:s8] =	stream.linear.scatter [tilespmem:s0], [sflag:$0x2], $0x1100, $0x38;
	[tilespmem:$0x1A900] =	vst v63  }
0x2e: {  	_ =	swait.ge [sflag:s6], $0x1100  }
0x2f: {  	[sflag:s6] =	ssyncset.done $0x0  }
0x30: {  	s9 =	rddreg [dreg:$0x7];
	[sflag:s6] =	ssyncadd.s32 $0xFFFFEF00  }
0x31: {  	[spmem:s9] =	stream.linear.scatter [tilespmem:s0], [sflag:$0x2], $0x1100, $0x38;
	[tilespmem:$0x1A900] =	vst v63  }
0x32: {  	_ =	swait.ge [sflag:s6], $0x1100  }
0x33: {  	[sflag:s6] =	ssyncset.done $0x0  }
0x34: {  	s11 =	rddreg [dreg:$0x8];
	[sflag:s6] =	ssyncadd.s32 $0xFFFFEF00  }
0x35: {  	[spmem:s11] =	stream.linear.scatter [tilespmem:s0], [sflag:$0x2], $0x1100, $0x38;
	[tilespmem:$0x1A900] =	vst v63  }
0x36: {  	_ =	swait.ge [sflag:s6], $0x1100  }
0x37: {  	[sflag:s6] =	ssyncset.done $0x0  }
0x38: {  	s12 =	rddreg [dreg:$0x9];
	[sflag:s6] =	ssyncadd.s32 $0xFFFFEF00  }
0x39: {  	[spmem:s12] =	stream.linear.scatter [tilespmem:s0], [sflag:$0x2], $0x1100, $0x38;
	[tilespmem:$0x1A900] =	vst v63  }
0x3a: {  	_ =	swait.ge [sflag:s6], $0x1100  }
0x3b: {  	[sflag:s6] =	ssyncset.done $0x0  }
0x3c: {  	s13 =	rddreg [dreg:$0xa];
	[sflag:s6] =	ssyncadd.s32 $0xFFFFEF00  }
0x3d: {  	[spmem:s13] =	stream.linear.scatter [tilespmem:s0], [sflag:$0x2], $0x1100, $0x38;
	[tilespmem:$0x1A900] =	vst v63  }
0x3e: {  	_ =	swait.ge [sflag:s6], $0x1100  }
0x3f: {  	[sflag:s6] =	ssyncset.done $0x0  }
0x40: {  	s14 =	rddreg [dreg:$0xb];
	[sflag:s6] =	ssyncadd.s32 $0xFFFFEF00  }
0x41: {  	[spmem:s14] =	stream.linear.scatter [tilespmem:s0], [sflag:$0x2], $0x1100, $0x38;
	[tilespmem:$0x1A900] =	vst v63  }
0x42: {  	_ =	swait.ge [sflag:s6], $0x1100  }
0x43: {  	[sflag:s6] =	ssyncset.done $0x0  }
0x44: {  	[sflag:s6] =	ssyncadd.s32 $0xFFFFEF00  }
0x45: {  	[spmem:s15] =	stream.linear.scatter [tilespmem:s0], [sflag:$0x2], $0x1100, $0x38;
	[tilespmem:$0x1A900] =	vst v63  }
0x46: {  	_ =	swait.ge [sflag:s6], $0x1100  }
0x47: {  	[sflag:s6] =	ssyncset.done $0x0  }
0x48: {  	[sflag:s6] =	ssyncadd.s32 $0xFFFFEF00  }
0x49: {  	[spmem:s16] =	stream.linear.scatter [tilespmem:s0], [sflag:$0x2], $0x1100, $0x38;
	[tilespmem:$0x1A900] =	vst v63  }
0x4a: {  	_ =	swait.ge [sflag:s6], $0x1100  }
0x4b: {  	[sflag:s6] =	ssyncset.done $0x0  }
0x4c: {  	[sflag:s6] =	ssyncadd.s32 $0xFFFFEF00  }
0x4d: {  	[spmem:s17] =	stream.linear.scatter [tilespmem:s0], [sflag:$0x2], $0x1100, $0x38;
	[tilespmem:$0x1A900] =	vst v63  }
0x4e: {  	_ =	swait.ge [sflag:s6], $0x1100  }
0x4f: {  	[sflag:s6] =	ssyncset.done $0x0  }
0x50: {  	[sflag:s6] =	ssyncadd.s32 $0xFFFFEF00  }
0x51: {  	[spmem:s18] =	stream.linear.scatter [tilespmem:s0], [sflag:$0x2], $0x1100, $0x38;
	[tilespmem:$0x1A900] =	vst v63  }
0x52: {  	_ =	swait.ge [sflag:s6], $0x1100  }
0x53: {  	[sflag:s6] =	ssyncset.done $0x0  }
0x54: {  	[sflag:s6] =	ssyncadd.s32 $0xFFFFEF00  }
0x55: {  	[spmem:s19] =	stream.linear.scatter [tilespmem:s0], [sflag:$0x2], $0x1100, $0x38;
	[tilespmem:$0x1A900] =	vst v63  }
0x56: {  	_ =	swait.ge [sflag:s6], $0x1100  }
0x57: {  	[sflag:s6] =	ssyncset.done $0x0  }
0x58: {  	[sflag:s6] =	ssyncadd.s32 $0xFFFFEF00  }
0x59: {  	[spmem:s20] =	stream.linear.scatter [tilespmem:s0], [sflag:$0x2], $0x1100, $0x38;
	[tilespmem:$0x1A900] =	vst v63  }
0x5a: {  	_ =	swait.ge [sflag:s6], $0x1100  }
0x5b: {  	[sflag:s6] =	ssyncset.done $0x0  }
0x5c: {  	[sflag:s6] =	ssyncadd.s32 $0xFFFFEF00  }
0x5d: {  	[spmem:s25] =	stream.linear.scatter [tilespmem:s0], [sflag:$0x2], $0x1100, $0x38;
	[tilespmem:$0x1A900] =	vst v63  }
0x5e: {  	_ =	swait.ge [sflag:s6], $0x1100  }
0x5f: {  	[sflag:s6] =	ssyncset.done $0x0  }
0x60: {  	[sflag:s6] =	ssyncadd.s32 $0xFFFFEF00  }
0x61: {  	[spmem:s26] =	stream.linear.scatter [tilespmem:s0], [sflag:$0x2], $0x1100, $0x38;
	[tilespmem:$0x1A900] =	vst v63  }
0x62: {  	_ =	swait.ge [sflag:s6], $0x1100  }
0x63: {  	[sflag:s6] =	ssyncset.done $0x0  }
0x64: {  	[sflag:s6] =	ssyncadd.s32 $0xFFFFEF00  }
0x65: {  	[spmem:s28] =	stream.linear.scatter [tilespmem:s0], [sflag:$0x2], $0x1100, $0x38;
	[tilespmem:$0x1A900] =	vst v63  }
0x66: {  	_ =	swait.ge [sflag:s6], $0x1100  }
0x67: {  	[sflag:s6] =	ssyncset.done $0x0  }
0x68: {  	[sflag:s6] =	ssyncadd.s32 $0xFFFFEF00  }
0x69: {  	[spmem:s29] =	stream.linear.scatter [tilespmem:s0], [sflag:$0x2], $0x1100, $0x38;
	[tilespmem:$0x1A900] =	vst v63  }
0x6a: {  	_ =	swait.ge [sflag:s6], $0x1100  }
0x6b: {  	[sflag:s6] =	ssyncset.done $0x0  }
0x6c: {  	[sflag:s6] =	ssyncadd.s32 $0xFFFFEF00  }
0x6d: {  	[spmem:s30] =	stream.linear.scatter [tilespmem:s0], [sflag:$0x2], $0x1100, $0x38;
	[tilespmem:$0x1A900] =	vst v63  }
0x6e: {  	_ =	swait.ge [sflag:s6], $0x1100  }
0x6f: {  	[sflag:s6] =	ssyncset.done $0x0  }
0x70: {  	[sflag:s6] =	ssyncadd.s32 $0xFFFFEF00  }
0x71: {  	[spmem:s31] =	stream.linear.scatter [tilespmem:s0], [sflag:$0x2], $0x1100, $0x38;
	[tilespmem:$0x1A900] =	vst v63  }
0x72: {  	_ =	swait.ge [sflag:s6], $0x1100  }
0x73: {  	[sflag:s6] =	ssyncset.done $0x0  }
0x74: {  	[sflag:s6] =	ssyncadd.s32 $0xFFFFEF00  }
0x75: {  	[spmem:s1] =	stream.linear.scatter [tilespmem:s0], [sflag:$0x2], $0x1100, $0x38;
	[tilespmem:$0x1A900] =	vst v63  }
0x76: {  	_ =	swait.ge [sflag:s6], $0x1100  }
0x77: {  	p1 =	sgt.u32 s10, $0x1869;
	[sflag:s6] =	ssyncset.done $0x0  }
0x78: {  	s7 =	simm.s32 @!p1 $0x0;
	[sflag:s6] =	ssyncadd.s32 $0xFFFFEF00  }
0x79: {  	s8 =	sadd.s32 @!p1 $0x0, s24;
	s9 =	simm.s32 @!p1 $0x3;
	[bflag:$0x0] =	sbarrier.arrive $0xFFFF  }
0x7a: {  	[tilespmem:s7], [sflag:$0x3] =	stream.linear.gather @!p1 [hbm4b:s8+s7], $0x80, $0x38;
	[tilespmem:$0x1A900] =	vst v63  }
0x7b: {  	p0 =	por p1, p1;
	_ =	swait.ge @!p1 [sflag:s9], $0x80  }
0x7c: {  	[sflag:s9] =	ssyncset.done @!p0 $0x0  }
0x7d: {  	s10 =	sadd.s32 @!p0 $0x0, s23;
	s8 =	simm.s32 @!p0 $0x80;
	[sflag:s9] =	ssyncadd.s32 @!p0 $0xFFFFFF80  }
0x7e: {  	[tilespmem:s8], [sflag:$0x3] =	stream.linear.gather @!p0 [hbm4b:s10+s7], $0x80, $0x38;
	[tilespmem:$0x1A900] =	vst v63  }
0x7f: {  	_ =	swait.ge @!p0 [sflag:s9], $0x80  }
0x80: {  	[sflag:s9] =	ssyncset.done @!p0 $0x0  }
0x81: {  	[sflag:s9] =	ssyncadd.s32 @!p0 $0xFFFFFF80  }
0x82: {  	v2 =	vld @!p0 [tilespmem:$0x30]  }
0x83: {  	v3 =	vld @!p0 [tilespmem:$0x50]  }
0x84: {  	v4 =	vld @!p0 [tilespmem:$0x60]  }
0x85: {  	v5 =	vld @!p0 [tilespmem:$0x20]  }
0x86: {  	v6 =	vld @!p0 [tilespmem:$0x10]  }
0x87: {  	v8 =	vld @!p0 [tilespmem:$0x0];
	v2 =	vadd.s32 @!p0 v0, v2  }
0x88: {  	v7 =	vld @!p0 [tilespmem:$0x40];
	[tilespmem:$0x30] =	vst @!p0 v2;
	v2 =	vadd.s32 @!p0 v0, v3  }
0x89: {  	v3 =	vld @!p0 [tilespmem:$0x70];
	[tilespmem:$0x50] =	vst @!p0 v2;
	v2 =	vadd.s32 @!p0 v0, v4  }
0x8a: {  	v4 =	vadd.s32 @!p0 v0, v5;
	[tilespmem:$0x60] =	vst @!p0 v2  }
0x8b: {  	v2 =	vadd.s32 @!p0 v0, v6;
	[tilespmem:$0x20] =	vst @!p0 v4  }
0x8c: {  	v4 =	vadd.s32 @!p0 v0, v8;
	[tilespmem:$0x10] =	vst @!p0 v2  }
0x8d: {  	v2 =	vadd.s32 @!p0 v0, v7;
	[tilespmem:$0x0] =	vst @!p0 v4  }
0x8e: {  	s11 =	stileid.u32;
	s10 =	simm.s32 @!p1 $0x100;
	s9 =	simm.s32 $0x100;
	[tilespmem:$0x40] =	vst @!p0 v2;
	v2 =	vadd.s32 @!p0 v0, v3  }
.LBB2_4:
0x8f: {  	s12 =	simm.s32 @!p0 $0x1  }
0x90: {  	[tilespmem:$0x70] =	vst @!p0 v2;
	s11 =	sadd.s32 $0x10, s11;
	s13 =	smov.u32 s9;
	s9 =	sadd.s32 $0x100, s9  }
0x91: {  	[tilespmem:s10], [sflag:$0x1] =	stream.indirect.gather @!p0 [hbm4b:s4+s8], $0x20, s7, s8, $0xb8;
	[tilespmem:$0x1A900] =	vst v63  }
0x92: {  	p1 =	sne.s32 s9, $0x18700;
	_ =	swait.ge @!p0 [sflag:s12], $0x1000  }
0x93: {  	[sflag:s12] =	ssyncset.done @!p0 $0x0  }
0x94: {  	[sflag:s12] =	ssyncadd.s32 @!p0 $0xFFFFF000;
	s12 =	simm.s32 @!p0 $0x2  }
0x95: {  	[spmem:s2] =	stream.indirect.scatter.add.f32 @!p0 [tilespmem:s10], [sflag:$0x2], $0x20, s8, s8, $0xb8;
	[tilespmem:$0x1A900] =	vst v63  }
0x96: {  	p2 =	sgt.u32 s11, $0x1869;
	_ =	swait.ge @!p0 [sflag:s12], $0x1000  }
0x97: {  	s7 =	simm.s32 @!p2 $0x0;
	s8 =	sadd.s32 @!p2 s13, s24;
	[sflag:s12] =	ssyncset.done @!p0 $0x0  }
0x98: {  	s14 =	simm.s32 @!p2 $0x3;
	s10 =	simm.s32 @!p2 $0x100;
	[sflag:s12] =	ssyncadd.s32 @!p0 $0xFFFFF000  }
0x99: {  	[tilespmem:s7], [sflag:$0x3] =	stream.linear.gather @!p2 [hbm4b:s8+s7], $0x80, $0x38;
	[tilespmem:$0x1A900] =	vst v63  }
0x9a: {  	p0 =	por p2, p2;
	_ =	swait.ge @!p2 [sflag:s14], $0x80  }
0x9b: {  	s12 =	sadd.s32 @!p0 s13, s23;
	s8 =	simm.s32 @!p0 $0x80;
	[sflag:s14] =	ssyncset.done @!p0 $0x0  }
0x9c: {  	[sflag:s14] =	ssyncadd.s32 @!p0 $0xFFFFFF80  }
0x9d: {  	[tilespmem:s8], [sflag:$0x3] =	stream.linear.gather @!p0 [hbm4b:s12+s7], $0x80, $0x38;
	[tilespmem:$0x1A900] =	vst v63  }
0x9e: {  	_ =	swait.ge @!p0 [sflag:s14], $0x80  }
0x9f: {  	[sflag:s14] =	ssyncset.done @!p0 $0x0  }
0xa0: {  	[sflag:s14] =	ssyncadd.s32 @!p0 $0xFFFFFF80  }
0xa1: {  	v2 =	vld @!p0 [tilespmem:$0x30]  }
0xa2: {  	v3 =	vld @!p0 [tilespmem:$0x50]  }
0xa3: {  	v4 =	vld @!p0 [tilespmem:$0x60]  }
0xa4: {  	v5 =	vld @!p0 [tilespmem:$0x20]  }
0xa5: {  	v6 =	vld @!p0 [tilespmem:$0x10]  }
0xa6: {  	v2 =	vadd.s32 @!p0 v0, v2;
	v7 =	vld @!p0 [tilespmem:$0x40]  }
0xa7: {  	v8 =	vld @!p0 [tilespmem:$0x0];
	[tilespmem:$0x30] =	vst @!p0 v2;
	v2 =	vadd.s32 @!p0 v0, v3  }
0xa8: {  	[tilespmem:$0x50] =	vst @!p0 v2;
	v2 =	vadd.s32 @!p0 v0, v4;
	v3 =	vld @!p0 [tilespmem:$0x70]  }
.Ltmp1:
0xa9: {  	v4 =	vadd.s32 @!p0 v0, v5;
	[tilespmem:$0x60] =	vst @!p0 v2;
	(pc) =	sbr.rel @p1 .LBB2_4-.Ltmp1, $4  }
0xaa: {  	v2 =	vadd.s32 @!p0 v0, v6;
	[tilespmem:$0x20] =	vst @!p0 v4  }
0xab: {  	[tilespmem:$0x10] =	vst @!p0 v2;
	v2 =	vadd.s32 @!p0 v0, v7  }
0xac: {  	v4 =	vadd.s32 @!p0 v0, v8;
	[tilespmem:$0x40] =	vst @!p0 v2  }
0xad: {  	[tilespmem:$0x0] =	vst @!p0 v4;
	v2 =	vadd.s32 @!p0 v0, v3  }
0xae: {  	[tilespmem:$0x70] =	vst @!p0 v2;
	s9 =	simm.s32 @!p0 $0x1  }
0xaf: {  	[tilespmem:s10], [sflag:$0x1] =	stream.indirect.gather @!p0 [hbm4b:s4+s8], $0x20, s7, s8, $0xb8;
	[tilespmem:$0x1A900] =	vst v63  }
0xb0: {  	_ =	swait.ge @!p0 [sflag:s9], $0x1000  }
0xb1: {  	[sflag:s9] =	ssyncset.done @!p0 $0x0  }
0xb2: {  	s7 =	simm.s32 @!p0 $0x2;
	[sflag:s9] =	ssyncadd.s32 @!p0 $0xFFFFF000  }
0xb3: {  	[spmem:s2] =	stream.indirect.scatter.add.f32 @!p0 [tilespmem:s10], [sflag:$0x2], $0x20, s8, s8, $0xb8;
	[tilespmem:$0x1A900] =	vst v63  }
0xb4: {  	s14 =	sshrl.u32 s5, $0x3;
	_ =	swait.ge @!p0 [sflag:s7], $0x1000  }
0xb5: {  	s3 =	sadd.s32 $0x1, s3;
	s10 =	stileid.u32;
	[sflag:s7] =	ssyncset.done @!p0 $0x0  }
0xb6: {  	s13 =	sshll.u32 s10, $0x6;
	[sflag:s7] =	ssyncadd.s32 @!p0 $0xFFFFF000;
	p0 =	sne.s32 s3, s22  }
.Ltmp2:
0xb7: {  	s7 =	sor.u32 $0x1C02, s13;
	[bflag:$0x0] =	sbarrier.arrive $0xFFFF;
	(pc) =	sbr.rel @p0 .LBB2_1-.Ltmp2, $4  }
0xb8: {  	[hbm:s21], [sflag:s7] =	dma.local [spmem:s14], $0x30E0  }
0xb9: {  	_ =	swait.ge [sflag:s6], $0x30E0  }
0xba: {  	[sflag:s6] =	ssyncset.done $0x0  }
0xbb: {  	[sflag:s6] =	ssyncadd.s32 $0xFFFFCF20  }
0xbc: {  	_ =	sfence.sel $0x180000  }
0xbd: {  	[bflag:$0x0] =	sbarrier.arrive $0xFFFF  }
0xbe: {  	_ =	strace $0x90000050  }
0xbf: {  	[bflag:$0x2] =	sbarrier.arrive $0xFFFF  }
0xc0: {  	p0 =	sne.s32 s10, $0x0;
	s0 =	rddreg [dreg:$0x2]  }
0xc1: {  	s0 =	sadd.s32 @!p0 $0x100000, s0  }
0xc2: {  	[sflag:s0] =	ssyncadd.tile.s32 @!p0 $0x1;
	_ =	shalt  }
.Lfunc_end2:
_tile_overlayer_lowered:
.L_overlay_start_2:
0xc3: {  	(tag) =	ssettag $0x2  }
0xc4: {  	s0 =	rddreg [dreg:$0x0];
	s2 =	stileid.u32  }
0xc5: {  	s1 =	rddreg [dreg:$0x1];
	p0 =	sne.s32 s2, $0x0  }
0xc6: {  	s3 =	rddreg [dreg:$0x2];
	[bflag:$0x3] =	sbarrier.arrive $0xFFFF;
	s2 =	simm.s32 @!p0 $0x1C02  }
0xc7: {  	[timem:s3], [sflag:s2] =	dma.local @!p0 [hbm:s0], s1  }
0xc8: {  	s0 =	simm.s32 @!p0 $0x2  }
0xc9: {  	_ =	swait.ge @!p0 [sflag:s0], s1  }
0xca: {  	s1 =	ssub.s32 @!p0 $0x0, s1;
	[sflag:s0] =	ssyncset.done @!p0 $0x0  }
0xcb: {  	[sflag:s0] =	ssyncadd.s32 @!p0 s1  }
0xcc: {  	[bflag:$0x3] =	sbarrier.arrive $0xFFFF  }
0xcd: {  	_ =	shalt  }

// kernel: kernel.39.cloned.1.call-start
scs
__scs_entry_jumppad:
0x0: {  	(pc) =	sbr.rel $0x88, $3  }
0x1: {  	(tag) =	ssettag $0x0;
	lr =	simm.s32 $0x1  }
0x2: {  	[smem:$0x3F8C] =	sst lr;
	_ =	strace $0xD0000000  }
0x3: {  	_ = 	snop  }
0x4: {  	_ = 	snop  }
0x5: {  	_ = 	snop  }
0x6: {  	_ = 	snop  }
0x7: {  	_ = 	snop  }
__scs_overlays_trampoline_lowered:
0x8: {  	[smem:$0x3F9B] =	sst s0  }
0x9: {  	[smem:$0x3F9C] =	sst s1  }
0xa: {  	[smem:$0x3F9D] =	sst s2  }
0xb: {  	[smem:$0x3F9E] =	sst s3  }
0xc: {  	[smem:$0x3F9F] =	sst s4  }
0xd: {  	[smem:$0x3FA0] =	sst s5  }
0xe: {  	[smem:$0x3FA1] =	sst s6  }
0xf: {  	[smem:$0x3FA2] =	sst s7  }
0x10: {  	[smem:$0x3FA3] =	sst s8  }
0x11: {  	[smem:$0x3FA4] =	sst s9;
	s0 =	simm.s32 @!p0 $0x0  }
0x12: {  	s1 =	sld [smem:$0x3F8A];
	s0 =	simm.s32 @p0 $0x1  }
0x13: {  	[smem:$0x3FA5] =	sst s0;
	s0 =	simm.s32 @!p1 $0x0  }
0x14: {  	s2 =	sld [smem:$0x3F89];
	s0 =	simm.s32 @p1 $0x1  }
0x15: {  	[smem:$0x3FA6] =	sst s0;
	s0 =	simm.s32 @!p2 $0x0  }
0x16: {  	s3 =	sld [smem:$0x3FDB];
	s0 =	simm.s32 @p2 $0x1  }
0x17: {  	s4 =	simm.s32 $0x1BF5;
	[smem:$0x3FA8] =	sst s0  }
0x18: {  	s0 =	sld [smem:$0x3F8B];
	_ =	swait.ge [sflag:s4], $0x0  }
0x19: {  	s7 =	sld [smem:$0x3F8C]  }
0x1a: {  	s8 =	sadd.s32 $0xFFFFE003, lr  }
0x1b: {  	s9 =	sadd.s32 $0xFFFFFEF7, lr;
	s5 =	simm.s32 $0xFFFFFFFF;
	p2 =	slt.u32 s8, $0xFFFFF086  }
0x1c: {  	p1 =	slt.u32 s9, $0xF7A;
	s5 =	simm.s32 @!p2 $0x0  }
0x1d: {  	s5 =	simm.s32 @p1 $0x1;
	p0 =	seq.s32 s7, s2  }
0x1e: {  	s7 =	smul.u32 @!p0 $0xF7A, s2;
	p2 =	seq.s32 @!p0 s5, $0x0  }
0x1f: {  	s9 =	smul.u32 $0xF7A, s1;
	s8 =	simm.s32 @!p0 $0x1BF5;
	p2 =	por !p2, p0  }
0x20: {  	[sflag:s8] =	ssyncset.s32 @!p0 $0xFFFFF086;
	s6 =	sadd.s32 @!p0 s3, s7;
	s7 =	simm.s32 @!p0 $0x108  }
0x21: {  	s3 =	sadd.s32 s3, s9;
	s6 =	sadd.s32 @!p0 $0x88, s6;
	s7 =	simm.s32 @p2 $0x1082  }
0x22: {  	[simem:s7], [sflag:s8] =	dma.local @!p0 [hbm:s6], $0xF7A  }
0x23: {  	s9 =	sor.u32 $0xD0000000, s2;
	s6 =	simm.s32 $0x108;
	_ =	swait.ge @!p0 [sflag:s8], $0x0  }
0x24: {  	s3 =	sadd.s32 $0x88, s3;
	s6 =	simm.s32 @!p1 $0x1082;
	[sflag:s4] =	ssyncset.s32 $0xFFFFF086  }
0x25: {  	[simem:s6], [sflag:s4] =	dma.local [hbm:s3], $0xF7A  }
0x26: {  	[smem:$0x3F8C] =	sst s1;
	(tag) =	ssettag s2;
	_ =	strace s9  }
0x27: {  	s1 =	sld [smem:$0x3F9C]  }
0x28: {  	s2 =	sld [smem:$0x3F9D]  }
0x29: {  	s4 =	sld [smem:$0x3F9F]  }
0x2a: {  	p0 =	seq.s32 s5, $0x0;
	s5 =	sld [smem:$0x3FA0]  }
0x2b: {  	s6 =	sld [smem:$0x3FA1]  }
0x2c: {  	s7 =	sld [smem:$0x3FA2]  }
0x2d: {  	s3 =	simm.s32 $0x108;
	s8 =	sld [smem:$0x3FA3]  }
0x2e: {  	s3 =	simm.s32 @!p0 $0x1082;
	s9 =	sld [smem:$0x3FA4]  }
0x2f: {  	lr =	sadd.s32 s0, s3;
	s0 =	sld [smem:$0x3F9B]  }
0x30: {  	s3 =	sld [smem:$0x3F9E]  }
0x31: {  	[smem:$0x3FA7] =	sst s10  }
0x32: {  	s10 =	sld [smem:$0x3FA5];
	_ =	sdelay $0x3  }
0x33: {  	p0 =	seq.s32 s10, $0x1;
	s10 =	sld [smem:$0x3FA7];
	_ =	sdelay $0x3  }
0x34: {  	[smem:$0x3FA7] =	sst s10  }
0x35: {  	s10 =	sld [smem:$0x3FA6];
	_ =	sdelay $0x3  }
0x36: {  	p1 =	seq.s32 s10, $0x1;
	s10 =	sld [smem:$0x3FA7];
	_ =	sdelay $0x3  }
0x37: {  	[smem:$0x3FA7] =	sst s10  }
0x38: {  	s10 =	sld [smem:$0x3FA8]  }
0x39: {  	_ = 	snop;
	(pc) =	sbr.ind lr, $3  }
0x3a: {  	_ = 	snop  }
0x3b: {  	_ = 	snop  }
0x3c: {  	p2 =	seq.s32 s10, $0x1;
	s10 =	sld [smem:$0x3FA7]  }
0x3d: {  	_ =	shalt  }
0x3e: {  	_ =	shalt  }
0x3f: {  	_ =	shalt  }
0x40: {  	_ =	shalt  }
0x41: {  	_ =	shalt  }
0x42: {  	_ =	shalt  }
0x43: {  	_ =	shalt  }
0x44: {  	_ =	shalt  }
0x45: {  	_ =	shalt  }
0x46: {  	_ =	shalt  }
0x47: {  	_ =	shalt  }
0x48: {  	_ =	shalt  }
0x49: {  	_ =	shalt  }
0x4a: {  	_ =	shalt  }
0x4b: {  	_ =	shalt  }
0x4c: {  	_ =	shalt  }
0x4d: {  	_ =	shalt  }
0x4e: {  	_ =	shalt  }
0x4f: {  	_ =	shalt  }
0x50: {  	_ =	shalt  }
0x51: {  	_ =	shalt  }
0x52: {  	_ =	shalt  }
0x53: {  	_ =	shalt  }
0x54: {  	_ =	shalt  }
0x55: {  	_ =	shalt  }
0x56: {  	_ =	shalt  }
0x57: {  	_ =	shalt  }
0x58: {  	_ =	shalt  }
0x59: {  	_ =	shalt  }
0x5a: {  	_ =	shalt  }
0x5b: {  	_ =	shalt  }
0x5c: {  	_ =	shalt  }
0x5d: {  	_ =	shalt  }
0x5e: {  	_ =	shalt  }
0x5f: {  	_ =	shalt  }
0x60: {  	_ =	shalt  }
0x61: {  	_ =	shalt  }
0x62: {  	_ =	shalt  }
0x63: {  	_ =	shalt  }
0x64: {  	_ =	shalt  }
0x65: {  	_ =	shalt  }
0x66: {  	_ =	shalt  }
0x67: {  	_ =	shalt  }
0x68: {  	_ =	shalt  }
0x69: {  	_ =	shalt  }
0x6a: {  	_ =	shalt  }
0x6b: {  	_ =	shalt  }
0x6c: {  	_ =	shalt  }
0x6d: {  	_ =	shalt  }
0x6e: {  	_ =	shalt  }
0x6f: {  	_ =	shalt  }
0x70: {  	_ =	shalt  }
0x71: {  	_ =	shalt  }
0x72: {  	_ =	shalt  }
0x73: {  	_ =	shalt  }
0x74: {  	_ =	shalt  }
0x75: {  	_ =	shalt  }
0x76: {  	_ =	shalt  }
0x77: {  	_ =	shalt  }
0x78: {  	_ =	shalt  }
0x79: {  	_ =	shalt  }
0x7a: {  	_ =	shalt  }
0x7b: {  	_ =	shalt  }
0x7c: {  	_ =	shalt  }
0x7d: {  	_ =	shalt  }
0x7e: {  	_ =	shalt  }
0x7f: {  	_ =	shalt  }
0x80: {  	_ =	shalt  }
0x81: {  	_ =	shalt  }
0x82: {  	_ =	shalt  }
0x83: {  	_ =	shalt  }
0x84: {  	_ =	shalt  }
0x85: {  	_ =	shalt  }
0x86: {  	_ =	shalt  }
0x87: {  	_ =	shalt  }
.Lfunc_end0:
.L_simem_size_0:
called_computation.4_lowered:
.L_overlay_start_0:
0x88: {  	s2 =	sld [smem:$0x3FD9]  }
0x89: {  	s3 =	sld [smem:$0x3FFE];
	_ =	sdelay $0x1  }
0x8a: {  	s1 =	srdreg.scid  }
0x8b: {  	s0 =	sand.u32 $0x1, s1  }
0x8c: {  	s16 =	sshll.u32 s0, $0xA;
	s2 =	sadd.s32 s3, s2  }
0x8d: {  	s2 =	sadd.s32 s2, s16  }
0x8e: {  	[smem:$0x3FB3] =	sst s2  }
0x8f: {  	_ = 	snop  }
0x90: {  	(tm) =	ssettm $0x1  }
0x91: {  	s17 =	sld [smem:$0x3FFB];
	_ =	sdelay $0x3  }
0x92: {  	_ =	strace s17  }
0x93: {  	s2 =	sld [smem:$0x3FFC];
	_ =	sdelay $0x3  }
0x94: {  	_ =	strace s2  }
0x95: {  	s2 =	sld [smem:$0x3FFD];
	_ =	sdelay $0x3  }
0x96: {  	_ =	strace s2  }
0x97: {  	_ =	strace $0x8FFFFFFF  }
0x98: {  	s18 =	sld [smem:$0x3FDB];
	_ =	sdelay $0x1  }
0x99: {  	s19 =	simm.s32 $_scs_section_size  }
0x9a: {  	s4 =	simm.s32 $_size__tile_overlayer_lowered;
	s5 =	simm.s32 $_tile_overlayer_lowered  }
0x9b: {  	s22 =	simm.s32 $0x1BFF;
	s21 =	sshll.u32 s5, $0x1;
	s2 =	sadd.s32 s19, s18  }
0x9c: {  	s6 =	simm.s32 $0x0;
	s20 =	sshll.u32 s4, $0x1;
	s4 =	sadd.s32 s21, s2  }
0x9d: {  	[timem:s6], [sflag:s22] =	dma.local [hbm:s4], s20  }
0x9e: {  	_ =	swait.ge [sflag:s22], s20  }
0x9f: {  	s3 =	ssub.s32 $0x0, s20;
	[sflag:s22] =	ssyncset.done $0x0  }
0xa0: {  	[sflag:s22] =	ssyncadd.s32 s3;
	_ =	sdelay $0x1  }
0xa1: {  	s23 =	simm.s32 $0x1B8B  }
0xa2: {  	_ =	swait.ge [sflag:s23], $0x1  }
0xa3: {  	[sflag:s23] =	ssyncset.done $0x0  }
0xa4: {  	s25 =	simm.s32 $0x1B8E;
	s24 =	sld [smem:$0x3FFE];
	[sflag:s23] =	ssyncadd.s32 $0xFFFFFFFF  }
0xa5: {  	s26 =	simm.s32 $execute0_lowered;
	[smem:$0x3FD2] =	sst s25  }
0xa6: {  	s4 =	sshll.u32 s26, $0x1;
	_ =	strace $0x80000052;
	[dreg:$0x1] =	wrdreg $0xFFFFFFFF  }
0xa7: {  	s28 =	simm.s32 $_size_execute0_lowered;
	s2 =	sadd.s32 s2, s4;
	[dreg:$0x0] =	wrdreg $0x0  }
0xa8: {  	s4 =	sshll.u32 s28, $0x1;
	[dreg:$0x2] =	wrdreg s2  }
0xa9: {  	[dreg:$0x3] =	wrdreg s4  }
0xaa: {  	[dreg:$0x4] =	wrdreg $0xC0  }
0xab: {  	_ =	task [dreg:s6], $0x5FFFF  }
0xac: {  	[dreg:$0x1] =	wrdreg $0xFFFFFFFF  }
0xad: {  	[dreg:$0x0] =	wrdreg $0x60  }
0xae: {  	[dreg:$0x2] =	wrdreg s24  }
0xaf: {  	[dreg:$0x3] =	wrdreg $0x11000  }
0xb0: {  	[dreg:$0x4] =	wrdreg $0x9  }
0xb1: {  	_ =	task.clear_ibuf [dreg:s6], $0x5FFFF;
	_ =	strace $0x90000052  }
0xb2: {  	s29 =	simm.s32 $0x9;
	_ =	strace $0x80000054  }
0xb3: {  	_ =	swait.ge [sflag:s29], $0x1  }
0xb4: {  	[sflag:s29] =	ssyncadd.s32 $0xFFFFFFFF  }
0xb5: {  	_ =	strace $0x90000054  }
0xb6: {  	_ =	sfence  }
0xb7: {  	s30 =	sld [smem:$0x0];
	_ =	sdelay $0x2  }
0xb8: {  	s31 =	sshll.u32 s1, $0xD;
	s1 =	sshrl.u32 s1, $0x2  }
0xb9: {  	s3 =	sand.u32 $0x4000, s31;
	s1 =	sadd.s32 s1, s30  }
0xba: {  	s0 =	sor.u32 s3, s0;
	s1 =	sshll.u32 s1, $0x11  }
0xbb: {  	s0 =	sor.u32 s1, s0  }
0xbc: {  	s0 =	sadd.s32 $0x8F2B, s0  }
0xbd: {  	[sflag:s0] =	ssyncadd.remote.s32 $0x1  }
0xbe: {  	_ =	sfence.sel $0xFFFF  }
0xbf: {  	[dreg:$0x0] =	wrdreg $0xFFFFFFFF;
	(pc) =	sbr.abs _section_cstart, $3  }
0xc0: {  	[dreg:$0x1] =	wrdreg $0xFFFFFFFF  }
0xc1: {  	_ =	task.clear_ibuf [dreg:s6], $0x2FFFF;
	_ =	strace $0x9FFFFFFF  }
0xc2: {  	(tm) =	ssettm $0x7FFFFFFF  }
0xc3: {  	_ =	shalt  }
tec
execute0_lowered:
.L_overlay_start_1:
0x0: {  	(tag) =	ssettag $0x1  }
0x1: {  	s0 =	rddreg [dreg:$0x0]  }
0x2: {  	s10 =	stileid.u32;
	s1 =	srdreg.scid  }
0x3: {  	s2 =	rddreg [dreg:$0x1];
	s5 =	smul.u32 $0x30E0, s10  }
0x4: {  	s3 =	simm.s32 $0x0;
	s1 =	sand.u32 $0x1, s1;
	s8 =	smul.u32 $0x61C00, s10  }
0x5: {  	[smem:$0x7FF] =	sst s3;
	s7 =	sshll.u32 s10, $0x4;
	s6 =	smul.u32 $0x30E00, s1  }
0x6: {  	s4 =	sadd.s32 $0x43C000, s0;
	_ =	strace $0x80000053;
	s7 =	sadd.s32 s7, s0  }
0x7: {  	s18 =	ssub.s32 $0x2, s1;
	s8 =	sshrl.u32 s8, $0x2;
	s5 =	sadd.s32 s5, s6  }
0x8: {  	s9 =	sshrl.u32 s18, $0x1;
	s0 =	sadd.s32 s5, s0;
	s5 =	sadd.s32 s8, s2  }
0x9: {  	s1 =	smul.u32 $0xC350, s1;
	s6 =	ssub.s32 s18, s9;
	s8 =	sadd.s32 $0x1100, s5  }
0xa: {  	s19 =	sadd.s32 $0x2200, s5;
	s20 =	sadd.s32 $0x3300, s5;
	[dreg:$0x3] =	wrdreg s8  }
0xb: {  	s21 =	sadd.s32 $0x4400, s5;
	s22 =	sadd.s32 $0x5500, s5;
	[dreg:$0x4] =	wrdreg s19  }
0xc: {  	s23 =	sadd.s32 $0x6600, s5;
	s24 =	sadd.s32 $0x7700, s5;
	[dreg:$0x5] =	wrdreg s20  }
0xd: {  	s25 =	sadd.s32 $0x8800, s5;
	s26 =	sadd.s32 $0x9900, s5;
	[dreg:$0x6] =	wrdreg s21  }
0xe: {  	s15 =	sadd.s32 $0xAA00, s5;
	s16 =	sadd.s32 $0xBB00, s5;
	[dreg:$0x7] =	wrdreg s22  }
0xf: {  	s17 =	sadd.s32 $0xCC00, s5;
	s18 =	sadd.s32 $0xDD00, s5;
	[dreg:$0x8] =	wrdreg s23  }
0x10: {  	s28 =	sadd.s32 $0x13200, s5;
	s29 =	sadd.s32 $0x14300, s5;
	[dreg:$0x9] =	wrdreg s24  }
0x11: {  	s30 =	sadd.s32 $0x15400, s5;
	s31 =	sadd.s32 $0x16500, s5;
	[dreg:$0xa] =	wrdreg s25  }
0x12: {  	v0 =	vmov s1;
	s1 =	sadd.s32 $0x17600, s5;
	[dreg:$0xb] =	wrdreg s26;
	s19 =	sadd.s32 $0xEE00, s5  }
0x13: {  	s20 =	sadd.s32 $0xFF00, s5;
	s21 =	sadd.s32 $0xFDE00, s0;
	s22 =	smax.u32 s6, $0x1  }
0x14: {  	s23 =	sadd.s32 $0x20C00, s7;
	s24 =	sadd.s32 $0x8400, s7;
	s25 =	sadd.s32 $0x11000, s5  }
0x15: {  	v1 =	vimm.f32 $0.0e+00;
	s26 =	sadd.s32 $0x12100, s5;
	s0 =	simm.s32 $0x19800;
	s6 =	simm.s32 $0x2  }
.LBB2_1:
0x16: {  	s7 =	simm.s32 $0x80;
	s8 =	simm.s32 $0x0  }
.LBB2_2:
0x17: {  	p0 =	sne.s32 s7, $0x4380;
	[tilespmem:s8+$0x19800] =	vst v1;
	s9 =	smov.u32 s7;
	s7 =	sadd.s32 $0x80, s7  }
.Ltmp0:
0x18: {  	[tilespmem:s8+$0x19810] =	vst v1;
	(pc) =	sbr.rel @p0 .LBB2_2-.Ltmp0, $2  }
0x19: {  	_ =	sdelay $0x2  }
0x1a: {  	s8 =	sshra.s32 s9, $0x2  }
0x1b: {  	[tilespmem:s8+$0x19800] =	vst v1  }
0x1c: {  	[tilespmem:s8+$0x19810] =	vst v1  }
0x1d: {  	[spmem:s5] =	stream.linear.scatter [tilespmem:s0], [sflag:$0x2], $0x1100, $0x38;
	[tilespmem:$0x1A900] =	vst v63  }
0x1e: {  	_ =	swait.ge [sflag:s6], $0x1100  }
0x1f: {  	[sflag:s6] =	ssyncset.done $0x0  }
0x20: {  	s7 =	rddreg [dreg:$0x3];
	[sflag:s6] =	ssyncadd.s32 $0xFFFFEF00  }
0x21: {  	[spmem:s7] =	stream.linear.scatter [tilespmem:s0], [sflag:$0x2], $0x1100, $0x38;
	[tilespmem:$0x1A900] =	vst v63  }
0x22: {  	_ =	swait.ge [sflag:s6], $0x1100  }
0x23: {  	[sflag:s6] =	ssyncset.done $0x0  }
0x24: {  	s13 =	rddreg [dreg:$0x4];
	[sflag:s6] =	ssyncadd.s32 $0xFFFFEF00  }
0x25: {  	[spmem:s13] =	stream.linear.scatter [tilespmem:s0], [sflag:$0x2], $0x1100, $0x38;
	[tilespmem:$0x1A900] =	vst v63  }
0x26: {  	_ =	swait.ge [sflag:s6], $0x1100  }
0x27: {  	[sflag:s6] =	ssyncset.done $0x0  }
0x28: {  	s14 =	rddreg [dreg:$0x5];
	[sflag:s6] =	ssyncadd.s32 $0xFFFFEF00  }
0x29: {  	[spmem:s14] =	stream.linear.scatter [tilespmem:s0], [sflag:$0x2], $0x1100, $0x38;
	[tilespmem:$0x1A900] =	vst v63  }
0x2a: {  	_ =	swait.ge [sflag:s6], $0x1100  }
0x2b: {  	[sflag:s6] =	ssyncset.done $0x0  }
0x2c: {  	s8 =	rddreg [dreg:$0x6];
	[sflag:s6] =	ssyncadd.s32 $0xFFFFEF00  }
0x2d: {  	[spmem:s8] =	stream.linear.scatter [tilespmem:s0], [sflag:$0x2], $0x1100, $0x38;
	[tilespmem:$0x1A900] =	vst v63  }
0x2e: {  	_ =	swait.ge [sflag:s6], $0x1100  }
0x2f: {  	[sflag:s6] =	ssyncset.done $0x0  }
0x30: {  	s9 =	rddreg [dreg:$0x7];
	[sflag:s6] =	ssyncadd.s32 $0xFFFFEF00  }
0x31: {  	[spmem:s9] =	stream.linear.scatter [tilespmem:s0], [sflag:$0x2], $0x1100, $0x38;
	[tilespmem:$0x1A900] =	vst v63  }
0x32: {  	_ =	swait.ge [sflag:s6], $0x1100  }
0x33: {  	[sflag:s6] =	ssyncset.done $0x0  }
0x34: {  	s11 =	rddreg [dreg:$0x8];
	[sflag:s6] =	ssyncadd.s32 $0xFFFFEF00  }
0x35: {  	[spmem:s11] =	stream.linear.scatter [tilespmem:s0], [sflag:$0x2], $0x1100, $0x38;
	[tilespmem:$0x1A900] =	vst v63  }
0x36: {  	_ =	swait.ge [sflag:s6], $0x1100  }
0x37: {  	[sflag:s6] =	ssyncset.done $0x0  }
0x38: {  	s12 =	rddreg [dreg:$0x9];
	[sflag:s6] =	ssyncadd.s32 $0xFFFFEF00  }
0x39: {  	[spmem:s12] =	stream.linear.scatter [tilespmem:s0], [sflag:$0x2], $0x1100, $0x38;
	[tilespmem:$0x1A900] =	vst v63  }
0x3a: {  	_ =	swait.ge [sflag:s6], $0x1100  }
0x3b: {  	[sflag:s6] =	ssyncset.done $0x0  }
0x3c: {  	s13 =	rddreg [dreg:$0xa];
	[sflag:s6] =	ssyncadd.s32 $0xFFFFEF00  }
0x3d: {  	[spmem:s13] =	stream.linear.scatter [tilespmem:s0], [sflag:$0x2], $0x1100, $0x38;
	[tilespmem:$0x1A900] =	vst v63  }
0x3e: {  	_ =	swait.ge [sflag:s6], $0x1100  }
0x3f: {  	[sflag:s6] =	ssyncset.done $0x0  }
0x40: {  	s14 =	rddreg [dreg:$0xb];
	[sflag:s6] =	ssyncadd.s32 $0xFFFFEF00  }
0x41: {  	[spmem:s14] =	stream.linear.scatter [tilespmem:s0], [sflag:$0x2], $0x1100, $0x38;
	[tilespmem:$0x1A900] =	vst v63  }
0x42: {  	_ =	swait.ge [sflag:s6], $0x1100  }
0x43: {  	[sflag:s6] =	ssyncset.done $0x0  }
0x44: {  	[sflag:s6] =	ssyncadd.s32 $0xFFFFEF00  }
0x45: {  	[spmem:s15] =	stream.linear.scatter [tilespmem:s0], [sflag:$0x2], $0x1100, $0x38;
	[tilespmem:$0x1A900] =	vst v63  }
0x46: {  	_ =	swait.ge [sflag:s6], $0x1100  }
0x47: {  	[sflag:s6] =	ssyncset.done $0x0  }
0x48: {  	[sflag:s6] =	ssyncadd.s32 $0xFFFFEF00  }
0x49: {  	[spmem:s16] =	stream.linear.scatter [tilespmem:s0], [sflag:$0x2], $0x1100, $0x38;
	[tilespmem:$0x1A900] =	vst v63  }
0x4a: {  	_ =	swait.ge [sflag:s6], $0x1100  }
0x4b: {  	[sflag:s6] =	ssyncset.done $0x0  }
0x4c: {  	[sflag:s6] =	ssyncadd.s32 $0xFFFFEF00  }
0x4d: {  	[spmem:s17] =	stream.linear.scatter [tilespmem:s0], [sflag:$0x2], $0x1100, $0x38;
	[tilespmem:$0x1A900] =	vst v63  }
0x4e: {  	_ =	swait.ge [sflag:s6], $0x1100  }
0x4f: {  	[sflag:s6] =	ssyncset.done $0x0  }
0x50: {  	[sflag:s6] =	ssyncadd.s32 $0xFFFFEF00  }
0x51: {  	[spmem:s18] =	stream.linear.scatter [tilespmem:s0], [sflag:$0x2], $0x1100, $0x38;
	[tilespmem:$0x1A900] =	vst v63  }
0x52: {  	_ =	swait.ge [sflag:s6], $0x1100  }
0x53: {  	[sflag:s6] =	ssyncset.done $0x0  }
0x54: {  	[sflag:s6] =	ssyncadd.s32 $0xFFFFEF00  }
0x55: {  	[spmem:s19] =	stream.linear.scatter [tilespmem:s0], [sflag:$0x2], $0x1100, $0x38;
	[tilespmem:$0x1A900] =	vst v63  }
0x56: {  	_ =	swait.ge [sflag:s6], $0x1100  }
0x57: {  	[sflag:s6] =	ssyncset.done $0x0  }
0x58: {  	[sflag:s6] =	ssyncadd.s32 $0xFFFFEF00  }
0x59: {  	[spmem:s20] =	stream.linear.scatter [tilespmem:s0], [sflag:$0x2], $0x1100, $0x38;
	[tilespmem:$0x1A900] =	vst v63  }
0x5a: {  	_ =	swait.ge [sflag:s6], $0x1100  }
0x5b: {  	[sflag:s6] =	ssyncset.done $0x0  }
0x5c: {  	[sflag:s6] =	ssyncadd.s32 $0xFFFFEF00  }
0x5d: {  	[spmem:s25] =	stream.linear.scatter [tilespmem:s0], [sflag:$0x2], $0x1100, $0x38;
	[tilespmem:$0x1A900] =	vst v63  }
0x5e: {  	_ =	swait.ge [sflag:s6], $0x1100  }
0x5f: {  	[sflag:s6] =	ssyncset.done $0x0  }
0x60: {  	[sflag:s6] =	ssyncadd.s32 $0xFFFFEF00  }
0x61: {  	[spmem:s26] =	stream.linear.scatter [tilespmem:s0], [sflag:$0x2], $0x1100, $0x38;
	[tilespmem:$0x1A900] =	vst v63  }
0x62: {  	_ =	swait.ge [sflag:s6], $0x1100  }
0x63: {  	[sflag:s6] =	ssyncset.done $0x0  }
0x64: {  	[sflag:s6] =	ssyncadd.s32 $0xFFFFEF00  }
0x65: {  	[spmem:s28] =	stream.linear.scatter [tilespmem:s0], [sflag:$0x2], $0x1100, $0x38;
	[tilespmem:$0x1A900] =	vst v63  }
0x66: {  	_ =	swait.ge [sflag:s6], $0x1100  }
0x67: {  	[sflag:s6] =	ssyncset.done $0x0  }
0x68: {  	[sflag:s6] =	ssyncadd.s32 $0xFFFFEF00  }
0x69: {  	[spmem:s29] =	stream.linear.scatter [tilespmem:s0], [sflag:$0x2], $0x1100, $0x38;
	[tilespmem:$0x1A900] =	vst v63  }
0x6a: {  	_ =	swait.ge [sflag:s6], $0x1100  }
0x6b: {  	[sflag:s6] =	ssyncset.done $0x0  }
0x6c: {  	[sflag:s6] =	ssyncadd.s32 $0xFFFFEF00  }
0x6d: {  	[spmem:s30] =	stream.linear.scatter [tilespmem:s0], [sflag:$0x2], $0x1100, $0x38;
	[tilespmem:$0x1A900] =	vst v63  }
0x6e: {  	_ =	swait.ge [sflag:s6], $0x1100  }
0x6f: {  	[sflag:s6] =	ssyncset.done $0x0  }
0x70: {  	[sflag:s6] =	ssyncadd.s32 $0xFFFFEF00  }
0x71: {  	[spmem:s31] =	stream.linear.scatter [tilespmem:s0], [sflag:$0x2], $0x1100, $0x38;
	[tilespmem:$0x1A900] =	vst v63  }
0x72: {  	_ =	swait.ge [sflag:s6], $0x1100  }
0x73: {  	[sflag:s6] =	ssyncset.done $0x0  }
0x74: {  	[sflag:s6] =	ssyncadd.s32 $0xFFFFEF00  }
0x75: {  	[spmem:s1] =	stream.linear.scatter [tilespmem:s0], [sflag:$0x2], $0x1100, $0x38;
	[tilespmem:$0x1A900] =	vst v63  }
0x76: {  	_ =	swait.ge [sflag:s6], $0x1100  }
0x77: {  	p1 =	sgt.u32 s10, $0x1869;
	[sflag:s6] =	ssyncset.done $0x0  }
0x78: {  	s7 =	simm.s32 @!p1 $0x0;
	[sflag:s6] =	ssyncadd.s32 $0xFFFFEF00  }
0x79: {  	s8 =	sadd.s32 @!p1 $0x0, s24;
	s9 =	simm.s32 @!p1 $0x3;
	[bflag:$0x0] =	sbarrier.arrive $0xFFFF  }
0x7a: {  	[tilespmem:s7], [sflag:$0x3] =	stream.linear.gather @!p1 [hbm4b:s8+s7], $0x80, $0x38;
	[tilespmem:$0x1A900] =	vst v63  }
0x7b: {  	p0 =	por p1, p1;
	_ =	swait.ge @!p1 [sflag:s9], $0x80  }
0x7c: {  	[sflag:s9] =	ssyncset.done @!p0 $0x0  }
0x7d: {  	s10 =	sadd.s32 @!p0 $0x0, s23;
	s8 =	simm.s32 @!p0 $0x80;
	[sflag:s9] =	ssyncadd.s32 @!p0 $0xFFFFFF80  }
0x7e: {  	[tilespmem:s8], [sflag:$0x3] =	stream.linear.gather @!p0 [hbm4b:s10+s7], $0x80, $0x38;
	[tilespmem:$0x1A900] =	vst v63  }
0x7f: {  	_ =	swait.ge @!p0 [sflag:s9], $0x80  }
0x80: {  	[sflag:s9] =	ssyncset.done @!p0 $0x0  }
0x81: {  	[sflag:s9] =	ssyncadd.s32 @!p0 $0xFFFFFF80  }
0x82: {  	v2 =	vld @!p0 [tilespmem:$0x30]  }
0x83: {  	v3 =	vld @!p0 [tilespmem:$0x50]  }
0x84: {  	v4 =	vld @!p0 [tilespmem:$0x60]  }
0x85: {  	v5 =	vld @!p0 [tilespmem:$0x20]  }
0x86: {  	v6 =	vld @!p0 [tilespmem:$0x10]  }
0x87: {  	v8 =	vld @!p0 [tilespmem:$0x0];
	v2 =	vadd.s32 @!p0 v0, v2  }
0x88: {  	v7 =	vld @!p0 [tilespmem:$0x40];
	[tilespmem:$0x30] =	vst @!p0 v2;
	v2 =	vadd.s32 @!p0 v0, v3  }
0x89: {  	v3 =	vld @!p0 [tilespmem:$0x70];
	[tilespmem:$0x50] =	vst @!p0 v2;
	v2 =	vadd.s32 @!p0 v0, v4  }
0x8a: {  	v4 =	vadd.s32 @!p0 v0, v5;
	[tilespmem:$0x60] =	vst @!p0 v2  }
0x8b: {  	v2 =	vadd.s32 @!p0 v0, v6;
	[tilespmem:$0x20] =	vst @!p0 v4  }
0x8c: {  	v4 =	vadd.s32 @!p0 v0, v8;
	[tilespmem:$0x10] =	vst @!p0 v2  }
0x8d: {  	v2 =	vadd.s32 @!p0 v0, v7;
	[tilespmem:$0x0] =	vst @!p0 v4  }
0x8e: {  	s11 =	stileid.u32;
	s10 =	simm.s32 @!p1 $0x100;
	s9 =	simm.s32 $0x100;
	[tilespmem:$0x40] =	vst @!p0 v2;
	v2 =	vadd.s32 @!p0 v0, v3  }
.LBB2_4:
0x8f: {  	s12 =	simm.s32 @!p0 $0x1  }
0x90: {  	[tilespmem:$0x70] =	vst @!p0 v2;
	s11 =	sadd.s32 $0x10, s11;
	s13 =	smov.u32 s9;
	s9 =	sadd.s32 $0x100, s9  }
0x91: {  	[tilespmem:s10], [sflag:$0x1] =	stream.indirect.gather @!p0 [hbm4b:s4+s8], $0x20, s7, s8, $0xb8;
	[tilespmem:$0x1A900] =	vst v63  }
0x92: {  	p1 =	sne.s32 s9, $0x18700;
	_ =	swait.ge @!p0 [sflag:s12], $0x1000  }
0x93: {  	[sflag:s12] =	ssyncset.done @!p0 $0x0  }
0x94: {  	[sflag:s12] =	ssyncadd.s32 @!p0 $0xFFFFF000;
	s12 =	simm.s32 @!p0 $0x2  }
0x95: {  	[spmem:s2] =	stream.indirect.scatter.add.f32 @!p0 [tilespmem:s10], [sflag:$0x2], $0x20, s8, s8, $0xb8;
	[tilespmem:$0x1A900] =	vst v63  }
0x96: {  	p2 =	sgt.u32 s11, $0x1869;
	_ =	swait.ge @!p0 [sflag:s12], $0x1000  }
0x97: {  	s7 =	simm.s32 @!p2 $0x0;
	s8 =	sadd.s32 @!p2 s13, s24;
	[sflag:s12] =	ssyncset.done @!p0 $0x0  }
0x98: {  	s14 =	simm.s32 @!p2 $0x3;
	s10 =	simm.s32 @!p2 $0x100;
	[sflag:s12] =	ssyncadd.s32 @!p0 $0xFFFFF000  }
0x99: {  	[tilespmem:s7], [sflag:$0x3] =	stream.linear.gather @!p2 [hbm4b:s8+s7], $0x80, $0x38;
	[tilespmem:$0x1A900] =	vst v63  }
0x9a: {  	p0 =	por p2, p2;
	_ =	swait.ge @!p2 [sflag:s14], $0x80  }
0x9b: {  	s12 =	sadd.s32 @!p0 s13, s23;
	s8 =	simm.s32 @!p0 $0x80;
	[sflag:s14] =	ssyncset.done @!p0 $0x0  }
0x9c: {  	[sflag:s14] =	ssyncadd.s32 @!p0 $0xFFFFFF80  }
0x9d: {  	[tilespmem:s8], [sflag:$0x3] =	stream.linear.gather @!p0 [hbm4b:s12+s7], $0x80, $0x38;
	[tilespmem:$0x1A900] =	vst v63  }
0x9e: {  	_ =	swait.ge @!p0 [sflag:s14], $0x80  }
0x9f: {  	[sflag:s14] =	ssyncset.done @!p0 $0x0  }
0xa0: {  	[sflag:s14] =	ssyncadd.s32 @!p0 $0xFFFFFF80  }
0xa1: {  	v2 =	vld @!p0 [tilespmem:$0x30]  }
0xa2: {  	v3 =	vld @!p0 [tilespmem:$0x50]  }
0xa3: {  	v4 =	vld @!p0 [tilespmem:$0x60]  }
0xa4: {  	v5 =	vld @!p0 [tilespmem:$0x20]  }
0xa5: {  	v6 =	vld @!p0 [tilespmem:$0x10]  }
0xa6: {  	v2 =	vadd.s32 @!p0 v0, v2;
	v7 =	vld @!p0 [tilespmem:$0x40]  }
0xa7: {  	v8 =	vld @!p0 [tilespmem:$0x0];
	[tilespmem:$0x30] =	vst @!p0 v2;
	v2 =	vadd.s32 @!p0 v0, v3  }
0xa8: {  	[tilespmem:$0x50] =	vst @!p0 v2;
	v2 =	vadd.s32 @!p0 v0, v4;
	v3 =	vld @!p0 [tilespmem:$0x70]  }
.Ltmp1:
0xa9: {  	v4 =	vadd.s32 @!p0 v0, v5;
	[tilespmem:$0x60] =	vst @!p0 v2;
	(pc) =	sbr.rel @p1 .LBB2_4-.Ltmp1, $4  }
0xaa: {  	v2 =	vadd.s32 @!p0 v0, v6;
	[tilespmem:$0x20] =	vst @!p0 v4  }
0xab: {  	[tilespmem:$0x10] =	vst @!p0 v2;
	v2 =	vadd.s32 @!p0 v0, v7  }
0xac: {  	v4 =	vadd.s32 @!p0 v0, v8;
	[tilespmem:$0x40] =	vst @!p0 v2  }
0xad: {  	[tilespmem:$0x0] =	vst @!p0 v4;
	v2 =	vadd.s32 @!p0 v0, v3  }
0xae: {  	[tilespmem:$0x70] =	vst @!p0 v2;
	s9 =	simm.s32 @!p0 $0x1  }
0xaf: {  	[tilespmem:s10], [sflag:$0x1] =	stream.indirect.gather @!p0 [hbm4b:s4+s8], $0x20, s7, s8, $0xb8;
	[tilespmem:$0x1A900] =	vst v63  }
0xb0: {  	_ =	swait.ge @!p0 [sflag:s9], $0x1000  }
0xb1: {  	[sflag:s9] =	ssyncset.done @!p0 $0x0  }
0xb2: {  	s7 =	simm.s32 @!p0 $0x2;
	[sflag:s9] =	ssyncadd.s32 @!p0 $0xFFFFF000  }
0xb3: {  	[spmem:s2] =	stream.indirect.scatter.add.f32 @!p0 [tilespmem:s10], [sflag:$0x2], $0x20, s8, s8, $0xb8;
	[tilespmem:$0x1A900] =	vst v63  }
0xb4: {  	s14 =	sshrl.u32 s5, $0x3;
	_ =	swait.ge @!p0 [sflag:s7], $0x1000  }
0xb5: {  	s3 =	sadd.s32 $0x1, s3;
	s10 =	stileid.u32;
	[sflag:s7] =	ssyncset.done @!p0 $0x0  }
0xb6: {  	s13 =	sshll.u32 s10, $0x6;
	[sflag:s7] =	ssyncadd.s32 @!p0 $0xFFFFF000;
	p0 =	sne.s32 s3, s22  }
.Ltmp2:
0xb7: {  	s7 =	sor.u32 $0x1C02, s13;
	[bflag:$0x0] =	sbarrier.arrive $0xFFFF;
	(pc) =	sbr.rel @p0 .LBB2_1-.Ltmp2, $4  }
0xb8: {  	[hbm:s21], [sflag:s7] =	dma.local [spmem:s14], $0x30E0  }
0xb9: {  	_ =	swait.ge [sflag:s6], $0x30E0  }
0xba: {  	[sflag:s6] =	ssyncset.done $0x0  }
0xbb: {  	[sflag:s6] =	ssyncadd.s32 $0xFFFFCF20  }
0xbc: {  	_ =	sfence.sel $0x180000  }
0xbd: {  	[bflag:$0x0] =	sbarrier.arrive $0xFFFF  }
0xbe: {  	_ =	strace $0x90000053  }
0xbf: {  	[bflag:$0x2] =	sbarrier.arrive $0xFFFF  }
0xc0: {  	p0 =	sne.s32 s10, $0x0;
	s0 =	rddreg [dreg:$0x2]  }
0xc1: {  	s0 =	sadd.s32 @!p0 $0x100000, s0  }
0xc2: {  	[sflag:s0] =	ssyncadd.tile.s32 @!p0 $0x1;
	_ =	shalt  }
.Lfunc_end2:
_tile_overlayer_lowered:
.L_overlay_start_2:
0xc3: {  	(tag) =	ssettag $0x2  }
0xc4: {  	s0 =	rddreg [dreg:$0x0];
	s2 =	stileid.u32  }
0xc5: {  	s1 =	rddreg [dreg:$0x1];
	p0 =	sne.s32 s2, $0x0  }
0xc6: {  	s3 =	rddreg [dreg:$0x2];
	[bflag:$0x3] =	sbarrier.arrive $0xFFFF;
	s2 =	simm.s32 @!p0 $0x1C02  }
0xc7: {  	[timem:s3], [sflag:s2] =	dma.local @!p0 [hbm:s0], s1  }
0xc8: {  	s0 =	simm.s32 @!p0 $0x2  }
0xc9: {  	_ =	swait.ge @!p0 [sflag:s0], s1  }
0xca: {  	s1 =	ssub.s32 @!p0 $0x0, s1;
	[sflag:s0] =	ssyncset.done @!p0 $0x0  }
0xcb: {  	[sflag:s0] =	ssyncadd.s32 @!p0 s1  }
0xcc: {  	[bflag:$0x3] =	sbarrier.arrive $0xFFFF  }
0xcd: {  	_ =	shalt  }

</sc_bundles>
